<compile_context>
chip_gen: v7x
topology: tpu7x:2x2x1
jax: 0.10.2.dev20260603
libtpu: 0.0.44.dev20260713+nightly
codegen_flags: <defaults>
</compile_context>

<pallas_src>
import functools

import jax
import jax.numpy as jnp
from jax import lax
from jax.experimental import pallas as pl
from jax.experimental.pallas import tpu as pltpu
from jax.experimental.pallas import tpu_sc as plsc

_VOCAB = 100000
_EMBED = 128
_HIDDEN = 128
_BATCH = 1024
_SEQ = 200

_NC = 2
_NS = 16
_NW = _NC * _NS
_CH = 128
_NBUF = 4

_CHUNKS = (24, 40, 40, 48, 48)
_TB = 8


def _make_sc_body(nch):

    def body(table_hbm, idx_hbm, out_hbm, idx_v,
             buf0, buf1, buf2, buf3, gs0, gs1, gs2, gs3,
             os0, os1, os2, os3):
        bufs = (buf0, buf1, buf2, buf3)
        gsems = (gs0, gs1, gs2, gs3)
        osems = (os0, os1, os2, os3)
        wid = lax.axis_index("s") * _NC + lax.axis_index("c")
        base = wid * (nch * _CH)
        pltpu.sync_copy(idx_hbm.at[wid], idx_v)

        def wb(j):
            return pltpu.async_copy(
                bufs[j % _NBUF],
                out_hbm.at[pl.ds(base + j * _CH, _CH)],
                osems[j % _NBUF])

        def wb_wait(j):
            pltpu.make_async_copy(
                bufs[j % _NBUF],
                out_hbm.at[pl.ds(base + j * _CH, _CH)],
                osems[j % _NBUF]).wait()

        def gather(j):
            return pltpu.async_copy(
                table_hbm.at[idx_v.at[j]], bufs[j % _NBUF],
                gsems[j % _NBUF])

        def gather_wait(j):
            pltpu.make_async_copy(
                table_hbm.at[idx_v.at[j]], bufs[j % _NBUF],
                gsems[j % _NBUF]).wait()

        for j in range(nch + 1):
            if j < nch:
                if j >= _NBUF:
                    wb_wait(j - _NBUF)
                gather(j)
            if j >= 1:
                gather_wait(j - 1)
                wb(j - 1)
        for j in range(max(0, nch - _NBUF), nch):
            wb_wait(j)

    return body


@functools.cache
def _make_sc_gather(nch):
    mesh = plsc.VectorSubcoreMesh(core_axis_name="c", subcore_axis_name="s")
    return functools.partial(
        pl.kernel,
        mesh=mesh,
        out_type=jax.ShapeDtypeStruct((_NW * nch * _CH, _EMBED), jnp.float32),
        scratch_types=(
            [pltpu.VMEM((nch, _CH), jnp.int32)]
            + [pltpu.VMEM((_CH, _EMBED), jnp.float32) for _ in range(_NBUF)]
            + [pltpu.SemaphoreType.DMA for _ in range(2 * _NBUF)]
        ),
    )(_make_sc_body(nch))


def _gru_body(xlo_ref, xhi_ref, h0_ref, wih_ref, whh_ref, bsum_ref, bihn_ref,
              out_ref, h_ref):
    t = pl.program_id(0)

    @pl.when(t == 0)
    def _init():
        h_ref[...] = h0_ref[...]

    h = h_ref[...]
    wih = wih_ref[...]
    whh = whh_ref[...]
    bsum = bsum_ref[...]
    bihn = bihn_ref[...]
    H = _HIDDEN
    for k in range(_TB):
        xk = xlo_ref[k] if k < _TB // 2 else xhi_ref[k - _TB // 2]
        gi = jnp.dot(xk.astype(jnp.bfloat16), wih,
                     preferred_element_type=jnp.float32)
        gh = jnp.dot(h.astype(jnp.bfloat16), whh,
                     preferred_element_type=jnp.float32) + bsum
        r = 0.5 * jnp.tanh(0.5 * (gi[:, 0:H] + gh[:, 0:H])) + 0.5
        z = 0.5 * jnp.tanh(0.5 * (gi[:, H:2 * H] + gh[:, H:2 * H])) + 0.5
        n = jnp.tanh(gi[:, 2 * H:] + (r * gh[:, 2 * H:] + bihn))
        h = n + z * (h - n)
    h_ref[...] = h

    @pl.when(t == pl.num_programs(0) - 1)
    def _emit():
        out_ref[...] = h


@functools.cache
def _make_tc_gru(steps):
    return pl.pallas_call(
        _gru_body,
        grid=(steps // _TB,),
        in_specs=[
            pl.BlockSpec((_TB // 2, _BATCH, _EMBED), lambda t: (2 * t, 0, 0)),
            pl.BlockSpec((_TB // 2, _BATCH, _EMBED),
                         lambda t: (2 * t + 1, 0, 0)),
            pl.BlockSpec((_BATCH, _HIDDEN), lambda t: (0, 0)),
            pl.BlockSpec((_EMBED, 3 * _HIDDEN), lambda t: (0, 0)),
            pl.BlockSpec((_HIDDEN, 3 * _HIDDEN), lambda t: (0, 0)),
            pl.BlockSpec((1, 3 * _HIDDEN), lambda t: (0, 0)),
            pl.BlockSpec((1, _HIDDEN), lambda t: (0, 0)),
        ],
        out_specs=pl.BlockSpec((_BATCH, _HIDDEN), lambda t: (0, 0)),
        out_shape=jax.ShapeDtypeStruct((_BATCH, _HIDDEN), jnp.float32),
        scratch_shapes=[pltpu.VMEM((_BATCH, _HIDDEN), jnp.float32)],
    )


def kernel(source, table, W_ih, W_hh, b_ih, b_hh):
    idx_chunks = []
    flat = source.astype(jnp.int32).T.reshape(-1)
    off = 0
    for s in _CHUNKS:
        rows = s * _BATCH
        idx_chunks.append(flat[off:off + rows].reshape(_NW, rows // (_NW * _CH), _CH))
        off += rows

    wih_bf = W_ih.astype(jnp.bfloat16)
    whh_bf = W_hh.astype(jnp.bfloat16)
    bsum = jnp.concatenate([b_ih[:2 * _HIDDEN] + b_hh[:2 * _HIDDEN],
                            b_hh[2 * _HIDDEN:]]).reshape(1, -1)
    bihn = b_ih[2 * _HIDDEN:].reshape(1, -1)

    gathered = []
    for c, s in enumerate(_CHUNKS):
        nch = s * _BATCH // (_NW * _CH)
        gathered.append(_make_sc_gather(nch)(table, idx_chunks[c]))

    h = jnp.zeros((_BATCH, _HIDDEN), jnp.float32)
    for c, s in enumerate(_CHUNKS):
        xs = gathered[c].reshape(s, _BATCH, _EMBED)
        h = _make_tc_gru(s)(xs, xs, h, wih_bf, whh_bf, bsum, bihn)
    return h

# --- scband reference (transcript-rebuilt; emitter-appended) ---
"""Pipeline reference for scband-encoder-14654428413975 (READ-ONLY COPY).

The authoritative reference and input builder live on the scoring server;
editing this copy changes nothing except your own understanding.
"""

import jax, jax.numpy as jnp
import numpy as np

VOCAB = 100000
EMBED = 128
HIDDEN = 128
BATCH = 1024
SEQ = 200

def setup_inputs(seed: int = 0) -> dict:
    key = jax.random.key(seed)
    k_src, k_tab, k_wih, k_whh, k_bih, k_bhh = jax.random.split(key, 6)
    source = jax.random.randint(k_src, (BATCH, SEQ), 0, VOCAB, dtype=jnp.int64 if jax.config.jax_enable_x64 else jnp.int32)
    table = jax.random.normal(k_tab, (VOCAB, EMBED), dtype=jnp.float32)
    s_ih = 1.0 / np.sqrt(HIDDEN)
    W_ih = jax.random.uniform(k_wih, (EMBED, 3 * HIDDEN), minval=-s_ih, maxval=s_ih, dtype=jnp.float32)
    W_hh = jax.random.uniform(k_whh, (HIDDEN, 3 * HIDDEN), minval=-s_ih, maxval=s_ih, dtype=jnp.float32)
    b_ih = jax.random.uniform(k_bih, (3 * HIDDEN,), minval=-s_ih, maxval=s_ih, dtype=jnp.float32)
    b_hh = jax.random.uniform(k_bhh, (3 * HIDDEN,), minval=-s_ih, maxval=s_ih, dtype=jnp.float32)
    return {"source": source, "table": table, "W_ih": W_ih, "W_hh": W_hh, "b_ih": b_ih, "b_hh": b_hh}

def reference(source, table, W_ih, W_hh, b_ih, b_hh):
    # Embedding lookup: gather rows of the table (SparseCore-friendly)
    embedded = jnp.take(table, source, axis=0)  # [B, S, E]
    h0 = jnp.zeros((source.shape[0], HIDDEN), dtype=jnp.float32)

    def step(h, x_t):
        gi = x_t @ W_ih + b_ih
        gh = h @ W_hh + b_hh
        i_r, i_z, i_n = jnp.split(gi, 3, axis=-1)
        h_r, h_z, h_n = jnp.split(gh, 3, axis=-1)
        r = jax.nn.sigmoid(i_r + h_r)
        z = jax.nn.sigmoid(i_z + h_z)
        n = jnp.tanh(i_n + r * h_n)
        h_new = (1.0 - z) * n + z * h
        return h_new, None

    xs = jnp.swapaxes(embedded, 0, 1)  # [S, B, E]
    h_final, _ = jax.lax.scan(step, h0, xs)
    return h_final

if __name__ == "__main__":
    import jax
    _d = setup_inputs()
    print(jax.jit(kernel)(*tuple(_d.values())))

</pallas_src>

<mosaic_0001>
#map = affine_map<(d0, d1) -> (0, 0)>
#map1 = affine_map<(d0, d1) -> (0, 0, 0)>
module attributes {stable_mosaic.version = 14 : i64} {
  func.func @body(%arg0: i32, %arg1: i32, %arg2: memref<100000x128xf32, #tpu.memory_space<hbm>>, %arg3: memref<32x10x128xi32, #tpu.memory_space<hbm>>, %arg4: memref<40960x128xf32, #tpu.memory_space<hbm>>, %arg5: memref<10x128xi32, #tpu.memory_space<vmem>>, %arg6: memref<128x128xf32, #tpu.memory_space<vmem>>, %arg7: memref<128x128xf32, #tpu.memory_space<vmem>>, %arg8: memref<128x128xf32, #tpu.memory_space<vmem>>, %arg9: memref<128x128xf32, #tpu.memory_space<vmem>>, %arg10: memref<!tpu.dma_semaphore, #tpu.memory_space<semaphore_mem>>, %arg11: memref<!tpu.dma_semaphore, #tpu.memory_space<semaphore_mem>>, %arg12: memref<!tpu.dma_semaphore, #tpu.memory_space<semaphore_mem>>, %arg13: memref<!tpu.dma_semaphore, #tpu.memory_space<semaphore_mem>>, %arg14: memref<!tpu.dma_semaphore, #tpu.memory_space<semaphore_mem>>, %arg15: memref<!tpu.dma_semaphore, #tpu.memory_space<semaphore_mem>>, %arg16: memref<!tpu.dma_semaphore, #tpu.memory_space<semaphore_mem>>, %arg17: memref<!tpu.dma_semaphore, #tpu.memory_space<semaphore_mem>>) attributes {dimension_semantics = [#tpu.dimension_semantics<core_parallel>, #tpu.dimension_semantics<subcore_parallel>], iteration_bounds = array<i64: 2, 16>, scalar_prefetch = 0 : i64, scratch_operands = 13 : i64, tpu.core_type = #tpu.core_type<sc_vector_subcore>, window_params = [{transform_indices = #map}, {transform_indices = #map1}, {transform_indices = #map}]} {
    %mul3A = arith.constant 2 : i32
    %mul3A_0 = arith.muli %arg1, %mul3A : i32
    %add3A = arith.addi %mul3A_0, %arg0 : i32
    %mul3A_1 = arith.constant 1280 : i32
    %mul3A_2 = arith.muli %add3A, %mul3A_1 : i32
    "tpu.region"() ({
      %run_scoped3A = tpu.sem_alloc : memref<!tpu.dma_semaphore, #tpu.memory_space<semaphore_mem>>
      %dma_start3A_261 = arith.constant 0 : i32
      %dma_start3A_262 = arith.constant 0 : i32
      %dma_start3A_263 = tpu.memref_slice %arg3[%add3A, %dma_start3A_261, %dma_start3A_262] : memref<32x10x128xi32, #tpu.memory_space<hbm>> -> memref<1x10x128xi32, #tpu.memory_space<hbm>>
      %dma_start3A_264 = tpu.memref_squeeze %dma_start3A_263 : memref<1x10x128xi32, #tpu.memory_space<hbm>> -> memref<10x128xi32, #tpu.memory_space<hbm>>
      %dma_start3A_265 = arith.constant 0 : i32
      %dma_start3A_266 = arith.constant 0 : i32
      %dma_start3A_267 = tpu.memref_slice %arg3[%add3A, %dma_start3A_265, %dma_start3A_266] : memref<32x10x128xi32, #tpu.memory_space<hbm>> -> memref<1x10x128xi32, #tpu.memory_space<hbm>>
      %dma_start3A_268 = tpu.memref_squeeze %dma_start3A_267 : memref<1x10x128xi32, #tpu.memory_space<hbm>> -> memref<10x128xi32, #tpu.memory_space<hbm>>
      tpu.enqueue_dma source(%dma_start3A_268 : memref<10x128xi32, #tpu.memory_space<hbm>>) target(%arg5 : memref<10x128xi32, #tpu.memory_space<vmem>>) target_semaphore(%run_scoped3A : memref<!tpu.dma_semaphore, #tpu.memory_space<semaphore_mem>>)
      %dma_wait3A_269 = arith.constant 0 : i32
      %dma_wait3A_270 = arith.constant 0 : i32
      %dma_wait3A_271 = tpu.memref_slice %arg3[%add3A, %dma_wait3A_269, %dma_wait3A_270] : memref<32x10x128xi32, #tpu.memory_space<hbm>> -> memref<1x10x128xi32, #tpu.memory_space<hbm>>
      %dma_wait3A_272 = tpu.memref_squeeze %dma_wait3A_271 : memref<1x10x128xi32, #tpu.memory_space<hbm>> -> memref<10x128xi32, #tpu.memory_space<hbm>>
      %dma_wait3A_273 = arith.constant 0 : i32
      %dma_wait3A_274 = arith.constant 0 : i32
      %dma_wait3A_275 = tpu.memref_slice %arg3[%add3A, %dma_wait3A_273, %dma_wait3A_274] : memref<32x10x128xi32, #tpu.memory_space<hbm>> -> memref<1x10x128xi32, #tpu.memory_space<hbm>>
      %dma_wait3A_276 = tpu.memref_squeeze %dma_wait3A_275 : memref<1x10x128xi32, #tpu.memory_space<hbm>> -> memref<10x128xi32, #tpu.memory_space<hbm>>
      tpu.wait_dma2 semaphore(%run_scoped3A : memref<!tpu.dma_semaphore, #tpu.memory_space<semaphore_mem>>) src(%dma_wait3A_276 : memref<10x128xi32, #tpu.memory_space<hbm>>) dst(%arg5 : memref<10x128xi32, #tpu.memory_space<vmem>>)
      tpu.yield
    }) : () -> ()
    %dma_start3A = arith.constant 0 : i32
    %dma_start3A_3 = arith.constant 0 : i32
    %dma_start3A_4 = tpu.memref_slice %arg5[%dma_start3A, %dma_start3A_3] : memref<10x128xi32, #tpu.memory_space<vmem>> -> memref<1x128xi32, #tpu.memory_space<vmem>>
    %dma_start3A_5 = tpu.memref_squeeze %dma_start3A_4 : memref<1x128xi32, #tpu.memory_space<vmem>> -> memref<128xi32, #tpu.memory_space<vmem>>
    %dma_start3A_6 = arith.constant 0 : i32
    %dma_start3A_7 = arith.constant 0 : i32
    %dma_start3A_8 = tpu.memref_slice %arg2[%dma_start3A_6, %dma_start3A_7] : memref<100000x128xf32, #tpu.memory_space<hbm>> -> memref<100000x128xf32, #tpu.memory_space<hbm>>
    tpu.enqueue_indirect_dma source(%dma_start3A_8 : memref<100000x128xf32, #tpu.memory_space<hbm>>) target(%arg6 : memref<128x128xf32, #tpu.memory_space<vmem>>) offsets(%dma_start3A_5 : memref<128xi32, #tpu.memory_space<vmem>>) semaphore(%arg10 : memref<!tpu.dma_semaphore, #tpu.memory_space<semaphore_mem>>)
    %dma_start3A_9 = arith.constant 1 : i32
    %dma_start3A_10 = arith.constant 0 : i32
    %dma_start3A_11 = tpu.memref_slice %arg5[%dma_start3A_9, %dma_start3A_10] : memref<10x128xi32, #tpu.memory_space<vmem>> -> memref<1x128xi32, #tpu.memory_space<vmem>>
    %dma_start3A_12 = tpu.memref_squeeze %dma_start3A_11 : memref<1x128xi32, #tpu.memory_space<vmem>> -> memref<128xi32, #tpu.memory_space<vmem>>
    %dma_start3A_13 = arith.constant 0 : i32
    %dma_start3A_14 = arith.constant 0 : i32
    %dma_start3A_15 = tpu.memref_slice %arg2[%dma_start3A_13, %dma_start3A_14] : memref<100000x128xf32, #tpu.memory_space<hbm>> -> memref<100000x128xf32, #tpu.memory_space<hbm>>
    tpu.enqueue_indirect_dma source(%dma_start3A_15 : memref<100000x128xf32, #tpu.memory_space<hbm>>) target(%arg7 : memref<128x128xf32, #tpu.memory_space<vmem>>) offsets(%dma_start3A_12 : memref<128xi32, #tpu.memory_space<vmem>>) semaphore(%arg11 : memref<!tpu.dma_semaphore, #tpu.memory_space<semaphore_mem>>)
    %dma_wait3A = arith.constant 0 : i32
    %dma_wait3A_16 = arith.constant 0 : i32
    %dma_wait3A_17 = tpu.memref_slice %arg5[%dma_wait3A, %dma_wait3A_16] : memref<10x128xi32, #tpu.memory_space<vmem>> -> memref<1x128xi32, #tpu.memory_space<vmem>>
    %dma_wait3A_18 = tpu.memref_squeeze %dma_wait3A_17 : memref<1x128xi32, #tpu.memory_space<vmem>> -> memref<128xi32, #tpu.memory_space<vmem>>
    %dma_wait3A_19 = arith.constant 0 : i32
    %dma_wait3A_20 = arith.constant 0 : i32
    %dma_wait3A_21 = tpu.memref_slice %arg2[%dma_wait3A_19, %dma_wait3A_20] : memref<100000x128xf32, #tpu.memory_space<hbm>> -> memref<100000x128xf32, #tpu.memory_space<hbm>>
    tpu.wait_indirect_dma semaphore(%arg10 : memref<!tpu.dma_semaphore, #tpu.memory_space<semaphore_mem>>) src(%dma_wait3A_21 : memref<100000x128xf32, #tpu.memory_space<hbm>>) dst(%arg6 : memref<128x128xf32, #tpu.memory_space<vmem>>)
    %add3A_22 = arith.constant 0 : i32
    %add3A_23 = arith.addi %mul3A_2, %add3A_22 : i32
    %dma_start3A_24 = arith.constant 0 : i32
    %dma_start3A_25 = tpu.memref_slice %arg4[%add3A_23, %dma_start3A_24] : memref<40960x128xf32, #tpu.memory_space<hbm>> -> memref<128x128xf32, #tpu.memory_space<hbm>>
    %dma_start3A_26 = arith.constant 0 : i32
    %dma_start3A_27 = tpu.memref_slice %arg4[%add3A_23, %dma_start3A_26] : memref<40960x128xf32, #tpu.memory_space<hbm>> -> memref<128x128xf32, #tpu.memory_space<hbm>>
    tpu.enqueue_dma source(%arg6 : memref<128x128xf32, #tpu.memory_space<vmem>>) target(%dma_start3A_27 : memref<128x128xf32, #tpu.memory_space<hbm>>) target_semaphore(%arg14 : memref<!tpu.dma_semaphore, #tpu.memory_space<semaphore_mem>>)
    %dma_start3A_28 = arith.constant 2 : i32
    %dma_start3A_29 = arith.constant 0 : i32
    %dma_start3A_30 = tpu.memref_slice %arg5[%dma_start3A_28, %dma_start3A_29] : memref<10x128xi32, #tpu.memory_space<vmem>> -> memref<1x128xi32, #tpu.memory_space<vmem>>
    %dma_start3A_31 = tpu.memref_squeeze %dma_start3A_30 : memref<1x128xi32, #tpu.memory_space<vmem>> -> memref<128xi32, #tpu.memory_space<vmem>>
    %dma_start3A_32 = arith.constant 0 : i32
    %dma_start3A_33 = arith.constant 0 : i32
    %dma_start3A_34 = tpu.memref_slice %arg2[%dma_start3A_32, %dma_start3A_33] : memref<100000x128xf32, #tpu.memory_space<hbm>> -> memref<100000x128xf32, #tpu.memory_space<hbm>>
    tpu.enqueue_indirect_dma source(%dma_start3A_34 : memref<100000x128xf32, #tpu.memory_space<hbm>>) target(%arg8 : memref<128x128xf32, #tpu.memory_space<vmem>>) offsets(%dma_start3A_31 : memref<128xi32, #tpu.memory_space<vmem>>) semaphore(%arg12 : memref<!tpu.dma_semaphore, #tpu.memory_space<semaphore_mem>>)
    %dma_wait3A_35 = arith.constant 1 : i32
    %dma_wait3A_36 = arith.constant 0 : i32
    %dma_wait3A_37 = tpu.memref_slice %arg5[%dma_wait3A_35, %dma_wait3A_36] : memref<10x128xi32, #tpu.memory_space<vmem>> -> memref<1x128xi32, #tpu.memory_space<vmem>>
    %dma_wait3A_38 = tpu.memref_squeeze %dma_wait3A_37 : memref<1x128xi32, #tpu.memory_space<vmem>> -> memref<128xi32, #tpu.memory_space<vmem>>
    %dma_wait3A_39 = arith.constant 0 : i32
    %dma_wait3A_40 = arith.constant 0 : i32
    %dma_wait3A_41 = tpu.memref_slice %arg2[%dma_wait3A_39, %dma_wait3A_40] : memref<100000x128xf32, #tpu.memory_space<hbm>> -> memref<100000x128xf32, #tpu.memory_space<hbm>>
    tpu.wait_indirect_dma semaphore(%arg11 : memref<!tpu.dma_semaphore, #tpu.memory_space<semaphore_mem>>) src(%dma_wait3A_41 : memref<100000x128xf32, #tpu.memory_space<hbm>>) dst(%arg7 : memref<128x128xf32, #tpu.memory_space<vmem>>)
    %add3A_42 = arith.constant 128 : i32
    %add3A_43 = arith.addi %mul3A_2, %add3A_42 : i32
    %dma_start3A_44 = arith.constant 0 : i32
    %dma_start3A_45 = tpu.memref_slice %arg4[%add3A_43, %dma_start3A_44] : memref<40960x128xf32, #tpu.memory_space<hbm>> -> memref<128x128xf32, #tpu.memory_space<hbm>>
    %dma_start3A_46 = arith.constant 0 : i32
    %dma_start3A_47 = tpu.memref_slice %arg4[%add3A_43, %dma_start3A_46] : memref<40960x128xf32, #tpu.memory_space<hbm>> -> memref<128x128xf32, #tpu.memory_space<hbm>>
    tpu.enqueue_dma source(%arg7 : memref<128x128xf32, #tpu.memory_space<vmem>>) target(%dma_start3A_47 : memref<128x128xf32, #tpu.memory_space<hbm>>) target_semaphore(%arg15 : memref<!tpu.dma_semaphore, #tpu.memory_space<semaphore_mem>>)
    %dma_start3A_48 = arith.constant 3 : i32
    %dma_start3A_49 = arith.constant 0 : i32
    %dma_start3A_50 = tpu.memref_slice %arg5[%dma_start3A_48, %dma_start3A_49] : memref<10x128xi32, #tpu.memory_space<vmem>> -> memref<1x128xi32, #tpu.memory_space<vmem>>
    %dma_start3A_51 = tpu.memref_squeeze %dma_start3A_50 : memref<1x128xi32, #tpu.memory_space<vmem>> -> memref<128xi32, #tpu.memory_space<vmem>>
    %dma_start3A_52 = arith.constant 0 : i32
    %dma_start3A_53 = arith.constant 0 : i32
    %dma_start3A_54 = tpu.memref_slice %arg2[%dma_start3A_52, %dma_start3A_53] : memref<100000x128xf32, #tpu.memory_space<hbm>> -> memref<100000x128xf32, #tpu.memory_space<hbm>>
    tpu.enqueue_indirect_dma source(%dma_start3A_54 : memref<100000x128xf32, #tpu.memory_space<hbm>>) target(%arg9 : memref<128x128xf32, #tpu.memory_space<vmem>>) offsets(%dma_start3A_51 : memref<128xi32, #tpu.memory_space<vmem>>) semaphore(%arg13 : memref<!tpu.dma_semaphore, #tpu.memory_space<semaphore_mem>>)
    %dma_wait3A_55 = arith.constant 2 : i32
    %dma_wait3A_56 = arith.constant 0 : i32
    %dma_wait3A_57 = tpu.memref_slice %arg5[%dma_wait3A_55, %dma_wait3A_56] : memref<10x128xi32, #tpu.memory_space<vmem>> -> memref<1x128xi32, #tpu.memory_space<vmem>>
    %dma_wait3A_58 = tpu.memref_squeeze %dma_wait3A_57 : memref<1x128xi32, #tpu.memory_space<vmem>> -> memref<128xi32, #tpu.memory_space<vmem>>
    %dma_wait3A_59 = arith.constant 0 : i32
    %dma_wait3A_60 = arith.constant 0 : i32
    %dma_wait3A_61 = tpu.memref_slice %arg2[%dma_wait3A_59, %dma_wait3A_60] : memref<100000x128xf32, #tpu.memory_space<hbm>> -> memref<100000x128xf32, #tpu.memory_space<hbm>>
    tpu.wait_indirect_dma semaphore(%arg12 : memref<!tpu.dma_semaphore, #tpu.memory_space<semaphore_mem>>) src(%dma_wait3A_61 : memref<100000x128xf32, #tpu.memory_space<hbm>>) dst(%arg8 : memref<128x128xf32, #tpu.memory_space<vmem>>)
    %add3A_62 = arith.constant 256 : i32
    %add3A_63 = arith.addi %mul3A_2, %add3A_62 : i32
    %dma_start3A_64 = arith.constant 0 : i32
    %dma_start3A_65 = tpu.memref_slice %arg4[%add3A_63, %dma_start3A_64] : memref<40960x128xf32, #tpu.memory_space<hbm>> -> memref<128x128xf32, #tpu.memory_space<hbm>>
    %dma_start3A_66 = arith.constant 0 : i32
    %dma_start3A_67 = tpu.memref_slice %arg4[%add3A_63, %dma_start3A_66] : memref<40960x128xf32, #tpu.memory_space<hbm>> -> memref<128x128xf32, #tpu.memory_space<hbm>>
    tpu.enqueue_dma source(%arg8 : memref<128x128xf32, #tpu.memory_space<vmem>>) target(%dma_start3A_67 : memref<128x128xf32, #tpu.memory_space<hbm>>) target_semaphore(%arg16 : memref<!tpu.dma_semaphore, #tpu.memory_space<semaphore_mem>>)
    %add3A_68 = arith.constant 0 : i32
    %add3A_69 = arith.addi %mul3A_2, %add3A_68 : i32
    %dma_wait3A_70 = arith.constant 0 : i32
    %dma_wait3A_71 = tpu.memref_slice %arg4[%add3A_69, %dma_wait3A_70] : memref<40960x128xf32, #tpu.memory_space<hbm>> -> memref<128x128xf32, #tpu.memory_space<hbm>>
    %dma_wait3A_72 = arith.constant 0 : i32
    %dma_wait3A_73 = tpu.memref_slice %arg4[%add3A_69, %dma_wait3A_72] : memref<40960x128xf32, #tpu.memory_space<hbm>> -> memref<128x128xf32, #tpu.memory_space<hbm>>
    tpu.wait_dma2 semaphore(%arg14 : memref<!tpu.dma_semaphore, #tpu.memory_space<semaphore_mem>>) src(%arg6 : memref<128x128xf32, #tpu.memory_space<vmem>>) dst(%dma_wait3A_73 : memref<128x128xf32, #tpu.memory_space<hbm>>)
    %dma_start3A_74 = arith.constant 4 : i32
    %dma_start3A_75 = arith.constant 0 : i32
    %dma_start3A_76 = tpu.memref_slice %arg5[%dma_start3A_74, %dma_start3A_75] : memref<10x128xi32, #tpu.memory_space<vmem>> -> memref<1x128xi32, #tpu.memory_space<vmem>>
    %dma_start3A_77 = tpu.memref_squeeze %dma_start3A_76 : memref<1x128xi32, #tpu.memory_space<vmem>> -> memref<128xi32, #tpu.memory_space<vmem>>
    %dma_start3A_78 = arith.constant 0 : i32
    %dma_start3A_79 = arith.constant 0 : i32
    %dma_start3A_80 = tpu.memref_slice %arg2[%dma_start3A_78, %dma_start3A_79] : memref<100000x128xf32, #tpu.memory_space<hbm>> -> memref<100000x128xf32, #tpu.memory_space<hbm>>
    tpu.enqueue_indirect_dma source(%dma_start3A_80 : memref<100000x128xf32, #tpu.memory_space<hbm>>) target(%arg6 : memref<128x128xf32, #tpu.memory_space<vmem>>) offsets(%dma_start3A_77 : memref<128xi32, #tpu.memory_space<vmem>>) semaphore(%arg10 : memref<!tpu.dma_semaphore, #tpu.memory_space<semaphore_mem>>)
    %dma_wait3A_81 = arith.constant 3 : i32
    %dma_wait3A_82 = arith.constant 0 : i32
    %dma_wait3A_83 = tpu.memref_slice %arg5[%dma_wait3A_81, %dma_wait3A_82] : memref<10x128xi32, #tpu.memory_space<vmem>> -> memref<1x128xi32, #tpu.memory_space<vmem>>
    %dma_wait3A_84 = tpu.memref_squeeze %dma_wait3A_83 : memref<1x128xi32, #tpu.memory_space<vmem>> -> memref<128xi32, #tpu.memory_space<vmem>>
    %dma_wait3A_85 = arith.constant 0 : i32
    %dma_wait3A_86 = arith.constant 0 : i32
    %dma_wait3A_87 = tpu.memref_slice %arg2[%dma_wait3A_85, %dma_wait3A_86] : memref<100000x128xf32, #tpu.memory_space<hbm>> -> memref<100000x128xf32, #tpu.memory_space<hbm>>
    tpu.wait_indirect_dma semaphore(%arg13 : memref<!tpu.dma_semaphore, #tpu.memory_space<semaphore_mem>>) src(%dma_wait3A_87 : memref<100000x128xf32, #tpu.memory_space<hbm>>) dst(%arg9 : memref<128x128xf32, #tpu.memory_space<vmem>>)
    %add3A_88 = arith.constant 384 : i32
    %add3A_89 = arith.addi %mul3A_2, %add3A_88 : i32
    %dma_start3A_90 = arith.constant 0 : i32
    %dma_start3A_91 = tpu.memref_slice %arg4[%add3A_89, %dma_start3A_90] : memref<40960x128xf32, #tpu.memory_space<hbm>> -> memref<128x128xf32, #tpu.memory_space<hbm>>
    %dma_start3A_92 = arith.constant 0 : i32
    %dma_start3A_93 = tpu.memref_slice %arg4[%add3A_89, %dma_start3A_92] : memref<40960x128xf32, #tpu.memory_space<hbm>> -> memref<128x128xf32, #tpu.memory_space<hbm>>
    tpu.enqueue_dma source(%arg9 : memref<128x128xf32, #tpu.memory_space<vmem>>) target(%dma_start3A_93 : memref<128x128xf32, #tpu.memory_space<hbm>>) target_semaphore(%arg17 : memref<!tpu.dma_semaphore, #tpu.memory_space<semaphore_mem>>)
    %add3A_94 = arith.constant 128 : i32
    %add3A_95 = arith.addi %mul3A_2, %add3A_94 : i32
    %dma_wait3A_96 = arith.constant 0 : i32
    %dma_wait3A_97 = tpu.memref_slice %arg4[%add3A_95, %dma_wait3A_96] : memref<40960x128xf32, #tpu.memory_space<hbm>> -> memref<128x128xf32, #tpu.memory_space<hbm>>
    %dma_wait3A_98 = arith.constant 0 : i32
    %dma_wait3A_99 = tpu.memref_slice %arg4[%add3A_95, %dma_wait3A_98] : memref<40960x128xf32, #tpu.memory_space<hbm>> -> memref<128x128xf32, #tpu.memory_space<hbm>>
    tpu.wait_dma2 semaphore(%arg15 : memref<!tpu.dma_semaphore, #tpu.memory_space<semaphore_mem>>) src(%arg7 : memref<128x128xf32, #tpu.memory_space<vmem>>) dst(%dma_wait3A_99 : memref<128x128xf32, #tpu.memory_space<hbm>>)
    %dma_start3A_100 = arith.constant 5 : i32
    %dma_start3A_101 = arith.constant 0 : i32
    %dma_start3A_102 = tpu.memref_slice %arg5[%dma_start3A_100, %dma_start3A_101] : memref<10x128xi32, #tpu.memory_space<vmem>> -> memref<1x128xi32, #tpu.memory_space<vmem>>
    %dma_start3A_103 = tpu.memref_squeeze %dma_start3A_102 : memref<1x128xi32, #tpu.memory_space<vmem>> -> memref<128xi32, #tpu.memory_space<vmem>>
    %dma_start3A_104 = arith.constant 0 : i32
    %dma_start3A_105 = arith.constant 0 : i32
    %dma_start3A_106 = tpu.memref_slice %arg2[%dma_start3A_104, %dma_start3A_105] : memref<100000x128xf32, #tpu.memory_space<hbm>> -> memref<100000x128xf32, #tpu.memory_space<hbm>>
    tpu.enqueue_indirect_dma source(%dma_start3A_106 : memref<100000x128xf32, #tpu.memory_space<hbm>>) target(%arg7 : memref<128x128xf32, #tpu.memory_space<vmem>>) offsets(%dma_start3A_103 : memref<128xi32, #tpu.memory_space<vmem>>) semaphore(%arg11 : memref<!tpu.dma_semaphore, #tpu.memory_space<semaphore_mem>>)
    %dma_wait3A_107 = arith.constant 4 : i32
    %dma_wait3A_108 = arith.constant 0 : i32
    %dma_wait3A_109 = tpu.memref_slice %arg5[%dma_wait3A_107, %dma_wait3A_108] : memref<10x128xi32, #tpu.memory_space<vmem>> -> memref<1x128xi32, #tpu.memory_space<vmem>>
    %dma_wait3A_110 = tpu.memref_squeeze %dma_wait3A_109 : memref<1x128xi32, #tpu.memory_space<vmem>> -> memref<128xi32, #tpu.memory_space<vmem>>
    %dma_wait3A_111 = arith.constant 0 : i32
    %dma_wait3A_112 = arith.constant 0 : i32
    %dma_wait3A_113 = tpu.memref_slice %arg2[%dma_wait3A_111, %dma_wait3A_112] : memref<100000x128xf32, #tpu.memory_space<hbm>> -> memref<100000x128xf32, #tpu.memory_space<hbm>>
    tpu.wait_indirect_dma semaphore(%arg10 : memref<!tpu.dma_semaphore, #tpu.memory_space<semaphore_mem>>) src(%dma_wait3A_113 : memref<100000x128xf32, #tpu.memory_space<hbm>>) dst(%arg6 : memref<128x128xf32, #tpu.memory_space<vmem>>)
    %add3A_114 = arith.constant 512 : i32
    %add3A_115 = arith.addi %mul3A_2, %add3A_114 : i32
    %dma_start3A_116 = arith.constant 0 : i32
    %dma_start3A_117 = tpu.memref_slice %arg4[%add3A_115, %dma_start3A_116] : memref<40960x128xf32, #tpu.memory_space<hbm>> -> memref<128x128xf32, #tpu.memory_space<hbm>>
    %dma_start3A_118 = arith.constant 0 : i32
    %dma_start3A_119 = tpu.memref_slice %arg4[%add3A_115, %dma_start3A_118] : memref<40960x128xf32, #tpu.memory_space<hbm>> -> memref<128x128xf32, #tpu.memory_space<hbm>>
    tpu.enqueue_dma source(%arg6 : memref<128x128xf32, #tpu.memory_space<vmem>>) target(%dma_start3A_119 : memref<128x128xf32, #tpu.memory_space<hbm>>) target_semaphore(%arg14 : memref<!tpu.dma_semaphore, #tpu.memory_space<semaphore_mem>>)
    %add3A_120 = arith.constant 256 : i32
    %add3A_121 = arith.addi %mul3A_2, %add3A_120 : i32
    %dma_wait3A_122 = arith.constant 0 : i32
    %dma_wait3A_123 = tpu.memref_slice %arg4[%add3A_121, %dma_wait3A_122] : memref<40960x128xf32, #tpu.memory_space<hbm>> -> memref<128x128xf32, #tpu.memory_space<hbm>>
    %dma_wait3A_124 = arith.constant 0 : i32
    %dma_wait3A_125 = tpu.memref_slice %arg4[%add3A_121, %dma_wait3A_124] : memref<40960x128xf32, #tpu.memory_space<hbm>> -> memref<128x128xf32, #tpu.memory_space<hbm>>
    tpu.wait_dma2 semaphore(%arg16 : memref<!tpu.dma_semaphore, #tpu.memory_space<semaphore_mem>>) src(%arg8 : memref<128x128xf32, #tpu.memory_space<vmem>>) dst(%dma_wait3A_125 : memref<128x128xf32, #tpu.memory_space<hbm>>)
    %dma_start3A_126 = arith.constant 6 : i32
    %dma_start3A_127 = arith.constant 0 : i32
    %dma_start3A_128 = tpu.memref_slice %arg5[%dma_start3A_126, %dma_start3A_127] : memref<10x128xi32, #tpu.memory_space<vmem>> -> memref<1x128xi32, #tpu.memory_space<vmem>>
    %dma_start3A_129 = tpu.memref_squeeze %dma_start3A_128 : memref<1x128xi32, #tpu.memory_space<vmem>> -> memref<128xi32, #tpu.memory_space<vmem>>
    %dma_start3A_130 = arith.constant 0 : i32
    %dma_start3A_131 = arith.constant 0 : i32
    %dma_start3A_132 = tpu.memref_slice %arg2[%dma_start3A_130, %dma_start3A_131] : memref<100000x128xf32, #tpu.memory_space<hbm>> -> memref<100000x128xf32, #tpu.memory_space<hbm>>
    tpu.enqueue_indirect_dma source(%dma_start3A_132 : memref<100000x128xf32, #tpu.memory_space<hbm>>) target(%arg8 : memref<128x128xf32, #tpu.memory_space<vmem>>) offsets(%dma_start3A_129 : memref<128xi32, #tpu.memory_space<vmem>>) semaphore(%arg12 : memref<!tpu.dma_semaphore, #tpu.memory_space<semaphore_mem>>)
    %dma_wait3A_133 = arith.constant 5 : i32
    %dma_wait3A_134 = arith.constant 0 : i32
    %dma_wait3A_135 = tpu.memref_slice %arg5[%dma_wait3A_133, %dma_wait3A_134] : memref<10x128xi32, #tpu.memory_space<vmem>> -> memref<1x128xi32, #tpu.memory_space<vmem>>
    %dma_wait3A_136 = tpu.memref_squeeze %dma_wait3A_135 : memref<1x128xi32, #tpu.memory_space<vmem>> -> memref<128xi32, #tpu.memory_space<vmem>>
    %dma_wait3A_137 = arith.constant 0 : i32
    %dma_wait3A_138 = arith.constant 0 : i32
    %dma_wait3A_139 = tpu.memref_slice %arg2[%dma_wait3A_137, %dma_wait3A_138] : memref<100000x128xf32, #tpu.memory_space<hbm>> -> memref<100000x128xf32, #tpu.memory_space<hbm>>
    tpu.wait_indirect_dma semaphore(%arg11 : memref<!tpu.dma_semaphore, #tpu.memory_space<semaphore_mem>>) src(%dma_wait3A_139 : memref<100000x128xf32, #tpu.memory_space<hbm>>) dst(%arg7 : memref<128x128xf32, #tpu.memory_space<vmem>>)
    %add3A_140 = arith.constant 640 : i32
    %add3A_141 = arith.addi %mul3A_2, %add3A_140 : i32
    %dma_start3A_142 = arith.constant 0 : i32
    %dma_start3A_143 = tpu.memref_slice %arg4[%add3A_141, %dma_start3A_142] : memref<40960x128xf32, #tpu.memory_space<hbm>> -> memref<128x128xf32, #tpu.memory_space<hbm>>
    %dma_start3A_144 = arith.constant 0 : i32
    %dma_start3A_145 = tpu.memref_slice %arg4[%add3A_141, %dma_start3A_144] : memref<40960x128xf32, #tpu.memory_space<hbm>> -> memref<128x128xf32, #tpu.memory_space<hbm>>
    tpu.enqueue_dma source(%arg7 : memref<128x128xf32, #tpu.memory_space<vmem>>) target(%dma_start3A_145 : memref<128x128xf32, #tpu.memory_space<hbm>>) target_semaphore(%arg15 : memref<!tpu.dma_semaphore, #tpu.memory_space<semaphore_mem>>)
    %add3A_146 = arith.constant 384 : i32
    %add3A_147 = arith.addi %mul3A_2, %add3A_146 : i32
    %dma_wait3A_148 = arith.constant 0 : i32
    %dma_wait3A_149 = tpu.memref_slice %arg4[%add3A_147, %dma_wait3A_148] : memref<40960x128xf32, #tpu.memory_space<hbm>> -> memref<128x128xf32, #tpu.memory_space<hbm>>
    %dma_wait3A_150 = arith.constant 0 : i32
    %dma_wait3A_151 = tpu.memref_slice %arg4[%add3A_147, %dma_wait3A_150] : memref<40960x128xf32, #tpu.memory_space<hbm>> -> memref<128x128xf32, #tpu.memory_space<hbm>>
    tpu.wait_dma2 semaphore(%arg17 : memref<!tpu.dma_semaphore, #tpu.memory_space<semaphore_mem>>) src(%arg9 : memref<128x128xf32, #tpu.memory_space<vmem>>) dst(%dma_wait3A_151 : memref<128x128xf32, #tpu.memory_space<hbm>>)
    %dma_start3A_152 = arith.constant 7 : i32
    %dma_start3A_153 = arith.constant 0 : i32
    %dma_start3A_154 = tpu.memref_slice %arg5[%dma_start3A_152, %dma_start3A_153] : memref<10x128xi32, #tpu.memory_space<vmem>> -> memref<1x128xi32, #tpu.memory_space<vmem>>
    %dma_start3A_155 = tpu.memref_squeeze %dma_start3A_154 : memref<1x128xi32, #tpu.memory_space<vmem>> -> memref<128xi32, #tpu.memory_space<vmem>>
    %dma_start3A_156 = arith.constant 0 : i32
    %dma_start3A_157 = arith.constant 0 : i32
    %dma_start3A_158 = tpu.memref_slice %arg2[%dma_start3A_156, %dma_start3A_157] : memref<100000x128xf32, #tpu.memory_space<hbm>> -> memref<100000x128xf32, #tpu.memory_space<hbm>>
    tpu.enqueue_indirect_dma source(%dma_start3A_158 : memref<100000x128xf32, #tpu.memory_space<hbm>>) target(%arg9 : memref<128x128xf32, #tpu.memory_space<vmem>>) offsets(%dma_start3A_155 : memref<128xi32, #tpu.memory_space<vmem>>) semaphore(%arg13 : memref<!tpu.dma_semaphore, #tpu.memory_space<semaphore_mem>>)
    %dma_wait3A_159 = arith.constant 6 : i32
    %dma_wait3A_160 = arith.constant 0 : i32
    %dma_wait3A_161 = tpu.memref_slice %arg5[%dma_wait3A_159, %dma_wait3A_160] : memref<10x128xi32, #tpu.memory_space<vmem>> -> memref<1x128xi32, #tpu.memory_space<vmem>>
    %dma_wait3A_162 = tpu.memref_squeeze %dma_wait3A_161 : memref<1x128xi32, #tpu.memory_space<vmem>> -> memref<128xi32, #tpu.memory_space<vmem>>
    %dma_wait3A_163 = arith.constant 0 : i32
    %dma_wait3A_164 = arith.constant 0 : i32
    %dma_wait3A_165 = tpu.memref_slice %arg2[%dma_wait3A_163, %dma_wait3A_164] : memref<100000x128xf32, #tpu.memory_space<hbm>> -> memref<100000x128xf32, #tpu.memory_space<hbm>>
    tpu.wait_indirect_dma semaphore(%arg12 : memref<!tpu.dma_semaphore, #tpu.memory_space<semaphore_mem>>) src(%dma_wait3A_165 : memref<100000x128xf32, #tpu.memory_space<hbm>>) dst(%arg8 : memref<128x128xf32, #tpu.memory_space<vmem>>)
    %add3A_166 = arith.constant 768 : i32
    %add3A_167 = arith.addi %mul3A_2, %add3A_166 : i32
    %dma_start3A_168 = arith.constant 0 : i32
    %dma_start3A_169 = tpu.memref_slice %arg4[%add3A_167, %dma_start3A_168] : memref<40960x128xf32, #tpu.memory_space<hbm>> -> memref<128x128xf32, #tpu.memory_space<hbm>>
    %dma_start3A_170 = arith.constant 0 : i32
    %dma_start3A_171 = tpu.memref_slice %arg4[%add3A_167, %dma_start3A_170] : memref<40960x128xf32, #tpu.memory_space<hbm>> -> memref<128x128xf32, #tpu.memory_space<hbm>>
    tpu.enqueue_dma source(%arg8 : memref<128x128xf32, #tpu.memory_space<vmem>>) target(%dma_start3A_171 : memref<128x128xf32, #tpu.memory_space<hbm>>) target_semaphore(%arg16 : memref<!tpu.dma_semaphore, #tpu.memory_space<semaphore_mem>>)
    %add3A_172 = arith.constant 512 : i32
    %add3A_173 = arith.addi %mul3A_2, %add3A_172 : i32
    %dma_wait3A_174 = arith.constant 0 : i32
    %dma_wait3A_175 = tpu.memref_slice %arg4[%add3A_173, %dma_wait3A_174] : memref<40960x128xf32, #tpu.memory_space<hbm>> -> memref<128x128xf32, #tpu.memory_space<hbm>>
    %dma_wait3A_176 = arith.constant 0 : i32
    %dma_wait3A_177 = tpu.memref_slice %arg4[%add3A_173, %dma_wait3A_176] : memref<40960x128xf32, #tpu.memory_space<hbm>> -> memref<128x128xf32, #tpu.memory_space<hbm>>
    tpu.wait_dma2 semaphore(%arg14 : memref<!tpu.dma_semaphore, #tpu.memory_space<semaphore_mem>>) src(%arg6 : memref<128x128xf32, #tpu.memory_space<vmem>>) dst(%dma_wait3A_177 : memref<128x128xf32, #tpu.memory_space<hbm>>)
    %dma_start3A_178 = arith.constant 8 : i32
    %dma_start3A_179 = arith.constant 0 : i32
    %dma_start3A_180 = tpu.memref_slice %arg5[%dma_start3A_178, %dma_start3A_179] : memref<10x128xi32, #tpu.memory_space<vmem>> -> memref<1x128xi32, #tpu.memory_space<vmem>>
    %dma_start3A_181 = tpu.memref_squeeze %dma_start3A_180 : memref<1x128xi32, #tpu.memory_space<vmem>> -> memref<128xi32, #tpu.memory_space<vmem>>
    %dma_start3A_182 = arith.constant 0 : i32
    %dma_start3A_183 = arith.constant 0 : i32
    %dma_start3A_184 = tpu.memref_slice %arg2[%dma_start3A_182, %dma_start3A_183] : memref<100000x128xf32, #tpu.memory_space<hbm>> -> memref<100000x128xf32, #tpu.memory_space<hbm>>
    tpu.enqueue_indirect_dma source(%dma_start3A_184 : memref<100000x128xf32, #tpu.memory_space<hbm>>) target(%arg6 : memref<128x128xf32, #tpu.memory_space<vmem>>) offsets(%dma_start3A_181 : memref<128xi32, #tpu.memory_space<vmem>>) semaphore(%arg10 : memref<!tpu.dma_semaphore, #tpu.memory_space<semaphore_mem>>)
    %dma_wait3A_185 = arith.constant 7 : i32
    %dma_wait3A_186 = arith.constant 0 : i32
    %dma_wait3A_187 = tpu.memref_slice %arg5[%dma_wait3A_185, %dma_wait3A_186] : memref<10x128xi32, #tpu.memory_space<vmem>> -> memref<1x128xi32, #tpu.memory_space<vmem>>
    %dma_wait3A_188 = tpu.memref_squeeze %dma_wait3A_187 : memref<1x128xi32, #tpu.memory_space<vmem>> -> memref<128xi32, #tpu.memory_space<vmem>>
    %dma_wait3A_189 = arith.constant 0 : i32
    %dma_wait3A_190 = arith.constant 0 : i32
    %dma_wait3A_191 = tpu.memref_slice %arg2[%dma_wait3A_189, %dma_wait3A_190] : memref<100000x128xf32, #tpu.memory_space<hbm>> -> memref<100000x128xf32, #tpu.memory_space<hbm>>
    tpu.wait_indirect_dma semaphore(%arg13 : memref<!tpu.dma_semaphore, #tpu.memory_space<semaphore_mem>>) src(%dma_wait3A_191 : memref<100000x128xf32, #tpu.memory_space<hbm>>) dst(%arg9 : memref<128x128xf32, #tpu.memory_space<vmem>>)
    %add3A_192 = arith.constant 896 : i32
    %add3A_193 = arith.addi %mul3A_2, %add3A_192 : i32
    %dma_start3A_194 = arith.constant 0 : i32
    %dma_start3A_195 = tpu.memref_slice %arg4[%add3A_193, %dma_start3A_194] : memref<40960x128xf32, #tpu.memory_space<hbm>> -> memref<128x128xf32, #tpu.memory_space<hbm>>
    %dma_start3A_196 = arith.constant 0 : i32
    %dma_start3A_197 = tpu.memref_slice %arg4[%add3A_193, %dma_start3A_196] : memref<40960x128xf32, #tpu.memory_space<hbm>> -> memref<128x128xf32, #tpu.memory_space<hbm>>
    tpu.enqueue_dma source(%arg9 : memref<128x128xf32, #tpu.memory_space<vmem>>) target(%dma_start3A_197 : memref<128x128xf32, #tpu.memory_space<hbm>>) target_semaphore(%arg17 : memref<!tpu.dma_semaphore, #tpu.memory_space<semaphore_mem>>)
    %add3A_198 = arith.constant 640 : i32
    %add3A_199 = arith.addi %mul3A_2, %add3A_198 : i32
    %dma_wait3A_200 = arith.constant 0 : i32
    %dma_wait3A_201 = tpu.memref_slice %arg4[%add3A_199, %dma_wait3A_200] : memref<40960x128xf32, #tpu.memory_space<hbm>> -> memref<128x128xf32, #tpu.memory_space<hbm>>
    %dma_wait3A_202 = arith.constant 0 : i32
    %dma_wait3A_203 = tpu.memref_slice %arg4[%add3A_199, %dma_wait3A_202] : memref<40960x128xf32, #tpu.memory_space<hbm>> -> memref<128x128xf32, #tpu.memory_space<hbm>>
    tpu.wait_dma2 semaphore(%arg15 : memref<!tpu.dma_semaphore, #tpu.memory_space<semaphore_mem>>) src(%arg7 : memref<128x128xf32, #tpu.memory_space<vmem>>) dst(%dma_wait3A_203 : memref<128x128xf32, #tpu.memory_space<hbm>>)
    %dma_start3A_204 = arith.constant 9 : i32
    %dma_start3A_205 = arith.constant 0 : i32
    %dma_start3A_206 = tpu.memref_slice %arg5[%dma_start3A_204, %dma_start3A_205] : memref<10x128xi32, #tpu.memory_space<vmem>> -> memref<1x128xi32, #tpu.memory_space<vmem>>
    %dma_start3A_207 = tpu.memref_squeeze %dma_start3A_206 : memref<1x128xi32, #tpu.memory_space<vmem>> -> memref<128xi32, #tpu.memory_space<vmem>>
    %dma_start3A_208 = arith.constant 0 : i32
    %dma_start3A_209 = arith.constant 0 : i32
    %dma_start3A_210 = tpu.memref_slice %arg2[%dma_start3A_208, %dma_start3A_209] : memref<100000x128xf32, #tpu.memory_space<hbm>> -> memref<100000x128xf32, #tpu.memory_space<hbm>>
    tpu.enqueue_indirect_dma source(%dma_start3A_210 : memref<100000x128xf32, #tpu.memory_space<hbm>>) target(%arg7 : memref<128x128xf32, #tpu.memory_space<vmem>>) offsets(%dma_start3A_207 : memref<128xi32, #tpu.memory_space<vmem>>) semaphore(%arg11 : memref<!tpu.dma_semaphore, #tpu.memory_space<semaphore_mem>>)
    %dma_wait3A_211 = arith.constant 8 : i32
    %dma_wait3A_212 = arith.constant 0 : i32
    %dma_wait3A_213 = tpu.memref_slice %arg5[%dma_wait3A_211, %dma_wait3A_212] : memref<10x128xi32, #tpu.memory_space<vmem>> -> memref<1x128xi32, #tpu.memory_space<vmem>>
    %dma_wait3A_214 = tpu.memref_squeeze %dma_wait3A_213 : memref<1x128xi32, #tpu.memory_space<vmem>> -> memref<128xi32, #tpu.memory_space<vmem>>
    %dma_wait3A_215 = arith.constant 0 : i32
    %dma_wait3A_216 = arith.constant 0 : i32
    %dma_wait3A_217 = tpu.memref_slice %arg2[%dma_wait3A_215, %dma_wait3A_216] : memref<100000x128xf32, #tpu.memory_space<hbm>> -> memref<100000x128xf32, #tpu.memory_space<hbm>>
    tpu.wait_indirect_dma semaphore(%arg10 : memref<!tpu.dma_semaphore, #tpu.memory_space<semaphore_mem>>) src(%dma_wait3A_217 : memref<100000x128xf32, #tpu.memory_space<hbm>>) dst(%arg6 : memref<128x128xf32, #tpu.memory_space<vmem>>)
    %add3A_218 = arith.constant 1024 : i32
    %add3A_219 = arith.addi %mul3A_2, %add3A_218 : i32
    %dma_start3A_220 = arith.constant 0 : i32
    %dma_start3A_221 = tpu.memref_slice %arg4[%add3A_219, %dma_start3A_220] : memref<40960x128xf32, #tpu.memory_space<hbm>> -> memref<128x128xf32, #tpu.memory_space<hbm>>
    %dma_start3A_222 = arith.constant 0 : i32
    %dma_start3A_223 = tpu.memref_slice %arg4[%add3A_219, %dma_start3A_222] : memref<40960x128xf32, #tpu.memory_space<hbm>> -> memref<128x128xf32, #tpu.memory_space<hbm>>
    tpu.enqueue_dma source(%arg6 : memref<128x128xf32, #tpu.memory_space<vmem>>) target(%dma_start3A_223 : memref<128x128xf32, #tpu.memory_space<hbm>>) target_semaphore(%arg14 : memref<!tpu.dma_semaphore, #tpu.memory_space<semaphore_mem>>)
    %dma_wait3A_224 = arith.constant 9 : i32
    %dma_wait3A_225 = arith.constant 0 : i32
    %dma_wait3A_226 = tpu.memref_slice %arg5[%dma_wait3A_224, %dma_wait3A_225] : memref<10x128xi32, #tpu.memory_space<vmem>> -> memref<1x128xi32, #tpu.memory_space<vmem>>
    %dma_wait3A_227 = tpu.memref_squeeze %dma_wait3A_226 : memref<1x128xi32, #tpu.memory_space<vmem>> -> memref<128xi32, #tpu.memory_space<vmem>>
    %dma_wait3A_228 = arith.constant 0 : i32
    %dma_wait3A_229 = arith.constant 0 : i32
    %dma_wait3A_230 = tpu.memref_slice %arg2[%dma_wait3A_228, %dma_wait3A_229] : memref<100000x128xf32, #tpu.memory_space<hbm>> -> memref<100000x128xf32, #tpu.memory_space<hbm>>
    tpu.wait_indirect_dma semaphore(%arg11 : memref<!tpu.dma_semaphore, #tpu.memory_space<semaphore_mem>>) src(%dma_wait3A_230 : memref<100000x128xf32, #tpu.memory_space<hbm>>) dst(%arg7 : memref<128x128xf32, #tpu.memory_space<vmem>>)
    %add3A_231 = arith.constant 1152 : i32
    %add3A_232 = arith.addi %mul3A_2, %add3A_231 : i32
    %dma_start3A_233 = arith.constant 0 : i32
    %dma_start3A_234 = tpu.memref_slice %arg4[%add3A_232, %dma_start3A_233] : memref<40960x128xf32, #tpu.memory_space<hbm>> -> memref<128x128xf32, #tpu.memory_space<hbm>>
    %dma_start3A_235 = arith.constant 0 : i32
    %dma_start3A_236 = tpu.memref_slice %arg4[%add3A_232, %dma_start3A_235] : memref<40960x128xf32, #tpu.memory_space<hbm>> -> memref<128x128xf32, #tpu.memory_space<hbm>>
    tpu.enqueue_dma source(%arg7 : memref<128x128xf32, #tpu.memory_space<vmem>>) target(%dma_start3A_236 : memref<128x128xf32, #tpu.memory_space<hbm>>) target_semaphore(%arg15 : memref<!tpu.dma_semaphore, #tpu.memory_space<semaphore_mem>>)
    %add3A_237 = arith.constant 768 : i32
    %add3A_238 = arith.addi %mul3A_2, %add3A_237 : i32
    %dma_wait3A_239 = arith.constant 0 : i32
    %dma_wait3A_240 = tpu.memref_slice %arg4[%add3A_238, %dma_wait3A_239] : memref<40960x128xf32, #tpu.memory_space<hbm>> -> memref<128x128xf32, #tpu.memory_space<hbm>>
    %dma_wait3A_241 = arith.constant 0 : i32
    %dma_wait3A_242 = tpu.memref_slice %arg4[%add3A_238, %dma_wait3A_241] : memref<40960x128xf32, #tpu.memory_space<hbm>> -> memref<128x128xf32, #tpu.memory_space<hbm>>
    tpu.wait_dma2 semaphore(%arg16 : memref<!tpu.dma_semaphore, #tpu.memory_space<semaphore_mem>>) src(%arg8 : memref<128x128xf32, #tpu.memory_space<vmem>>) dst(%dma_wait3A_242 : memref<128x128xf32, #tpu.memory_space<hbm>>)
    %add3A_243 = arith.constant 896 : i32
    %add3A_244 = arith.addi %mul3A_2, %add3A_243 : i32
    %dma_wait3A_245 = arith.constant 0 : i32
    %dma_wait3A_246 = tpu.memref_slice %arg4[%add3A_244, %dma_wait3A_245] : memref<40960x128xf32, #tpu.memory_space<hbm>> -> memref<128x128xf32, #tpu.memory_space<hbm>>
    %dma_wait3A_247 = arith.constant 0 : i32
    %dma_wait3A_248 = tpu.memref_slice %arg4[%add3A_244, %dma_wait3A_247] : memref<40960x128xf32, #tpu.memory_space<hbm>> -> memref<128x128xf32, #tpu.memory_space<hbm>>
    tpu.wait_dma2 semaphore(%arg17 : memref<!tpu.dma_semaphore, #tpu.memory_space<semaphore_mem>>) src(%arg9 : memref<128x128xf32, #tpu.memory_space<vmem>>) dst(%dma_wait3A_248 : memref<128x128xf32, #tpu.memory_space<hbm>>)
    %add3A_249 = arith.constant 1024 : i32
    %add3A_250 = arith.addi %mul3A_2, %add3A_249 : i32
    %dma_wait3A_251 = arith.constant 0 : i32
    %dma_wait3A_252 = tpu.memref_slice %arg4[%add3A_250, %dma_wait3A_251] : memref<40960x128xf32, #tpu.memory_space<hbm>> -> memref<128x128xf32, #tpu.memory_space<hbm>>
    %dma_wait3A_253 = arith.constant 0 : i32
    %dma_wait3A_254 = tpu.memref_slice %arg4[%add3A_250, %dma_wait3A_253] : memref<40960x128xf32, #tpu.memory_space<hbm>> -> memref<128x128xf32, #tpu.memory_space<hbm>>
    tpu.wait_dma2 semaphore(%arg14 : memref<!tpu.dma_semaphore, #tpu.memory_space<semaphore_mem>>) src(%arg6 : memref<128x128xf32, #tpu.memory_space<vmem>>) dst(%dma_wait3A_254 : memref<128x128xf32, #tpu.memory_space<hbm>>)
    %add3A_255 = arith.constant 1152 : i32
    %add3A_256 = arith.addi %mul3A_2, %add3A_255 : i32
    %dma_wait3A_257 = arith.constant 0 : i32
    %dma_wait3A_258 = tpu.memref_slice %arg4[%add3A_256, %dma_wait3A_257] : memref<40960x128xf32, #tpu.memory_space<hbm>> -> memref<128x128xf32, #tpu.memory_space<hbm>>
    %dma_wait3A_259 = arith.constant 0 : i32
    %dma_wait3A_260 = tpu.memref_slice %arg4[%add3A_256, %dma_wait3A_259] : memref<40960x128xf32, #tpu.memory_space<hbm>> -> memref<128x128xf32, #tpu.memory_space<hbm>>
    tpu.wait_dma2 semaphore(%arg15 : memref<!tpu.dma_semaphore, #tpu.memory_space<semaphore_mem>>) src(%arg7 : memref<128x128xf32, #tpu.memory_space<vmem>>) dst(%dma_wait3A_260 : memref<128x128xf32, #tpu.memory_space<hbm>>)
    return
  }
}

#map = affine_map<(d0, d1) -> (0, 0)>
#map1 = affine_map<(d0, d1) -> (0, 0, 0)>
module attributes {stable_mosaic.version = 14 : i64} {
  func.func @body(%arg0: i32, %arg1: i32, %arg2: memref<100000x128xf32, #tpu.memory_space<hbm>>, %arg3: memref<32x6x128xi32, #tpu.memory_space<hbm>>, %arg4: memref<24576x128xf32, #tpu.memory_space<hbm>>, %arg5: memref<6x128xi32, #tpu.memory_space<vmem>>, %arg6: memref<128x128xf32, #tpu.memory_space<vmem>>, %arg7: memref<128x128xf32, #tpu.memory_space<vmem>>, %arg8: memref<128x128xf32, #tpu.memory_space<vmem>>, %arg9: memref<128x128xf32, #tpu.memory_space<vmem>>, %arg10: memref<!tpu.dma_semaphore, #tpu.memory_space<semaphore_mem>>, %arg11: memref<!tpu.dma_semaphore, #tpu.memory_space<semaphore_mem>>, %arg12: memref<!tpu.dma_semaphore, #tpu.memory_space<semaphore_mem>>, %arg13: memref<!tpu.dma_semaphore, #tpu.memory_space<semaphore_mem>>, %arg14: memref<!tpu.dma_semaphore, #tpu.memory_space<semaphore_mem>>, %arg15: memref<!tpu.dma_semaphore, #tpu.memory_space<semaphore_mem>>, %arg16: memref<!tpu.dma_semaphore, #tpu.memory_space<semaphore_mem>>, %arg17: memref<!tpu.dma_semaphore, #tpu.memory_space<semaphore_mem>>) attributes {dimension_semantics = [#tpu.dimension_semantics<core_parallel>, #tpu.dimension_semantics<subcore_parallel>], iteration_bounds = array<i64: 2, 16>, scalar_prefetch = 0 : i64, scratch_operands = 13 : i64, tpu.core_type = #tpu.core_type<sc_vector_subcore>, window_params = [{transform_indices = #map}, {transform_indices = #map1}, {transform_indices = #map}]} {
    %mul3A = arith.constant 2 : i32
    %mul3A_0 = arith.muli %arg1, %mul3A : i32
    %add3A = arith.addi %mul3A_0, %arg0 : i32
    %mul3A_1 = arith.constant 768 : i32
    %mul3A_2 = arith.muli %add3A, %mul3A_1 : i32
    "tpu.region"() ({
      %run_scoped3A = tpu.sem_alloc : memref<!tpu.dma_semaphore, #tpu.memory_space<semaphore_mem>>
      %dma_start3A_157 = arith.constant 0 : i32
      %dma_start3A_158 = arith.constant 0 : i32
      %dma_start3A_159 = tpu.memref_slice %arg3[%add3A, %dma_start3A_157, %dma_start3A_158] : memref<32x6x128xi32, #tpu.memory_space<hbm>> -> memref<1x6x128xi32, #tpu.memory_space<hbm>>
      %dma_start3A_160 = tpu.memref_squeeze %dma_start3A_159 : memref<1x6x128xi32, #tpu.memory_space<hbm>> -> memref<6x128xi32, #tpu.memory_space<hbm>>
      %dma_start3A_161 = arith.constant 0 : i32
      %dma_start3A_162 = arith.constant 0 : i32
      %dma_start3A_163 = tpu.memref_slice %arg3[%add3A, %dma_start3A_161, %dma_start3A_162] : memref<32x6x128xi32, #tpu.memory_space<hbm>> -> memref<1x6x128xi32, #tpu.memory_space<hbm>>
      %dma_start3A_164 = tpu.memref_squeeze %dma_start3A_163 : memref<1x6x128xi32, #tpu.memory_space<hbm>> -> memref<6x128xi32, #tpu.memory_space<hbm>>
      tpu.enqueue_dma source(%dma_start3A_164 : memref<6x128xi32, #tpu.memory_space<hbm>>) target(%arg5 : memref<6x128xi32, #tpu.memory_space<vmem>>) target_semaphore(%run_scoped3A : memref<!tpu.dma_semaphore, #tpu.memory_space<semaphore_mem>>)
      %dma_wait3A_165 = arith.constant 0 : i32
      %dma_wait3A_166 = arith.constant 0 : i32
      %dma_wait3A_167 = tpu.memref_slice %arg3[%add3A, %dma_wait3A_165, %dma_wait3A_166] : memref<32x6x128xi32, #tpu.memory_space<hbm>> -> memref<1x6x128xi32, #tpu.memory_space<hbm>>
      %dma_wait3A_168 = tpu.memref_squeeze %dma_wait3A_167 : memref<1x6x128xi32, #tpu.memory_space<hbm>> -> memref<6x128xi32, #tpu.memory_space<hbm>>
      %dma_wait3A_169 = arith.constant 0 : i32
      %dma_wait3A_170 = arith.constant 0 : i32
      %dma_wait3A_171 = tpu.memref_slice %arg3[%add3A, %dma_wait3A_169, %dma_wait3A_170] : memref<32x6x128xi32, #tpu.memory_space<hbm>> -> memref<1x6x128xi32, #tpu.memory_space<hbm>>
      %dma_wait3A_172 = tpu.memref_squeeze %dma_wait3A_171 : memref<1x6x128xi32, #tpu.memory_space<hbm>> -> memref<6x128xi32, #tpu.memory_space<hbm>>
      tpu.wait_dma2 semaphore(%run_scoped3A : memref<!tpu.dma_semaphore, #tpu.memory_space<semaphore_mem>>) src(%dma_wait3A_172 : memref<6x128xi32, #tpu.memory_space<hbm>>) dst(%arg5 : memref<6x128xi32, #tpu.memory_space<vmem>>)
      tpu.yield
    }) : () -> ()
    %dma_start3A = arith.constant 0 : i32
    %dma_start3A_3 = arith.constant 0 : i32
    %dma_start3A_4 = tpu.memref_slice %arg5[%dma_start3A, %dma_start3A_3] : memref<6x128xi32, #tpu.memory_space<vmem>> -> memref<1x128xi32, #tpu.memory_space<vmem>>
    %dma_start3A_5 = tpu.memref_squeeze %dma_start3A_4 : memref<1x128xi32, #tpu.memory_space<vmem>> -> memref<128xi32, #tpu.memory_space<vmem>>
    %dma_start3A_6 = arith.constant 0 : i32
    %dma_start3A_7 = arith.constant 0 : i32
    %dma_start3A_8 = tpu.memref_slice %arg2[%dma_start3A_6, %dma_start3A_7] : memref<100000x128xf32, #tpu.memory_space<hbm>> -> memref<100000x128xf32, #tpu.memory_space<hbm>>
    tpu.enqueue_indirect_dma source(%dma_start3A_8 : memref<100000x128xf32, #tpu.memory_space<hbm>>) target(%arg6 : memref<128x128xf32, #tpu.memory_space<vmem>>) offsets(%dma_start3A_5 : memref<128xi32, #tpu.memory_space<vmem>>) semaphore(%arg10 : memref<!tpu.dma_semaphore, #tpu.memory_space<semaphore_mem>>)
    %dma_start3A_9 = arith.constant 1 : i32
    %dma_start3A_10 = arith.constant 0 : i32
    %dma_start3A_11 = tpu.memref_slice %arg5[%dma_start3A_9, %dma_start3A_10] : memref<6x128xi32, #tpu.memory_space<vmem>> -> memref<1x128xi32, #tpu.memory_space<vmem>>
    %dma_start3A_12 = tpu.memref_squeeze %dma_start3A_11 : memref<1x128xi32, #tpu.memory_space<vmem>> -> memref<128xi32, #tpu.memory_space<vmem>>
    %dma_start3A_13 = arith.constant 0 : i32
    %dma_start3A_14 = arith.constant 0 : i32
    %dma_start3A_15 = tpu.memref_slice %arg2[%dma_start3A_13, %dma_start3A_14] : memref<100000x128xf32, #tpu.memory_space<hbm>> -> memref<100000x128xf32, #tpu.memory_space<hbm>>
    tpu.enqueue_indirect_dma source(%dma_start3A_15 : memref<100000x128xf32, #tpu.memory_space<hbm>>) target(%arg7 : memref<128x128xf32, #tpu.memory_space<vmem>>) offsets(%dma_start3A_12 : memref<128xi32, #tpu.memory_space<vmem>>) semaphore(%arg11 : memref<!tpu.dma_semaphore, #tpu.memory_space<semaphore_mem>>)
    %dma_wait3A = arith.constant 0 : i32
    %dma_wait3A_16 = arith.constant 0 : i32
    %dma_wait3A_17 = tpu.memref_slice %arg5[%dma_wait3A, %dma_wait3A_16] : memref<6x128xi32, #tpu.memory_space<vmem>> -> memref<1x128xi32, #tpu.memory_space<vmem>>
    %dma_wait3A_18 = tpu.memref_squeeze %dma_wait3A_17 : memref<1x128xi32, #tpu.memory_space<vmem>> -> memref<128xi32, #tpu.memory_space<vmem>>
    %dma_wait3A_19 = arith.constant 0 : i32
    %dma_wait3A_20 = arith.constant 0 : i32
    %dma_wait3A_21 = tpu.memref_slice %arg2[%dma_wait3A_19, %dma_wait3A_20] : memref<100000x128xf32, #tpu.memory_space<hbm>> -> memref<100000x128xf32, #tpu.memory_space<hbm>>
    tpu.wait_indirect_dma semaphore(%arg10 : memref<!tpu.dma_semaphore, #tpu.memory_space<semaphore_mem>>) src(%dma_wait3A_21 : memref<100000x128xf32, #tpu.memory_space<hbm>>) dst(%arg6 : memref<128x128xf32, #tpu.memory_space<vmem>>)
    %add3A_22 = arith.constant 0 : i32
    %add3A_23 = arith.addi %mul3A_2, %add3A_22 : i32
    %dma_start3A_24 = arith.constant 0 : i32
    %dma_start3A_25 = tpu.memref_slice %arg4[%add3A_23, %dma_start3A_24] : memref<24576x128xf32, #tpu.memory_space<hbm>> -> memref<128x128xf32, #tpu.memory_space<hbm>>
    %dma_start3A_26 = arith.constant 0 : i32
    %dma_start3A_27 = tpu.memref_slice %arg4[%add3A_23, %dma_start3A_26] : memref<24576x128xf32, #tpu.memory_space<hbm>> -> memref<128x128xf32, #tpu.memory_space<hbm>>
    tpu.enqueue_dma source(%arg6 : memref<128x128xf32, #tpu.memory_space<vmem>>) target(%dma_start3A_27 : memref<128x128xf32, #tpu.memory_space<hbm>>) target_semaphore(%arg14 : memref<!tpu.dma_semaphore, #tpu.memory_space<semaphore_mem>>)
    %dma_start3A_28 = arith.constant 2 : i32
    %dma_start3A_29 = arith.constant 0 : i32
    %dma_start3A_30 = tpu.memref_slice %arg5[%dma_start3A_28, %dma_start3A_29] : memref<6x128xi32, #tpu.memory_space<vmem>> -> memref<1x128xi32, #tpu.memory_space<vmem>>
    %dma_start3A_31 = tpu.memref_squeeze %dma_start3A_30 : memref<1x128xi32, #tpu.memory_space<vmem>> -> memref<128xi32, #tpu.memory_space<vmem>>
    %dma_start3A_32 = arith.constant 0 : i32
    %dma_start3A_33 = arith.constant 0 : i32
    %dma_start3A_34 = tpu.memref_slice %arg2[%dma_start3A_32, %dma_start3A_33] : memref<100000x128xf32, #tpu.memory_space<hbm>> -> memref<100000x128xf32, #tpu.memory_space<hbm>>
    tpu.enqueue_indirect_dma source(%dma_start3A_34 : memref<100000x128xf32, #tpu.memory_space<hbm>>) target(%arg8 : memref<128x128xf32, #tpu.memory_space<vmem>>) offsets(%dma_start3A_31 : memref<128xi32, #tpu.memory_space<vmem>>) semaphore(%arg12 : memref<!tpu.dma_semaphore, #tpu.memory_space<semaphore_mem>>)
    %dma_wait3A_35 = arith.constant 1 : i32
    %dma_wait3A_36 = arith.constant 0 : i32
    %dma_wait3A_37 = tpu.memref_slice %arg5[%dma_wait3A_35, %dma_wait3A_36] : memref<6x128xi32, #tpu.memory_space<vmem>> -> memref<1x128xi32, #tpu.memory_space<vmem>>
    %dma_wait3A_38 = tpu.memref_squeeze %dma_wait3A_37 : memref<1x128xi32, #tpu.memory_space<vmem>> -> memref<128xi32, #tpu.memory_space<vmem>>
    %dma_wait3A_39 = arith.constant 0 : i32
    %dma_wait3A_40 = arith.constant 0 : i32
    %dma_wait3A_41 = tpu.memref_slice %arg2[%dma_wait3A_39, %dma_wait3A_40] : memref<100000x128xf32, #tpu.memory_space<hbm>> -> memref<100000x128xf32, #tpu.memory_space<hbm>>
    tpu.wait_indirect_dma semaphore(%arg11 : memref<!tpu.dma_semaphore, #tpu.memory_space<semaphore_mem>>) src(%dma_wait3A_41 : memref<100000x128xf32, #tpu.memory_space<hbm>>) dst(%arg7 : memref<128x128xf32, #tpu.memory_space<vmem>>)
    %add3A_42 = arith.constant 128 : i32
    %add3A_43 = arith.addi %mul3A_2, %add3A_42 : i32
    %dma_start3A_44 = arith.constant 0 : i32
    %dma_start3A_45 = tpu.memref_slice %arg4[%add3A_43, %dma_start3A_44] : memref<24576x128xf32, #tpu.memory_space<hbm>> -> memref<128x128xf32, #tpu.memory_space<hbm>>
    %dma_start3A_46 = arith.constant 0 : i32
    %dma_start3A_47 = tpu.memref_slice %arg4[%add3A_43, %dma_start3A_46] : memref<24576x128xf32, #tpu.memory_space<hbm>> -> memref<128x128xf32, #tpu.memory_space<hbm>>
    tpu.enqueue_dma source(%arg7 : memref<128x128xf32, #tpu.memory_space<vmem>>) target(%dma_start3A_47 : memref<128x128xf32, #tpu.memory_space<hbm>>) target_semaphore(%arg15 : memref<!tpu.dma_semaphore, #tpu.memory_space<semaphore_mem>>)
    %dma_start3A_48 = arith.constant 3 : i32
    %dma_start3A_49 = arith.constant 0 : i32
    %dma_start3A_50 = tpu.memref_slice %arg5[%dma_start3A_48, %dma_start3A_49] : memref<6x128xi32, #tpu.memory_space<vmem>> -> memref<1x128xi32, #tpu.memory_space<vmem>>
    %dma_start3A_51 = tpu.memref_squeeze %dma_start3A_50 : memref<1x128xi32, #tpu.memory_space<vmem>> -> memref<128xi32, #tpu.memory_space<vmem>>
    %dma_start3A_52 = arith.constant 0 : i32
    %dma_start3A_53 = arith.constant 0 : i32
    %dma_start3A_54 = tpu.memref_slice %arg2[%dma_start3A_52, %dma_start3A_53] : memref<100000x128xf32, #tpu.memory_space<hbm>> -> memref<100000x128xf32, #tpu.memory_space<hbm>>
    tpu.enqueue_indirect_dma source(%dma_start3A_54 : memref<100000x128xf32, #tpu.memory_space<hbm>>) target(%arg9 : memref<128x128xf32, #tpu.memory_space<vmem>>) offsets(%dma_start3A_51 : memref<128xi32, #tpu.memory_space<vmem>>) semaphore(%arg13 : memref<!tpu.dma_semaphore, #tpu.memory_space<semaphore_mem>>)
    %dma_wait3A_55 = arith.constant 2 : i32
    %dma_wait3A_56 = arith.constant 0 : i32
    %dma_wait3A_57 = tpu.memref_slice %arg5[%dma_wait3A_55, %dma_wait3A_56] : memref<6x128xi32, #tpu.memory_space<vmem>> -> memref<1x128xi32, #tpu.memory_space<vmem>>
    %dma_wait3A_58 = tpu.memref_squeeze %dma_wait3A_57 : memref<1x128xi32, #tpu.memory_space<vmem>> -> memref<128xi32, #tpu.memory_space<vmem>>
    %dma_wait3A_59 = arith.constant 0 : i32
    %dma_wait3A_60 = arith.constant 0 : i32
    %dma_wait3A_61 = tpu.memref_slice %arg2[%dma_wait3A_59, %dma_wait3A_60] : memref<100000x128xf32, #tpu.memory_space<hbm>> -> memref<100000x128xf32, #tpu.memory_space<hbm>>
    tpu.wait_indirect_dma semaphore(%arg12 : memref<!tpu.dma_semaphore, #tpu.memory_space<semaphore_mem>>) src(%dma_wait3A_61 : memref<100000x128xf32, #tpu.memory_space<hbm>>) dst(%arg8 : memref<128x128xf32, #tpu.memory_space<vmem>>)
    %add3A_62 = arith.constant 256 : i32
    %add3A_63 = arith.addi %mul3A_2, %add3A_62 : i32
    %dma_start3A_64 = arith.constant 0 : i32
    %dma_start3A_65 = tpu.memref_slice %arg4[%add3A_63, %dma_start3A_64] : memref<24576x128xf32, #tpu.memory_space<hbm>> -> memref<128x128xf32, #tpu.memory_space<hbm>>
    %dma_start3A_66 = arith.constant 0 : i32
    %dma_start3A_67 = tpu.memref_slice %arg4[%add3A_63, %dma_start3A_66] : memref<24576x128xf32, #tpu.memory_space<hbm>> -> memref<128x128xf32, #tpu.memory_space<hbm>>
    tpu.enqueue_dma source(%arg8 : memref<128x128xf32, #tpu.memory_space<vmem>>) target(%dma_start3A_67 : memref<128x128xf32, #tpu.memory_space<hbm>>) target_semaphore(%arg16 : memref<!tpu.dma_semaphore, #tpu.memory_space<semaphore_mem>>)
    %add3A_68 = arith.constant 0 : i32
    %add3A_69 = arith.addi %mul3A_2, %add3A_68 : i32
    %dma_wait3A_70 = arith.constant 0 : i32
    %dma_wait3A_71 = tpu.memref_slice %arg4[%add3A_69, %dma_wait3A_70] : memref<24576x128xf32, #tpu.memory_space<hbm>> -> memref<128x128xf32, #tpu.memory_space<hbm>>
    %dma_wait3A_72 = arith.constant 0 : i32
    %dma_wait3A_73 = tpu.memref_slice %arg4[%add3A_69, %dma_wait3A_72] : memref<24576x128xf32, #tpu.memory_space<hbm>> -> memref<128x128xf32, #tpu.memory_space<hbm>>
    tpu.wait_dma2 semaphore(%arg14 : memref<!tpu.dma_semaphore, #tpu.memory_space<semaphore_mem>>) src(%arg6 : memref<128x128xf32, #tpu.memory_space<vmem>>) dst(%dma_wait3A_73 : memref<128x128xf32, #tpu.memory_space<hbm>>)
    %dma_start3A_74 = arith.constant 4 : i32
    %dma_start3A_75 = arith.constant 0 : i32
    %dma_start3A_76 = tpu.memref_slice %arg5[%dma_start3A_74, %dma_start3A_75] : memref<6x128xi32, #tpu.memory_space<vmem>> -> memref<1x128xi32, #tpu.memory_space<vmem>>
    %dma_start3A_77 = tpu.memref_squeeze %dma_start3A_76 : memref<1x128xi32, #tpu.memory_space<vmem>> -> memref<128xi32, #tpu.memory_space<vmem>>
    %dma_start3A_78 = arith.constant 0 : i32
    %dma_start3A_79 = arith.constant 0 : i32
    %dma_start3A_80 = tpu.memref_slice %arg2[%dma_start3A_78, %dma_start3A_79] : memref<100000x128xf32, #tpu.memory_space<hbm>> -> memref<100000x128xf32, #tpu.memory_space<hbm>>
    tpu.enqueue_indirect_dma source(%dma_start3A_80 : memref<100000x128xf32, #tpu.memory_space<hbm>>) target(%arg6 : memref<128x128xf32, #tpu.memory_space<vmem>>) offsets(%dma_start3A_77 : memref<128xi32, #tpu.memory_space<vmem>>) semaphore(%arg10 : memref<!tpu.dma_semaphore, #tpu.memory_space<semaphore_mem>>)
    %dma_wait3A_81 = arith.constant 3 : i32
    %dma_wait3A_82 = arith.constant 0 : i32
    %dma_wait3A_83 = tpu.memref_slice %arg5[%dma_wait3A_81, %dma_wait3A_82] : memref<6x128xi32, #tpu.memory_space<vmem>> -> memref<1x128xi32, #tpu.memory_space<vmem>>
    %dma_wait3A_84 = tpu.memref_squeeze %dma_wait3A_83 : memref<1x128xi32, #tpu.memory_space<vmem>> -> memref<128xi32, #tpu.memory_space<vmem>>
    %dma_wait3A_85 = arith.constant 0 : i32
    %dma_wait3A_86 = arith.constant 0 : i32
    %dma_wait3A_87 = tpu.memref_slice %arg2[%dma_wait3A_85, %dma_wait3A_86] : memref<100000x128xf32, #tpu.memory_space<hbm>> -> memref<100000x128xf32, #tpu.memory_space<hbm>>
    tpu.wait_indirect_dma semaphore(%arg13 : memref<!tpu.dma_semaphore, #tpu.memory_space<semaphore_mem>>) src(%dma_wait3A_87 : memref<100000x128xf32, #tpu.memory_space<hbm>>) dst(%arg9 : memref<128x128xf32, #tpu.memory_space<vmem>>)
    %add3A_88 = arith.constant 384 : i32
    %add3A_89 = arith.addi %mul3A_2, %add3A_88 : i32
    %dma_start3A_90 = arith.constant 0 : i32
    %dma_start3A_91 = tpu.memref_slice %arg4[%add3A_89, %dma_start3A_90] : memref<24576x128xf32, #tpu.memory_space<hbm>> -> memref<128x128xf32, #tpu.memory_space<hbm>>
    %dma_start3A_92 = arith.constant 0 : i32
    %dma_start3A_93 = tpu.memref_slice %arg4[%add3A_89, %dma_start3A_92] : memref<24576x128xf32, #tpu.memory_space<hbm>> -> memref<128x128xf32, #tpu.memory_space<hbm>>
    tpu.enqueue_dma source(%arg9 : memref<128x128xf32, #tpu.memory_space<vmem>>) target(%dma_start3A_93 : memref<128x128xf32, #tpu.memory_space<hbm>>) target_semaphore(%arg17 : memref<!tpu.dma_semaphore, #tpu.memory_space<semaphore_mem>>)
    %add3A_94 = arith.constant 128 : i32
    %add3A_95 = arith.addi %mul3A_2, %add3A_94 : i32
    %dma_wait3A_96 = arith.constant 0 : i32
    %dma_wait3A_97 = tpu.memref_slice %arg4[%add3A_95, %dma_wait3A_96] : memref<24576x128xf32, #tpu.memory_space<hbm>> -> memref<128x128xf32, #tpu.memory_space<hbm>>
    %dma_wait3A_98 = arith.constant 0 : i32
    %dma_wait3A_99 = tpu.memref_slice %arg4[%add3A_95, %dma_wait3A_98] : memref<24576x128xf32, #tpu.memory_space<hbm>> -> memref<128x128xf32, #tpu.memory_space<hbm>>
    tpu.wait_dma2 semaphore(%arg15 : memref<!tpu.dma_semaphore, #tpu.memory_space<semaphore_mem>>) src(%arg7 : memref<128x128xf32, #tpu.memory_space<vmem>>) dst(%dma_wait3A_99 : memref<128x128xf32, #tpu.memory_space<hbm>>)
    %dma_start3A_100 = arith.constant 5 : i32
    %dma_start3A_101 = arith.constant 0 : i32
    %dma_start3A_102 = tpu.memref_slice %arg5[%dma_start3A_100, %dma_start3A_101] : memref<6x128xi32, #tpu.memory_space<vmem>> -> memref<1x128xi32, #tpu.memory_space<vmem>>
    %dma_start3A_103 = tpu.memref_squeeze %dma_start3A_102 : memref<1x128xi32, #tpu.memory_space<vmem>> -> memref<128xi32, #tpu.memory_space<vmem>>
    %dma_start3A_104 = arith.constant 0 : i32
    %dma_start3A_105 = arith.constant 0 : i32
    %dma_start3A_106 = tpu.memref_slice %arg2[%dma_start3A_104, %dma_start3A_105] : memref<100000x128xf32, #tpu.memory_space<hbm>> -> memref<100000x128xf32, #tpu.memory_space<hbm>>
    tpu.enqueue_indirect_dma source(%dma_start3A_106 : memref<100000x128xf32, #tpu.memory_space<hbm>>) target(%arg7 : memref<128x128xf32, #tpu.memory_space<vmem>>) offsets(%dma_start3A_103 : memref<128xi32, #tpu.memory_space<vmem>>) semaphore(%arg11 : memref<!tpu.dma_semaphore, #tpu.memory_space<semaphore_mem>>)
    %dma_wait3A_107 = arith.constant 4 : i32
    %dma_wait3A_108 = arith.constant 0 : i32
    %dma_wait3A_109 = tpu.memref_slice %arg5[%dma_wait3A_107, %dma_wait3A_108] : memref<6x128xi32, #tpu.memory_space<vmem>> -> memref<1x128xi32, #tpu.memory_space<vmem>>
    %dma_wait3A_110 = tpu.memref_squeeze %dma_wait3A_109 : memref<1x128xi32, #tpu.memory_space<vmem>> -> memref<128xi32, #tpu.memory_space<vmem>>
    %dma_wait3A_111 = arith.constant 0 : i32
    %dma_wait3A_112 = arith.constant 0 : i32
    %dma_wait3A_113 = tpu.memref_slice %arg2[%dma_wait3A_111, %dma_wait3A_112] : memref<100000x128xf32, #tpu.memory_space<hbm>> -> memref<100000x128xf32, #tpu.memory_space<hbm>>
    tpu.wait_indirect_dma semaphore(%arg10 : memref<!tpu.dma_semaphore, #tpu.memory_space<semaphore_mem>>) src(%dma_wait3A_113 : memref<100000x128xf32, #tpu.memory_space<hbm>>) dst(%arg6 : memref<128x128xf32, #tpu.memory_space<vmem>>)
    %add3A_114 = arith.constant 512 : i32
    %add3A_115 = arith.addi %mul3A_2, %add3A_114 : i32
    %dma_start3A_116 = arith.constant 0 : i32
    %dma_start3A_117 = tpu.memref_slice %arg4[%add3A_115, %dma_start3A_116] : memref<24576x128xf32, #tpu.memory_space<hbm>> -> memref<128x128xf32, #tpu.memory_space<hbm>>
    %dma_start3A_118 = arith.constant 0 : i32
    %dma_start3A_119 = tpu.memref_slice %arg4[%add3A_115, %dma_start3A_118] : memref<24576x128xf32, #tpu.memory_space<hbm>> -> memref<128x128xf32, #tpu.memory_space<hbm>>
    tpu.enqueue_dma source(%arg6 : memref<128x128xf32, #tpu.memory_space<vmem>>) target(%dma_start3A_119 : memref<128x128xf32, #tpu.memory_space<hbm>>) target_semaphore(%arg14 : memref<!tpu.dma_semaphore, #tpu.memory_space<semaphore_mem>>)
    %dma_wait3A_120 = arith.constant 5 : i32
    %dma_wait3A_121 = arith.constant 0 : i32
    %dma_wait3A_122 = tpu.memref_slice %arg5[%dma_wait3A_120, %dma_wait3A_121] : memref<6x128xi32, #tpu.memory_space<vmem>> -> memref<1x128xi32, #tpu.memory_space<vmem>>
    %dma_wait3A_123 = tpu.memref_squeeze %dma_wait3A_122 : memref<1x128xi32, #tpu.memory_space<vmem>> -> memref<128xi32, #tpu.memory_space<vmem>>
    %dma_wait3A_124 = arith.constant 0 : i32
    %dma_wait3A_125 = arith.constant 0 : i32
    %dma_wait3A_126 = tpu.memref_slice %arg2[%dma_wait3A_124, %dma_wait3A_125] : memref<100000x128xf32, #tpu.memory_space<hbm>> -> memref<100000x128xf32, #tpu.memory_space<hbm>>
    tpu.wait_indirect_dma semaphore(%arg11 : memref<!tpu.dma_semaphore, #tpu.memory_space<semaphore_mem>>) src(%dma_wait3A_126 : memref<100000x128xf32, #tpu.memory_space<hbm>>) dst(%arg7 : memref<128x128xf32, #tpu.memory_space<vmem>>)
    %add3A_127 = arith.constant 640 : i32
    %add3A_128 = arith.addi %mul3A_2, %add3A_127 : i32
    %dma_start3A_129 = arith.constant 0 : i32
    %dma_start3A_130 = tpu.memref_slice %arg4[%add3A_128, %dma_start3A_129] : memref<24576x128xf32, #tpu.memory_space<hbm>> -> memref<128x128xf32, #tpu.memory_space<hbm>>
    %dma_start3A_131 = arith.constant 0 : i32
    %dma_start3A_132 = tpu.memref_slice %arg4[%add3A_128, %dma_start3A_131] : memref<24576x128xf32, #tpu.memory_space<hbm>> -> memref<128x128xf32, #tpu.memory_space<hbm>>
    tpu.enqueue_dma source(%arg7 : memref<128x128xf32, #tpu.memory_space<vmem>>) target(%dma_start3A_132 : memref<128x128xf32, #tpu.memory_space<hbm>>) target_semaphore(%arg15 : memref<!tpu.dma_semaphore, #tpu.memory_space<semaphore_mem>>)
    %add3A_133 = arith.constant 256 : i32
    %add3A_134 = arith.addi %mul3A_2, %add3A_133 : i32
    %dma_wait3A_135 = arith.constant 0 : i32
    %dma_wait3A_136 = tpu.memref_slice %arg4[%add3A_134, %dma_wait3A_135] : memref<24576x128xf32, #tpu.memory_space<hbm>> -> memref<128x128xf32, #tpu.memory_space<hbm>>
    %dma_wait3A_137 = arith.constant 0 : i32
    %dma_wait3A_138 = tpu.memref_slice %arg4[%add3A_134, %dma_wait3A_137] : memref<24576x128xf32, #tpu.memory_space<hbm>> -> memref<128x128xf32, #tpu.memory_space<hbm>>
    tpu.wait_dma2 semaphore(%arg16 : memref<!tpu.dma_semaphore, #tpu.memory_space<semaphore_mem>>) src(%arg8 : memref<128x128xf32, #tpu.memory_space<vmem>>) dst(%dma_wait3A_138 : memref<128x128xf32, #tpu.memory_space<hbm>>)
    %add3A_139 = arith.constant 384 : i32
    %add3A_140 = arith.addi %mul3A_2, %add3A_139 : i32
    %dma_wait3A_141 = arith.constant 0 : i32
    %dma_wait3A_142 = tpu.memref_slice %arg4[%add3A_140, %dma_wait3A_141] : memref<24576x128xf32, #tpu.memory_space<hbm>> -> memref<128x128xf32, #tpu.memory_space<hbm>>
    %dma_wait3A_143 = arith.constant 0 : i32
    %dma_wait3A_144 = tpu.memref_slice %arg4[%add3A_140, %dma_wait3A_143] : memref<24576x128xf32, #tpu.memory_space<hbm>> -> memref<128x128xf32, #tpu.memory_space<hbm>>
    tpu.wait_dma2 semaphore(%arg17 : memref<!tpu.dma_semaphore, #tpu.memory_space<semaphore_mem>>) src(%arg9 : memref<128x128xf32, #tpu.memory_space<vmem>>) dst(%dma_wait3A_144 : memref<128x128xf32, #tpu.memory_space<hbm>>)
    %add3A_145 = arith.constant 512 : i32
    %add3A_146 = arith.addi %mul3A_2, %add3A_145 : i32
    %dma_wait3A_147 = arith.constant 0 : i32
    %dma_wait3A_148 = tpu.memref_slice %arg4[%add3A_146, %dma_wait3A_147] : memref<24576x128xf32, #tpu.memory_space<hbm>> -> memref<128x128xf32, #tpu.memory_space<hbm>>
    %dma_wait3A_149 = arith.constant 0 : i32
    %dma_wait3A_150 = tpu.memref_slice %arg4[%add3A_146, %dma_wait3A_149] : memref<24576x128xf32, #tpu.memory_space<hbm>> -> memref<128x128xf32, #tpu.memory_space<hbm>>
    tpu.wait_dma2 semaphore(%arg14 : memref<!tpu.dma_semaphore, #tpu.memory_space<semaphore_mem>>) src(%arg6 : memref<128x128xf32, #tpu.memory_space<vmem>>) dst(%dma_wait3A_150 : memref<128x128xf32, #tpu.memory_space<hbm>>)
    %add3A_151 = arith.constant 640 : i32
    %add3A_152 = arith.addi %mul3A_2, %add3A_151 : i32
    %dma_wait3A_153 = arith.constant 0 : i32
    %dma_wait3A_154 = tpu.memref_slice %arg4[%add3A_152, %dma_wait3A_153] : memref<24576x128xf32, #tpu.memory_space<hbm>> -> memref<128x128xf32, #tpu.memory_space<hbm>>
    %dma_wait3A_155 = arith.constant 0 : i32
    %dma_wait3A_156 = tpu.memref_slice %arg4[%add3A_152, %dma_wait3A_155] : memref<24576x128xf32, #tpu.memory_space<hbm>> -> memref<128x128xf32, #tpu.memory_space<hbm>>
    tpu.wait_dma2 semaphore(%arg15 : memref<!tpu.dma_semaphore, #tpu.memory_space<semaphore_mem>>) src(%arg7 : memref<128x128xf32, #tpu.memory_space<vmem>>) dst(%dma_wait3A_156 : memref<128x128xf32, #tpu.memory_space<hbm>>)
    return
  }
}

#map = affine_map<(d0, d1) -> (0, 0)>
#map1 = affine_map<(d0, d1) -> (0, 0, 0)>
module attributes {stable_mosaic.version = 14 : i64} {
  func.func @body(%arg0: i32, %arg1: i32, %arg2: memref<100000x128xf32, #tpu.memory_space<hbm>>, %arg3: memref<32x10x128xi32, #tpu.memory_space<hbm>>, %arg4: memref<40960x128xf32, #tpu.memory_space<hbm>>, %arg5: memref<10x128xi32, #tpu.memory_space<vmem>>, %arg6: memref<128x128xf32, #tpu.memory_space<vmem>>, %arg7: memref<128x128xf32, #tpu.memory_space<vmem>>, %arg8: memref<128x128xf32, #tpu.memory_space<vmem>>, %arg9: memref<128x128xf32, #tpu.memory_space<vmem>>, %arg10: memref<!tpu.dma_semaphore, #tpu.memory_space<semaphore_mem>>, %arg11: memref<!tpu.dma_semaphore, #tpu.memory_space<semaphore_mem>>, %arg12: memref<!tpu.dma_semaphore, #tpu.memory_space<semaphore_mem>>, %arg13: memref<!tpu.dma_semaphore, #tpu.memory_space<semaphore_mem>>, %arg14: memref<!tpu.dma_semaphore, #tpu.memory_space<semaphore_mem>>, %arg15: memref<!tpu.dma_semaphore, #tpu.memory_space<semaphore_mem>>, %arg16: memref<!tpu.dma_semaphore, #tpu.memory_space<semaphore_mem>>, %arg17: memref<!tpu.dma_semaphore, #tpu.memory_space<semaphore_mem>>) attributes {dimension_semantics = [#tpu.dimension_semantics<core_parallel>, #tpu.dimension_semantics<subcore_parallel>], iteration_bounds = array<i64: 2, 16>, scalar_prefetch = 0 : i64, scratch_operands = 13 : i64, tpu.core_type = #tpu.core_type<sc_vector_subcore>, window_params = [{transform_indices = #map}, {transform_indices = #map1}, {transform_indices = #map}]} {
    %mul3A = arith.constant 2 : i32
    %mul3A_0 = arith.muli %arg1, %mul3A : i32
    %add3A = arith.addi %mul3A_0, %arg0 : i32
    %mul3A_1 = arith.constant 1280 : i32
    %mul3A_2 = arith.muli %add3A, %mul3A_1 : i32
    "tpu.region"() ({
      %run_scoped3A = tpu.sem_alloc : memref<!tpu.dma_semaphore, #tpu.memory_space<semaphore_mem>>
      %dma_start3A_261 = arith.constant 0 : i32
      %dma_start3A_262 = arith.constant 0 : i32
      %dma_start3A_263 = tpu.memref_slice %arg3[%add3A, %dma_start3A_261, %dma_start3A_262] : memref<32x10x128xi32, #tpu.memory_space<hbm>> -> memref<1x10x128xi32, #tpu.memory_space<hbm>>
      %dma_start3A_264 = tpu.memref_squeeze %dma_start3A_263 : memref<1x10x128xi32, #tpu.memory_space<hbm>> -> memref<10x128xi32, #tpu.memory_space<hbm>>
      %dma_start3A_265 = arith.constant 0 : i32
      %dma_start3A_266 = arith.constant 0 : i32
      %dma_start3A_267 = tpu.memref_slice %arg3[%add3A, %dma_start3A_265, %dma_start3A_266] : memref<32x10x128xi32, #tpu.memory_space<hbm>> -> memref<1x10x128xi32, #tpu.memory_space<hbm>>
      %dma_start3A_268 = tpu.memref_squeeze %dma_start3A_267 : memref<1x10x128xi32, #tpu.memory_space<hbm>> -> memref<10x128xi32, #tpu.memory_space<hbm>>
      tpu.enqueue_dma source(%dma_start3A_268 : memref<10x128xi32, #tpu.memory_space<hbm>>) target(%arg5 : memref<10x128xi32, #tpu.memory_space<vmem>>) target_semaphore(%run_scoped3A : memref<!tpu.dma_semaphore, #tpu.memory_space<semaphore_mem>>)
      %dma_wait3A_269 = arith.constant 0 : i32
      %dma_wait3A_270 = arith.constant 0 : i32
      %dma_wait3A_271 = tpu.memref_slice %arg3[%add3A, %dma_wait3A_269, %dma_wait3A_270] : memref<32x10x128xi32, #tpu.memory_space<hbm>> -> memref<1x10x128xi32, #tpu.memory_space<hbm>>
      %dma_wait3A_272 = tpu.memref_squeeze %dma_wait3A_271 : memref<1x10x128xi32, #tpu.memory_space<hbm>> -> memref<10x128xi32, #tpu.memory_space<hbm>>
      %dma_wait3A_273 = arith.constant 0 : i32
      %dma_wait3A_274 = arith.constant 0 : i32
      %dma_wait3A_275 = tpu.memref_slice %arg3[%add3A, %dma_wait3A_273, %dma_wait3A_274] : memref<32x10x128xi32, #tpu.memory_space<hbm>> -> memref<1x10x128xi32, #tpu.memory_space<hbm>>
      %dma_wait3A_276 = tpu.memref_squeeze %dma_wait3A_275 : memref<1x10x128xi32, #tpu.memory_space<hbm>> -> memref<10x128xi32, #tpu.memory_space<hbm>>
      tpu.wait_dma2 semaphore(%run_scoped3A : memref<!tpu.dma_semaphore, #tpu.memory_space<semaphore_mem>>) src(%dma_wait3A_276 : memref<10x128xi32, #tpu.memory_space<hbm>>) dst(%arg5 : memref<10x128xi32, #tpu.memory_space<vmem>>)
      tpu.yield
    }) : () -> ()
    %dma_start3A = arith.constant 0 : i32
    %dma_start3A_3 = arith.constant 0 : i32
    %dma_start3A_4 = tpu.memref_slice %arg5[%dma_start3A, %dma_start3A_3] : memref<10x128xi32, #tpu.memory_space<vmem>> -> memref<1x128xi32, #tpu.memory_space<vmem>>
    %dma_start3A_5 = tpu.memref_squeeze %dma_start3A_4 : memref<1x128xi32, #tpu.memory_space<vmem>> -> memref<128xi32, #tpu.memory_space<vmem>>
    %dma_start3A_6 = arith.constant 0 : i32
    %dma_start3A_7 = arith.constant 0 : i32
    %dma_start3A_8 = tpu.memref_slice %arg2[%dma_start3A_6, %dma_start3A_7] : memref<100000x128xf32, #tpu.memory_space<hbm>> -> memref<100000x128xf32, #tpu.memory_space<hbm>>
    tpu.enqueue_indirect_dma source(%dma_start3A_8 : memref<100000x128xf32, #tpu.memory_space<hbm>>) target(%arg6 : memref<128x128xf32, #tpu.memory_space<vmem>>) offsets(%dma_start3A_5 : memref<128xi32, #tpu.memory_space<vmem>>) semaphore(%arg10 : memref<!tpu.dma_semaphore, #tpu.memory_space<semaphore_mem>>)
    %dma_start3A_9 = arith.constant 1 : i32
    %dma_start3A_10 = arith.constant 0 : i32
    %dma_start3A_11 = tpu.memref_slice %arg5[%dma_start3A_9, %dma_start3A_10] : memref<10x128xi32, #tpu.memory_space<vmem>> -> memref<1x128xi32, #tpu.memory_space<vmem>>
    %dma_start3A_12 = tpu.memref_squeeze %dma_start3A_11 : memref<1x128xi32, #tpu.memory_space<vmem>> -> memref<128xi32, #tpu.memory_space<vmem>>
    %dma_start3A_13 = arith.constant 0 : i32
    %dma_start3A_14 = arith.constant 0 : i32
    %dma_start3A_15 = tpu.memref_slice %arg2[%dma_start3A_13, %dma_start3A_14] : memref<100000x128xf32, #tpu.memory_space<hbm>> -> memref<100000x128xf32, #tpu.memory_space<hbm>>
    tpu.enqueue_indirect_dma source(%dma_start3A_15 : memref<100000x128xf32, #tpu.memory_space<hbm>>) target(%arg7 : memref<128x128xf32, #tpu.memory_space<vmem>>) offsets(%dma_start3A_12 : memref<128xi32, #tpu.memory_space<vmem>>) semaphore(%arg11 : memref<!tpu.dma_semaphore, #tpu.memory_space<semaphore_mem>>)
    %dma_wait3A = arith.constant 0 : i32
    %dma_wait3A_16 = arith.constant 0 : i32
    %dma_wait3A_17 = tpu.memref_slice %arg5[%dma_wait3A, %dma_wait3A_16] : memref<10x128xi32, #tpu.memory_space<vmem>> -> memref<1x128xi32, #tpu.memory_space<vmem>>
    %dma_wait3A_18 = tpu.memref_squeeze %dma_wait3A_17 : memref<1x128xi32, #tpu.memory_space<vmem>> -> memref<128xi32, #tpu.memory_space<vmem>>
    %dma_wait3A_19 = arith.constant 0 : i32
    %dma_wait3A_20 = arith.constant 0 : i32
    %dma_wait3A_21 = tpu.memref_slice %arg2[%dma_wait3A_19, %dma_wait3A_20] : memref<100000x128xf32, #tpu.memory_space<hbm>> -> memref<100000x128xf32, #tpu.memory_space<hbm>>
    tpu.wait_indirect_dma semaphore(%arg10 : memref<!tpu.dma_semaphore, #tpu.memory_space<semaphore_mem>>) src(%dma_wait3A_21 : memref<100000x128xf32, #tpu.memory_space<hbm>>) dst(%arg6 : memref<128x128xf32, #tpu.memory_space<vmem>>)
    %add3A_22 = arith.constant 0 : i32
    %add3A_23 = arith.addi %mul3A_2, %add3A_22 : i32
    %dma_start3A_24 = arith.constant 0 : i32
    %dma_start3A_25 = tpu.memref_slice %arg4[%add3A_23, %dma_start3A_24] : memref<40960x128xf32, #tpu.memory_space<hbm>> -> memref<128x128xf32, #tpu.memory_space<hbm>>
    %dma_start3A_26 = arith.constant 0 : i32
    %dma_start3A_27 = tpu.memref_slice %arg4[%add3A_23, %dma_start3A_26] : memref<40960x128xf32, #tpu.memory_space<hbm>> -> memref<128x128xf32, #tpu.memory_space<hbm>>
    tpu.enqueue_dma source(%arg6 : memref<128x128xf32, #tpu.memory_space<vmem>>) target(%dma_start3A_27 : memref<128x128xf32, #tpu.memory_space<hbm>>) target_semaphore(%arg14 : memref<!tpu.dma_semaphore, #tpu.memory_space<semaphore_mem>>)
    %dma_start3A_28 = arith.constant 2 : i32
    %dma_start3A_29 = arith.constant 0 : i32
    %dma_start3A_30 = tpu.memref_slice %arg5[%dma_start3A_28, %dma_start3A_29] : memref<10x128xi32, #tpu.memory_space<vmem>> -> memref<1x128xi32, #tpu.memory_space<vmem>>
    %dma_start3A_31 = tpu.memref_squeeze %dma_start3A_30 : memref<1x128xi32, #tpu.memory_space<vmem>> -> memref<128xi32, #tpu.memory_space<vmem>>
    %dma_start3A_32 = arith.constant 0 : i32
    %dma_start3A_33 = arith.constant 0 : i32
    %dma_start3A_34 = tpu.memref_slice %arg2[%dma_start3A_32, %dma_start3A_33] : memref<100000x128xf32, #tpu.memory_space<hbm>> -> memref<100000x128xf32, #tpu.memory_space<hbm>>
    tpu.enqueue_indirect_dma source(%dma_start3A_34 : memref<100000x128xf32, #tpu.memory_space<hbm>>) target(%arg8 : memref<128x128xf32, #tpu.memory_space<vmem>>) offsets(%dma_start3A_31 : memref<128xi32, #tpu.memory_space<vmem>>) semaphore(%arg12 : memref<!tpu.dma_semaphore, #tpu.memory_space<semaphore_mem>>)
    %dma_wait3A_35 = arith.constant 1 : i32
    %dma_wait3A_36 = arith.constant 0 : i32
    %dma_wait3A_37 = tpu.memref_slice %arg5[%dma_wait3A_35, %dma_wait3A_36] : memref<10x128xi32, #tpu.memory_space<vmem>> -> memref<1x128xi32, #tpu.memory_space<vmem>>
    %dma_wait3A_38 = tpu.memref_squeeze %dma_wait3A_37 : memref<1x128xi32, #tpu.memory_space<vmem>> -> memref<128xi32, #tpu.memory_space<vmem>>
    %dma_wait3A_39 = arith.constant 0 : i32
    %dma_wait3A_40 = arith.constant 0 : i32
    %dma_wait3A_41 = tpu.memref_slice %arg2[%dma_wait3A_39, %dma_wait3A_40] : memref<100000x128xf32, #tpu.memory_space<hbm>> -> memref<100000x128xf32, #tpu.memory_space<hbm>>
    tpu.wait_indirect_dma semaphore(%arg11 : memref<!tpu.dma_semaphore, #tpu.memory_space<semaphore_mem>>) src(%dma_wait3A_41 : memref<100000x128xf32, #tpu.memory_space<hbm>>) dst(%arg7 : memref<128x128xf32, #tpu.memory_space<vmem>>)
    %add3A_42 = arith.constant 128 : i32
    %add3A_43 = arith.addi %mul3A_2, %add3A_42 : i32
    %dma_start3A_44 = arith.constant 0 : i32
    %dma_start3A_45 = tpu.memref_slice %arg4[%add3A_43, %dma_start3A_44] : memref<40960x128xf32, #tpu.memory_space<hbm>> -> memref<128x128xf32, #tpu.memory_space<hbm>>
    %dma_start3A_46 = arith.constant 0 : i32
    %dma_start3A_47 = tpu.memref_slice %arg4[%add3A_43, %dma_start3A_46] : memref<40960x128xf32, #tpu.memory_space<hbm>> -> memref<128x128xf32, #tpu.memory_space<hbm>>
    tpu.enqueue_dma source(%arg7 : memref<128x128xf32, #tpu.memory_space<vmem>>) target(%dma_start3A_47 : memref<128x128xf32, #tpu.memory_space<hbm>>) target_semaphore(%arg15 : memref<!tpu.dma_semaphore, #tpu.memory_space<semaphore_mem>>)
    %dma_start3A_48 = arith.constant 3 : i32
    %dma_start3A_49 = arith.constant 0 : i32
    %dma_start3A_50 = tpu.memref_slice %arg5[%dma_start3A_48, %dma_start3A_49] : memref<10x128xi32, #tpu.memory_space<vmem>> -> memref<1x128xi32, #tpu.memory_space<vmem>>
    %dma_start3A_51 = tpu.memref_squeeze %dma_start3A_50 : memref<1x128xi32, #tpu.memory_space<vmem>> -> memref<128xi32, #tpu.memory_space<vmem>>
    %dma_start3A_52 = arith.constant 0 : i32
    %dma_start3A_53 = arith.constant 0 : i32
    %dma_start3A_54 = tpu.memref_slice %arg2[%dma_start3A_52, %dma_start3A_53] : memref<100000x128xf32, #tpu.memory_space<hbm>> -> memref<100000x128xf32, #tpu.memory_space<hbm>>
    tpu.enqueue_indirect_dma source(%dma_start3A_54 : memref<100000x128xf32, #tpu.memory_space<hbm>>) target(%arg9 : memref<128x128xf32, #tpu.memory_space<vmem>>) offsets(%dma_start3A_51 : memref<128xi32, #tpu.memory_space<vmem>>) semaphore(%arg13 : memref<!tpu.dma_semaphore, #tpu.memory_space<semaphore_mem>>)
    %dma_wait3A_55 = arith.constant 2 : i32
    %dma_wait3A_56 = arith.constant 0 : i32
    %dma_wait3A_57 = tpu.memref_slice %arg5[%dma_wait3A_55, %dma_wait3A_56] : memref<10x128xi32, #tpu.memory_space<vmem>> -> memref<1x128xi32, #tpu.memory_space<vmem>>
    %dma_wait3A_58 = tpu.memref_squeeze %dma_wait3A_57 : memref<1x128xi32, #tpu.memory_space<vmem>> -> memref<128xi32, #tpu.memory_space<vmem>>
    %dma_wait3A_59 = arith.constant 0 : i32
    %dma_wait3A_60 = arith.constant 0 : i32
    %dma_wait3A_61 = tpu.memref_slice %arg2[%dma_wait3A_59, %dma_wait3A_60] : memref<100000x128xf32, #tpu.memory_space<hbm>> -> memref<100000x128xf32, #tpu.memory_space<hbm>>
    tpu.wait_indirect_dma semaphore(%arg12 : memref<!tpu.dma_semaphore, #tpu.memory_space<semaphore_mem>>) src(%dma_wait3A_61 : memref<100000x128xf32, #tpu.memory_space<hbm>>) dst(%arg8 : memref<128x128xf32, #tpu.memory_space<vmem>>)
    %add3A_62 = arith.constant 256 : i32
    %add3A_63 = arith.addi %mul3A_2, %add3A_62 : i32
    %dma_start3A_64 = arith.constant 0 : i32
    %dma_start3A_65 = tpu.memref_slice %arg4[%add3A_63, %dma_start3A_64] : memref<40960x128xf32, #tpu.memory_space<hbm>> -> memref<128x128xf32, #tpu.memory_space<hbm>>
    %dma_start3A_66 = arith.constant 0 : i32
    %dma_start3A_67 = tpu.memref_slice %arg4[%add3A_63, %dma_start3A_66] : memref<40960x128xf32, #tpu.memory_space<hbm>> -> memref<128x128xf32, #tpu.memory_space<hbm>>
    tpu.enqueue_dma source(%arg8 : memref<128x128xf32, #tpu.memory_space<vmem>>) target(%dma_start3A_67 : memref<128x128xf32, #tpu.memory_space<hbm>>) target_semaphore(%arg16 : memref<!tpu.dma_semaphore, #tpu.memory_space<semaphore_mem>>)
    %add3A_68 = arith.constant 0 : i32
    %add3A_69 = arith.addi %mul3A_2, %add3A_68 : i32
    %dma_wait3A_70 = arith.constant 0 : i32
    %dma_wait3A_71 = tpu.memref_slice %arg4[%add3A_69, %dma_wait3A_70] : memref<40960x128xf32, #tpu.memory_space<hbm>> -> memref<128x128xf32, #tpu.memory_space<hbm>>
    %dma_wait3A_72 = arith.constant 0 : i32
    %dma_wait3A_73 = tpu.memref_slice %arg4[%add3A_69, %dma_wait3A_72] : memref<40960x128xf32, #tpu.memory_space<hbm>> -> memref<128x128xf32, #tpu.memory_space<hbm>>
    tpu.wait_dma2 semaphore(%arg14 : memref<!tpu.dma_semaphore, #tpu.memory_space<semaphore_mem>>) src(%arg6 : memref<128x128xf32, #tpu.memory_space<vmem>>) dst(%dma_wait3A_73 : memref<128x128xf32, #tpu.memory_space<hbm>>)
    %dma_start3A_74 = arith.constant 4 : i32
    %dma_start3A_75 = arith.constant 0 : i32
    %dma_start3A_76 = tpu.memref_slice %arg5[%dma_start3A_74, %dma_start3A_75] : memref<10x128xi32, #tpu.memory_space<vmem>> -> memref<1x128xi32, #tpu.memory_space<vmem>>
    %dma_start3A_77 = tpu.memref_squeeze %dma_start3A_76 : memref<1x128xi32, #tpu.memory_space<vmem>> -> memref<128xi32, #tpu.memory_space<vmem>>
    %dma_start3A_78 = arith.constant 0 : i32
    %dma_start3A_79 = arith.constant 0 : i32
    %dma_start3A_80 = tpu.memref_slice %arg2[%dma_start3A_78, %dma_start3A_79] : memref<100000x128xf32, #tpu.memory_space<hbm>> -> memref<100000x128xf32, #tpu.memory_space<hbm>>
    tpu.enqueue_indirect_dma source(%dma_start3A_80 : memref<100000x128xf32, #tpu.memory_space<hbm>>) target(%arg6 : memref<128x128xf32, #tpu.memory_space<vmem>>) offsets(%dma_start3A_77 : memref<128xi32, #tpu.memory_space<vmem>>) semaphore(%arg10 : memref<!tpu.dma_semaphore, #tpu.memory_space<semaphore_mem>>)
    %dma_wait3A_81 = arith.constant 3 : i32
    %dma_wait3A_82 = arith.constant 0 : i32
    %dma_wait3A_83 = tpu.memref_slice %arg5[%dma_wait3A_81, %dma_wait3A_82] : memref<10x128xi32, #tpu.memory_space<vmem>> -> memref<1x128xi32, #tpu.memory_space<vmem>>
    %dma_wait3A_84 = tpu.memref_squeeze %dma_wait3A_83 : memref<1x128xi32, #tpu.memory_space<vmem>> -> memref<128xi32, #tpu.memory_space<vmem>>
    %dma_wait3A_85 = arith.constant 0 : i32
    %dma_wait3A_86 = arith.constant 0 : i32
    %dma_wait3A_87 = tpu.memref_slice %arg2[%dma_wait3A_85, %dma_wait3A_86] : memref<100000x128xf32, #tpu.memory_space<hbm>> -> memref<100000x128xf32, #tpu.memory_space<hbm>>
    tpu.wait_indirect_dma semaphore(%arg13 : memref<!tpu.dma_semaphore, #tpu.memory_space<semaphore_mem>>) src(%dma_wait3A_87 : memref<100000x128xf32, #tpu.memory_space<hbm>>) dst(%arg9 : memref<128x128xf32, #tpu.memory_space<vmem>>)
    %add3A_88 = arith.constant 384 : i32
    %add3A_89 = arith.addi %mul3A_2, %add3A_88 : i32
    %dma_start3A_90 = arith.constant 0 : i32
    %dma_start3A_91 = tpu.memref_slice %arg4[%add3A_89, %dma_start3A_90] : memref<40960x128xf32, #tpu.memory_space<hbm>> -> memref<128x128xf32, #tpu.memory_space<hbm>>
    %dma_start3A_92 = arith.constant 0 : i32
    %dma_start3A_93 = tpu.memref_slice %arg4[%add3A_89, %dma_start3A_92] : memref<40960x128xf32, #tpu.memory_space<hbm>> -> memref<128x128xf32, #tpu.memory_space<hbm>>
    tpu.enqueue_dma source(%arg9 : memref<128x128xf32, #tpu.memory_space<vmem>>) target(%dma_start3A_93 : memref<128x128xf32, #tpu.memory_space<hbm>>) target_semaphore(%arg17 : memref<!tpu.dma_semaphore, #tpu.memory_space<semaphore_mem>>)
    %add3A_94 = arith.constant 128 : i32
    %add3A_95 = arith.addi %mul3A_2, %add3A_94 : i32
    %dma_wait3A_96 = arith.constant 0 : i32
    %dma_wait3A_97 = tpu.memref_slice %arg4[%add3A_95, %dma_wait3A_96] : memref<40960x128xf32, #tpu.memory_space<hbm>> -> memref<128x128xf32, #tpu.memory_space<hbm>>
    %dma_wait3A_98 = arith.constant 0 : i32
    %dma_wait3A_99 = tpu.memref_slice %arg4[%add3A_95, %dma_wait3A_98] : memref<40960x128xf32, #tpu.memory_space<hbm>> -> memref<128x128xf32, #tpu.memory_space<hbm>>
    tpu.wait_dma2 semaphore(%arg15 : memref<!tpu.dma_semaphore, #tpu.memory_space<semaphore_mem>>) src(%arg7 : memref<128x128xf32, #tpu.memory_space<vmem>>) dst(%dma_wait3A_99 : memref<128x128xf32, #tpu.memory_space<hbm>>)
    %dma_start3A_100 = arith.constant 5 : i32
    %dma_start3A_101 = arith.constant 0 : i32
    %dma_start3A_102 = tpu.memref_slice %arg5[%dma_start3A_100, %dma_start3A_101] : memref<10x128xi32, #tpu.memory_space<vmem>> -> memref<1x128xi32, #tpu.memory_space<vmem>>
    %dma_start3A_103 = tpu.memref_squeeze %dma_start3A_102 : memref<1x128xi32, #tpu.memory_space<vmem>> -> memref<128xi32, #tpu.memory_space<vmem>>
    %dma_start3A_104 = arith.constant 0 : i32
    %dma_start3A_105 = arith.constant 0 : i32
    %dma_start3A_106 = tpu.memref_slice %arg2[%dma_start3A_104, %dma_start3A_105] : memref<100000x128xf32, #tpu.memory_space<hbm>> -> memref<100000x128xf32, #tpu.memory_space<hbm>>
    tpu.enqueue_indirect_dma source(%dma_start3A_106 : memref<100000x128xf32, #tpu.memory_space<hbm>>) target(%arg7 : memref<128x128xf32, #tpu.memory_space<vmem>>) offsets(%dma_start3A_103 : memref<128xi32, #tpu.memory_space<vmem>>) semaphore(%arg11 : memref<!tpu.dma_semaphore, #tpu.memory_space<semaphore_mem>>)
    %dma_wait3A_107 = arith.constant 4 : i32
    %dma_wait3A_108 = arith.constant 0 : i32
    %dma_wait3A_109 = tpu.memref_slice %arg5[%dma_wait3A_107, %dma_wait3A_108] : memref<10x128xi32, #tpu.memory_space<vmem>> -> memref<1x128xi32, #tpu.memory_space<vmem>>
    %dma_wait3A_110 = tpu.memref_squeeze %dma_wait3A_109 : memref<1x128xi32, #tpu.memory_space<vmem>> -> memref<128xi32, #tpu.memory_space<vmem>>
    %dma_wait3A_111 = arith.constant 0 : i32
    %dma_wait3A_112 = arith.constant 0 : i32
    %dma_wait3A_113 = tpu.memref_slice %arg2[%dma_wait3A_111, %dma_wait3A_112] : memref<100000x128xf32, #tpu.memory_space<hbm>> -> memref<100000x128xf32, #tpu.memory_space<hbm>>
    tpu.wait_indirect_dma semaphore(%arg10 : memref<!tpu.dma_semaphore, #tpu.memory_space<semaphore_mem>>) src(%dma_wait3A_113 : memref<100000x128xf32, #tpu.memory_space<hbm>>) dst(%arg6 : memref<128x128xf32, #tpu.memory_space<vmem>>)
    %add3A_114 = arith.constant 512 : i32
    %add3A_115 = arith.addi %mul3A_2, %add3A_114 : i32
    %dma_start3A_116 = arith.constant 0 : i32
    %dma_start3A_117 = tpu.memref_slice %arg4[%add3A_115, %dma_start3A_116] : memref<40960x128xf32, #tpu.memory_space<hbm>> -> memref<128x128xf32, #tpu.memory_space<hbm>>
    %dma_start3A_118 = arith.constant 0 : i32
    %dma_start3A_119 = tpu.memref_slice %arg4[%add3A_115, %dma_start3A_118] : memref<40960x128xf32, #tpu.memory_space<hbm>> -> memref<128x128xf32, #tpu.memory_space<hbm>>
    tpu.enqueue_dma source(%arg6 : memref<128x128xf32, #tpu.memory_space<vmem>>) target(%dma_start3A_119 : memref<128x128xf32, #tpu.memory_space<hbm>>) target_semaphore(%arg14 : memref<!tpu.dma_semaphore, #tpu.memory_space<semaphore_mem>>)
    %add3A_120 = arith.constant 256 : i32
    %add3A_121 = arith.addi %mul3A_2, %add3A_120 : i32
    %dma_wait3A_122 = arith.constant 0 : i32
    %dma_wait3A_123 = tpu.memref_slice %arg4[%add3A_121, %dma_wait3A_122] : memref<40960x128xf32, #tpu.memory_space<hbm>> -> memref<128x128xf32, #tpu.memory_space<hbm>>
    %dma_wait3A_124 = arith.constant 0 : i32
    %dma_wait3A_125 = tpu.memref_slice %arg4[%add3A_121, %dma_wait3A_124] : memref<40960x128xf32, #tpu.memory_space<hbm>> -> memref<128x128xf32, #tpu.memory_space<hbm>>
    tpu.wait_dma2 semaphore(%arg16 : memref<!tpu.dma_semaphore, #tpu.memory_space<semaphore_mem>>) src(%arg8 : memref<128x128xf32, #tpu.memory_space<vmem>>) dst(%dma_wait3A_125 : memref<128x128xf32, #tpu.memory_space<hbm>>)
    %dma_start3A_126 = arith.constant 6 : i32
    %dma_start3A_127 = arith.constant 0 : i32
    %dma_start3A_128 = tpu.memref_slice %arg5[%dma_start3A_126, %dma_start3A_127] : memref<10x128xi32, #tpu.memory_space<vmem>> -> memref<1x128xi32, #tpu.memory_space<vmem>>
    %dma_start3A_129 = tpu.memref_squeeze %dma_start3A_128 : memref<1x128xi32, #tpu.memory_space<vmem>> -> memref<128xi32, #tpu.memory_space<vmem>>
    %dma_start3A_130 = arith.constant 0 : i32
    %dma_start3A_131 = arith.constant 0 : i32
    %dma_start3A_132 = tpu.memref_slice %arg2[%dma_start3A_130, %dma_start3A_131] : memref<100000x128xf32, #tpu.memory_space<hbm>> -> memref<100000x128xf32, #tpu.memory_space<hbm>>
    tpu.enqueue_indirect_dma source(%dma_start3A_132 : memref<100000x128xf32, #tpu.memory_space<hbm>>) target(%arg8 : memref<128x128xf32, #tpu.memory_space<vmem>>) offsets(%dma_start3A_129 : memref<128xi32, #tpu.memory_space<vmem>>) semaphore(%arg12 : memref<!tpu.dma_semaphore, #tpu.memory_space<semaphore_mem>>)
    %dma_wait3A_133 = arith.constant 5 : i32
    %dma_wait3A_134 = arith.constant 0 : i32
    %dma_wait3A_135 = tpu.memref_slice %arg5[%dma_wait3A_133, %dma_wait3A_134] : memref<10x128xi32, #tpu.memory_space<vmem>> -> memref<1x128xi32, #tpu.memory_space<vmem>>
    %dma_wait3A_136 = tpu.memref_squeeze %dma_wait3A_135 : memref<1x128xi32, #tpu.memory_space<vmem>> -> memref<128xi32, #tpu.memory_space<vmem>>
    %dma_wait3A_137 = arith.constant 0 : i32
    %dma_wait3A_138 = arith.constant 0 : i32
    %dma_wait3A_139 = tpu.memref_slice %arg2[%dma_wait3A_137, %dma_wait3A_138] : memref<100000x128xf32, #tpu.memory_space<hbm>> -> memref<100000x128xf32, #tpu.memory_space<hbm>>
    tpu.wait_indirect_dma semaphore(%arg11 : memref<!tpu.dma_semaphore, #tpu.memory_space<semaphore_mem>>) src(%dma_wait3A_139 : memref<100000x128xf32, #tpu.memory_space<hbm>>) dst(%arg7 : memref<128x128xf32, #tpu.memory_space<vmem>>)
    %add3A_140 = arith.constant 640 : i32
    %add3A_141 = arith.addi %mul3A_2, %add3A_140 : i32
    %dma_start3A_142 = arith.constant 0 : i32
    %dma_start3A_143 = tpu.memref_slice %arg4[%add3A_141, %dma_start3A_142] : memref<40960x128xf32, #tpu.memory_space<hbm>> -> memref<128x128xf32, #tpu.memory_space<hbm>>
    %dma_start3A_144 = arith.constant 0 : i32
    %dma_start3A_145 = tpu.memref_slice %arg4[%add3A_141, %dma_start3A_144] : memref<40960x128xf32, #tpu.memory_space<hbm>> -> memref<128x128xf32, #tpu.memory_space<hbm>>
    tpu.enqueue_dma source(%arg7 : memref<128x128xf32, #tpu.memory_space<vmem>>) target(%dma_start3A_145 : memref<128x128xf32, #tpu.memory_space<hbm>>) target_semaphore(%arg15 : memref<!tpu.dma_semaphore, #tpu.memory_space<semaphore_mem>>)
    %add3A_146 = arith.constant 384 : i32
    %add3A_147 = arith.addi %mul3A_2, %add3A_146 : i32
    %dma_wait3A_148 = arith.constant 0 : i32
    %dma_wait3A_149 = tpu.memref_slice %arg4[%add3A_147, %dma_wait3A_148] : memref<40960x128xf32, #tpu.memory_space<hbm>> -> memref<128x128xf32, #tpu.memory_space<hbm>>
    %dma_wait3A_150 = arith.constant 0 : i32
    %dma_wait3A_151 = tpu.memref_slice %arg4[%add3A_147, %dma_wait3A_150] : memref<40960x128xf32, #tpu.memory_space<hbm>> -> memref<128x128xf32, #tpu.memory_space<hbm>>
    tpu.wait_dma2 semaphore(%arg17 : memref<!tpu.dma_semaphore, #tpu.memory_space<semaphore_mem>>) src(%arg9 : memref<128x128xf32, #tpu.memory_space<vmem>>) dst(%dma_wait3A_151 : memref<128x128xf32, #tpu.memory_space<hbm>>)
    %dma_start3A_152 = arith.constant 7 : i32
    %dma_start3A_153 = arith.constant 0 : i32
    %dma_start3A_154 = tpu.memref_slice %arg5[%dma_start3A_152, %dma_start3A_153] : memref<10x128xi32, #tpu.memory_space<vmem>> -> memref<1x128xi32, #tpu.memory_space<vmem>>
    %dma_start3A_155 = tpu.memref_squeeze %dma_start3A_154 : memref<1x128xi32, #tpu.memory_space<vmem>> -> memref<128xi32, #tpu.memory_space<vmem>>
    %dma_start3A_156 = arith.constant 0 : i32
    %dma_start3A_157 = arith.constant 0 : i32
    %dma_start3A_158 = tpu.memref_slice %arg2[%dma_start3A_156, %dma_start3A_157] : memref<100000x128xf32, #tpu.memory_space<hbm>> -> memref<100000x128xf32, #tpu.memory_space<hbm>>
    tpu.enqueue_indirect_dma source(%dma_start3A_158 : memref<100000x128xf32, #tpu.memory_space<hbm>>) target(%arg9 : memref<128x128xf32, #tpu.memory_space<vmem>>) offsets(%dma_start3A_155 : memref<128xi32, #tpu.memory_space<vmem>>) semaphore(%arg13 : memref<!tpu.dma_semaphore, #tpu.memory_space<semaphore_mem>>)
    %dma_wait3A_159 = arith.constant 6 : i32
    %dma_wait3A_160 = arith.constant 0 : i32
    %dma_wait3A_161 = tpu.memref_slice %arg5[%dma_wait3A_159, %dma_wait3A_160] : memref<10x128xi32, #tpu.memory_space<vmem>> -> memref<1x128xi32, #tpu.memory_space<vmem>>
    %dma_wait3A_162 = tpu.memref_squeeze %dma_wait3A_161 : memref<1x128xi32, #tpu.memory_space<vmem>> -> memref<128xi32, #tpu.memory_space<vmem>>
    %dma_wait3A_163 = arith.constant 0 : i32
    %dma_wait3A_164 = arith.constant 0 : i32
    %dma_wait3A_165 = tpu.memref_slice %arg2[%dma_wait3A_163, %dma_wait3A_164] : memref<100000x128xf32, #tpu.memory_space<hbm>> -> memref<100000x128xf32, #tpu.memory_space<hbm>>
    tpu.wait_indirect_dma semaphore(%arg12 : memref<!tpu.dma_semaphore, #tpu.memory_space<semaphore_mem>>) src(%dma_wait3A_165 : memref<100000x128xf32, #tpu.memory_space<hbm>>) dst(%arg8 : memref<128x128xf32, #tpu.memory_space<vmem>>)
    %add3A_166 = arith.constant 768 : i32
    %add3A_167 = arith.addi %mul3A_2, %add3A_166 : i32
    %dma_start3A_168 = arith.constant 0 : i32
    %dma_start3A_169 = tpu.memref_slice %arg4[%add3A_167, %dma_start3A_168] : memref<40960x128xf32, #tpu.memory_space<hbm>> -> memref<128x128xf32, #tpu.memory_space<hbm>>
    %dma_start3A_170 = arith.constant 0 : i32
    %dma_start3A_171 = tpu.memref_slice %arg4[%add3A_167, %dma_start3A_170] : memref<40960x128xf32, #tpu.memory_space<hbm>> -> memref<128x128xf32, #tpu.memory_space<hbm>>
    tpu.enqueue_dma source(%arg8 : memref<128x128xf32, #tpu.memory_space<vmem>>) target(%dma_start3A_171 : memref<128x128xf32, #tpu.memory_space<hbm>>) target_semaphore(%arg16 : memref<!tpu.dma_semaphore, #tpu.memory_space<semaphore_mem>>)
    %add3A_172 = arith.constant 512 : i32
    %add3A_173 = arith.addi %mul3A_2, %add3A_172 : i32
    %dma_wait3A_174 = arith.constant 0 : i32
    %dma_wait3A_175 = tpu.memref_slice %arg4[%add3A_173, %dma_wait3A_174] : memref<40960x128xf32, #tpu.memory_space<hbm>> -> memref<128x128xf32, #tpu.memory_space<hbm>>
    %dma_wait3A_176 = arith.constant 0 : i32
    %dma_wait3A_177 = tpu.memref_slice %arg4[%add3A_173, %dma_wait3A_176] : memref<40960x128xf32, #tpu.memory_space<hbm>> -> memref<128x128xf32, #tpu.memory_space<hbm>>
    tpu.wait_dma2 semaphore(%arg14 : memref<!tpu.dma_semaphore, #tpu.memory_space<semaphore_mem>>) src(%arg6 : memref<128x128xf32, #tpu.memory_space<vmem>>) dst(%dma_wait3A_177 : memref<128x128xf32, #tpu.memory_space<hbm>>)
    %dma_start3A_178 = arith.constant 8 : i32
    %dma_start3A_179 = arith.constant 0 : i32
    %dma_start3A_180 = tpu.memref_slice %arg5[%dma_start3A_178, %dma_start3A_179] : memref<10x128xi32, #tpu.memory_space<vmem>> -> memref<1x128xi32, #tpu.memory_space<vmem>>
    %dma_start3A_181 = tpu.memref_squeeze %dma_start3A_180 : memref<1x128xi32, #tpu.memory_space<vmem>> -> memref<128xi32, #tpu.memory_space<vmem>>
    %dma_start3A_182 = arith.constant 0 : i32
    %dma_start3A_183 = arith.constant 0 : i32
    %dma_start3A_184 = tpu.memref_slice %arg2[%dma_start3A_182, %dma_start3A_183] : memref<100000x128xf32, #tpu.memory_space<hbm>> -> memref<100000x128xf32, #tpu.memory_space<hbm>>
    tpu.enqueue_indirect_dma source(%dma_start3A_184 : memref<100000x128xf32, #tpu.memory_space<hbm>>) target(%arg6 : memref<128x128xf32, #tpu.memory_space<vmem>>) offsets(%dma_start3A_181 : memref<128xi32, #tpu.memory_space<vmem>>) semaphore(%arg10 : memref<!tpu.dma_semaphore, #tpu.memory_space<semaphore_mem>>)
    %dma_wait3A_185 = arith.constant 7 : i32
    %dma_wait3A_186 = arith.constant 0 : i32
    %dma_wait3A_187 = tpu.memref_slice %arg5[%dma_wait3A_185, %dma_wait3A_186] : memref<10x128xi32, #tpu.memory_space<vmem>> -> memref<1x128xi32, #tpu.memory_space<vmem>>
    %dma_wait3A_188 = tpu.memref_squeeze %dma_wait3A_187 : memref<1x128xi32, #tpu.memory_space<vmem>> -> memref<128xi32, #tpu.memory_space<vmem>>
    %dma_wait3A_189 = arith.constant 0 : i32
    %dma_wait3A_190 = arith.constant 0 : i32
    %dma_wait3A_191 = tpu.memref_slice %arg2[%dma_wait3A_189, %dma_wait3A_190] : memref<100000x128xf32, #tpu.memory_space<hbm>> -> memref<100000x128xf32, #tpu.memory_space<hbm>>
    tpu.wait_indirect_dma semaphore(%arg13 : memref<!tpu.dma_semaphore, #tpu.memory_space<semaphore_mem>>) src(%dma_wait3A_191 : memref<100000x128xf32, #tpu.memory_space<hbm>>) dst(%arg9 : memref<128x128xf32, #tpu.memory_space<vmem>>)
    %add3A_192 = arith.constant 896 : i32
    %add3A_193 = arith.addi %mul3A_2, %add3A_192 : i32
    %dma_start3A_194 = arith.constant 0 : i32
    %dma_start3A_195 = tpu.memref_slice %arg4[%add3A_193, %dma_start3A_194] : memref<40960x128xf32, #tpu.memory_space<hbm>> -> memref<128x128xf32, #tpu.memory_space<hbm>>
    %dma_start3A_196 = arith.constant 0 : i32
    %dma_start3A_197 = tpu.memref_slice %arg4[%add3A_193, %dma_start3A_196] : memref<40960x128xf32, #tpu.memory_space<hbm>> -> memref<128x128xf32, #tpu.memory_space<hbm>>
    tpu.enqueue_dma source(%arg9 : memref<128x128xf32, #tpu.memory_space<vmem>>) target(%dma_start3A_197 : memref<128x128xf32, #tpu.memory_space<hbm>>) target_semaphore(%arg17 : memref<!tpu.dma_semaphore, #tpu.memory_space<semaphore_mem>>)
    %add3A_198 = arith.constant 640 : i32
    %add3A_199 = arith.addi %mul3A_2, %add3A_198 : i32
    %dma_wait3A_200 = arith.constant 0 : i32
    %dma_wait3A_201 = tpu.memref_slice %arg4[%add3A_199, %dma_wait3A_200] : memref<40960x128xf32, #tpu.memory_space<hbm>> -> memref<128x128xf32, #tpu.memory_space<hbm>>
    %dma_wait3A_202 = arith.constant 0 : i32
    %dma_wait3A_203 = tpu.memref_slice %arg4[%add3A_199, %dma_wait3A_202] : memref<40960x128xf32, #tpu.memory_space<hbm>> -> memref<128x128xf32, #tpu.memory_space<hbm>>
    tpu.wait_dma2 semaphore(%arg15 : memref<!tpu.dma_semaphore, #tpu.memory_space<semaphore_mem>>) src(%arg7 : memref<128x128xf32, #tpu.memory_space<vmem>>) dst(%dma_wait3A_203 : memref<128x128xf32, #tpu.memory_space<hbm>>)
    %dma_start3A_204 = arith.constant 9 : i32
    %dma_start3A_205 = arith.constant 0 : i32
    %dma_start3A_206 = tpu.memref_slice %arg5[%dma_start3A_204, %dma_start3A_205] : memref<10x128xi32, #tpu.memory_space<vmem>> -> memref<1x128xi32, #tpu.memory_space<vmem>>
    %dma_start3A_207 = tpu.memref_squeeze %dma_start3A_206 : memref<1x128xi32, #tpu.memory_space<vmem>> -> memref<128xi32, #tpu.memory_space<vmem>>
    %dma_start3A_208 = arith.constant 0 : i32
    %dma_start3A_209 = arith.constant 0 : i32
    %dma_start3A_210 = tpu.memref_slice %arg2[%dma_start3A_208, %dma_start3A_209] : memref<100000x128xf32, #tpu.memory_space<hbm>> -> memref<100000x128xf32, #tpu.memory_space<hbm>>
    tpu.enqueue_indirect_dma source(%dma_start3A_210 : memref<100000x128xf32, #tpu.memory_space<hbm>>) target(%arg7 : memref<128x128xf32, #tpu.memory_space<vmem>>) offsets(%dma_start3A_207 : memref<128xi32, #tpu.memory_space<vmem>>) semaphore(%arg11 : memref<!tpu.dma_semaphore, #tpu.memory_space<semaphore_mem>>)
    %dma_wait3A_211 = arith.constant 8 : i32
    %dma_wait3A_212 = arith.constant 0 : i32
    %dma_wait3A_213 = tpu.memref_slice %arg5[%dma_wait3A_211, %dma_wait3A_212] : memref<10x128xi32, #tpu.memory_space<vmem>> -> memref<1x128xi32, #tpu.memory_space<vmem>>
    %dma_wait3A_214 = tpu.memref_squeeze %dma_wait3A_213 : memref<1x128xi32, #tpu.memory_space<vmem>> -> memref<128xi32, #tpu.memory_space<vmem>>
    %dma_wait3A_215 = arith.constant 0 : i32
    %dma_wait3A_216 = arith.constant 0 : i32
    %dma_wait3A_217 = tpu.memref_slice %arg2[%dma_wait3A_215, %dma_wait3A_216] : memref<100000x128xf32, #tpu.memory_space<hbm>> -> memref<100000x128xf32, #tpu.memory_space<hbm>>
    tpu.wait_indirect_dma semaphore(%arg10 : memref<!tpu.dma_semaphore, #tpu.memory_space<semaphore_mem>>) src(%dma_wait3A_217 : memref<100000x128xf32, #tpu.memory_space<hbm>>) dst(%arg6 : memref<128x128xf32, #tpu.memory_space<vmem>>)
    %add3A_218 = arith.constant 1024 : i32
    %add3A_219 = arith.addi %mul3A_2, %add3A_218 : i32
    %dma_start3A_220 = arith.constant 0 : i32
    %dma_start3A_221 = tpu.memref_slice %arg4[%add3A_219, %dma_start3A_220] : memref<40960x128xf32, #tpu.memory_space<hbm>> -> memref<128x128xf32, #tpu.memory_space<hbm>>
    %dma_start3A_222 = arith.constant 0 : i32
    %dma_start3A_223 = tpu.memref_slice %arg4[%add3A_219, %dma_start3A_222] : memref<40960x128xf32, #tpu.memory_space<hbm>> -> memref<128x128xf32, #tpu.memory_space<hbm>>
    tpu.enqueue_dma source(%arg6 : memref<128x128xf32, #tpu.memory_space<vmem>>) target(%dma_start3A_223 : memref<128x128xf32, #tpu.memory_space<hbm>>) target_semaphore(%arg14 : memref<!tpu.dma_semaphore, #tpu.memory_space<semaphore_mem>>)
    %dma_wait3A_224 = arith.constant 9 : i32
    %dma_wait3A_225 = arith.constant 0 : i32
    %dma_wait3A_226 = tpu.memref_slice %arg5[%dma_wait3A_224, %dma_wait3A_225] : memref<10x128xi32, #tpu.memory_space<vmem>> -> memref<1x128xi32, #tpu.memory_space<vmem>>
    %dma_wait3A_227 = tpu.memref_squeeze %dma_wait3A_226 : memref<1x128xi32, #tpu.memory_space<vmem>> -> memref<128xi32, #tpu.memory_space<vmem>>
    %dma_wait3A_228 = arith.constant 0 : i32
    %dma_wait3A_229 = arith.constant 0 : i32
    %dma_wait3A_230 = tpu.memref_slice %arg2[%dma_wait3A_228, %dma_wait3A_229] : memref<100000x128xf32, #tpu.memory_space<hbm>> -> memref<100000x128xf32, #tpu.memory_space<hbm>>
    tpu.wait_indirect_dma semaphore(%arg11 : memref<!tpu.dma_semaphore, #tpu.memory_space<semaphore_mem>>) src(%dma_wait3A_230 : memref<100000x128xf32, #tpu.memory_space<hbm>>) dst(%arg7 : memref<128x128xf32, #tpu.memory_space<vmem>>)
    %add3A_231 = arith.constant 1152 : i32
    %add3A_232 = arith.addi %mul3A_2, %add3A_231 : i32
    %dma_start3A_233 = arith.constant 0 : i32
    %dma_start3A_234 = tpu.memref_slice %arg4[%add3A_232, %dma_start3A_233] : memref<40960x128xf32, #tpu.memory_space<hbm>> -> memref<128x128xf32, #tpu.memory_space<hbm>>
    %dma_start3A_235 = arith.constant 0 : i32
    %dma_start3A_236 = tpu.memref_slice %arg4[%add3A_232, %dma_start3A_235] : memref<40960x128xf32, #tpu.memory_space<hbm>> -> memref<128x128xf32, #tpu.memory_space<hbm>>
    tpu.enqueue_dma source(%arg7 : memref<128x128xf32, #tpu.memory_space<vmem>>) target(%dma_start3A_236 : memref<128x128xf32, #tpu.memory_space<hbm>>) target_semaphore(%arg15 : memref<!tpu.dma_semaphore, #tpu.memory_space<semaphore_mem>>)
    %add3A_237 = arith.constant 768 : i32
    %add3A_238 = arith.addi %mul3A_2, %add3A_237 : i32
    %dma_wait3A_239 = arith.constant 0 : i32
    %dma_wait3A_240 = tpu.memref_slice %arg4[%add3A_238, %dma_wait3A_239] : memref<40960x128xf32, #tpu.memory_space<hbm>> -> memref<128x128xf32, #tpu.memory_space<hbm>>
    %dma_wait3A_241 = arith.constant 0 : i32
    %dma_wait3A_242 = tpu.memref_slice %arg4[%add3A_238, %dma_wait3A_241] : memref<40960x128xf32, #tpu.memory_space<hbm>> -> memref<128x128xf32, #tpu.memory_space<hbm>>
    tpu.wait_dma2 semaphore(%arg16 : memref<!tpu.dma_semaphore, #tpu.memory_space<semaphore_mem>>) src(%arg8 : memref<128x128xf32, #tpu.memory_space<vmem>>) dst(%dma_wait3A_242 : memref<128x128xf32, #tpu.memory_space<hbm>>)
    %add3A_243 = arith.constant 896 : i32
    %add3A_244 = arith.addi %mul3A_2, %add3A_243 : i32
    %dma_wait3A_245 = arith.constant 0 : i32
    %dma_wait3A_246 = tpu.memref_slice %arg4[%add3A_244, %dma_wait3A_245] : memref<40960x128xf32, #tpu.memory_space<hbm>> -> memref<128x128xf32, #tpu.memory_space<hbm>>
    %dma_wait3A_247 = arith.constant 0 : i32
    %dma_wait3A_248 = tpu.memref_slice %arg4[%add3A_244, %dma_wait3A_247] : memref<40960x128xf32, #tpu.memory_space<hbm>> -> memref<128x128xf32, #tpu.memory_space<hbm>>
    tpu.wait_dma2 semaphore(%arg17 : memref<!tpu.dma_semaphore, #tpu.memory_space<semaphore_mem>>) src(%arg9 : memref<128x128xf32, #tpu.memory_space<vmem>>) dst(%dma_wait3A_248 : memref<128x128xf32, #tpu.memory_space<hbm>>)
    %add3A_249 = arith.constant 1024 : i32
    %add3A_250 = arith.addi %mul3A_2, %add3A_249 : i32
    %dma_wait3A_251 = arith.constant 0 : i32
    %dma_wait3A_252 = tpu.memref_slice %arg4[%add3A_250, %dma_wait3A_251] : memref<40960x128xf32, #tpu.memory_space<hbm>> -> memref<128x128xf32, #tpu.memory_space<hbm>>
    %dma_wait3A_253 = arith.constant 0 : i32
    %dma_wait3A_254 = tpu.memref_slice %arg4[%add3A_250, %dma_wait3A_253] : memref<40960x128xf32, #tpu.memory_space<hbm>> -> memref<128x128xf32, #tpu.memory_space<hbm>>
    tpu.wait_dma2 semaphore(%arg14 : memref<!tpu.dma_semaphore, #tpu.memory_space<semaphore_mem>>) src(%arg6 : memref<128x128xf32, #tpu.memory_space<vmem>>) dst(%dma_wait3A_254 : memref<128x128xf32, #tpu.memory_space<hbm>>)
    %add3A_255 = arith.constant 1152 : i32
    %add3A_256 = arith.addi %mul3A_2, %add3A_255 : i32
    %dma_wait3A_257 = arith.constant 0 : i32
    %dma_wait3A_258 = tpu.memref_slice %arg4[%add3A_256, %dma_wait3A_257] : memref<40960x128xf32, #tpu.memory_space<hbm>> -> memref<128x128xf32, #tpu.memory_space<hbm>>
    %dma_wait3A_259 = arith.constant 0 : i32
    %dma_wait3A_260 = tpu.memref_slice %arg4[%add3A_256, %dma_wait3A_259] : memref<40960x128xf32, #tpu.memory_space<hbm>> -> memref<128x128xf32, #tpu.memory_space<hbm>>
    tpu.wait_dma2 semaphore(%arg15 : memref<!tpu.dma_semaphore, #tpu.memory_space<semaphore_mem>>) src(%arg7 : memref<128x128xf32, #tpu.memory_space<vmem>>) dst(%dma_wait3A_260 : memref<128x128xf32, #tpu.memory_space<hbm>>)
    return
  }
}

#map = affine_map<(d0, d1) -> (0, 0)>
#map1 = affine_map<(d0, d1) -> (0, 0, 0)>
module attributes {stable_mosaic.version = 14 : i64} {
  func.func @body(%arg0: i32, %arg1: i32, %arg2: memref<100000x128xf32, #tpu.memory_space<hbm>>, %arg3: memref<32x12x128xi32, #tpu.memory_space<hbm>>, %arg4: memref<49152x128xf32, #tpu.memory_space<hbm>>, %arg5: memref<12x128xi32, #tpu.memory_space<vmem>>, %arg6: memref<128x128xf32, #tpu.memory_space<vmem>>, %arg7: memref<128x128xf32, #tpu.memory_space<vmem>>, %arg8: memref<128x128xf32, #tpu.memory_space<vmem>>, %arg9: memref<128x128xf32, #tpu.memory_space<vmem>>, %arg10: memref<!tpu.dma_semaphore, #tpu.memory_space<semaphore_mem>>, %arg11: memref<!tpu.dma_semaphore, #tpu.memory_space<semaphore_mem>>, %arg12: memref<!tpu.dma_semaphore, #tpu.memory_space<semaphore_mem>>, %arg13: memref<!tpu.dma_semaphore, #tpu.memory_space<semaphore_mem>>, %arg14: memref<!tpu.dma_semaphore, #tpu.memory_space<semaphore_mem>>, %arg15: memref<!tpu.dma_semaphore, #tpu.memory_space<semaphore_mem>>, %arg16: memref<!tpu.dma_semaphore, #tpu.memory_space<semaphore_mem>>, %arg17: memref<!tpu.dma_semaphore, #tpu.memory_space<semaphore_mem>>) attributes {dimension_semantics = [#tpu.dimension_semantics<core_parallel>, #tpu.dimension_semantics<subcore_parallel>], iteration_bounds = array<i64: 2, 16>, scalar_prefetch = 0 : i64, scratch_operands = 13 : i64, tpu.core_type = #tpu.core_type<sc_vector_subcore>, window_params = [{transform_indices = #map}, {transform_indices = #map1}, {transform_indices = #map}]} {
    %mul3A = arith.constant 2 : i32
    %mul3A_0 = arith.muli %arg1, %mul3A : i32
    %add3A = arith.addi %mul3A_0, %arg0 : i32
    %mul3A_1 = arith.constant 1536 : i32
    %mul3A_2 = arith.muli %add3A, %mul3A_1 : i32
    "tpu.region"() ({
      %run_scoped3A = tpu.sem_alloc : memref<!tpu.dma_semaphore, #tpu.memory_space<semaphore_mem>>
      %dma_start3A_313 = arith.constant 0 : i32
      %dma_start3A_314 = arith.constant 0 : i32
      %dma_start3A_315 = tpu.memref_slice %arg3[%add3A, %dma_start3A_313, %dma_start3A_314] : memref<32x12x128xi32, #tpu.memory_space<hbm>> -> memref<1x12x128xi32, #tpu.memory_space<hbm>>
      %dma_start3A_316 = tpu.memref_squeeze %dma_start3A_315 : memref<1x12x128xi32, #tpu.memory_space<hbm>> -> memref<12x128xi32, #tpu.memory_space<hbm>>
      %dma_start3A_317 = arith.constant 0 : i32
      %dma_start3A_318 = arith.constant 0 : i32
      %dma_start3A_319 = tpu.memref_slice %arg3[%add3A, %dma_start3A_317, %dma_start3A_318] : memref<32x12x128xi32, #tpu.memory_space<hbm>> -> memref<1x12x128xi32, #tpu.memory_space<hbm>>
      %dma_start3A_320 = tpu.memref_squeeze %dma_start3A_319 : memref<1x12x128xi32, #tpu.memory_space<hbm>> -> memref<12x128xi32, #tpu.memory_space<hbm>>
      tpu.enqueue_dma source(%dma_start3A_320 : memref<12x128xi32, #tpu.memory_space<hbm>>) target(%arg5 : memref<12x128xi32, #tpu.memory_space<vmem>>) target_semaphore(%run_scoped3A : memref<!tpu.dma_semaphore, #tpu.memory_space<semaphore_mem>>)
      %dma_wait3A_321 = arith.constant 0 : i32
      %dma_wait3A_322 = arith.constant 0 : i32
      %dma_wait3A_323 = tpu.memref_slice %arg3[%add3A, %dma_wait3A_321, %dma_wait3A_322] : memref<32x12x128xi32, #tpu.memory_space<hbm>> -> memref<1x12x128xi32, #tpu.memory_space<hbm>>
      %dma_wait3A_324 = tpu.memref_squeeze %dma_wait3A_323 : memref<1x12x128xi32, #tpu.memory_space<hbm>> -> memref<12x128xi32, #tpu.memory_space<hbm>>
      %dma_wait3A_325 = arith.constant 0 : i32
      %dma_wait3A_326 = arith.constant 0 : i32
      %dma_wait3A_327 = tpu.memref_slice %arg3[%add3A, %dma_wait3A_325, %dma_wait3A_326] : memref<32x12x128xi32, #tpu.memory_space<hbm>> -> memref<1x12x128xi32, #tpu.memory_space<hbm>>
      %dma_wait3A_328 = tpu.memref_squeeze %dma_wait3A_327 : memref<1x12x128xi32, #tpu.memory_space<hbm>> -> memref<12x128xi32, #tpu.memory_space<hbm>>
      tpu.wait_dma2 semaphore(%run_scoped3A : memref<!tpu.dma_semaphore, #tpu.memory_space<semaphore_mem>>) src(%dma_wait3A_328 : memref<12x128xi32, #tpu.memory_space<hbm>>) dst(%arg5 : memref<12x128xi32, #tpu.memory_space<vmem>>)
      tpu.yield
    }) : () -> ()
    %dma_start3A = arith.constant 0 : i32
    %dma_start3A_3 = arith.constant 0 : i32
    %dma_start3A_4 = tpu.memref_slice %arg5[%dma_start3A, %dma_start3A_3] : memref<12x128xi32, #tpu.memory_space<vmem>> -> memref<1x128xi32, #tpu.memory_space<vmem>>
    %dma_start3A_5 = tpu.memref_squeeze %dma_start3A_4 : memref<1x128xi32, #tpu.memory_space<vmem>> -> memref<128xi32, #tpu.memory_space<vmem>>
    %dma_start3A_6 = arith.constant 0 : i32
    %dma_start3A_7 = arith.constant 0 : i32
    %dma_start3A_8 = tpu.memref_slice %arg2[%dma_start3A_6, %dma_start3A_7] : memref<100000x128xf32, #tpu.memory_space<hbm>> -> memref<100000x128xf32, #tpu.memory_space<hbm>>
    tpu.enqueue_indirect_dma source(%dma_start3A_8 : memref<100000x128xf32, #tpu.memory_space<hbm>>) target(%arg6 : memref<128x128xf32, #tpu.memory_space<vmem>>) offsets(%dma_start3A_5 : memref<128xi32, #tpu.memory_space<vmem>>) semaphore(%arg10 : memref<!tpu.dma_semaphore, #tpu.memory_space<semaphore_mem>>)
    %dma_start3A_9 = arith.constant 1 : i32
    %dma_start3A_10 = arith.constant 0 : i32
    %dma_start3A_11 = tpu.memref_slice %arg5[%dma_start3A_9, %dma_start3A_10] : memref<12x128xi32, #tpu.memory_space<vmem>> -> memref<1x128xi32, #tpu.memory_space<vmem>>
    %dma_start3A_12 = tpu.memref_squeeze %dma_start3A_11 : memref<1x128xi32, #tpu.memory_space<vmem>> -> memref<128xi32, #tpu.memory_space<vmem>>
    %dma_start3A_13 = arith.constant 0 : i32
    %dma_start3A_14 = arith.constant 0 : i32
    %dma_start3A_15 = tpu.memref_slice %arg2[%dma_start3A_13, %dma_start3A_14] : memref<100000x128xf32, #tpu.memory_space<hbm>> -> memref<100000x128xf32, #tpu.memory_space<hbm>>
    tpu.enqueue_indirect_dma source(%dma_start3A_15 : memref<100000x128xf32, #tpu.memory_space<hbm>>) target(%arg7 : memref<128x128xf32, #tpu.memory_space<vmem>>) offsets(%dma_start3A_12 : memref<128xi32, #tpu.memory_space<vmem>>) semaphore(%arg11 : memref<!tpu.dma_semaphore, #tpu.memory_space<semaphore_mem>>)
    %dma_wait3A = arith.constant 0 : i32
    %dma_wait3A_16 = arith.constant 0 : i32
    %dma_wait3A_17 = tpu.memref_slice %arg5[%dma_wait3A, %dma_wait3A_16] : memref<12x128xi32, #tpu.memory_space<vmem>> -> memref<1x128xi32, #tpu.memory_space<vmem>>
    %dma_wait3A_18 = tpu.memref_squeeze %dma_wait3A_17 : memref<1x128xi32, #tpu.memory_space<vmem>> -> memref<128xi32, #tpu.memory_space<vmem>>
    %dma_wait3A_19 = arith.constant 0 : i32
    %dma_wait3A_20 = arith.constant 0 : i32
    %dma_wait3A_21 = tpu.memref_slice %arg2[%dma_wait3A_19, %dma_wait3A_20] : memref<100000x128xf32, #tpu.memory_space<hbm>> -> memref<100000x128xf32, #tpu.memory_space<hbm>>
    tpu.wait_indirect_dma semaphore(%arg10 : memref<!tpu.dma_semaphore, #tpu.memory_space<semaphore_mem>>) src(%dma_wait3A_21 : memref<100000x128xf32, #tpu.memory_space<hbm>>) dst(%arg6 : memref<128x128xf32, #tpu.memory_space<vmem>>)
    %add3A_22 = arith.constant 0 : i32
    %add3A_23 = arith.addi %mul3A_2, %add3A_22 : i32
    %dma_start3A_24 = arith.constant 0 : i32
    %dma_start3A_25 = tpu.memref_slice %arg4[%add3A_23, %dma_start3A_24] : memref<49152x128xf32, #tpu.memory_space<hbm>> -> memref<128x128xf32, #tpu.memory_space<hbm>>
    %dma_start3A_26 = arith.constant 0 : i32
    %dma_start3A_27 = tpu.memref_slice %arg4[%add3A_23, %dma_start3A_26] : memref<49152x128xf32, #tpu.memory_space<hbm>> -> memref<128x128xf32, #tpu.memory_space<hbm>>
    tpu.enqueue_dma source(%arg6 : memref<128x128xf32, #tpu.memory_space<vmem>>) target(%dma_start3A_27 : memref<128x128xf32, #tpu.memory_space<hbm>>) target_semaphore(%arg14 : memref<!tpu.dma_semaphore, #tpu.memory_space<semaphore_mem>>)
    %dma_start3A_28 = arith.constant 2 : i32
    %dma_start3A_29 = arith.constant 0 : i32
    %dma_start3A_30 = tpu.memref_slice %arg5[%dma_start3A_28, %dma_start3A_29] : memref<12x128xi32, #tpu.memory_space<vmem>> -> memref<1x128xi32, #tpu.memory_space<vmem>>
    %dma_start3A_31 = tpu.memref_squeeze %dma_start3A_30 : memref<1x128xi32, #tpu.memory_space<vmem>> -> memref<128xi32, #tpu.memory_space<vmem>>
    %dma_start3A_32 = arith.constant 0 : i32
    %dma_start3A_33 = arith.constant 0 : i32
    %dma_start3A_34 = tpu.memref_slice %arg2[%dma_start3A_32, %dma_start3A_33] : memref<100000x128xf32, #tpu.memory_space<hbm>> -> memref<100000x128xf32, #tpu.memory_space<hbm>>
    tpu.enqueue_indirect_dma source(%dma_start3A_34 : memref<100000x128xf32, #tpu.memory_space<hbm>>) target(%arg8 : memref<128x128xf32, #tpu.memory_space<vmem>>) offsets(%dma_start3A_31 : memref<128xi32, #tpu.memory_space<vmem>>) semaphore(%arg12 : memref<!tpu.dma_semaphore, #tpu.memory_space<semaphore_mem>>)
    %dma_wait3A_35 = arith.constant 1 : i32
    %dma_wait3A_36 = arith.constant 0 : i32
    %dma_wait3A_37 = tpu.memref_slice %arg5[%dma_wait3A_35, %dma_wait3A_36] : memref<12x128xi32, #tpu.memory_space<vmem>> -> memref<1x128xi32, #tpu.memory_space<vmem>>
    %dma_wait3A_38 = tpu.memref_squeeze %dma_wait3A_37 : memref<1x128xi32, #tpu.memory_space<vmem>> -> memref<128xi32, #tpu.memory_space<vmem>>
    %dma_wait3A_39 = arith.constant 0 : i32
    %dma_wait3A_40 = arith.constant 0 : i32
    %dma_wait3A_41 = tpu.memref_slice %arg2[%dma_wait3A_39, %dma_wait3A_40] : memref<100000x128xf32, #tpu.memory_space<hbm>> -> memref<100000x128xf32, #tpu.memory_space<hbm>>
    tpu.wait_indirect_dma semaphore(%arg11 : memref<!tpu.dma_semaphore, #tpu.memory_space<semaphore_mem>>) src(%dma_wait3A_41 : memref<100000x128xf32, #tpu.memory_space<hbm>>) dst(%arg7 : memref<128x128xf32, #tpu.memory_space<vmem>>)
    %add3A_42 = arith.constant 128 : i32
    %add3A_43 = arith.addi %mul3A_2, %add3A_42 : i32
    %dma_start3A_44 = arith.constant 0 : i32
    %dma_start3A_45 = tpu.memref_slice %arg4[%add3A_43, %dma_start3A_44] : memref<49152x128xf32, #tpu.memory_space<hbm>> -> memref<128x128xf32, #tpu.memory_space<hbm>>
    %dma_start3A_46 = arith.constant 0 : i32
    %dma_start3A_47 = tpu.memref_slice %arg4[%add3A_43, %dma_start3A_46] : memref<49152x128xf32, #tpu.memory_space<hbm>> -> memref<128x128xf32, #tpu.memory_space<hbm>>
    tpu.enqueue_dma source(%arg7 : memref<128x128xf32, #tpu.memory_space<vmem>>) target(%dma_start3A_47 : memref<128x128xf32, #tpu.memory_space<hbm>>) target_semaphore(%arg15 : memref<!tpu.dma_semaphore, #tpu.memory_space<semaphore_mem>>)
    %dma_start3A_48 = arith.constant 3 : i32
    %dma_start3A_49 = arith.constant 0 : i32
    %dma_start3A_50 = tpu.memref_slice %arg5[%dma_start3A_48, %dma_start3A_49] : memref<12x128xi32, #tpu.memory_space<vmem>> -> memref<1x128xi32, #tpu.memory_space<vmem>>
    %dma_start3A_51 = tpu.memref_squeeze %dma_start3A_50 : memref<1x128xi32, #tpu.memory_space<vmem>> -> memref<128xi32, #tpu.memory_space<vmem>>
    %dma_start3A_52 = arith.constant 0 : i32
    %dma_start3A_53 = arith.constant 0 : i32
    %dma_start3A_54 = tpu.memref_slice %arg2[%dma_start3A_52, %dma_start3A_53] : memref<100000x128xf32, #tpu.memory_space<hbm>> -> memref<100000x128xf32, #tpu.memory_space<hbm>>
    tpu.enqueue_indirect_dma source(%dma_start3A_54 : memref<100000x128xf32, #tpu.memory_space<hbm>>) target(%arg9 : memref<128x128xf32, #tpu.memory_space<vmem>>) offsets(%dma_start3A_51 : memref<128xi32, #tpu.memory_space<vmem>>) semaphore(%arg13 : memref<!tpu.dma_semaphore, #tpu.memory_space<semaphore_mem>>)
    %dma_wait3A_55 = arith.constant 2 : i32
    %dma_wait3A_56 = arith.constant 0 : i32
    %dma_wait3A_57 = tpu.memref_slice %arg5[%dma_wait3A_55, %dma_wait3A_56] : memref<12x128xi32, #tpu.memory_space<vmem>> -> memref<1x128xi32, #tpu.memory_space<vmem>>
    %dma_wait3A_58 = tpu.memref_squeeze %dma_wait3A_57 : memref<1x128xi32, #tpu.memory_space<vmem>> -> memref<128xi32, #tpu.memory_space<vmem>>
    %dma_wait3A_59 = arith.constant 0 : i32
    %dma_wait3A_60 = arith.constant 0 : i32
    %dma_wait3A_61 = tpu.memref_slice %arg2[%dma_wait3A_59, %dma_wait3A_60] : memref<100000x128xf32, #tpu.memory_space<hbm>> -> memref<100000x128xf32, #tpu.memory_space<hbm>>
    tpu.wait_indirect_dma semaphore(%arg12 : memref<!tpu.dma_semaphore, #tpu.memory_space<semaphore_mem>>) src(%dma_wait3A_61 : memref<100000x128xf32, #tpu.memory_space<hbm>>) dst(%arg8 : memref<128x128xf32, #tpu.memory_space<vmem>>)
    %add3A_62 = arith.constant 256 : i32
    %add3A_63 = arith.addi %mul3A_2, %add3A_62 : i32
    %dma_start3A_64 = arith.constant 0 : i32
    %dma_start3A_65 = tpu.memref_slice %arg4[%add3A_63, %dma_start3A_64] : memref<49152x128xf32, #tpu.memory_space<hbm>> -> memref<128x128xf32, #tpu.memory_space<hbm>>
    %dma_start3A_66 = arith.constant 0 : i32
    %dma_start3A_67 = tpu.memref_slice %arg4[%add3A_63, %dma_start3A_66] : memref<49152x128xf32, #tpu.memory_space<hbm>> -> memref<128x128xf32, #tpu.memory_space<hbm>>
    tpu.enqueue_dma source(%arg8 : memref<128x128xf32, #tpu.memory_space<vmem>>) target(%dma_start3A_67 : memref<128x128xf32, #tpu.memory_space<hbm>>) target_semaphore(%arg16 : memref<!tpu.dma_semaphore, #tpu.memory_space<semaphore_mem>>)
    %add3A_68 = arith.constant 0 : i32
    %add3A_69 = arith.addi %mul3A_2, %add3A_68 : i32
    %dma_wait3A_70 = arith.constant 0 : i32
    %dma_wait3A_71 = tpu.memref_slice %arg4[%add3A_69, %dma_wait3A_70] : memref<49152x128xf32, #tpu.memory_space<hbm>> -> memref<128x128xf32, #tpu.memory_space<hbm>>
    %dma_wait3A_72 = arith.constant 0 : i32
    %dma_wait3A_73 = tpu.memref_slice %arg4[%add3A_69, %dma_wait3A_72] : memref<49152x128xf32, #tpu.memory_space<hbm>> -> memref<128x128xf32, #tpu.memory_space<hbm>>
    tpu.wait_dma2 semaphore(%arg14 : memref<!tpu.dma_semaphore, #tpu.memory_space<semaphore_mem>>) src(%arg6 : memref<128x128xf32, #tpu.memory_space<vmem>>) dst(%dma_wait3A_73 : memref<128x128xf32, #tpu.memory_space<hbm>>)
    %dma_start3A_74 = arith.constant 4 : i32
    %dma_start3A_75 = arith.constant 0 : i32
    %dma_start3A_76 = tpu.memref_slice %arg5[%dma_start3A_74, %dma_start3A_75] : memref<12x128xi32, #tpu.memory_space<vmem>> -> memref<1x128xi32, #tpu.memory_space<vmem>>
    %dma_start3A_77 = tpu.memref_squeeze %dma_start3A_76 : memref<1x128xi32, #tpu.memory_space<vmem>> -> memref<128xi32, #tpu.memory_space<vmem>>
    %dma_start3A_78 = arith.constant 0 : i32
    %dma_start3A_79 = arith.constant 0 : i32
    %dma_start3A_80 = tpu.memref_slice %arg2[%dma_start3A_78, %dma_start3A_79] : memref<100000x128xf32, #tpu.memory_space<hbm>> -> memref<100000x128xf32, #tpu.memory_space<hbm>>
    tpu.enqueue_indirect_dma source(%dma_start3A_80 : memref<100000x128xf32, #tpu.memory_space<hbm>>) target(%arg6 : memref<128x128xf32, #tpu.memory_space<vmem>>) offsets(%dma_start3A_77 : memref<128xi32, #tpu.memory_space<vmem>>) semaphore(%arg10 : memref<!tpu.dma_semaphore, #tpu.memory_space<semaphore_mem>>)
    %dma_wait3A_81 = arith.constant 3 : i32
    %dma_wait3A_82 = arith.constant 0 : i32
    %dma_wait3A_83 = tpu.memref_slice %arg5[%dma_wait3A_81, %dma_wait3A_82] : memref<12x128xi32, #tpu.memory_space<vmem>> -> memref<1x128xi32, #tpu.memory_space<vmem>>
    %dma_wait3A_84 = tpu.memref_squeeze %dma_wait3A_83 : memref<1x128xi32, #tpu.memory_space<vmem>> -> memref<128xi32, #tpu.memory_space<vmem>>
    %dma_wait3A_85 = arith.constant 0 : i32
    %dma_wait3A_86 = arith.constant 0 : i32
    %dma_wait3A_87 = tpu.memref_slice %arg2[%dma_wait3A_85, %dma_wait3A_86] : memref<100000x128xf32, #tpu.memory_space<hbm>> -> memref<100000x128xf32, #tpu.memory_space<hbm>>
    tpu.wait_indirect_dma semaphore(%arg13 : memref<!tpu.dma_semaphore, #tpu.memory_space<semaphore_mem>>) src(%dma_wait3A_87 : memref<100000x128xf32, #tpu.memory_space<hbm>>) dst(%arg9 : memref<128x128xf32, #tpu.memory_space<vmem>>)
    %add3A_88 = arith.constant 384 : i32
    %add3A_89 = arith.addi %mul3A_2, %add3A_88 : i32
    %dma_start3A_90 = arith.constant 0 : i32
    %dma_start3A_91 = tpu.memref_slice %arg4[%add3A_89, %dma_start3A_90] : memref<49152x128xf32, #tpu.memory_space<hbm>> -> memref<128x128xf32, #tpu.memory_space<hbm>>
    %dma_start3A_92 = arith.constant 0 : i32
    %dma_start3A_93 = tpu.memref_slice %arg4[%add3A_89, %dma_start3A_92] : memref<49152x128xf32, #tpu.memory_space<hbm>> -> memref<128x128xf32, #tpu.memory_space<hbm>>
    tpu.enqueue_dma source(%arg9 : memref<128x128xf32, #tpu.memory_space<vmem>>) target(%dma_start3A_93 : memref<128x128xf32, #tpu.memory_space<hbm>>) target_semaphore(%arg17 : memref<!tpu.dma_semaphore, #tpu.memory_space<semaphore_mem>>)
    %add3A_94 = arith.constant 128 : i32
    %add3A_95 = arith.addi %mul3A_2, %add3A_94 : i32
    %dma_wait3A_96 = arith.constant 0 : i32
    %dma_wait3A_97 = tpu.memref_slice %arg4[%add3A_95, %dma_wait3A_96] : memref<49152x128xf32, #tpu.memory_space<hbm>> -> memref<128x128xf32, #tpu.memory_space<hbm>>
    %dma_wait3A_98 = arith.constant 0 : i32
    %dma_wait3A_99 = tpu.memref_slice %arg4[%add3A_95, %dma_wait3A_98] : memref<49152x128xf32, #tpu.memory_space<hbm>> -> memref<128x128xf32, #tpu.memory_space<hbm>>
    tpu.wait_dma2 semaphore(%arg15 : memref<!tpu.dma_semaphore, #tpu.memory_space<semaphore_mem>>) src(%arg7 : memref<128x128xf32, #tpu.memory_space<vmem>>) dst(%dma_wait3A_99 : memref<128x128xf32, #tpu.memory_space<hbm>>)
    %dma_start3A_100 = arith.constant 5 : i32
    %dma_start3A_101 = arith.constant 0 : i32
    %dma_start3A_102 = tpu.memref_slice %arg5[%dma_start3A_100, %dma_start3A_101] : memref<12x128xi32, #tpu.memory_space<vmem>> -> memref<1x128xi32, #tpu.memory_space<vmem>>
    %dma_start3A_103 = tpu.memref_squeeze %dma_start3A_102 : memref<1x128xi32, #tpu.memory_space<vmem>> -> memref<128xi32, #tpu.memory_space<vmem>>
    %dma_start3A_104 = arith.constant 0 : i32
    %dma_start3A_105 = arith.constant 0 : i32
    %dma_start3A_106 = tpu.memref_slice %arg2[%dma_start3A_104, %dma_start3A_105] : memref<100000x128xf32, #tpu.memory_space<hbm>> -> memref<100000x128xf32, #tpu.memory_space<hbm>>
    tpu.enqueue_indirect_dma source(%dma_start3A_106 : memref<100000x128xf32, #tpu.memory_space<hbm>>) target(%arg7 : memref<128x128xf32, #tpu.memory_space<vmem>>) offsets(%dma_start3A_103 : memref<128xi32, #tpu.memory_space<vmem>>) semaphore(%arg11 : memref<!tpu.dma_semaphore, #tpu.memory_space<semaphore_mem>>)
    %dma_wait3A_107 = arith.constant 4 : i32
    %dma_wait3A_108 = arith.constant 0 : i32
    %dma_wait3A_109 = tpu.memref_slice %arg5[%dma_wait3A_107, %dma_wait3A_108] : memref<12x128xi32, #tpu.memory_space<vmem>> -> memref<1x128xi32, #tpu.memory_space<vmem>>
    %dma_wait3A_110 = tpu.memref_squeeze %dma_wait3A_109 : memref<1x128xi32, #tpu.memory_space<vmem>> -> memref<128xi32, #tpu.memory_space<vmem>>
    %dma_wait3A_111 = arith.constant 0 : i32
    %dma_wait3A_112 = arith.constant 0 : i32
    %dma_wait3A_113 = tpu.memref_slice %arg2[%dma_wait3A_111, %dma_wait3A_112] : memref<100000x128xf32, #tpu.memory_space<hbm>> -> memref<100000x128xf32, #tpu.memory_space<hbm>>
    tpu.wait_indirect_dma semaphore(%arg10 : memref<!tpu.dma_semaphore, #tpu.memory_space<semaphore_mem>>) src(%dma_wait3A_113 : memref<100000x128xf32, #tpu.memory_space<hbm>>) dst(%arg6 : memref<128x128xf32, #tpu.memory_space<vmem>>)
    %add3A_114 = arith.constant 512 : i32
    %add3A_115 = arith.addi %mul3A_2, %add3A_114 : i32
    %dma_start3A_116 = arith.constant 0 : i32
    %dma_start3A_117 = tpu.memref_slice %arg4[%add3A_115, %dma_start3A_116] : memref<49152x128xf32, #tpu.memory_space<hbm>> -> memref<128x128xf32, #tpu.memory_space<hbm>>
    %dma_start3A_118 = arith.constant 0 : i32
    %dma_start3A_119 = tpu.memref_slice %arg4[%add3A_115, %dma_start3A_118] : memref<49152x128xf32, #tpu.memory_space<hbm>> -> memref<128x128xf32, #tpu.memory_space<hbm>>
    tpu.enqueue_dma source(%arg6 : memref<128x128xf32, #tpu.memory_space<vmem>>) target(%dma_start3A_119 : memref<128x128xf32, #tpu.memory_space<hbm>>) target_semaphore(%arg14 : memref<!tpu.dma_semaphore, #tpu.memory_space<semaphore_mem>>)
    %add3A_120 = arith.constant 256 : i32
    %add3A_121 = arith.addi %mul3A_2, %add3A_120 : i32
    %dma_wait3A_122 = arith.constant 0 : i32
    %dma_wait3A_123 = tpu.memref_slice %arg4[%add3A_121, %dma_wait3A_122] : memref<49152x128xf32, #tpu.memory_space<hbm>> -> memref<128x128xf32, #tpu.memory_space<hbm>>
    %dma_wait3A_124 = arith.constant 0 : i32
    %dma_wait3A_125 = tpu.memref_slice %arg4[%add3A_121, %dma_wait3A_124] : memref<49152x128xf32, #tpu.memory_space<hbm>> -> memref<128x128xf32, #tpu.memory_space<hbm>>
    tpu.wait_dma2 semaphore(%arg16 : memref<!tpu.dma_semaphore, #tpu.memory_space<semaphore_mem>>) src(%arg8 : memref<128x128xf32, #tpu.memory_space<vmem>>) dst(%dma_wait3A_125 : memref<128x128xf32, #tpu.memory_space<hbm>>)
    %dma_start3A_126 = arith.constant 6 : i32
    %dma_start3A_127 = arith.constant 0 : i32
    %dma_start3A_128 = tpu.memref_slice %arg5[%dma_start3A_126, %dma_start3A_127] : memref<12x128xi32, #tpu.memory_space<vmem>> -> memref<1x128xi32, #tpu.memory_space<vmem>>
    %dma_start3A_129 = tpu.memref_squeeze %dma_start3A_128 : memref<1x128xi32, #tpu.memory_space<vmem>> -> memref<128xi32, #tpu.memory_space<vmem>>
    %dma_start3A_130 = arith.constant 0 : i32
    %dma_start3A_131 = arith.constant 0 : i32
    %dma_start3A_132 = tpu.memref_slice %arg2[%dma_start3A_130, %dma_start3A_131] : memref<100000x128xf32, #tpu.memory_space<hbm>> -> memref<100000x128xf32, #tpu.memory_space<hbm>>
    tpu.enqueue_indirect_dma source(%dma_start3A_132 : memref<100000x128xf32, #tpu.memory_space<hbm>>) target(%arg8 : memref<128x128xf32, #tpu.memory_space<vmem>>) offsets(%dma_start3A_129 : memref<128xi32, #tpu.memory_space<vmem>>) semaphore(%arg12 : memref<!tpu.dma_semaphore, #tpu.memory_space<semaphore_mem>>)
    %dma_wait3A_133 = arith.constant 5 : i32
    %dma_wait3A_134 = arith.constant 0 : i32
    %dma_wait3A_135 = tpu.memref_slice %arg5[%dma_wait3A_133, %dma_wait3A_134] : memref<12x128xi32, #tpu.memory_space<vmem>> -> memref<1x128xi32, #tpu.memory_space<vmem>>
    %dma_wait3A_136 = tpu.memref_squeeze %dma_wait3A_135 : memref<1x128xi32, #tpu.memory_space<vmem>> -> memref<128xi32, #tpu.memory_space<vmem>>
    %dma_wait3A_137 = arith.constant 0 : i32
    %dma_wait3A_138 = arith.constant 0 : i32
    %dma_wait3A_139 = tpu.memref_slice %arg2[%dma_wait3A_137, %dma_wait3A_138] : memref<100000x128xf32, #tpu.memory_space<hbm>> -> memref<100000x128xf32, #tpu.memory_space<hbm>>
    tpu.wait_indirect_dma semaphore(%arg11 : memref<!tpu.dma_semaphore, #tpu.memory_space<semaphore_mem>>) src(%dma_wait3A_139 : memref<100000x128xf32, #tpu.memory_space<hbm>>) dst(%arg7 : memref<128x128xf32, #tpu.memory_space<vmem>>)
    %add3A_140 = arith.constant 640 : i32
    %add3A_141 = arith.addi %mul3A_2, %add3A_140 : i32
    %dma_start3A_142 = arith.constant 0 : i32
    %dma_start3A_143 = tpu.memref_slice %arg4[%add3A_141, %dma_start3A_142] : memref<49152x128xf32, #tpu.memory_space<hbm>> -> memref<128x128xf32, #tpu.memory_space<hbm>>
    %dma_start3A_144 = arith.constant 0 : i32
    %dma_start3A_145 = tpu.memref_slice %arg4[%add3A_141, %dma_start3A_144] : memref<49152x128xf32, #tpu.memory_space<hbm>> -> memref<128x128xf32, #tpu.memory_space<hbm>>
    tpu.enqueue_dma source(%arg7 : memref<128x128xf32, #tpu.memory_space<vmem>>) target(%dma_start3A_145 : memref<128x128xf32, #tpu.memory_space<hbm>>) target_semaphore(%arg15 : memref<!tpu.dma_semaphore, #tpu.memory_space<semaphore_mem>>)
    %add3A_146 = arith.constant 384 : i32
    %add3A_147 = arith.addi %mul3A_2, %add3A_146 : i32
    %dma_wait3A_148 = arith.constant 0 : i32
    %dma_wait3A_149 = tpu.memref_slice %arg4[%add3A_147, %dma_wait3A_148] : memref<49152x128xf32, #tpu.memory_space<hbm>> -> memref<128x128xf32, #tpu.memory_space<hbm>>
    %dma_wait3A_150 = arith.constant 0 : i32
    %dma_wait3A_151 = tpu.memref_slice %arg4[%add3A_147, %dma_wait3A_150] : memref<49152x128xf32, #tpu.memory_space<hbm>> -> memref<128x128xf32, #tpu.memory_space<hbm>>
    tpu.wait_dma2 semaphore(%arg17 : memref<!tpu.dma_semaphore, #tpu.memory_space<semaphore_mem>>) src(%arg9 : memref<128x128xf32, #tpu.memory_space<vmem>>) dst(%dma_wait3A_151 : memref<128x128xf32, #tpu.memory_space<hbm>>)
    %dma_start3A_152 = arith.constant 7 : i32
    %dma_start3A_153 = arith.constant 0 : i32
    %dma_start3A_154 = tpu.memref_slice %arg5[%dma_start3A_152, %dma_start3A_153] : memref<12x128xi32, #tpu.memory_space<vmem>> -> memref<1x128xi32, #tpu.memory_space<vmem>>
    %dma_start3A_155 = tpu.memref_squeeze %dma_start3A_154 : memref<1x128xi32, #tpu.memory_space<vmem>> -> memref<128xi32, #tpu.memory_space<vmem>>
    %dma_start3A_156 = arith.constant 0 : i32
    %dma_start3A_157 = arith.constant 0 : i32
    %dma_start3A_158 = tpu.memref_slice %arg2[%dma_start3A_156, %dma_start3A_157] : memref<100000x128xf32, #tpu.memory_space<hbm>> -> memref<100000x128xf32, #tpu.memory_space<hbm>>
    tpu.enqueue_indirect_dma source(%dma_start3A_158 : memref<100000x128xf32, #tpu.memory_space<hbm>>) target(%arg9 : memref<128x128xf32, #tpu.memory_space<vmem>>) offsets(%dma_start3A_155 : memref<128xi32, #tpu.memory_space<vmem>>) semaphore(%arg13 : memref<!tpu.dma_semaphore, #tpu.memory_space<semaphore_mem>>)
    %dma_wait3A_159 = arith.constant 6 : i32
    %dma_wait3A_160 = arith.constant 0 : i32
    %dma_wait3A_161 = tpu.memref_slice %arg5[%dma_wait3A_159, %dma_wait3A_160] : memref<12x128xi32, #tpu.memory_space<vmem>> -> memref<1x128xi32, #tpu.memory_space<vmem>>
    %dma_wait3A_162 = tpu.memref_squeeze %dma_wait3A_161 : memref<1x128xi32, #tpu.memory_space<vmem>> -> memref<128xi32, #tpu.memory_space<vmem>>
    %dma_wait3A_163 = arith.constant 0 : i32
    %dma_wait3A_164 = arith.constant 0 : i32
    %dma_wait3A_165 = tpu.memref_slice %arg2[%dma_wait3A_163, %dma_wait3A_164] : memref<100000x128xf32, #tpu.memory_space<hbm>> -> memref<100000x128xf32, #tpu.memory_space<hbm>>
    tpu.wait_indirect_dma semaphore(%arg12 : memref<!tpu.dma_semaphore, #tpu.memory_space<semaphore_mem>>) src(%dma_wait3A_165 : memref<100000x128xf32, #tpu.memory_space<hbm>>) dst(%arg8 : memref<128x128xf32, #tpu.memory_space<vmem>>)
    %add3A_166 = arith.constant 768 : i32
    %add3A_167 = arith.addi %mul3A_2, %add3A_166 : i32
    %dma_start3A_168 = arith.constant 0 : i32
    %dma_start3A_169 = tpu.memref_slice %arg4[%add3A_167, %dma_start3A_168] : memref<49152x128xf32, #tpu.memory_space<hbm>> -> memref<128x128xf32, #tpu.memory_space<hbm>>
    %dma_start3A_170 = arith.constant 0 : i32
    %dma_start3A_171 = tpu.memref_slice %arg4[%add3A_167, %dma_start3A_170] : memref<49152x128xf32, #tpu.memory_space<hbm>> -> memref<128x128xf32, #tpu.memory_space<hbm>>
    tpu.enqueue_dma source(%arg8 : memref<128x128xf32, #tpu.memory_space<vmem>>) target(%dma_start3A_171 : memref<128x128xf32, #tpu.memory_space<hbm>>) target_semaphore(%arg16 : memref<!tpu.dma_semaphore, #tpu.memory_space<semaphore_mem>>)
    %add3A_172 = arith.constant 512 : i32
    %add3A_173 = arith.addi %mul3A_2, %add3A_172 : i32
    %dma_wait3A_174 = arith.constant 0 : i32
    %dma_wait3A_175 = tpu.memref_slice %arg4[%add3A_173, %dma_wait3A_174] : memref<49152x128xf32, #tpu.memory_space<hbm>> -> memref<128x128xf32, #tpu.memory_space<hbm>>
    %dma_wait3A_176 = arith.constant 0 : i32
    %dma_wait3A_177 = tpu.memref_slice %arg4[%add3A_173, %dma_wait3A_176] : memref<49152x128xf32, #tpu.memory_space<hbm>> -> memref<128x128xf32, #tpu.memory_space<hbm>>
    tpu.wait_dma2 semaphore(%arg14 : memref<!tpu.dma_semaphore, #tpu.memory_space<semaphore_mem>>) src(%arg6 : memref<128x128xf32, #tpu.memory_space<vmem>>) dst(%dma_wait3A_177 : memref<128x128xf32, #tpu.memory_space<hbm>>)
    %dma_start3A_178 = arith.constant 8 : i32
    %dma_start3A_179 = arith.constant 0 : i32
    %dma_start3A_180 = tpu.memref_slice %arg5[%dma_start3A_178, %dma_start3A_179] : memref<12x128xi32, #tpu.memory_space<vmem>> -> memref<1x128xi32, #tpu.memory_space<vmem>>
    %dma_start3A_181 = tpu.memref_squeeze %dma_start3A_180 : memref<1x128xi32, #tpu.memory_space<vmem>> -> memref<128xi32, #tpu.memory_space<vmem>>
    %dma_start3A_182 = arith.constant 0 : i32
    %dma_start3A_183 = arith.constant 0 : i32
    %dma_start3A_184 = tpu.memref_slice %arg2[%dma_start3A_182, %dma_start3A_183] : memref<100000x128xf32, #tpu.memory_space<hbm>> -> memref<100000x128xf32, #tpu.memory_space<hbm>>
    tpu.enqueue_indirect_dma source(%dma_start3A_184 : memref<100000x128xf32, #tpu.memory_space<hbm>>) target(%arg6 : memref<128x128xf32, #tpu.memory_space<vmem>>) offsets(%dma_start3A_181 : memref<128xi32, #tpu.memory_space<vmem>>) semaphore(%arg10 : memref<!tpu.dma_semaphore, #tpu.memory_space<semaphore_mem>>)
    %dma_wait3A_185 = arith.constant 7 : i32
    %dma_wait3A_186 = arith.constant 0 : i32
    %dma_wait3A_187 = tpu.memref_slice %arg5[%dma_wait3A_185, %dma_wait3A_186] : memref<12x128xi32, #tpu.memory_space<vmem>> -> memref<1x128xi32, #tpu.memory_space<vmem>>
    %dma_wait3A_188 = tpu.memref_squeeze %dma_wait3A_187 : memref<1x128xi32, #tpu.memory_space<vmem>> -> memref<128xi32, #tpu.memory_space<vmem>>
    %dma_wait3A_189 = arith.constant 0 : i32
    %dma_wait3A_190 = arith.constant 0 : i32
    %dma_wait3A_191 = tpu.memref_slice %arg2[%dma_wait3A_189, %dma_wait3A_190] : memref<100000x128xf32, #tpu.memory_space<hbm>> -> memref<100000x128xf32, #tpu.memory_space<hbm>>
    tpu.wait_indirect_dma semaphore(%arg13 : memref<!tpu.dma_semaphore, #tpu.memory_space<semaphore_mem>>) src(%dma_wait3A_191 : memref<100000x128xf32, #tpu.memory_space<hbm>>) dst(%arg9 : memref<128x128xf32, #tpu.memory_space<vmem>>)
    %add3A_192 = arith.constant 896 : i32
    %add3A_193 = arith.addi %mul3A_2, %add3A_192 : i32
    %dma_start3A_194 = arith.constant 0 : i32
    %dma_start3A_195 = tpu.memref_slice %arg4[%add3A_193, %dma_start3A_194] : memref<49152x128xf32, #tpu.memory_space<hbm>> -> memref<128x128xf32, #tpu.memory_space<hbm>>
    %dma_start3A_196 = arith.constant 0 : i32
    %dma_start3A_197 = tpu.memref_slice %arg4[%add3A_193, %dma_start3A_196] : memref<49152x128xf32, #tpu.memory_space<hbm>> -> memref<128x128xf32, #tpu.memory_space<hbm>>
    tpu.enqueue_dma source(%arg9 : memref<128x128xf32, #tpu.memory_space<vmem>>) target(%dma_start3A_197 : memref<128x128xf32, #tpu.memory_space<hbm>>) target_semaphore(%arg17 : memref<!tpu.dma_semaphore, #tpu.memory_space<semaphore_mem>>)
    %add3A_198 = arith.constant 640 : i32
    %add3A_199 = arith.addi %mul3A_2, %add3A_198 : i32
    %dma_wait3A_200 = arith.constant 0 : i32
    %dma_wait3A_201 = tpu.memref_slice %arg4[%add3A_199, %dma_wait3A_200] : memref<49152x128xf32, #tpu.memory_space<hbm>> -> memref<128x128xf32, #tpu.memory_space<hbm>>
    %dma_wait3A_202 = arith.constant 0 : i32
    %dma_wait3A_203 = tpu.memref_slice %arg4[%add3A_199, %dma_wait3A_202] : memref<49152x128xf32, #tpu.memory_space<hbm>> -> memref<128x128xf32, #tpu.memory_space<hbm>>
    tpu.wait_dma2 semaphore(%arg15 : memref<!tpu.dma_semaphore, #tpu.memory_space<semaphore_mem>>) src(%arg7 : memref<128x128xf32, #tpu.memory_space<vmem>>) dst(%dma_wait3A_203 : memref<128x128xf32, #tpu.memory_space<hbm>>)
    %dma_start3A_204 = arith.constant 9 : i32
    %dma_start3A_205 = arith.constant 0 : i32
    %dma_start3A_206 = tpu.memref_slice %arg5[%dma_start3A_204, %dma_start3A_205] : memref<12x128xi32, #tpu.memory_space<vmem>> -> memref<1x128xi32, #tpu.memory_space<vmem>>
    %dma_start3A_207 = tpu.memref_squeeze %dma_start3A_206 : memref<1x128xi32, #tpu.memory_space<vmem>> -> memref<128xi32, #tpu.memory_space<vmem>>
    %dma_start3A_208 = arith.constant 0 : i32
    %dma_start3A_209 = arith.constant 0 : i32
    %dma_start3A_210 = tpu.memref_slice %arg2[%dma_start3A_208, %dma_start3A_209] : memref<100000x128xf32, #tpu.memory_space<hbm>> -> memref<100000x128xf32, #tpu.memory_space<hbm>>
    tpu.enqueue_indirect_dma source(%dma_start3A_210 : memref<100000x128xf32, #tpu.memory_space<hbm>>) target(%arg7 : memref<128x128xf32, #tpu.memory_space<vmem>>) offsets(%dma_start3A_207 : memref<128xi32, #tpu.memory_space<vmem>>) semaphore(%arg11 : memref<!tpu.dma_semaphore, #tpu.memory_space<semaphore_mem>>)
    %dma_wait3A_211 = arith.constant 8 : i32
    %dma_wait3A_212 = arith.constant 0 : i32
    %dma_wait3A_213 = tpu.memref_slice %arg5[%dma_wait3A_211, %dma_wait3A_212] : memref<12x128xi32, #tpu.memory_space<vmem>> -> memref<1x128xi32, #tpu.memory_space<vmem>>
    %dma_wait3A_214 = tpu.memref_squeeze %dma_wait3A_213 : memref<1x128xi32, #tpu.memory_space<vmem>> -> memref<128xi32, #tpu.memory_space<vmem>>
    %dma_wait3A_215 = arith.constant 0 : i32
    %dma_wait3A_216 = arith.constant 0 : i32
    %dma_wait3A_217 = tpu.memref_slice %arg2[%dma_wait3A_215, %dma_wait3A_216] : memref<100000x128xf32, #tpu.memory_space<hbm>> -> memref<100000x128xf32, #tpu.memory_space<hbm>>
    tpu.wait_indirect_dma semaphore(%arg10 : memref<!tpu.dma_semaphore, #tpu.memory_space<semaphore_mem>>) src(%dma_wait3A_217 : memref<100000x128xf32, #tpu.memory_space<hbm>>) dst(%arg6 : memref<128x128xf32, #tpu.memory_space<vmem>>)
    %add3A_218 = arith.constant 1024 : i32
    %add3A_219 = arith.addi %mul3A_2, %add3A_218 : i32
    %dma_start3A_220 = arith.constant 0 : i32
    %dma_start3A_221 = tpu.memref_slice %arg4[%add3A_219, %dma_start3A_220] : memref<49152x128xf32, #tpu.memory_space<hbm>> -> memref<128x128xf32, #tpu.memory_space<hbm>>
    %dma_start3A_222 = arith.constant 0 : i32
    %dma_start3A_223 = tpu.memref_slice %arg4[%add3A_219, %dma_start3A_222] : memref<49152x128xf32, #tpu.memory_space<hbm>> -> memref<128x128xf32, #tpu.memory_space<hbm>>
    tpu.enqueue_dma source(%arg6 : memref<128x128xf32, #tpu.memory_space<vmem>>) target(%dma_start3A_223 : memref<128x128xf32, #tpu.memory_space<hbm>>) target_semaphore(%arg14 : memref<!tpu.dma_semaphore, #tpu.memory_space<semaphore_mem>>)
    %add3A_224 = arith.constant 768 : i32
    %add3A_225 = arith.addi %mul3A_2, %add3A_224 : i32
    %dma_wait3A_226 = arith.constant 0 : i32
    %dma_wait3A_227 = tpu.memref_slice %arg4[%add3A_225, %dma_wait3A_226] : memref<49152x128xf32, #tpu.memory_space<hbm>> -> memref<128x128xf32, #tpu.memory_space<hbm>>
    %dma_wait3A_228 = arith.constant 0 : i32
    %dma_wait3A_229 = tpu.memref_slice %arg4[%add3A_225, %dma_wait3A_228] : memref<49152x128xf32, #tpu.memory_space<hbm>> -> memref<128x128xf32, #tpu.memory_space<hbm>>
    tpu.wait_dma2 semaphore(%arg16 : memref<!tpu.dma_semaphore, #tpu.memory_space<semaphore_mem>>) src(%arg8 : memref<128x128xf32, #tpu.memory_space<vmem>>) dst(%dma_wait3A_229 : memref<128x128xf32, #tpu.memory_space<hbm>>)
    %dma_start3A_230 = arith.constant 10 : i32
    %dma_start3A_231 = arith.constant 0 : i32
    %dma_start3A_232 = tpu.memref_slice %arg5[%dma_start3A_230, %dma_start3A_231] : memref<12x128xi32, #tpu.memory_space<vmem>> -> memref<1x128xi32, #tpu.memory_space<vmem>>
    %dma_start3A_233 = tpu.memref_squeeze %dma_start3A_232 : memref<1x128xi32, #tpu.memory_space<vmem>> -> memref<128xi32, #tpu.memory_space<vmem>>
    %dma_start3A_234 = arith.constant 0 : i32
    %dma_start3A_235 = arith.constant 0 : i32
    %dma_start3A_236 = tpu.memref_slice %arg2[%dma_start3A_234, %dma_start3A_235] : memref<100000x128xf32, #tpu.memory_space<hbm>> -> memref<100000x128xf32, #tpu.memory_space<hbm>>
    tpu.enqueue_indirect_dma source(%dma_start3A_236 : memref<100000x128xf32, #tpu.memory_space<hbm>>) target(%arg8 : memref<128x128xf32, #tpu.memory_space<vmem>>) offsets(%dma_start3A_233 : memref<128xi32, #tpu.memory_space<vmem>>) semaphore(%arg12 : memref<!tpu.dma_semaphore, #tpu.memory_space<semaphore_mem>>)
    %dma_wait3A_237 = arith.constant 9 : i32
    %dma_wait3A_238 = arith.constant 0 : i32
    %dma_wait3A_239 = tpu.memref_slice %arg5[%dma_wait3A_237, %dma_wait3A_238] : memref<12x128xi32, #tpu.memory_space<vmem>> -> memref<1x128xi32, #tpu.memory_space<vmem>>
    %dma_wait3A_240 = tpu.memref_squeeze %dma_wait3A_239 : memref<1x128xi32, #tpu.memory_space<vmem>> -> memref<128xi32, #tpu.memory_space<vmem>>
    %dma_wait3A_241 = arith.constant 0 : i32
    %dma_wait3A_242 = arith.constant 0 : i32
    %dma_wait3A_243 = tpu.memref_slice %arg2[%dma_wait3A_241, %dma_wait3A_242] : memref<100000x128xf32, #tpu.memory_space<hbm>> -> memref<100000x128xf32, #tpu.memory_space<hbm>>
    tpu.wait_indirect_dma semaphore(%arg11 : memref<!tpu.dma_semaphore, #tpu.memory_space<semaphore_mem>>) src(%dma_wait3A_243 : memref<100000x128xf32, #tpu.memory_space<hbm>>) dst(%arg7 : memref<128x128xf32, #tpu.memory_space<vmem>>)
    %add3A_244 = arith.constant 1152 : i32
    %add3A_245 = arith.addi %mul3A_2, %add3A_244 : i32
    %dma_start3A_246 = arith.constant 0 : i32
    %dma_start3A_247 = tpu.memref_slice %arg4[%add3A_245, %dma_start3A_246] : memref<49152x128xf32, #tpu.memory_space<hbm>> -> memref<128x128xf32, #tpu.memory_space<hbm>>
    %dma_start3A_248 = arith.constant 0 : i32
    %dma_start3A_249 = tpu.memref_slice %arg4[%add3A_245, %dma_start3A_248] : memref<49152x128xf32, #tpu.memory_space<hbm>> -> memref<128x128xf32, #tpu.memory_space<hbm>>
    tpu.enqueue_dma source(%arg7 : memref<128x128xf32, #tpu.memory_space<vmem>>) target(%dma_start3A_249 : memref<128x128xf32, #tpu.memory_space<hbm>>) target_semaphore(%arg15 : memref<!tpu.dma_semaphore, #tpu.memory_space<semaphore_mem>>)
    %add3A_250 = arith.constant 896 : i32
    %add3A_251 = arith.addi %mul3A_2, %add3A_250 : i32
    %dma_wait3A_252 = arith.constant 0 : i32
    %dma_wait3A_253 = tpu.memref_slice %arg4[%add3A_251, %dma_wait3A_252] : memref<49152x128xf32, #tpu.memory_space<hbm>> -> memref<128x128xf32, #tpu.memory_space<hbm>>
    %dma_wait3A_254 = arith.constant 0 : i32
    %dma_wait3A_255 = tpu.memref_slice %arg4[%add3A_251, %dma_wait3A_254] : memref<49152x128xf32, #tpu.memory_space<hbm>> -> memref<128x128xf32, #tpu.memory_space<hbm>>
    tpu.wait_dma2 semaphore(%arg17 : memref<!tpu.dma_semaphore, #tpu.memory_space<semaphore_mem>>) src(%arg9 : memref<128x128xf32, #tpu.memory_space<vmem>>) dst(%dma_wait3A_255 : memref<128x128xf32, #tpu.memory_space<hbm>>)
    %dma_start3A_256 = arith.constant 11 : i32
    %dma_start3A_257 = arith.constant 0 : i32
    %dma_start3A_258 = tpu.memref_slice %arg5[%dma_start3A_256, %dma_start3A_257] : memref<12x128xi32, #tpu.memory_space<vmem>> -> memref<1x128xi32, #tpu.memory_space<vmem>>
    %dma_start3A_259 = tpu.memref_squeeze %dma_start3A_258 : memref<1x128xi32, #tpu.memory_space<vmem>> -> memref<128xi32, #tpu.memory_space<vmem>>
    %dma_start3A_260 = arith.constant 0 : i32
    %dma_start3A_261 = arith.constant 0 : i32
    %dma_start3A_262 = tpu.memref_slice %arg2[%dma_start3A_260, %dma_start3A_261] : memref<100000x128xf32, #tpu.memory_space<hbm>> -> memref<100000x128xf32, #tpu.memory_space<hbm>>
    tpu.enqueue_indirect_dma source(%dma_start3A_262 : memref<100000x128xf32, #tpu.memory_space<hbm>>) target(%arg9 : memref<128x128xf32, #tpu.memory_space<vmem>>) offsets(%dma_start3A_259 : memref<128xi32, #tpu.memory_space<vmem>>) semaphore(%arg13 : memref<!tpu.dma_semaphore, #tpu.memory_space<semaphore_mem>>)
    %dma_wait3A_263 = arith.constant 10 : i32
    %dma_wait3A_264 = arith.constant 0 : i32
    %dma_wait3A_265 = tpu.memref_slice %arg5[%dma_wait3A_263, %dma_wait3A_264] : memref<12x128xi32, #tpu.memory_space<vmem>> -> memref<1x128xi32, #tpu.memory_space<vmem>>
    %dma_wait3A_266 = tpu.memref_squeeze %dma_wait3A_265 : memref<1x128xi32, #tpu.memory_space<vmem>> -> memref<128xi32, #tpu.memory_space<vmem>>
    %dma_wait3A_267 = arith.constant 0 : i32
    %dma_wait3A_268 = arith.constant 0 : i32
    %dma_wait3A_269 = tpu.memref_slice %arg2[%dma_wait3A_267, %dma_wait3A_268] : memref<100000x128xf32, #tpu.memory_space<hbm>> -> memref<100000x128xf32, #tpu.memory_space<hbm>>
    tpu.wait_indirect_dma semaphore(%arg12 : memref<!tpu.dma_semaphore, #tpu.memory_space<semaphore_mem>>) src(%dma_wait3A_269 : memref<100000x128xf32, #tpu.memory_space<hbm>>) dst(%arg8 : memref<128x128xf32, #tpu.memory_space<vmem>>)
    %add3A_270 = arith.constant 1280 : i32
    %add3A_271 = arith.addi %mul3A_2, %add3A_270 : i32
    %dma_start3A_272 = arith.constant 0 : i32
    %dma_start3A_273 = tpu.memref_slice %arg4[%add3A_271, %dma_start3A_272] : memref<49152x128xf32, #tpu.memory_space<hbm>> -> memref<128x128xf32, #tpu.memory_space<hbm>>
    %dma_start3A_274 = arith.constant 0 : i32
    %dma_start3A_275 = tpu.memref_slice %arg4[%add3A_271, %dma_start3A_274] : memref<49152x128xf32, #tpu.memory_space<hbm>> -> memref<128x128xf32, #tpu.memory_space<hbm>>
    tpu.enqueue_dma source(%arg8 : memref<128x128xf32, #tpu.memory_space<vmem>>) target(%dma_start3A_275 : memref<128x128xf32, #tpu.memory_space<hbm>>) target_semaphore(%arg16 : memref<!tpu.dma_semaphore, #tpu.memory_space<semaphore_mem>>)
    %dma_wait3A_276 = arith.constant 11 : i32
    %dma_wait3A_277 = arith.constant 0 : i32
    %dma_wait3A_278 = tpu.memref_slice %arg5[%dma_wait3A_276, %dma_wait3A_277] : memref<12x128xi32, #tpu.memory_space<vmem>> -> memref<1x128xi32, #tpu.memory_space<vmem>>
    %dma_wait3A_279 = tpu.memref_squeeze %dma_wait3A_278 : memref<1x128xi32, #tpu.memory_space<vmem>> -> memref<128xi32, #tpu.memory_space<vmem>>
    %dma_wait3A_280 = arith.constant 0 : i32
    %dma_wait3A_281 = arith.constant 0 : i32
    %dma_wait3A_282 = tpu.memref_slice %arg2[%dma_wait3A_280, %dma_wait3A_281] : memref<100000x128xf32, #tpu.memory_space<hbm>> -> memref<100000x128xf32, #tpu.memory_space<hbm>>
    tpu.wait_indirect_dma semaphore(%arg13 : memref<!tpu.dma_semaphore, #tpu.memory_space<semaphore_mem>>) src(%dma_wait3A_282 : memref<100000x128xf32, #tpu.memory_space<hbm>>) dst(%arg9 : memref<128x128xf32, #tpu.memory_space<vmem>>)
    %add3A_283 = arith.constant 1408 : i32
    %add3A_284 = arith.addi %mul3A_2, %add3A_283 : i32
    %dma_start3A_285 = arith.constant 0 : i32
    %dma_start3A_286 = tpu.memref_slice %arg4[%add3A_284, %dma_start3A_285] : memref<49152x128xf32, #tpu.memory_space<hbm>> -> memref<128x128xf32, #tpu.memory_space<hbm>>
    %dma_start3A_287 = arith.constant 0 : i32
    %dma_start3A_288 = tpu.memref_slice %arg4[%add3A_284, %dma_start3A_287] : memref<49152x128xf32, #tpu.memory_space<hbm>> -> memref<128x128xf32, #tpu.memory_space<hbm>>
    tpu.enqueue_dma source(%arg9 : memref<128x128xf32, #tpu.memory_space<vmem>>) target(%dma_start3A_288 : memref<128x128xf32, #tpu.memory_space<hbm>>) target_semaphore(%arg17 : memref<!tpu.dma_semaphore, #tpu.memory_space<semaphore_mem>>)
    %add3A_289 = arith.constant 1024 : i32
    %add3A_290 = arith.addi %mul3A_2, %add3A_289 : i32
    %dma_wait3A_291 = arith.constant 0 : i32
    %dma_wait3A_292 = tpu.memref_slice %arg4[%add3A_290, %dma_wait3A_291] : memref<49152x128xf32, #tpu.memory_space<hbm>> -> memref<128x128xf32, #tpu.memory_space<hbm>>
    %dma_wait3A_293 = arith.constant 0 : i32
    %dma_wait3A_294 = tpu.memref_slice %arg4[%add3A_290, %dma_wait3A_293] : memref<49152x128xf32, #tpu.memory_space<hbm>> -> memref<128x128xf32, #tpu.memory_space<hbm>>
    tpu.wait_dma2 semaphore(%arg14 : memref<!tpu.dma_semaphore, #tpu.memory_space<semaphore_mem>>) src(%arg6 : memref<128x128xf32, #tpu.memory_space<vmem>>) dst(%dma_wait3A_294 : memref<128x128xf32, #tpu.memory_space<hbm>>)
    %add3A_295 = arith.constant 1152 : i32
    %add3A_296 = arith.addi %mul3A_2, %add3A_295 : i32
    %dma_wait3A_297 = arith.constant 0 : i32
    %dma_wait3A_298 = tpu.memref_slice %arg4[%add3A_296, %dma_wait3A_297] : memref<49152x128xf32, #tpu.memory_space<hbm>> -> memref<128x128xf32, #tpu.memory_space<hbm>>
    %dma_wait3A_299 = arith.constant 0 : i32
    %dma_wait3A_300 = tpu.memref_slice %arg4[%add3A_296, %dma_wait3A_299] : memref<49152x128xf32, #tpu.memory_space<hbm>> -> memref<128x128xf32, #tpu.memory_space<hbm>>
    tpu.wait_dma2 semaphore(%arg15 : memref<!tpu.dma_semaphore, #tpu.memory_space<semaphore_mem>>) src(%arg7 : memref<128x128xf32, #tpu.memory_space<vmem>>) dst(%dma_wait3A_300 : memref<128x128xf32, #tpu.memory_space<hbm>>)
    %add3A_301 = arith.constant 1280 : i32
    %add3A_302 = arith.addi %mul3A_2, %add3A_301 : i32
    %dma_wait3A_303 = arith.constant 0 : i32
    %dma_wait3A_304 = tpu.memref_slice %arg4[%add3A_302, %dma_wait3A_303] : memref<49152x128xf32, #tpu.memory_space<hbm>> -> memref<128x128xf32, #tpu.memory_space<hbm>>
    %dma_wait3A_305 = arith.constant 0 : i32
    %dma_wait3A_306 = tpu.memref_slice %arg4[%add3A_302, %dma_wait3A_305] : memref<49152x128xf32, #tpu.memory_space<hbm>> -> memref<128x128xf32, #tpu.memory_space<hbm>>
    tpu.wait_dma2 semaphore(%arg16 : memref<!tpu.dma_semaphore, #tpu.memory_space<semaphore_mem>>) src(%arg8 : memref<128x128xf32, #tpu.memory_space<vmem>>) dst(%dma_wait3A_306 : memref<128x128xf32, #tpu.memory_space<hbm>>)
    %add3A_307 = arith.constant 1408 : i32
    %add3A_308 = arith.addi %mul3A_2, %add3A_307 : i32
    %dma_wait3A_309 = arith.constant 0 : i32
    %dma_wait3A_310 = tpu.memref_slice %arg4[%add3A_308, %dma_wait3A_309] : memref<49152x128xf32, #tpu.memory_space<hbm>> -> memref<128x128xf32, #tpu.memory_space<hbm>>
    %dma_wait3A_311 = arith.constant 0 : i32
    %dma_wait3A_312 = tpu.memref_slice %arg4[%add3A_308, %dma_wait3A_311] : memref<49152x128xf32, #tpu.memory_space<hbm>> -> memref<128x128xf32, #tpu.memory_space<hbm>>
    tpu.wait_dma2 semaphore(%arg17 : memref<!tpu.dma_semaphore, #tpu.memory_space<semaphore_mem>>) src(%arg9 : memref<128x128xf32, #tpu.memory_space<vmem>>) dst(%dma_wait3A_312 : memref<128x128xf32, #tpu.memory_space<hbm>>)
    return
  }
}

#map = affine_map<(d0, d1) -> (0, 0)>
#map1 = affine_map<(d0, d1) -> (0, 0, 0)>
module attributes {stable_mosaic.version = 14 : i64} {
  func.func @body(%arg0: i32, %arg1: i32, %arg2: memref<100000x128xf32, #tpu.memory_space<hbm>>, %arg3: memref<32x12x128xi32, #tpu.memory_space<hbm>>, %arg4: memref<49152x128xf32, #tpu.memory_space<hbm>>, %arg5: memref<12x128xi32, #tpu.memory_space<vmem>>, %arg6: memref<128x128xf32, #tpu.memory_space<vmem>>, %arg7: memref<128x128xf32, #tpu.memory_space<vmem>>, %arg8: memref<128x128xf32, #tpu.memory_space<vmem>>, %arg9: memref<128x128xf32, #tpu.memory_space<vmem>>, %arg10: memref<!tpu.dma_semaphore, #tpu.memory_space<semaphore_mem>>, %arg11: memref<!tpu.dma_semaphore, #tpu.memory_space<semaphore_mem>>, %arg12: memref<!tpu.dma_semaphore, #tpu.memory_space<semaphore_mem>>, %arg13: memref<!tpu.dma_semaphore, #tpu.memory_space<semaphore_mem>>, %arg14: memref<!tpu.dma_semaphore, #tpu.memory_space<semaphore_mem>>, %arg15: memref<!tpu.dma_semaphore, #tpu.memory_space<semaphore_mem>>, %arg16: memref<!tpu.dma_semaphore, #tpu.memory_space<semaphore_mem>>, %arg17: memref<!tpu.dma_semaphore, #tpu.memory_space<semaphore_mem>>) attributes {dimension_semantics = [#tpu.dimension_semantics<core_parallel>, #tpu.dimension_semantics<subcore_parallel>], iteration_bounds = array<i64: 2, 16>, scalar_prefetch = 0 : i64, scratch_operands = 13 : i64, tpu.core_type = #tpu.core_type<sc_vector_subcore>, window_params = [{transform_indices = #map}, {transform_indices = #map1}, {transform_indices = #map}]} {
    %mul3A = arith.constant 2 : i32
    %mul3A_0 = arith.muli %arg1, %mul3A : i32
    %add3A = arith.addi %mul3A_0, %arg0 : i32
    %mul3A_1 = arith.constant 1536 : i32
    %mul3A_2 = arith.muli %add3A, %mul3A_1 : i32
    "tpu.region"() ({
      %run_scoped3A = tpu.sem_alloc : memref<!tpu.dma_semaphore, #tpu.memory_space<semaphore_mem>>
      %dma_start3A_313 = arith.constant 0 : i32
      %dma_start3A_314 = arith.constant 0 : i32
      %dma_start3A_315 = tpu.memref_slice %arg3[%add3A, %dma_start3A_313, %dma_start3A_314] : memref<32x12x128xi32, #tpu.memory_space<hbm>> -> memref<1x12x128xi32, #tpu.memory_space<hbm>>
      %dma_start3A_316 = tpu.memref_squeeze %dma_start3A_315 : memref<1x12x128xi32, #tpu.memory_space<hbm>> -> memref<12x128xi32, #tpu.memory_space<hbm>>
      %dma_start3A_317 = arith.constant 0 : i32
      %dma_start3A_318 = arith.constant 0 : i32
      %dma_start3A_319 = tpu.memref_slice %arg3[%add3A, %dma_start3A_317, %dma_start3A_318] : memref<32x12x128xi32, #tpu.memory_space<hbm>> -> memref<1x12x128xi32, #tpu.memory_space<hbm>>
      %dma_start3A_320 = tpu.memref_squeeze %dma_start3A_319 : memref<1x12x128xi32, #tpu.memory_space<hbm>> -> memref<12x128xi32, #tpu.memory_space<hbm>>
      tpu.enqueue_dma source(%dma_start3A_320 : memref<12x128xi32, #tpu.memory_space<hbm>>) target(%arg5 : memref<12x128xi32, #tpu.memory_space<vmem>>) target_semaphore(%run_scoped3A : memref<!tpu.dma_semaphore, #tpu.memory_space<semaphore_mem>>)
      %dma_wait3A_321 = arith.constant 0 : i32
      %dma_wait3A_322 = arith.constant 0 : i32
      %dma_wait3A_323 = tpu.memref_slice %arg3[%add3A, %dma_wait3A_321, %dma_wait3A_322] : memref<32x12x128xi32, #tpu.memory_space<hbm>> -> memref<1x12x128xi32, #tpu.memory_space<hbm>>
      %dma_wait3A_324 = tpu.memref_squeeze %dma_wait3A_323 : memref<1x12x128xi32, #tpu.memory_space<hbm>> -> memref<12x128xi32, #tpu.memory_space<hbm>>
      %dma_wait3A_325 = arith.constant 0 : i32
      %dma_wait3A_326 = arith.constant 0 : i32
      %dma_wait3A_327 = tpu.memref_slice %arg3[%add3A, %dma_wait3A_325, %dma_wait3A_326] : memref<32x12x128xi32, #tpu.memory_space<hbm>> -> memref<1x12x128xi32, #tpu.memory_space<hbm>>
      %dma_wait3A_328 = tpu.memref_squeeze %dma_wait3A_327 : memref<1x12x128xi32, #tpu.memory_space<hbm>> -> memref<12x128xi32, #tpu.memory_space<hbm>>
      tpu.wait_dma2 semaphore(%run_scoped3A : memref<!tpu.dma_semaphore, #tpu.memory_space<semaphore_mem>>) src(%dma_wait3A_328 : memref<12x128xi32, #tpu.memory_space<hbm>>) dst(%arg5 : memref<12x128xi32, #tpu.memory_space<vmem>>)
      tpu.yield
    }) : () -> ()
    %dma_start3A = arith.constant 0 : i32
    %dma_start3A_3 = arith.constant 0 : i32
    %dma_start3A_4 = tpu.memref_slice %arg5[%dma_start3A, %dma_start3A_3] : memref<12x128xi32, #tpu.memory_space<vmem>> -> memref<1x128xi32, #tpu.memory_space<vmem>>
    %dma_start3A_5 = tpu.memref_squeeze %dma_start3A_4 : memref<1x128xi32, #tpu.memory_space<vmem>> -> memref<128xi32, #tpu.memory_space<vmem>>
    %dma_start3A_6 = arith.constant 0 : i32
    %dma_start3A_7 = arith.constant 0 : i32
    %dma_start3A_8 = tpu.memref_slice %arg2[%dma_start3A_6, %dma_start3A_7] : memref<100000x128xf32, #tpu.memory_space<hbm>> -> memref<100000x128xf32, #tpu.memory_space<hbm>>
    tpu.enqueue_indirect_dma source(%dma_start3A_8 : memref<100000x128xf32, #tpu.memory_space<hbm>>) target(%arg6 : memref<128x128xf32, #tpu.memory_space<vmem>>) offsets(%dma_start3A_5 : memref<128xi32, #tpu.memory_space<vmem>>) semaphore(%arg10 : memref<!tpu.dma_semaphore, #tpu.memory_space<semaphore_mem>>)
    %dma_start3A_9 = arith.constant 1 : i32
    %dma_start3A_10 = arith.constant 0 : i32
    %dma_start3A_11 = tpu.memref_slice %arg5[%dma_start3A_9, %dma_start3A_10] : memref<12x128xi32, #tpu.memory_space<vmem>> -> memref<1x128xi32, #tpu.memory_space<vmem>>
    %dma_start3A_12 = tpu.memref_squeeze %dma_start3A_11 : memref<1x128xi32, #tpu.memory_space<vmem>> -> memref<128xi32, #tpu.memory_space<vmem>>
    %dma_start3A_13 = arith.constant 0 : i32
    %dma_start3A_14 = arith.constant 0 : i32
    %dma_start3A_15 = tpu.memref_slice %arg2[%dma_start3A_13, %dma_start3A_14] : memref<100000x128xf32, #tpu.memory_space<hbm>> -> memref<100000x128xf32, #tpu.memory_space<hbm>>
    tpu.enqueue_indirect_dma source(%dma_start3A_15 : memref<100000x128xf32, #tpu.memory_space<hbm>>) target(%arg7 : memref<128x128xf32, #tpu.memory_space<vmem>>) offsets(%dma_start3A_12 : memref<128xi32, #tpu.memory_space<vmem>>) semaphore(%arg11 : memref<!tpu.dma_semaphore, #tpu.memory_space<semaphore_mem>>)
    %dma_wait3A = arith.constant 0 : i32
    %dma_wait3A_16 = arith.constant 0 : i32
    %dma_wait3A_17 = tpu.memref_slice %arg5[%dma_wait3A, %dma_wait3A_16] : memref<12x128xi32, #tpu.memory_space<vmem>> -> memref<1x128xi32, #tpu.memory_space<vmem>>
    %dma_wait3A_18 = tpu.memref_squeeze %dma_wait3A_17 : memref<1x128xi32, #tpu.memory_space<vmem>> -> memref<128xi32, #tpu.memory_space<vmem>>
    %dma_wait3A_19 = arith.constant 0 : i32
    %dma_wait3A_20 = arith.constant 0 : i32
    %dma_wait3A_21 = tpu.memref_slice %arg2[%dma_wait3A_19, %dma_wait3A_20] : memref<100000x128xf32, #tpu.memory_space<hbm>> -> memref<100000x128xf32, #tpu.memory_space<hbm>>
    tpu.wait_indirect_dma semaphore(%arg10 : memref<!tpu.dma_semaphore, #tpu.memory_space<semaphore_mem>>) src(%dma_wait3A_21 : memref<100000x128xf32, #tpu.memory_space<hbm>>) dst(%arg6 : memref<128x128xf32, #tpu.memory_space<vmem>>)
    %add3A_22 = arith.constant 0 : i32
    %add3A_23 = arith.addi %mul3A_2, %add3A_22 : i32
    %dma_start3A_24 = arith.constant 0 : i32
    %dma_start3A_25 = tpu.memref_slice %arg4[%add3A_23, %dma_start3A_24] : memref<49152x128xf32, #tpu.memory_space<hbm>> -> memref<128x128xf32, #tpu.memory_space<hbm>>
    %dma_start3A_26 = arith.constant 0 : i32
    %dma_start3A_27 = tpu.memref_slice %arg4[%add3A_23, %dma_start3A_26] : memref<49152x128xf32, #tpu.memory_space<hbm>> -> memref<128x128xf32, #tpu.memory_space<hbm>>
    tpu.enqueue_dma source(%arg6 : memref<128x128xf32, #tpu.memory_space<vmem>>) target(%dma_start3A_27 : memref<128x128xf32, #tpu.memory_space<hbm>>) target_semaphore(%arg14 : memref<!tpu.dma_semaphore, #tpu.memory_space<semaphore_mem>>)
    %dma_start3A_28 = arith.constant 2 : i32
    %dma_start3A_29 = arith.constant 0 : i32
    %dma_start3A_30 = tpu.memref_slice %arg5[%dma_start3A_28, %dma_start3A_29] : memref<12x128xi32, #tpu.memory_space<vmem>> -> memref<1x128xi32, #tpu.memory_space<vmem>>
    %dma_start3A_31 = tpu.memref_squeeze %dma_start3A_30 : memref<1x128xi32, #tpu.memory_space<vmem>> -> memref<128xi32, #tpu.memory_space<vmem>>
    %dma_start3A_32 = arith.constant 0 : i32
    %dma_start3A_33 = arith.constant 0 : i32
    %dma_start3A_34 = tpu.memref_slice %arg2[%dma_start3A_32, %dma_start3A_33] : memref<100000x128xf32, #tpu.memory_space<hbm>> -> memref<100000x128xf32, #tpu.memory_space<hbm>>
    tpu.enqueue_indirect_dma source(%dma_start3A_34 : memref<100000x128xf32, #tpu.memory_space<hbm>>) target(%arg8 : memref<128x128xf32, #tpu.memory_space<vmem>>) offsets(%dma_start3A_31 : memref<128xi32, #tpu.memory_space<vmem>>) semaphore(%arg12 : memref<!tpu.dma_semaphore, #tpu.memory_space<semaphore_mem>>)
    %dma_wait3A_35 = arith.constant 1 : i32
    %dma_wait3A_36 = arith.constant 0 : i32
    %dma_wait3A_37 = tpu.memref_slice %arg5[%dma_wait3A_35, %dma_wait3A_36] : memref<12x128xi32, #tpu.memory_space<vmem>> -> memref<1x128xi32, #tpu.memory_space<vmem>>
    %dma_wait3A_38 = tpu.memref_squeeze %dma_wait3A_37 : memref<1x128xi32, #tpu.memory_space<vmem>> -> memref<128xi32, #tpu.memory_space<vmem>>
    %dma_wait3A_39 = arith.constant 0 : i32
    %dma_wait3A_40 = arith.constant 0 : i32
    %dma_wait3A_41 = tpu.memref_slice %arg2[%dma_wait3A_39, %dma_wait3A_40] : memref<100000x128xf32, #tpu.memory_space<hbm>> -> memref<100000x128xf32, #tpu.memory_space<hbm>>
    tpu.wait_indirect_dma semaphore(%arg11 : memref<!tpu.dma_semaphore, #tpu.memory_space<semaphore_mem>>) src(%dma_wait3A_41 : memref<100000x128xf32, #tpu.memory_space<hbm>>) dst(%arg7 : memref<128x128xf32, #tpu.memory_space<vmem>>)
    %add3A_42 = arith.constant 128 : i32
    %add3A_43 = arith.addi %mul3A_2, %add3A_42 : i32
    %dma_start3A_44 = arith.constant 0 : i32
    %dma_start3A_45 = tpu.memref_slice %arg4[%add3A_43, %dma_start3A_44] : memref<49152x128xf32, #tpu.memory_space<hbm>> -> memref<128x128xf32, #tpu.memory_space<hbm>>
    %dma_start3A_46 = arith.constant 0 : i32
    %dma_start3A_47 = tpu.memref_slice %arg4[%add3A_43, %dma_start3A_46] : memref<49152x128xf32, #tpu.memory_space<hbm>> -> memref<128x128xf32, #tpu.memory_space<hbm>>
    tpu.enqueue_dma source(%arg7 : memref<128x128xf32, #tpu.memory_space<vmem>>) target(%dma_start3A_47 : memref<128x128xf32, #tpu.memory_space<hbm>>) target_semaphore(%arg15 : memref<!tpu.dma_semaphore, #tpu.memory_space<semaphore_mem>>)
    %dma_start3A_48 = arith.constant 3 : i32
    %dma_start3A_49 = arith.constant 0 : i32
    %dma_start3A_50 = tpu.memref_slice %arg5[%dma_start3A_48, %dma_start3A_49] : memref<12x128xi32, #tpu.memory_space<vmem>> -> memref<1x128xi32, #tpu.memory_space<vmem>>
    %dma_start3A_51 = tpu.memref_squeeze %dma_start3A_50 : memref<1x128xi32, #tpu.memory_space<vmem>> -> memref<128xi32, #tpu.memory_space<vmem>>
    %dma_start3A_52 = arith.constant 0 : i32
    %dma_start3A_53 = arith.constant 0 : i32
    %dma_start3A_54 = tpu.memref_slice %arg2[%dma_start3A_52, %dma_start3A_53] : memref<100000x128xf32, #tpu.memory_space<hbm>> -> memref<100000x128xf32, #tpu.memory_space<hbm>>
    tpu.enqueue_indirect_dma source(%dma_start3A_54 : memref<100000x128xf32, #tpu.memory_space<hbm>>) target(%arg9 : memref<128x128xf32, #tpu.memory_space<vmem>>) offsets(%dma_start3A_51 : memref<128xi32, #tpu.memory_space<vmem>>) semaphore(%arg13 : memref<!tpu.dma_semaphore, #tpu.memory_space<semaphore_mem>>)
    %dma_wait3A_55 = arith.constant 2 : i32
    %dma_wait3A_56 = arith.constant 0 : i32
    %dma_wait3A_57 = tpu.memref_slice %arg5[%dma_wait3A_55, %dma_wait3A_56] : memref<12x128xi32, #tpu.memory_space<vmem>> -> memref<1x128xi32, #tpu.memory_space<vmem>>
    %dma_wait3A_58 = tpu.memref_squeeze %dma_wait3A_57 : memref<1x128xi32, #tpu.memory_space<vmem>> -> memref<128xi32, #tpu.memory_space<vmem>>
    %dma_wait3A_59 = arith.constant 0 : i32
    %dma_wait3A_60 = arith.constant 0 : i32
    %dma_wait3A_61 = tpu.memref_slice %arg2[%dma_wait3A_59, %dma_wait3A_60] : memref<100000x128xf32, #tpu.memory_space<hbm>> -> memref<100000x128xf32, #tpu.memory_space<hbm>>
    tpu.wait_indirect_dma semaphore(%arg12 : memref<!tpu.dma_semaphore, #tpu.memory_space<semaphore_mem>>) src(%dma_wait3A_61 : memref<100000x128xf32, #tpu.memory_space<hbm>>) dst(%arg8 : memref<128x128xf32, #tpu.memory_space<vmem>>)
    %add3A_62 = arith.constant 256 : i32
    %add3A_63 = arith.addi %mul3A_2, %add3A_62 : i32
    %dma_start3A_64 = arith.constant 0 : i32
    %dma_start3A_65 = tpu.memref_slice %arg4[%add3A_63, %dma_start3A_64] : memref<49152x128xf32, #tpu.memory_space<hbm>> -> memref<128x128xf32, #tpu.memory_space<hbm>>
    %dma_start3A_66 = arith.constant 0 : i32
    %dma_start3A_67 = tpu.memref_slice %arg4[%add3A_63, %dma_start3A_66] : memref<49152x128xf32, #tpu.memory_space<hbm>> -> memref<128x128xf32, #tpu.memory_space<hbm>>
    tpu.enqueue_dma source(%arg8 : memref<128x128xf32, #tpu.memory_space<vmem>>) target(%dma_start3A_67 : memref<128x128xf32, #tpu.memory_space<hbm>>) target_semaphore(%arg16 : memref<!tpu.dma_semaphore, #tpu.memory_space<semaphore_mem>>)
    %add3A_68 = arith.constant 0 : i32
    %add3A_69 = arith.addi %mul3A_2, %add3A_68 : i32
    %dma_wait3A_70 = arith.constant 0 : i32
    %dma_wait3A_71 = tpu.memref_slice %arg4[%add3A_69, %dma_wait3A_70] : memref<49152x128xf32, #tpu.memory_space<hbm>> -> memref<128x128xf32, #tpu.memory_space<hbm>>
    %dma_wait3A_72 = arith.constant 0 : i32
    %dma_wait3A_73 = tpu.memref_slice %arg4[%add3A_69, %dma_wait3A_72] : memref<49152x128xf32, #tpu.memory_space<hbm>> -> memref<128x128xf32, #tpu.memory_space<hbm>>
    tpu.wait_dma2 semaphore(%arg14 : memref<!tpu.dma_semaphore, #tpu.memory_space<semaphore_mem>>) src(%arg6 : memref<128x128xf32, #tpu.memory_space<vmem>>) dst(%dma_wait3A_73 : memref<128x128xf32, #tpu.memory_space<hbm>>)
    %dma_start3A_74 = arith.constant 4 : i32
    %dma_start3A_75 = arith.constant 0 : i32
    %dma_start3A_76 = tpu.memref_slice %arg5[%dma_start3A_74, %dma_start3A_75] : memref<12x128xi32, #tpu.memory_space<vmem>> -> memref<1x128xi32, #tpu.memory_space<vmem>>
    %dma_start3A_77 = tpu.memref_squeeze %dma_start3A_76 : memref<1x128xi32, #tpu.memory_space<vmem>> -> memref<128xi32, #tpu.memory_space<vmem>>
    %dma_start3A_78 = arith.constant 0 : i32
    %dma_start3A_79 = arith.constant 0 : i32
    %dma_start3A_80 = tpu.memref_slice %arg2[%dma_start3A_78, %dma_start3A_79] : memref<100000x128xf32, #tpu.memory_space<hbm>> -> memref<100000x128xf32, #tpu.memory_space<hbm>>
    tpu.enqueue_indirect_dma source(%dma_start3A_80 : memref<100000x128xf32, #tpu.memory_space<hbm>>) target(%arg6 : memref<128x128xf32, #tpu.memory_space<vmem>>) offsets(%dma_start3A_77 : memref<128xi32, #tpu.memory_space<vmem>>) semaphore(%arg10 : memref<!tpu.dma_semaphore, #tpu.memory_space<semaphore_mem>>)
    %dma_wait3A_81 = arith.constant 3 : i32
    %dma_wait3A_82 = arith.constant 0 : i32
    %dma_wait3A_83 = tpu.memref_slice %arg5[%dma_wait3A_81, %dma_wait3A_82] : memref<12x128xi32, #tpu.memory_space<vmem>> -> memref<1x128xi32, #tpu.memory_space<vmem>>
    %dma_wait3A_84 = tpu.memref_squeeze %dma_wait3A_83 : memref<1x128xi32, #tpu.memory_space<vmem>> -> memref<128xi32, #tpu.memory_space<vmem>>
    %dma_wait3A_85 = arith.constant 0 : i32
    %dma_wait3A_86 = arith.constant 0 : i32
    %dma_wait3A_87 = tpu.memref_slice %arg2[%dma_wait3A_85, %dma_wait3A_86] : memref<100000x128xf32, #tpu.memory_space<hbm>> -> memref<100000x128xf32, #tpu.memory_space<hbm>>
    tpu.wait_indirect_dma semaphore(%arg13 : memref<!tpu.dma_semaphore, #tpu.memory_space<semaphore_mem>>) src(%dma_wait3A_87 : memref<100000x128xf32, #tpu.memory_space<hbm>>) dst(%arg9 : memref<128x128xf32, #tpu.memory_space<vmem>>)
    %add3A_88 = arith.constant 384 : i32
    %add3A_89 = arith.addi %mul3A_2, %add3A_88 : i32
    %dma_start3A_90 = arith.constant 0 : i32
    %dma_start3A_91 = tpu.memref_slice %arg4[%add3A_89, %dma_start3A_90] : memref<49152x128xf32, #tpu.memory_space<hbm>> -> memref<128x128xf32, #tpu.memory_space<hbm>>
    %dma_start3A_92 = arith.constant 0 : i32
    %dma_start3A_93 = tpu.memref_slice %arg4[%add3A_89, %dma_start3A_92] : memref<49152x128xf32, #tpu.memory_space<hbm>> -> memref<128x128xf32, #tpu.memory_space<hbm>>
    tpu.enqueue_dma source(%arg9 : memref<128x128xf32, #tpu.memory_space<vmem>>) target(%dma_start3A_93 : memref<128x128xf32, #tpu.memory_space<hbm>>) target_semaphore(%arg17 : memref<!tpu.dma_semaphore, #tpu.memory_space<semaphore_mem>>)
    %add3A_94 = arith.constant 128 : i32
    %add3A_95 = arith.addi %mul3A_2, %add3A_94 : i32
    %dma_wait3A_96 = arith.constant 0 : i32
    %dma_wait3A_97 = tpu.memref_slice %arg4[%add3A_95, %dma_wait3A_96] : memref<49152x128xf32, #tpu.memory_space<hbm>> -> memref<128x128xf32, #tpu.memory_space<hbm>>
    %dma_wait3A_98 = arith.constant 0 : i32
    %dma_wait3A_99 = tpu.memref_slice %arg4[%add3A_95, %dma_wait3A_98] : memref<49152x128xf32, #tpu.memory_space<hbm>> -> memref<128x128xf32, #tpu.memory_space<hbm>>
    tpu.wait_dma2 semaphore(%arg15 : memref<!tpu.dma_semaphore, #tpu.memory_space<semaphore_mem>>) src(%arg7 : memref<128x128xf32, #tpu.memory_space<vmem>>) dst(%dma_wait3A_99 : memref<128x128xf32, #tpu.memory_space<hbm>>)
    %dma_start3A_100 = arith.constant 5 : i32
    %dma_start3A_101 = arith.constant 0 : i32
    %dma_start3A_102 = tpu.memref_slice %arg5[%dma_start3A_100, %dma_start3A_101] : memref<12x128xi32, #tpu.memory_space<vmem>> -> memref<1x128xi32, #tpu.memory_space<vmem>>
    %dma_start3A_103 = tpu.memref_squeeze %dma_start3A_102 : memref<1x128xi32, #tpu.memory_space<vmem>> -> memref<128xi32, #tpu.memory_space<vmem>>
    %dma_start3A_104 = arith.constant 0 : i32
    %dma_start3A_105 = arith.constant 0 : i32
    %dma_start3A_106 = tpu.memref_slice %arg2[%dma_start3A_104, %dma_start3A_105] : memref<100000x128xf32, #tpu.memory_space<hbm>> -> memref<100000x128xf32, #tpu.memory_space<hbm>>
    tpu.enqueue_indirect_dma source(%dma_start3A_106 : memref<100000x128xf32, #tpu.memory_space<hbm>>) target(%arg7 : memref<128x128xf32, #tpu.memory_space<vmem>>) offsets(%dma_start3A_103 : memref<128xi32, #tpu.memory_space<vmem>>) semaphore(%arg11 : memref<!tpu.dma_semaphore, #tpu.memory_space<semaphore_mem>>)
    %dma_wait3A_107 = arith.constant 4 : i32
    %dma_wait3A_108 = arith.constant 0 : i32
    %dma_wait3A_109 = tpu.memref_slice %arg5[%dma_wait3A_107, %dma_wait3A_108] : memref<12x128xi32, #tpu.memory_space<vmem>> -> memref<1x128xi32, #tpu.memory_space<vmem>>
    %dma_wait3A_110 = tpu.memref_squeeze %dma_wait3A_109 : memref<1x128xi32, #tpu.memory_space<vmem>> -> memref<128xi32, #tpu.memory_space<vmem>>
    %dma_wait3A_111 = arith.constant 0 : i32
    %dma_wait3A_112 = arith.constant 0 : i32
    %dma_wait3A_113 = tpu.memref_slice %arg2[%dma_wait3A_111, %dma_wait3A_112] : memref<100000x128xf32, #tpu.memory_space<hbm>> -> memref<100000x128xf32, #tpu.memory_space<hbm>>
    tpu.wait_indirect_dma semaphore(%arg10 : memref<!tpu.dma_semaphore, #tpu.memory_space<semaphore_mem>>) src(%dma_wait3A_113 : memref<100000x128xf32, #tpu.memory_space<hbm>>) dst(%arg6 : memref<128x128xf32, #tpu.memory_space<vmem>>)
    %add3A_114 = arith.constant 512 : i32
    %add3A_115 = arith.addi %mul3A_2, %add3A_114 : i32
    %dma_start3A_116 = arith.constant 0 : i32
    %dma_start3A_117 = tpu.memref_slice %arg4[%add3A_115, %dma_start3A_116] : memref<49152x128xf32, #tpu.memory_space<hbm>> -> memref<128x128xf32, #tpu.memory_space<hbm>>
    %dma_start3A_118 = arith.constant 0 : i32
    %dma_start3A_119 = tpu.memref_slice %arg4[%add3A_115, %dma_start3A_118] : memref<49152x128xf32, #tpu.memory_space<hbm>> -> memref<128x128xf32, #tpu.memory_space<hbm>>
    tpu.enqueue_dma source(%arg6 : memref<128x128xf32, #tpu.memory_space<vmem>>) target(%dma_start3A_119 : memref<128x128xf32, #tpu.memory_space<hbm>>) target_semaphore(%arg14 : memref<!tpu.dma_semaphore, #tpu.memory_space<semaphore_mem>>)
    %add3A_120 = arith.constant 256 : i32
    %add3A_121 = arith.addi %mul3A_2, %add3A_120 : i32
    %dma_wait3A_122 = arith.constant 0 : i32
    %dma_wait3A_123 = tpu.memref_slice %arg4[%add3A_121, %dma_wait3A_122] : memref<49152x128xf32, #tpu.memory_space<hbm>> -> memref<128x128xf32, #tpu.memory_space<hbm>>
    %dma_wait3A_124 = arith.constant 0 : i32
    %dma_wait3A_125 = tpu.memref_slice %arg4[%add3A_121, %dma_wait3A_124] : memref<49152x128xf32, #tpu.memory_space<hbm>> -> memref<128x128xf32, #tpu.memory_space<hbm>>
    tpu.wait_dma2 semaphore(%arg16 : memref<!tpu.dma_semaphore, #tpu.memory_space<semaphore_mem>>) src(%arg8 : memref<128x128xf32, #tpu.memory_space<vmem>>) dst(%dma_wait3A_125 : memref<128x128xf32, #tpu.memory_space<hbm>>)
    %dma_start3A_126 = arith.constant 6 : i32
    %dma_start3A_127 = arith.constant 0 : i32
    %dma_start3A_128 = tpu.memref_slice %arg5[%dma_start3A_126, %dma_start3A_127] : memref<12x128xi32, #tpu.memory_space<vmem>> -> memref<1x128xi32, #tpu.memory_space<vmem>>
    %dma_start3A_129 = tpu.memref_squeeze %dma_start3A_128 : memref<1x128xi32, #tpu.memory_space<vmem>> -> memref<128xi32, #tpu.memory_space<vmem>>
    %dma_start3A_130 = arith.constant 0 : i32
    %dma_start3A_131 = arith.constant 0 : i32
    %dma_start3A_132 = tpu.memref_slice %arg2[%dma_start3A_130, %dma_start3A_131] : memref<100000x128xf32, #tpu.memory_space<hbm>> -> memref<100000x128xf32, #tpu.memory_space<hbm>>
    tpu.enqueue_indirect_dma source(%dma_start3A_132 : memref<100000x128xf32, #tpu.memory_space<hbm>>) target(%arg8 : memref<128x128xf32, #tpu.memory_space<vmem>>) offsets(%dma_start3A_129 : memref<128xi32, #tpu.memory_space<vmem>>) semaphore(%arg12 : memref<!tpu.dma_semaphore, #tpu.memory_space<semaphore_mem>>)
    %dma_wait3A_133 = arith.constant 5 : i32
    %dma_wait3A_134 = arith.constant 0 : i32
    %dma_wait3A_135 = tpu.memref_slice %arg5[%dma_wait3A_133, %dma_wait3A_134] : memref<12x128xi32, #tpu.memory_space<vmem>> -> memref<1x128xi32, #tpu.memory_space<vmem>>
    %dma_wait3A_136 = tpu.memref_squeeze %dma_wait3A_135 : memref<1x128xi32, #tpu.memory_space<vmem>> -> memref<128xi32, #tpu.memory_space<vmem>>
    %dma_wait3A_137 = arith.constant 0 : i32
    %dma_wait3A_138 = arith.constant 0 : i32
    %dma_wait3A_139 = tpu.memref_slice %arg2[%dma_wait3A_137, %dma_wait3A_138] : memref<100000x128xf32, #tpu.memory_space<hbm>> -> memref<100000x128xf32, #tpu.memory_space<hbm>>
    tpu.wait_indirect_dma semaphore(%arg11 : memref<!tpu.dma_semaphore, #tpu.memory_space<semaphore_mem>>) src(%dma_wait3A_139 : memref<100000x128xf32, #tpu.memory_space<hbm>>) dst(%arg7 : memref<128x128xf32, #tpu.memory_space<vmem>>)
    %add3A_140 = arith.constant 640 : i32
    %add3A_141 = arith.addi %mul3A_2, %add3A_140 : i32
    %dma_start3A_142 = arith.constant 0 : i32
    %dma_start3A_143 = tpu.memref_slice %arg4[%add3A_141, %dma_start3A_142] : memref<49152x128xf32, #tpu.memory_space<hbm>> -> memref<128x128xf32, #tpu.memory_space<hbm>>
    %dma_start3A_144 = arith.constant 0 : i32
    %dma_start3A_145 = tpu.memref_slice %arg4[%add3A_141, %dma_start3A_144] : memref<49152x128xf32, #tpu.memory_space<hbm>> -> memref<128x128xf32, #tpu.memory_space<hbm>>
    tpu.enqueue_dma source(%arg7 : memref<128x128xf32, #tpu.memory_space<vmem>>) target(%dma_start3A_145 : memref<128x128xf32, #tpu.memory_space<hbm>>) target_semaphore(%arg15 : memref<!tpu.dma_semaphore, #tpu.memory_space<semaphore_mem>>)
    %add3A_146 = arith.constant 384 : i32
    %add3A_147 = arith.addi %mul3A_2, %add3A_146 : i32
    %dma_wait3A_148 = arith.constant 0 : i32
    %dma_wait3A_149 = tpu.memref_slice %arg4[%add3A_147, %dma_wait3A_148] : memref<49152x128xf32, #tpu.memory_space<hbm>> -> memref<128x128xf32, #tpu.memory_space<hbm>>
    %dma_wait3A_150 = arith.constant 0 : i32
    %dma_wait3A_151 = tpu.memref_slice %arg4[%add3A_147, %dma_wait3A_150] : memref<49152x128xf32, #tpu.memory_space<hbm>> -> memref<128x128xf32, #tpu.memory_space<hbm>>
    tpu.wait_dma2 semaphore(%arg17 : memref<!tpu.dma_semaphore, #tpu.memory_space<semaphore_mem>>) src(%arg9 : memref<128x128xf32, #tpu.memory_space<vmem>>) dst(%dma_wait3A_151 : memref<128x128xf32, #tpu.memory_space<hbm>>)
    %dma_start3A_152 = arith.constant 7 : i32
    %dma_start3A_153 = arith.constant 0 : i32
    %dma_start3A_154 = tpu.memref_slice %arg5[%dma_start3A_152, %dma_start3A_153] : memref<12x128xi32, #tpu.memory_space<vmem>> -> memref<1x128xi32, #tpu.memory_space<vmem>>
    %dma_start3A_155 = tpu.memref_squeeze %dma_start3A_154 : memref<1x128xi32, #tpu.memory_space<vmem>> -> memref<128xi32, #tpu.memory_space<vmem>>
    %dma_start3A_156 = arith.constant 0 : i32
    %dma_start3A_157 = arith.constant 0 : i32
    %dma_start3A_158 = tpu.memref_slice %arg2[%dma_start3A_156, %dma_start3A_157] : memref<100000x128xf32, #tpu.memory_space<hbm>> -> memref<100000x128xf32, #tpu.memory_space<hbm>>
    tpu.enqueue_indirect_dma source(%dma_start3A_158 : memref<100000x128xf32, #tpu.memory_space<hbm>>) target(%arg9 : memref<128x128xf32, #tpu.memory_space<vmem>>) offsets(%dma_start3A_155 : memref<128xi32, #tpu.memory_space<vmem>>) semaphore(%arg13 : memref<!tpu.dma_semaphore, #tpu.memory_space<semaphore_mem>>)
    %dma_wait3A_159 = arith.constant 6 : i32
    %dma_wait3A_160 = arith.constant 0 : i32
    %dma_wait3A_161 = tpu.memref_slice %arg5[%dma_wait3A_159, %dma_wait3A_160] : memref<12x128xi32, #tpu.memory_space<vmem>> -> memref<1x128xi32, #tpu.memory_space<vmem>>
    %dma_wait3A_162 = tpu.memref_squeeze %dma_wait3A_161 : memref<1x128xi32, #tpu.memory_space<vmem>> -> memref<128xi32, #tpu.memory_space<vmem>>
    %dma_wait3A_163 = arith.constant 0 : i32
    %dma_wait3A_164 = arith.constant 0 : i32
    %dma_wait3A_165 = tpu.memref_slice %arg2[%dma_wait3A_163, %dma_wait3A_164] : memref<100000x128xf32, #tpu.memory_space<hbm>> -> memref<100000x128xf32, #tpu.memory_space<hbm>>
    tpu.wait_indirect_dma semaphore(%arg12 : memref<!tpu.dma_semaphore, #tpu.memory_space<semaphore_mem>>) src(%dma_wait3A_165 : memref<100000x128xf32, #tpu.memory_space<hbm>>) dst(%arg8 : memref<128x128xf32, #tpu.memory_space<vmem>>)
    %add3A_166 = arith.constant 768 : i32
    %add3A_167 = arith.addi %mul3A_2, %add3A_166 : i32
    %dma_start3A_168 = arith.constant 0 : i32
    %dma_start3A_169 = tpu.memref_slice %arg4[%add3A_167, %dma_start3A_168] : memref<49152x128xf32, #tpu.memory_space<hbm>> -> memref<128x128xf32, #tpu.memory_space<hbm>>
    %dma_start3A_170 = arith.constant 0 : i32
    %dma_start3A_171 = tpu.memref_slice %arg4[%add3A_167, %dma_start3A_170] : memref<49152x128xf32, #tpu.memory_space<hbm>> -> memref<128x128xf32, #tpu.memory_space<hbm>>
    tpu.enqueue_dma source(%arg8 : memref<128x128xf32, #tpu.memory_space<vmem>>) target(%dma_start3A_171 : memref<128x128xf32, #tpu.memory_space<hbm>>) target_semaphore(%arg16 : memref<!tpu.dma_semaphore, #tpu.memory_space<semaphore_mem>>)
    %add3A_172 = arith.constant 512 : i32
    %add3A_173 = arith.addi %mul3A_2, %add3A_172 : i32
    %dma_wait3A_174 = arith.constant 0 : i32
    %dma_wait3A_175 = tpu.memref_slice %arg4[%add3A_173, %dma_wait3A_174] : memref<49152x128xf32, #tpu.memory_space<hbm>> -> memref<128x128xf32, #tpu.memory_space<hbm>>
    %dma_wait3A_176 = arith.constant 0 : i32
    %dma_wait3A_177 = tpu.memref_slice %arg4[%add3A_173, %dma_wait3A_176] : memref<49152x128xf32, #tpu.memory_space<hbm>> -> memref<128x128xf32, #tpu.memory_space<hbm>>
    tpu.wait_dma2 semaphore(%arg14 : memref<!tpu.dma_semaphore, #tpu.memory_space<semaphore_mem>>) src(%arg6 : memref<128x128xf32, #tpu.memory_space<vmem>>) dst(%dma_wait3A_177 : memref<128x128xf32, #tpu.memory_space<hbm>>)
    %dma_start3A_178 = arith.constant 8 : i32
    %dma_start3A_179 = arith.constant 0 : i32
    %dma_start3A_180 = tpu.memref_slice %arg5[%dma_start3A_178, %dma_start3A_179] : memref<12x128xi32, #tpu.memory_space<vmem>> -> memref<1x128xi32, #tpu.memory_space<vmem>>
    %dma_start3A_181 = tpu.memref_squeeze %dma_start3A_180 : memref<1x128xi32, #tpu.memory_space<vmem>> -> memref<128xi32, #tpu.memory_space<vmem>>
    %dma_start3A_182 = arith.constant 0 : i32
    %dma_start3A_183 = arith.constant 0 : i32
    %dma_start3A_184 = tpu.memref_slice %arg2[%dma_start3A_182, %dma_start3A_183] : memref<100000x128xf32, #tpu.memory_space<hbm>> -> memref<100000x128xf32, #tpu.memory_space<hbm>>
    tpu.enqueue_indirect_dma source(%dma_start3A_184 : memref<100000x128xf32, #tpu.memory_space<hbm>>) target(%arg6 : memref<128x128xf32, #tpu.memory_space<vmem>>) offsets(%dma_start3A_181 : memref<128xi32, #tpu.memory_space<vmem>>) semaphore(%arg10 : memref<!tpu.dma_semaphore, #tpu.memory_space<semaphore_mem>>)
    %dma_wait3A_185 = arith.constant 7 : i32
    %dma_wait3A_186 = arith.constant 0 : i32
    %dma_wait3A_187 = tpu.memref_slice %arg5[%dma_wait3A_185, %dma_wait3A_186] : memref<12x128xi32, #tpu.memory_space<vmem>> -> memref<1x128xi32, #tpu.memory_space<vmem>>
    %dma_wait3A_188 = tpu.memref_squeeze %dma_wait3A_187 : memref<1x128xi32, #tpu.memory_space<vmem>> -> memref<128xi32, #tpu.memory_space<vmem>>
    %dma_wait3A_189 = arith.constant 0 : i32
    %dma_wait3A_190 = arith.constant 0 : i32
    %dma_wait3A_191 = tpu.memref_slice %arg2[%dma_wait3A_189, %dma_wait3A_190] : memref<100000x128xf32, #tpu.memory_space<hbm>> -> memref<100000x128xf32, #tpu.memory_space<hbm>>
    tpu.wait_indirect_dma semaphore(%arg13 : memref<!tpu.dma_semaphore, #tpu.memory_space<semaphore_mem>>) src(%dma_wait3A_191 : memref<100000x128xf32, #tpu.memory_space<hbm>>) dst(%arg9 : memref<128x128xf32, #tpu.memory_space<vmem>>)
    %add3A_192 = arith.constant 896 : i32
    %add3A_193 = arith.addi %mul3A_2, %add3A_192 : i32
    %dma_start3A_194 = arith.constant 0 : i32
    %dma_start3A_195 = tpu.memref_slice %arg4[%add3A_193, %dma_start3A_194] : memref<49152x128xf32, #tpu.memory_space<hbm>> -> memref<128x128xf32, #tpu.memory_space<hbm>>
    %dma_start3A_196 = arith.constant 0 : i32
    %dma_start3A_197 = tpu.memref_slice %arg4[%add3A_193, %dma_start3A_196] : memref<49152x128xf32, #tpu.memory_space<hbm>> -> memref<128x128xf32, #tpu.memory_space<hbm>>
    tpu.enqueue_dma source(%arg9 : memref<128x128xf32, #tpu.memory_space<vmem>>) target(%dma_start3A_197 : memref<128x128xf32, #tpu.memory_space<hbm>>) target_semaphore(%arg17 : memref<!tpu.dma_semaphore, #tpu.memory_space<semaphore_mem>>)
    %add3A_198 = arith.constant 640 : i32
    %add3A_199 = arith.addi %mul3A_2, %add3A_198 : i32
    %dma_wait3A_200 = arith.constant 0 : i32
    %dma_wait3A_201 = tpu.memref_slice %arg4[%add3A_199, %dma_wait3A_200] : memref<49152x128xf32, #tpu.memory_space<hbm>> -> memref<128x128xf32, #tpu.memory_space<hbm>>
    %dma_wait3A_202 = arith.constant 0 : i32
    %dma_wait3A_203 = tpu.memref_slice %arg4[%add3A_199, %dma_wait3A_202] : memref<49152x128xf32, #tpu.memory_space<hbm>> -> memref<128x128xf32, #tpu.memory_space<hbm>>
    tpu.wait_dma2 semaphore(%arg15 : memref<!tpu.dma_semaphore, #tpu.memory_space<semaphore_mem>>) src(%arg7 : memref<128x128xf32, #tpu.memory_space<vmem>>) dst(%dma_wait3A_203 : memref<128x128xf32, #tpu.memory_space<hbm>>)
    %dma_start3A_204 = arith.constant 9 : i32
    %dma_start3A_205 = arith.constant 0 : i32
    %dma_start3A_206 = tpu.memref_slice %arg5[%dma_start3A_204, %dma_start3A_205] : memref<12x128xi32, #tpu.memory_space<vmem>> -> memref<1x128xi32, #tpu.memory_space<vmem>>
    %dma_start3A_207 = tpu.memref_squeeze %dma_start3A_206 : memref<1x128xi32, #tpu.memory_space<vmem>> -> memref<128xi32, #tpu.memory_space<vmem>>
    %dma_start3A_208 = arith.constant 0 : i32
    %dma_start3A_209 = arith.constant 0 : i32
    %dma_start3A_210 = tpu.memref_slice %arg2[%dma_start3A_208, %dma_start3A_209] : memref<100000x128xf32, #tpu.memory_space<hbm>> -> memref<100000x128xf32, #tpu.memory_space<hbm>>
    tpu.enqueue_indirect_dma source(%dma_start3A_210 : memref<100000x128xf32, #tpu.memory_space<hbm>>) target(%arg7 : memref<128x128xf32, #tpu.memory_space<vmem>>) offsets(%dma_start3A_207 : memref<128xi32, #tpu.memory_space<vmem>>) semaphore(%arg11 : memref<!tpu.dma_semaphore, #tpu.memory_space<semaphore_mem>>)
    %dma_wait3A_211 = arith.constant 8 : i32
    %dma_wait3A_212 = arith.constant 0 : i32
    %dma_wait3A_213 = tpu.memref_slice %arg5[%dma_wait3A_211, %dma_wait3A_212] : memref<12x128xi32, #tpu.memory_space<vmem>> -> memref<1x128xi32, #tpu.memory_space<vmem>>
    %dma_wait3A_214 = tpu.memref_squeeze %dma_wait3A_213 : memref<1x128xi32, #tpu.memory_space<vmem>> -> memref<128xi32, #tpu.memory_space<vmem>>
    %dma_wait3A_215 = arith.constant 0 : i32
    %dma_wait3A_216 = arith.constant 0 : i32
    %dma_wait3A_217 = tpu.memref_slice %arg2[%dma_wait3A_215, %dma_wait3A_216] : memref<100000x128xf32, #tpu.memory_space<hbm>> -> memref<100000x128xf32, #tpu.memory_space<hbm>>
    tpu.wait_indirect_dma semaphore(%arg10 : memref<!tpu.dma_semaphore, #tpu.memory_space<semaphore_mem>>) src(%dma_wait3A_217 : memref<100000x128xf32, #tpu.memory_space<hbm>>) dst(%arg6 : memref<128x128xf32, #tpu.memory_space<vmem>>)
    %add3A_218 = arith.constant 1024 : i32
    %add3A_219 = arith.addi %mul3A_2, %add3A_218 : i32
    %dma_start3A_220 = arith.constant 0 : i32
    %dma_start3A_221 = tpu.memref_slice %arg4[%add3A_219, %dma_start3A_220] : memref<49152x128xf32, #tpu.memory_space<hbm>> -> memref<128x128xf32, #tpu.memory_space<hbm>>
    %dma_start3A_222 = arith.constant 0 : i32
    %dma_start3A_223 = tpu.memref_slice %arg4[%add3A_219, %dma_start3A_222] : memref<49152x128xf32, #tpu.memory_space<hbm>> -> memref<128x128xf32, #tpu.memory_space<hbm>>
    tpu.enqueue_dma source(%arg6 : memref<128x128xf32, #tpu.memory_space<vmem>>) target(%dma_start3A_223 : memref<128x128xf32, #tpu.memory_space<hbm>>) target_semaphore(%arg14 : memref<!tpu.dma_semaphore, #tpu.memory_space<semaphore_mem>>)
    %add3A_224 = arith.constant 768 : i32
    %add3A_225 = arith.addi %mul3A_2, %add3A_224 : i32
    %dma_wait3A_226 = arith.constant 0 : i32
    %dma_wait3A_227 = tpu.memref_slice %arg4[%add3A_225, %dma_wait3A_226] : memref<49152x128xf32, #tpu.memory_space<hbm>> -> memref<128x128xf32, #tpu.memory_space<hbm>>
    %dma_wait3A_228 = arith.constant 0 : i32
    %dma_wait3A_229 = tpu.memref_slice %arg4[%add3A_225, %dma_wait3A_228] : memref<49152x128xf32, #tpu.memory_space<hbm>> -> memref<128x128xf32, #tpu.memory_space<hbm>>
    tpu.wait_dma2 semaphore(%arg16 : memref<!tpu.dma_semaphore, #tpu.memory_space<semaphore_mem>>) src(%arg8 : memref<128x128xf32, #tpu.memory_space<vmem>>) dst(%dma_wait3A_229 : memref<128x128xf32, #tpu.memory_space<hbm>>)
    %dma_start3A_230 = arith.constant 10 : i32
    %dma_start3A_231 = arith.constant 0 : i32
    %dma_start3A_232 = tpu.memref_slice %arg5[%dma_start3A_230, %dma_start3A_231] : memref<12x128xi32, #tpu.memory_space<vmem>> -> memref<1x128xi32, #tpu.memory_space<vmem>>
    %dma_start3A_233 = tpu.memref_squeeze %dma_start3A_232 : memref<1x128xi32, #tpu.memory_space<vmem>> -> memref<128xi32, #tpu.memory_space<vmem>>
    %dma_start3A_234 = arith.constant 0 : i32
    %dma_start3A_235 = arith.constant 0 : i32
    %dma_start3A_236 = tpu.memref_slice %arg2[%dma_start3A_234, %dma_start3A_235] : memref<100000x128xf32, #tpu.memory_space<hbm>> -> memref<100000x128xf32, #tpu.memory_space<hbm>>
    tpu.enqueue_indirect_dma source(%dma_start3A_236 : memref<100000x128xf32, #tpu.memory_space<hbm>>) target(%arg8 : memref<128x128xf32, #tpu.memory_space<vmem>>) offsets(%dma_start3A_233 : memref<128xi32, #tpu.memory_space<vmem>>) semaphore(%arg12 : memref<!tpu.dma_semaphore, #tpu.memory_space<semaphore_mem>>)
    %dma_wait3A_237 = arith.constant 9 : i32
    %dma_wait3A_238 = arith.constant 0 : i32
    %dma_wait3A_239 = tpu.memref_slice %arg5[%dma_wait3A_237, %dma_wait3A_238] : memref<12x128xi32, #tpu.memory_space<vmem>> -> memref<1x128xi32, #tpu.memory_space<vmem>>
    %dma_wait3A_240 = tpu.memref_squeeze %dma_wait3A_239 : memref<1x128xi32, #tpu.memory_space<vmem>> -> memref<128xi32, #tpu.memory_space<vmem>>
    %dma_wait3A_241 = arith.constant 0 : i32
    %dma_wait3A_242 = arith.constant 0 : i32
    %dma_wait3A_243 = tpu.memref_slice %arg2[%dma_wait3A_241, %dma_wait3A_242] : memref<100000x128xf32, #tpu.memory_space<hbm>> -> memref<100000x128xf32, #tpu.memory_space<hbm>>
    tpu.wait_indirect_dma semaphore(%arg11 : memref<!tpu.dma_semaphore, #tpu.memory_space<semaphore_mem>>) src(%dma_wait3A_243 : memref<100000x128xf32, #tpu.memory_space<hbm>>) dst(%arg7 : memref<128x128xf32, #tpu.memory_space<vmem>>)
    %add3A_244 = arith.constant 1152 : i32
    %add3A_245 = arith.addi %mul3A_2, %add3A_244 : i32
    %dma_start3A_246 = arith.constant 0 : i32
    %dma_start3A_247 = tpu.memref_slice %arg4[%add3A_245, %dma_start3A_246] : memref<49152x128xf32, #tpu.memory_space<hbm>> -> memref<128x128xf32, #tpu.memory_space<hbm>>
    %dma_start3A_248 = arith.constant 0 : i32
    %dma_start3A_249 = tpu.memref_slice %arg4[%add3A_245, %dma_start3A_248] : memref<49152x128xf32, #tpu.memory_space<hbm>> -> memref<128x128xf32, #tpu.memory_space<hbm>>
    tpu.enqueue_dma source(%arg7 : memref<128x128xf32, #tpu.memory_space<vmem>>) target(%dma_start3A_249 : memref<128x128xf32, #tpu.memory_space<hbm>>) target_semaphore(%arg15 : memref<!tpu.dma_semaphore, #tpu.memory_space<semaphore_mem>>)
    %add3A_250 = arith.constant 896 : i32
    %add3A_251 = arith.addi %mul3A_2, %add3A_250 : i32
    %dma_wait3A_252 = arith.constant 0 : i32
    %dma_wait3A_253 = tpu.memref_slice %arg4[%add3A_251, %dma_wait3A_252] : memref<49152x128xf32, #tpu.memory_space<hbm>> -> memref<128x128xf32, #tpu.memory_space<hbm>>
    %dma_wait3A_254 = arith.constant 0 : i32
    %dma_wait3A_255 = tpu.memref_slice %arg4[%add3A_251, %dma_wait3A_254] : memref<49152x128xf32, #tpu.memory_space<hbm>> -> memref<128x128xf32, #tpu.memory_space<hbm>>
    tpu.wait_dma2 semaphore(%arg17 : memref<!tpu.dma_semaphore, #tpu.memory_space<semaphore_mem>>) src(%arg9 : memref<128x128xf32, #tpu.memory_space<vmem>>) dst(%dma_wait3A_255 : memref<128x128xf32, #tpu.memory_space<hbm>>)
    %dma_start3A_256 = arith.constant 11 : i32
    %dma_start3A_257 = arith.constant 0 : i32
    %dma_start3A_258 = tpu.memref_slice %arg5[%dma_start3A_256, %dma_start3A_257] : memref<12x128xi32, #tpu.memory_space<vmem>> -> memref<1x128xi32, #tpu.memory_space<vmem>>
    %dma_start3A_259 = tpu.memref_squeeze %dma_start3A_258 : memref<1x128xi32, #tpu.memory_space<vmem>> -> memref<128xi32, #tpu.memory_space<vmem>>
    %dma_start3A_260 = arith.constant 0 : i32
    %dma_start3A_261 = arith.constant 0 : i32
    %dma_start3A_262 = tpu.memref_slice %arg2[%dma_start3A_260, %dma_start3A_261] : memref<100000x128xf32, #tpu.memory_space<hbm>> -> memref<100000x128xf32, #tpu.memory_space<hbm>>
    tpu.enqueue_indirect_dma source(%dma_start3A_262 : memref<100000x128xf32, #tpu.memory_space<hbm>>) target(%arg9 : memref<128x128xf32, #tpu.memory_space<vmem>>) offsets(%dma_start3A_259 : memref<128xi32, #tpu.memory_space<vmem>>) semaphore(%arg13 : memref<!tpu.dma_semaphore, #tpu.memory_space<semaphore_mem>>)
    %dma_wait3A_263 = arith.constant 10 : i32
    %dma_wait3A_264 = arith.constant 0 : i32
    %dma_wait3A_265 = tpu.memref_slice %arg5[%dma_wait3A_263, %dma_wait3A_264] : memref<12x128xi32, #tpu.memory_space<vmem>> -> memref<1x128xi32, #tpu.memory_space<vmem>>
    %dma_wait3A_266 = tpu.memref_squeeze %dma_wait3A_265 : memref<1x128xi32, #tpu.memory_space<vmem>> -> memref<128xi32, #tpu.memory_space<vmem>>
    %dma_wait3A_267 = arith.constant 0 : i32
    %dma_wait3A_268 = arith.constant 0 : i32
    %dma_wait3A_269 = tpu.memref_slice %arg2[%dma_wait3A_267, %dma_wait3A_268] : memref<100000x128xf32, #tpu.memory_space<hbm>> -> memref<100000x128xf32, #tpu.memory_space<hbm>>
    tpu.wait_indirect_dma semaphore(%arg12 : memref<!tpu.dma_semaphore, #tpu.memory_space<semaphore_mem>>) src(%dma_wait3A_269 : memref<100000x128xf32, #tpu.memory_space<hbm>>) dst(%arg8 : memref<128x128xf32, #tpu.memory_space<vmem>>)
    %add3A_270 = arith.constant 1280 : i32
    %add3A_271 = arith.addi %mul3A_2, %add3A_270 : i32
    %dma_start3A_272 = arith.constant 0 : i32
    %dma_start3A_273 = tpu.memref_slice %arg4[%add3A_271, %dma_start3A_272] : memref<49152x128xf32, #tpu.memory_space<hbm>> -> memref<128x128xf32, #tpu.memory_space<hbm>>
    %dma_start3A_274 = arith.constant 0 : i32
    %dma_start3A_275 = tpu.memref_slice %arg4[%add3A_271, %dma_start3A_274] : memref<49152x128xf32, #tpu.memory_space<hbm>> -> memref<128x128xf32, #tpu.memory_space<hbm>>
    tpu.enqueue_dma source(%arg8 : memref<128x128xf32, #tpu.memory_space<vmem>>) target(%dma_start3A_275 : memref<128x128xf32, #tpu.memory_space<hbm>>) target_semaphore(%arg16 : memref<!tpu.dma_semaphore, #tpu.memory_space<semaphore_mem>>)
    %dma_wait3A_276 = arith.constant 11 : i32
    %dma_wait3A_277 = arith.constant 0 : i32
    %dma_wait3A_278 = tpu.memref_slice %arg5[%dma_wait3A_276, %dma_wait3A_277] : memref<12x128xi32, #tpu.memory_space<vmem>> -> memref<1x128xi32, #tpu.memory_space<vmem>>
    %dma_wait3A_279 = tpu.memref_squeeze %dma_wait3A_278 : memref<1x128xi32, #tpu.memory_space<vmem>> -> memref<128xi32, #tpu.memory_space<vmem>>
    %dma_wait3A_280 = arith.constant 0 : i32
    %dma_wait3A_281 = arith.constant 0 : i32
    %dma_wait3A_282 = tpu.memref_slice %arg2[%dma_wait3A_280, %dma_wait3A_281] : memref<100000x128xf32, #tpu.memory_space<hbm>> -> memref<100000x128xf32, #tpu.memory_space<hbm>>
    tpu.wait_indirect_dma semaphore(%arg13 : memref<!tpu.dma_semaphore, #tpu.memory_space<semaphore_mem>>) src(%dma_wait3A_282 : memref<100000x128xf32, #tpu.memory_space<hbm>>) dst(%arg9 : memref<128x128xf32, #tpu.memory_space<vmem>>)
    %add3A_283 = arith.constant 1408 : i32
    %add3A_284 = arith.addi %mul3A_2, %add3A_283 : i32
    %dma_start3A_285 = arith.constant 0 : i32
    %dma_start3A_286 = tpu.memref_slice %arg4[%add3A_284, %dma_start3A_285] : memref<49152x128xf32, #tpu.memory_space<hbm>> -> memref<128x128xf32, #tpu.memory_space<hbm>>
    %dma_start3A_287 = arith.constant 0 : i32
    %dma_start3A_288 = tpu.memref_slice %arg4[%add3A_284, %dma_start3A_287] : memref<49152x128xf32, #tpu.memory_space<hbm>> -> memref<128x128xf32, #tpu.memory_space<hbm>>
    tpu.enqueue_dma source(%arg9 : memref<128x128xf32, #tpu.memory_space<vmem>>) target(%dma_start3A_288 : memref<128x128xf32, #tpu.memory_space<hbm>>) target_semaphore(%arg17 : memref<!tpu.dma_semaphore, #tpu.memory_space<semaphore_mem>>)
    %add3A_289 = arith.constant 1024 : i32
    %add3A_290 = arith.addi %mul3A_2, %add3A_289 : i32
    %dma_wait3A_291 = arith.constant 0 : i32
    %dma_wait3A_292 = tpu.memref_slice %arg4[%add3A_290, %dma_wait3A_291] : memref<49152x128xf32, #tpu.memory_space<hbm>> -> memref<128x128xf32, #tpu.memory_space<hbm>>
    %dma_wait3A_293 = arith.constant 0 : i32
    %dma_wait3A_294 = tpu.memref_slice %arg4[%add3A_290, %dma_wait3A_293] : memref<49152x128xf32, #tpu.memory_space<hbm>> -> memref<128x128xf32, #tpu.memory_space<hbm>>
    tpu.wait_dma2 semaphore(%arg14 : memref<!tpu.dma_semaphore, #tpu.memory_space<semaphore_mem>>) src(%arg6 : memref<128x128xf32, #tpu.memory_space<vmem>>) dst(%dma_wait3A_294 : memref<128x128xf32, #tpu.memory_space<hbm>>)
    %add3A_295 = arith.constant 1152 : i32
    %add3A_296 = arith.addi %mul3A_2, %add3A_295 : i32
    %dma_wait3A_297 = arith.constant 0 : i32
    %dma_wait3A_298 = tpu.memref_slice %arg4[%add3A_296, %dma_wait3A_297] : memref<49152x128xf32, #tpu.memory_space<hbm>> -> memref<128x128xf32, #tpu.memory_space<hbm>>
    %dma_wait3A_299 = arith.constant 0 : i32
    %dma_wait3A_300 = tpu.memref_slice %arg4[%add3A_296, %dma_wait3A_299] : memref<49152x128xf32, #tpu.memory_space<hbm>> -> memref<128x128xf32, #tpu.memory_space<hbm>>
    tpu.wait_dma2 semaphore(%arg15 : memref<!tpu.dma_semaphore, #tpu.memory_space<semaphore_mem>>) src(%arg7 : memref<128x128xf32, #tpu.memory_space<vmem>>) dst(%dma_wait3A_300 : memref<128x128xf32, #tpu.memory_space<hbm>>)
    %add3A_301 = arith.constant 1280 : i32
    %add3A_302 = arith.addi %mul3A_2, %add3A_301 : i32
    %dma_wait3A_303 = arith.constant 0 : i32
    %dma_wait3A_304 = tpu.memref_slice %arg4[%add3A_302, %dma_wait3A_303] : memref<49152x128xf32, #tpu.memory_space<hbm>> -> memref<128x128xf32, #tpu.memory_space<hbm>>
    %dma_wait3A_305 = arith.constant 0 : i32
    %dma_wait3A_306 = tpu.memref_slice %arg4[%add3A_302, %dma_wait3A_305] : memref<49152x128xf32, #tpu.memory_space<hbm>> -> memref<128x128xf32, #tpu.memory_space<hbm>>
    tpu.wait_dma2 semaphore(%arg16 : memref<!tpu.dma_semaphore, #tpu.memory_space<semaphore_mem>>) src(%arg8 : memref<128x128xf32, #tpu.memory_space<vmem>>) dst(%dma_wait3A_306 : memref<128x128xf32, #tpu.memory_space<hbm>>)
    %add3A_307 = arith.constant 1408 : i32
    %add3A_308 = arith.addi %mul3A_2, %add3A_307 : i32
    %dma_wait3A_309 = arith.constant 0 : i32
    %dma_wait3A_310 = tpu.memref_slice %arg4[%add3A_308, %dma_wait3A_309] : memref<49152x128xf32, #tpu.memory_space<hbm>> -> memref<128x128xf32, #tpu.memory_space<hbm>>
    %dma_wait3A_311 = arith.constant 0 : i32
    %dma_wait3A_312 = tpu.memref_slice %arg4[%add3A_308, %dma_wait3A_311] : memref<49152x128xf32, #tpu.memory_space<hbm>> -> memref<128x128xf32, #tpu.memory_space<hbm>>
    tpu.wait_dma2 semaphore(%arg17 : memref<!tpu.dma_semaphore, #tpu.memory_space<semaphore_mem>>) src(%arg9 : memref<128x128xf32, #tpu.memory_space<vmem>>) dst(%dma_wait3A_312 : memref<128x128xf32, #tpu.memory_space<hbm>>)
    return
  }
}

module attributes {stable_mosaic.version = 14 : i64} {
  func.func @_gru_body(%arg0: i32, %arg1: memref<4x1024x128xf32, #tpu.memory_space<vmem>>, %arg2: memref<4x1024x128xf32, #tpu.memory_space<vmem>>, %arg3: memref<1024x128xf32, #tpu.memory_space<vmem>>, %arg4: memref<128x384xbf16, #tpu.memory_space<vmem>>, %arg5: memref<128x384xbf16, #tpu.memory_space<vmem>>, %arg6: memref<1x384xf32, #tpu.memory_space<vmem>>, %arg7: memref<1x128xf32, #tpu.memory_space<vmem>>, %arg8: memref<1024x128xf32, #tpu.memory_space<vmem>>, %arg9: memref<1024x128xf32, #tpu.memory_space<vmem>>) attributes {dimension_semantics = [#tpu.dimension_semantics<arbitrary>], iteration_bounds = array<i64: 5>, scalar_prefetch = 0 : i64, scratch_operands = 1 : i64, tpu.core_type = #tpu.core_type<tc>, window_params = [{transform_indices = @transform_0, window_bounds = array<i64: 4, 1024, 128>}, {transform_indices = @transform_1, window_bounds = array<i64: 4, 1024, 128>}, {pipeline_mode = #tpu.pipeline_mode<synchronous>, transform_indices = @transform_2, window_bounds = array<i64: 1024, 128>}, {pipeline_mode = #tpu.pipeline_mode<synchronous>, transform_indices = @transform_3, window_bounds = array<i64: 128, 384>}, {pipeline_mode = #tpu.pipeline_mode<synchronous>, transform_indices = @transform_4, window_bounds = array<i64: 128, 384>}, {pipeline_mode = #tpu.pipeline_mode<synchronous>, transform_indices = @transform_5, window_bounds = array<i64: 1, 384>}, {pipeline_mode = #tpu.pipeline_mode<synchronous>, transform_indices = @transform_6, window_bounds = array<i64: 1, 128>}, {pipeline_mode = #tpu.pipeline_mode<synchronous>, transform_indices = @transform_7, window_bounds = array<i64: 1024, 128>}]} {
    %eq3A = arith.constant 0 : i32
    %eq3A_0 = arith.cmpi eq, %arg0, %eq3A : i32
    %convert_element_type3A = arith.extui %eq3A_0 : i1 to i32
    %cond3A = arith.constant 0 : i32
    %cond3A_1 = arith.cmpi ne, %convert_element_type3A, %cond3A : i32
    scf.if %cond3A_1 {
      %get3A_409 = arith.constant 0 : index
      %get3A_410 = arith.constant 0 : index
      %get3A_411 = vector.load %arg3[%get3A_409, %get3A_410] : memref<1024x128xf32, #tpu.memory_space<vmem>>, vector<1024x128xf32>
      %swap3A_412 = arith.constant 0 : index
      %swap3A_413 = arith.constant 0 : index
      %swap3A_414 = vector.load %arg9[%swap3A_412, %swap3A_413] : memref<1024x128xf32, #tpu.memory_space<vmem>>, vector<1024x128xf32>
      tpu.vector_store %arg9[%swap3A_412, %swap3A_413], %get3A_411 {strides = array<i32>} : memref<1024x128xf32, #tpu.memory_space<vmem>>, vector<1024x128xf32>,
    } else {
    }
    %get3A = arith.constant 0 : index
    %get3A_2 = arith.constant 0 : index
    %get3A_3 = vector.load %arg9[%get3A, %get3A_2] : memref<1024x128xf32, #tpu.memory_space<vmem>>, vector<1024x128xf32>
    %get3A_4 = arith.constant 0 : index
    %get3A_5 = arith.constant 0 : index
    %get3A_6 = vector.load %arg4[%get3A_4, %get3A_5] : memref<128x384xbf16, #tpu.memory_space<vmem>>, vector<128x384xbf16>
    %get3A_7 = arith.constant 0 : index
    %get3A_8 = arith.constant 0 : index
    %get3A_9 = vector.load %arg5[%get3A_7, %get3A_8] : memref<128x384xbf16, #tpu.memory_space<vmem>>, vector<128x384xbf16>
    %get3A_10 = arith.constant 0 : index
    %get3A_11 = arith.constant 0 : index
    %get3A_12 = vector.load %arg6[%get3A_10, %get3A_11] : memref<1x384xf32, #tpu.memory_space<vmem>>, vector<1x384xf32>
    %get3A_13 = arith.constant 0 : index
    %get3A_14 = arith.constant 0 : index
    %get3A_15 = vector.load %arg7[%get3A_13, %get3A_14] : memref<1x128xf32, #tpu.memory_space<vmem>>, vector<1x128xf32>
    %get3A_16 = arith.constant 0 : index
    %get3A_17 = arith.constant 0 : index
    %get3A_18 = arith.constant 0 : index
    %get3A_19 = vector.load %arg1[%get3A_16, %get3A_17, %get3A_18] : memref<4x1024x128xf32, #tpu.memory_space<vmem>>, vector<1x1024x128xf32>
    %get3A_20 = vector.shape_cast %get3A_19 : vector<1x1024x128xf32> to vector<1024x128xf32>
    %convert_element_type3A_21 = arith.truncf %get3A_20 : vector<1024x128xf32> to vector<1024x128xbf16>
    %dot_general3A = arith.constant dense<0.000000e+00> : vector<1024x384xf32>
    %dot_general3A_22 = tpu.matmul %convert_element_type3A_21, %get3A_6, %dot_general3A {dimension_numbers = #tpu.dot_dimension_numbers<[1], [0], [0], [1], [0, 0, 1, 1], [], []>, transpose_lhs_hint = false} : vector<1024x128xbf16>, vector<128x384xbf16>, vector<1024x384xf32> -> vector<1024x384xf32>
    %convert_element_type3A_23 = arith.truncf %get3A_3 : vector<1024x128xf32> to vector<1024x128xbf16>
    %dot_general3A_24 = arith.constant dense<0.000000e+00> : vector<1024x384xf32>
    %dot_general3A_25 = tpu.matmul %convert_element_type3A_23, %get3A_9, %dot_general3A_24 {dimension_numbers = #tpu.dot_dimension_numbers<[1], [0], [0], [1], [0, 0, 1, 1], [], []>, transpose_lhs_hint = false} : vector<1024x128xbf16>, vector<128x384xbf16>, vector<1024x384xf32> -> vector<1024x384xf32>
    %add3A = vector.broadcast %get3A_12 : vector<1x384xf32> to vector<1024x384xf32>
    %add3A_26 = arith.addf %dot_general3A_25, %add3A : vector<1024x384xf32>
    %slice3A = vector.extract_strided_slice %dot_general3A_22 {offsets = [0, 0], sizes = [1024, 128], strides = [1, 1]} : vector<1024x384xf32> to vector<1024x128xf32>
    %slice3A_27 = vector.extract_strided_slice %add3A_26 {offsets = [0, 0], sizes = [1024, 128], strides = [1, 1]} : vector<1024x384xf32> to vector<1024x128xf32>
    %add3A_28 = arith.addf %slice3A, %slice3A_27 : vector<1024x128xf32>
    %mul3A = arith.constant 5.000000e-01 : f32
    %mul3A_29 = vector.broadcast %mul3A : f32 to vector<1024x128xf32>
    %mul3A_30 = arith.mulf %mul3A_29, %add3A_28 : vector<1024x128xf32>
    %tanh3A = math.tanh %mul3A_30 : vector<1024x128xf32>
    %mul3A_31 = arith.constant 5.000000e-01 : f32
    %mul3A_32 = vector.broadcast %mul3A_31 : f32 to vector<1024x128xf32>
    %mul3A_33 = arith.mulf %mul3A_32, %tanh3A : vector<1024x128xf32>
    %add3A_34 = arith.constant 5.000000e-01 : f32
    %add3A_35 = vector.broadcast %add3A_34 : f32 to vector<1024x128xf32>
    %add3A_36 = arith.addf %mul3A_33, %add3A_35 : vector<1024x128xf32>
    %slice3A_37 = vector.extract_strided_slice %dot_general3A_22 {offsets = [0, 128], sizes = [1024, 128], strides = [1, 1]} : vector<1024x384xf32> to vector<1024x128xf32>
    %slice3A_38 = vector.extract_strided_slice %add3A_26 {offsets = [0, 128], sizes = [1024, 128], strides = [1, 1]} : vector<1024x384xf32> to vector<1024x128xf32>
    %add3A_39 = arith.addf %slice3A_37, %slice3A_38 : vector<1024x128xf32>
    %mul3A_40 = arith.constant 5.000000e-01 : f32
    %mul3A_41 = vector.broadcast %mul3A_40 : f32 to vector<1024x128xf32>
    %mul3A_42 = arith.mulf %mul3A_41, %add3A_39 : vector<1024x128xf32>
    %tanh3A_43 = math.tanh %mul3A_42 : vector<1024x128xf32>
    %mul3A_44 = arith.constant 5.000000e-01 : f32
    %mul3A_45 = vector.broadcast %mul3A_44 : f32 to vector<1024x128xf32>
    %mul3A_46 = arith.mulf %mul3A_45, %tanh3A_43 : vector<1024x128xf32>
    %add3A_47 = arith.constant 5.000000e-01 : f32
    %add3A_48 = vector.broadcast %add3A_47 : f32 to vector<1024x128xf32>
    %add3A_49 = arith.addf %mul3A_46, %add3A_48 : vector<1024x128xf32>
    %slice3A_50 = vector.extract_strided_slice %dot_general3A_22 {offsets = [0, 256], sizes = [1024, 128], strides = [1, 1]} : vector<1024x384xf32> to vector<1024x128xf32>
    %slice3A_51 = vector.extract_strided_slice %add3A_26 {offsets = [0, 256], sizes = [1024, 128], strides = [1, 1]} : vector<1024x384xf32> to vector<1024x128xf32>
    %mul3A_52 = arith.mulf %add3A_36, %slice3A_51 : vector<1024x128xf32>
    %add3A_53 = vector.broadcast %get3A_15 : vector<1x128xf32> to vector<1024x128xf32>
    %add3A_54 = arith.addf %mul3A_52, %add3A_53 : vector<1024x128xf32>
    %add3A_55 = arith.addf %slice3A_50, %add3A_54 : vector<1024x128xf32>
    %tanh3A_56 = math.tanh %add3A_55 : vector<1024x128xf32>
    %sub3A = arith.subf %get3A_3, %tanh3A_56 : vector<1024x128xf32>
    %mul3A_57 = arith.mulf %add3A_49, %sub3A : vector<1024x128xf32>
    %add3A_58 = arith.addf %tanh3A_56, %mul3A_57 : vector<1024x128xf32>
    %get3A_59 = arith.constant 1 : index
    %get3A_60 = arith.constant 0 : index
    %get3A_61 = arith.constant 0 : index
    %get3A_62 = vector.load %arg1[%get3A_59, %get3A_60, %get3A_61] : memref<4x1024x128xf32, #tpu.memory_space<vmem>>, vector<1x1024x128xf32>
    %get3A_63 = vector.shape_cast %get3A_62 : vector<1x1024x128xf32> to vector<1024x128xf32>
    %convert_element_type3A_64 = arith.truncf %get3A_63 : vector<1024x128xf32> to vector<1024x128xbf16>
    %dot_general3A_65 = arith.constant dense<0.000000e+00> : vector<1024x384xf32>
    %dot_general3A_66 = tpu.matmul %convert_element_type3A_64, %get3A_6, %dot_general3A_65 {dimension_numbers = #tpu.dot_dimension_numbers<[1], [0], [0], [1], [0, 0, 1, 1], [], []>, transpose_lhs_hint = false} : vector<1024x128xbf16>, vector<128x384xbf16>, vector<1024x384xf32> -> vector<1024x384xf32>
    %convert_element_type3A_67 = arith.truncf %add3A_58 : vector<1024x128xf32> to vector<1024x128xbf16>
    %dot_general3A_68 = arith.constant dense<0.000000e+00> : vector<1024x384xf32>
    %dot_general3A_69 = tpu.matmul %convert_element_type3A_67, %get3A_9, %dot_general3A_68 {dimension_numbers = #tpu.dot_dimension_numbers<[1], [0], [0], [1], [0, 0, 1, 1], [], []>, transpose_lhs_hint = false} : vector<1024x128xbf16>, vector<128x384xbf16>, vector<1024x384xf32> -> vector<1024x384xf32>
    %add3A_70 = vector.broadcast %get3A_12 : vector<1x384xf32> to vector<1024x384xf32>
    %add3A_71 = arith.addf %dot_general3A_69, %add3A_70 : vector<1024x384xf32>
    %slice3A_72 = vector.extract_strided_slice %dot_general3A_66 {offsets = [0, 0], sizes = [1024, 128], strides = [1, 1]} : vector<1024x384xf32> to vector<1024x128xf32>
    %slice3A_73 = vector.extract_strided_slice %add3A_71 {offsets = [0, 0], sizes = [1024, 128], strides = [1, 1]} : vector<1024x384xf32> to vector<1024x128xf32>
    %add3A_74 = arith.addf %slice3A_72, %slice3A_73 : vector<1024x128xf32>
    %mul3A_75 = arith.constant 5.000000e-01 : f32
    %mul3A_76 = vector.broadcast %mul3A_75 : f32 to vector<1024x128xf32>
    %mul3A_77 = arith.mulf %mul3A_76, %add3A_74 : vector<1024x128xf32>
    %tanh3A_78 = math.tanh %mul3A_77 : vector<1024x128xf32>
    %mul3A_79 = arith.constant 5.000000e-01 : f32
    %mul3A_80 = vector.broadcast %mul3A_79 : f32 to vector<1024x128xf32>
    %mul3A_81 = arith.mulf %mul3A_80, %tanh3A_78 : vector<1024x128xf32>
    %add3A_82 = arith.constant 5.000000e-01 : f32
    %add3A_83 = vector.broadcast %add3A_82 : f32 to vector<1024x128xf32>
    %add3A_84 = arith.addf %mul3A_81, %add3A_83 : vector<1024x128xf32>
    %slice3A_85 = vector.extract_strided_slice %dot_general3A_66 {offsets = [0, 128], sizes = [1024, 128], strides = [1, 1]} : vector<1024x384xf32> to vector<1024x128xf32>
    %slice3A_86 = vector.extract_strided_slice %add3A_71 {offsets = [0, 128], sizes = [1024, 128], strides = [1, 1]} : vector<1024x384xf32> to vector<1024x128xf32>
    %add3A_87 = arith.addf %slice3A_85, %slice3A_86 : vector<1024x128xf32>
    %mul3A_88 = arith.constant 5.000000e-01 : f32
    %mul3A_89 = vector.broadcast %mul3A_88 : f32 to vector<1024x128xf32>
    %mul3A_90 = arith.mulf %mul3A_89, %add3A_87 : vector<1024x128xf32>
    %tanh3A_91 = math.tanh %mul3A_90 : vector<1024x128xf32>
    %mul3A_92 = arith.constant 5.000000e-01 : f32
    %mul3A_93 = vector.broadcast %mul3A_92 : f32 to vector<1024x128xf32>
    %mul3A_94 = arith.mulf %mul3A_93, %tanh3A_91 : vector<1024x128xf32>
    %add3A_95 = arith.constant 5.000000e-01 : f32
    %add3A_96 = vector.broadcast %add3A_95 : f32 to vector<1024x128xf32>
    %add3A_97 = arith.addf %mul3A_94, %add3A_96 : vector<1024x128xf32>
    %slice3A_98 = vector.extract_strided_slice %dot_general3A_66 {offsets = [0, 256], sizes = [1024, 128], strides = [1, 1]} : vector<1024x384xf32> to vector<1024x128xf32>
    %slice3A_99 = vector.extract_strided_slice %add3A_71 {offsets = [0, 256], sizes = [1024, 128], strides = [1, 1]} : vector<1024x384xf32> to vector<1024x128xf32>
    %mul3A_100 = arith.mulf %add3A_84, %slice3A_99 : vector<1024x128xf32>
    %add3A_101 = vector.broadcast %get3A_15 : vector<1x128xf32> to vector<1024x128xf32>
    %add3A_102 = arith.addf %mul3A_100, %add3A_101 : vector<1024x128xf32>
    %add3A_103 = arith.addf %slice3A_98, %add3A_102 : vector<1024x128xf32>
    %tanh3A_104 = math.tanh %add3A_103 : vector<1024x128xf32>
    %sub3A_105 = arith.subf %add3A_58, %tanh3A_104 : vector<1024x128xf32>
    %mul3A_106 = arith.mulf %add3A_97, %sub3A_105 : vector<1024x128xf32>
    %add3A_107 = arith.addf %tanh3A_104, %mul3A_106 : vector<1024x128xf32>
    %get3A_108 = arith.constant 2 : index
    %get3A_109 = arith.constant 0 : index
    %get3A_110 = arith.constant 0 : index
    %get3A_111 = vector.load %arg1[%get3A_108, %get3A_109, %get3A_110] : memref<4x1024x128xf32, #tpu.memory_space<vmem>>, vector<1x1024x128xf32>
    %get3A_112 = vector.shape_cast %get3A_111 : vector<1x1024x128xf32> to vector<1024x128xf32>
    %convert_element_type3A_113 = arith.truncf %get3A_112 : vector<1024x128xf32> to vector<1024x128xbf16>
    %dot_general3A_114 = arith.constant dense<0.000000e+00> : vector<1024x384xf32>
    %dot_general3A_115 = tpu.matmul %convert_element_type3A_113, %get3A_6, %dot_general3A_114 {dimension_numbers = #tpu.dot_dimension_numbers<[1], [0], [0], [1], [0, 0, 1, 1], [], []>, transpose_lhs_hint = false} : vector<1024x128xbf16>, vector<128x384xbf16>, vector<1024x384xf32> -> vector<1024x384xf32>
    %convert_element_type3A_116 = arith.truncf %add3A_107 : vector<1024x128xf32> to vector<1024x128xbf16>
    %dot_general3A_117 = arith.constant dense<0.000000e+00> : vector<1024x384xf32>
    %dot_general3A_118 = tpu.matmul %convert_element_type3A_116, %get3A_9, %dot_general3A_117 {dimension_numbers = #tpu.dot_dimension_numbers<[1], [0], [0], [1], [0, 0, 1, 1], [], []>, transpose_lhs_hint = false} : vector<1024x128xbf16>, vector<128x384xbf16>, vector<1024x384xf32> -> vector<1024x384xf32>
    %add3A_119 = vector.broadcast %get3A_12 : vector<1x384xf32> to vector<1024x384xf32>
    %add3A_120 = arith.addf %dot_general3A_118, %add3A_119 : vector<1024x384xf32>
    %slice3A_121 = vector.extract_strided_slice %dot_general3A_115 {offsets = [0, 0], sizes = [1024, 128], strides = [1, 1]} : vector<1024x384xf32> to vector<1024x128xf32>
    %slice3A_122 = vector.extract_strided_slice %add3A_120 {offsets = [0, 0], sizes = [1024, 128], strides = [1, 1]} : vector<1024x384xf32> to vector<1024x128xf32>
    %add3A_123 = arith.addf %slice3A_121, %slice3A_122 : vector<1024x128xf32>
    %mul3A_124 = arith.constant 5.000000e-01 : f32
    %mul3A_125 = vector.broadcast %mul3A_124 : f32 to vector<1024x128xf32>
    %mul3A_126 = arith.mulf %mul3A_125, %add3A_123 : vector<1024x128xf32>
    %tanh3A_127 = math.tanh %mul3A_126 : vector<1024x128xf32>
    %mul3A_128 = arith.constant 5.000000e-01 : f32
    %mul3A_129 = vector.broadcast %mul3A_128 : f32 to vector<1024x128xf32>
    %mul3A_130 = arith.mulf %mul3A_129, %tanh3A_127 : vector<1024x128xf32>
    %add3A_131 = arith.constant 5.000000e-01 : f32
    %add3A_132 = vector.broadcast %add3A_131 : f32 to vector<1024x128xf32>
    %add3A_133 = arith.addf %mul3A_130, %add3A_132 : vector<1024x128xf32>
    %slice3A_134 = vector.extract_strided_slice %dot_general3A_115 {offsets = [0, 128], sizes = [1024, 128], strides = [1, 1]} : vector<1024x384xf32> to vector<1024x128xf32>
    %slice3A_135 = vector.extract_strided_slice %add3A_120 {offsets = [0, 128], sizes = [1024, 128], strides = [1, 1]} : vector<1024x384xf32> to vector<1024x128xf32>
    %add3A_136 = arith.addf %slice3A_134, %slice3A_135 : vector<1024x128xf32>
    %mul3A_137 = arith.constant 5.000000e-01 : f32
    %mul3A_138 = vector.broadcast %mul3A_137 : f32 to vector<1024x128xf32>
    %mul3A_139 = arith.mulf %mul3A_138, %add3A_136 : vector<1024x128xf32>
    %tanh3A_140 = math.tanh %mul3A_139 : vector<1024x128xf32>
    %mul3A_141 = arith.constant 5.000000e-01 : f32
    %mul3A_142 = vector.broadcast %mul3A_141 : f32 to vector<1024x128xf32>
    %mul3A_143 = arith.mulf %mul3A_142, %tanh3A_140 : vector<1024x128xf32>
    %add3A_144 = arith.constant 5.000000e-01 : f32
    %add3A_145 = vector.broadcast %add3A_144 : f32 to vector<1024x128xf32>
    %add3A_146 = arith.addf %mul3A_143, %add3A_145 : vector<1024x128xf32>
    %slice3A_147 = vector.extract_strided_slice %dot_general3A_115 {offsets = [0, 256], sizes = [1024, 128], strides = [1, 1]} : vector<1024x384xf32> to vector<1024x128xf32>
    %slice3A_148 = vector.extract_strided_slice %add3A_120 {offsets = [0, 256], sizes = [1024, 128], strides = [1, 1]} : vector<1024x384xf32> to vector<1024x128xf32>
    %mul3A_149 = arith.mulf %add3A_133, %slice3A_148 : vector<1024x128xf32>
    %add3A_150 = vector.broadcast %get3A_15 : vector<1x128xf32> to vector<1024x128xf32>
    %add3A_151 = arith.addf %mul3A_149, %add3A_150 : vector<1024x128xf32>
    %add3A_152 = arith.addf %slice3A_147, %add3A_151 : vector<1024x128xf32>
    %tanh3A_153 = math.tanh %add3A_152 : vector<1024x128xf32>
    %sub3A_154 = arith.subf %add3A_107, %tanh3A_153 : vector<1024x128xf32>
    %mul3A_155 = arith.mulf %add3A_146, %sub3A_154 : vector<1024x128xf32>
    %add3A_156 = arith.addf %tanh3A_153, %mul3A_155 : vector<1024x128xf32>
    %get3A_157 = arith.constant 3 : index
    %get3A_158 = arith.constant 0 : index
    %get3A_159 = arith.constant 0 : index
    %get3A_160 = vector.load %arg1[%get3A_157, %get3A_158, %get3A_159] : memref<4x1024x128xf32, #tpu.memory_space<vmem>>, vector<1x1024x128xf32>
    %get3A_161 = vector.shape_cast %get3A_160 : vector<1x1024x128xf32> to vector<1024x128xf32>
    %convert_element_type3A_162 = arith.truncf %get3A_161 : vector<1024x128xf32> to vector<1024x128xbf16>
    %dot_general3A_163 = arith.constant dense<0.000000e+00> : vector<1024x384xf32>
    %dot_general3A_164 = tpu.matmul %convert_element_type3A_162, %get3A_6, %dot_general3A_163 {dimension_numbers = #tpu.dot_dimension_numbers<[1], [0], [0], [1], [0, 0, 1, 1], [], []>, transpose_lhs_hint = false} : vector<1024x128xbf16>, vector<128x384xbf16>, vector<1024x384xf32> -> vector<1024x384xf32>
    %convert_element_type3A_165 = arith.truncf %add3A_156 : vector<1024x128xf32> to vector<1024x128xbf16>
    %dot_general3A_166 = arith.constant dense<0.000000e+00> : vector<1024x384xf32>
    %dot_general3A_167 = tpu.matmul %convert_element_type3A_165, %get3A_9, %dot_general3A_166 {dimension_numbers = #tpu.dot_dimension_numbers<[1], [0], [0], [1], [0, 0, 1, 1], [], []>, transpose_lhs_hint = false} : vector<1024x128xbf16>, vector<128x384xbf16>, vector<1024x384xf32> -> vector<1024x384xf32>
    %add3A_168 = vector.broadcast %get3A_12 : vector<1x384xf32> to vector<1024x384xf32>
    %add3A_169 = arith.addf %dot_general3A_167, %add3A_168 : vector<1024x384xf32>
    %slice3A_170 = vector.extract_strided_slice %dot_general3A_164 {offsets = [0, 0], sizes = [1024, 128], strides = [1, 1]} : vector<1024x384xf32> to vector<1024x128xf32>
    %slice3A_171 = vector.extract_strided_slice %add3A_169 {offsets = [0, 0], sizes = [1024, 128], strides = [1, 1]} : vector<1024x384xf32> to vector<1024x128xf32>
    %add3A_172 = arith.addf %slice3A_170, %slice3A_171 : vector<1024x128xf32>
    %mul3A_173 = arith.constant 5.000000e-01 : f32
    %mul3A_174 = vector.broadcast %mul3A_173 : f32 to vector<1024x128xf32>
    %mul3A_175 = arith.mulf %mul3A_174, %add3A_172 : vector<1024x128xf32>
    %tanh3A_176 = math.tanh %mul3A_175 : vector<1024x128xf32>
    %mul3A_177 = arith.constant 5.000000e-01 : f32
    %mul3A_178 = vector.broadcast %mul3A_177 : f32 to vector<1024x128xf32>
    %mul3A_179 = arith.mulf %mul3A_178, %tanh3A_176 : vector<1024x128xf32>
    %add3A_180 = arith.constant 5.000000e-01 : f32
    %add3A_181 = vector.broadcast %add3A_180 : f32 to vector<1024x128xf32>
    %add3A_182 = arith.addf %mul3A_179, %add3A_181 : vector<1024x128xf32>
    %slice3A_183 = vector.extract_strided_slice %dot_general3A_164 {offsets = [0, 128], sizes = [1024, 128], strides = [1, 1]} : vector<1024x384xf32> to vector<1024x128xf32>
    %slice3A_184 = vector.extract_strided_slice %add3A_169 {offsets = [0, 128], sizes = [1024, 128], strides = [1, 1]} : vector<1024x384xf32> to vector<1024x128xf32>
    %add3A_185 = arith.addf %slice3A_183, %slice3A_184 : vector<1024x128xf32>
    %mul3A_186 = arith.constant 5.000000e-01 : f32
    %mul3A_187 = vector.broadcast %mul3A_186 : f32 to vector<1024x128xf32>
    %mul3A_188 = arith.mulf %mul3A_187, %add3A_185 : vector<1024x128xf32>
    %tanh3A_189 = math.tanh %mul3A_188 : vector<1024x128xf32>
    %mul3A_190 = arith.constant 5.000000e-01 : f32
    %mul3A_191 = vector.broadcast %mul3A_190 : f32 to vector<1024x128xf32>
    %mul3A_192 = arith.mulf %mul3A_191, %tanh3A_189 : vector<1024x128xf32>
    %add3A_193 = arith.constant 5.000000e-01 : f32
    %add3A_194 = vector.broadcast %add3A_193 : f32 to vector<1024x128xf32>
    %add3A_195 = arith.addf %mul3A_192, %add3A_194 : vector<1024x128xf32>
    %slice3A_196 = vector.extract_strided_slice %dot_general3A_164 {offsets = [0, 256], sizes = [1024, 128], strides = [1, 1]} : vector<1024x384xf32> to vector<1024x128xf32>
    %slice3A_197 = vector.extract_strided_slice %add3A_169 {offsets = [0, 256], sizes = [1024, 128], strides = [1, 1]} : vector<1024x384xf32> to vector<1024x128xf32>
    %mul3A_198 = arith.mulf %add3A_182, %slice3A_197 : vector<1024x128xf32>
    %add3A_199 = vector.broadcast %get3A_15 : vector<1x128xf32> to vector<1024x128xf32>
    %add3A_200 = arith.addf %mul3A_198, %add3A_199 : vector<1024x128xf32>
    %add3A_201 = arith.addf %slice3A_196, %add3A_200 : vector<1024x128xf32>
    %tanh3A_202 = math.tanh %add3A_201 : vector<1024x128xf32>
    %sub3A_203 = arith.subf %add3A_156, %tanh3A_202 : vector<1024x128xf32>
    %mul3A_204 = arith.mulf %add3A_195, %sub3A_203 : vector<1024x128xf32>
    %add3A_205 = arith.addf %tanh3A_202, %mul3A_204 : vector<1024x128xf32>
    %get3A_206 = arith.constant 0 : index
    %get3A_207 = arith.constant 0 : index
    %get3A_208 = arith.constant 0 : index
    %get3A_209 = vector.load %arg2[%get3A_206, %get3A_207, %get3A_208] : memref<4x1024x128xf32, #tpu.memory_space<vmem>>, vector<1x1024x128xf32>
    %get3A_210 = vector.shape_cast %get3A_209 : vector<1x1024x128xf32> to vector<1024x128xf32>
    %convert_element_type3A_211 = arith.truncf %get3A_210 : vector<1024x128xf32> to vector<1024x128xbf16>
    %dot_general3A_212 = arith.constant dense<0.000000e+00> : vector<1024x384xf32>
    %dot_general3A_213 = tpu.matmul %convert_element_type3A_211, %get3A_6, %dot_general3A_212 {dimension_numbers = #tpu.dot_dimension_numbers<[1], [0], [0], [1], [0, 0, 1, 1], [], []>, transpose_lhs_hint = false} : vector<1024x128xbf16>, vector<128x384xbf16>, vector<1024x384xf32> -> vector<1024x384xf32>
    %convert_element_type3A_214 = arith.truncf %add3A_205 : vector<1024x128xf32> to vector<1024x128xbf16>
    %dot_general3A_215 = arith.constant dense<0.000000e+00> : vector<1024x384xf32>
    %dot_general3A_216 = tpu.matmul %convert_element_type3A_214, %get3A_9, %dot_general3A_215 {dimension_numbers = #tpu.dot_dimension_numbers<[1], [0], [0], [1], [0, 0, 1, 1], [], []>, transpose_lhs_hint = false} : vector<1024x128xbf16>, vector<128x384xbf16>, vector<1024x384xf32> -> vector<1024x384xf32>
    %add3A_217 = vector.broadcast %get3A_12 : vector<1x384xf32> to vector<1024x384xf32>
    %add3A_218 = arith.addf %dot_general3A_216, %add3A_217 : vector<1024x384xf32>
    %slice3A_219 = vector.extract_strided_slice %dot_general3A_213 {offsets = [0, 0], sizes = [1024, 128], strides = [1, 1]} : vector<1024x384xf32> to vector<1024x128xf32>
    %slice3A_220 = vector.extract_strided_slice %add3A_218 {offsets = [0, 0], sizes = [1024, 128], strides = [1, 1]} : vector<1024x384xf32> to vector<1024x128xf32>
    %add3A_221 = arith.addf %slice3A_219, %slice3A_220 : vector<1024x128xf32>
    %mul3A_222 = arith.constant 5.000000e-01 : f32
    %mul3A_223 = vector.broadcast %mul3A_222 : f32 to vector<1024x128xf32>
    %mul3A_224 = arith.mulf %mul3A_223, %add3A_221 : vector<1024x128xf32>
    %tanh3A_225 = math.tanh %mul3A_224 : vector<1024x128xf32>
    %mul3A_226 = arith.constant 5.000000e-01 : f32
    %mul3A_227 = vector.broadcast %mul3A_226 : f32 to vector<1024x128xf32>
    %mul3A_228 = arith.mulf %mul3A_227, %tanh3A_225 : vector<1024x128xf32>
    %add3A_229 = arith.constant 5.000000e-01 : f32
    %add3A_230 = vector.broadcast %add3A_229 : f32 to vector<1024x128xf32>
    %add3A_231 = arith.addf %mul3A_228, %add3A_230 : vector<1024x128xf32>
    %slice3A_232 = vector.extract_strided_slice %dot_general3A_213 {offsets = [0, 128], sizes = [1024, 128], strides = [1, 1]} : vector<1024x384xf32> to vector<1024x128xf32>
    %slice3A_233 = vector.extract_strided_slice %add3A_218 {offsets = [0, 128], sizes = [1024, 128], strides = [1, 1]} : vector<1024x384xf32> to vector<1024x128xf32>
    %add3A_234 = arith.addf %slice3A_232, %slice3A_233 : vector<1024x128xf32>
    %mul3A_235 = arith.constant 5.000000e-01 : f32
    %mul3A_236 = vector.broadcast %mul3A_235 : f32 to vector<1024x128xf32>
    %mul3A_237 = arith.mulf %mul3A_236, %add3A_234 : vector<1024x128xf32>
    %tanh3A_238 = math.tanh %mul3A_237 : vector<1024x128xf32>
    %mul3A_239 = arith.constant 5.000000e-01 : f32
    %mul3A_240 = vector.broadcast %mul3A_239 : f32 to vector<1024x128xf32>
    %mul3A_241 = arith.mulf %mul3A_240, %tanh3A_238 : vector<1024x128xf32>
    %add3A_242 = arith.constant 5.000000e-01 : f32
    %add3A_243 = vector.broadcast %add3A_242 : f32 to vector<1024x128xf32>
    %add3A_244 = arith.addf %mul3A_241, %add3A_243 : vector<1024x128xf32>
    %slice3A_245 = vector.extract_strided_slice %dot_general3A_213 {offsets = [0, 256], sizes = [1024, 128], strides = [1, 1]} : vector<1024x384xf32> to vector<1024x128xf32>
    %slice3A_246 = vector.extract_strided_slice %add3A_218 {offsets = [0, 256], sizes = [1024, 128], strides = [1, 1]} : vector<1024x384xf32> to vector<1024x128xf32>
    %mul3A_247 = arith.mulf %add3A_231, %slice3A_246 : vector<1024x128xf32>
    %add3A_248 = vector.broadcast %get3A_15 : vector<1x128xf32> to vector<1024x128xf32>
    %add3A_249 = arith.addf %mul3A_247, %add3A_248 : vector<1024x128xf32>
    %add3A_250 = arith.addf %slice3A_245, %add3A_249 : vector<1024x128xf32>
    %tanh3A_251 = math.tanh %add3A_250 : vector<1024x128xf32>
    %sub3A_252 = arith.subf %add3A_205, %tanh3A_251 : vector<1024x128xf32>
    %mul3A_253 = arith.mulf %add3A_244, %sub3A_252 : vector<1024x128xf32>
    %add3A_254 = arith.addf %tanh3A_251, %mul3A_253 : vector<1024x128xf32>
    %get3A_255 = arith.constant 1 : index
    %get3A_256 = arith.constant 0 : index
    %get3A_257 = arith.constant 0 : index
    %get3A_258 = vector.load %arg2[%get3A_255, %get3A_256, %get3A_257] : memref<4x1024x128xf32, #tpu.memory_space<vmem>>, vector<1x1024x128xf32>
    %get3A_259 = vector.shape_cast %get3A_258 : vector<1x1024x128xf32> to vector<1024x128xf32>
    %convert_element_type3A_260 = arith.truncf %get3A_259 : vector<1024x128xf32> to vector<1024x128xbf16>
    %dot_general3A_261 = arith.constant dense<0.000000e+00> : vector<1024x384xf32>
    %dot_general3A_262 = tpu.matmul %convert_element_type3A_260, %get3A_6, %dot_general3A_261 {dimension_numbers = #tpu.dot_dimension_numbers<[1], [0], [0], [1], [0, 0, 1, 1], [], []>, transpose_lhs_hint = false} : vector<1024x128xbf16>, vector<128x384xbf16>, vector<1024x384xf32> -> vector<1024x384xf32>
    %convert_element_type3A_263 = arith.truncf %add3A_254 : vector<1024x128xf32> to vector<1024x128xbf16>
    %dot_general3A_264 = arith.constant dense<0.000000e+00> : vector<1024x384xf32>
    %dot_general3A_265 = tpu.matmul %convert_element_type3A_263, %get3A_9, %dot_general3A_264 {dimension_numbers = #tpu.dot_dimension_numbers<[1], [0], [0], [1], [0, 0, 1, 1], [], []>, transpose_lhs_hint = false} : vector<1024x128xbf16>, vector<128x384xbf16>, vector<1024x384xf32> -> vector<1024x384xf32>
    %add3A_266 = vector.broadcast %get3A_12 : vector<1x384xf32> to vector<1024x384xf32>
    %add3A_267 = arith.addf %dot_general3A_265, %add3A_266 : vector<1024x384xf32>
    %slice3A_268 = vector.extract_strided_slice %dot_general3A_262 {offsets = [0, 0], sizes = [1024, 128], strides = [1, 1]} : vector<1024x384xf32> to vector<1024x128xf32>
    %slice3A_269 = vector.extract_strided_slice %add3A_267 {offsets = [0, 0], sizes = [1024, 128], strides = [1, 1]} : vector<1024x384xf32> to vector<1024x128xf32>
    %add3A_270 = arith.addf %slice3A_268, %slice3A_269 : vector<1024x128xf32>
    %mul3A_271 = arith.constant 5.000000e-01 : f32
    %mul3A_272 = vector.broadcast %mul3A_271 : f32 to vector<1024x128xf32>
    %mul3A_273 = arith.mulf %mul3A_272, %add3A_270 : vector<1024x128xf32>
    %tanh3A_274 = math.tanh %mul3A_273 : vector<1024x128xf32>
    %mul3A_275 = arith.constant 5.000000e-01 : f32
    %mul3A_276 = vector.broadcast %mul3A_275 : f32 to vector<1024x128xf32>
    %mul3A_277 = arith.mulf %mul3A_276, %tanh3A_274 : vector<1024x128xf32>
    %add3A_278 = arith.constant 5.000000e-01 : f32
    %add3A_279 = vector.broadcast %add3A_278 : f32 to vector<1024x128xf32>
    %add3A_280 = arith.addf %mul3A_277, %add3A_279 : vector<1024x128xf32>
    %slice3A_281 = vector.extract_strided_slice %dot_general3A_262 {offsets = [0, 128], sizes = [1024, 128], strides = [1, 1]} : vector<1024x384xf32> to vector<1024x128xf32>
    %slice3A_282 = vector.extract_strided_slice %add3A_267 {offsets = [0, 128], sizes = [1024, 128], strides = [1, 1]} : vector<1024x384xf32> to vector<1024x128xf32>
    %add3A_283 = arith.addf %slice3A_281, %slice3A_282 : vector<1024x128xf32>
    %mul3A_284 = arith.constant 5.000000e-01 : f32
    %mul3A_285 = vector.broadcast %mul3A_284 : f32 to vector<1024x128xf32>
    %mul3A_286 = arith.mulf %mul3A_285, %add3A_283 : vector<1024x128xf32>
    %tanh3A_287 = math.tanh %mul3A_286 : vector<1024x128xf32>
    %mul3A_288 = arith.constant 5.000000e-01 : f32
    %mul3A_289 = vector.broadcast %mul3A_288 : f32 to vector<1024x128xf32>
    %mul3A_290 = arith.mulf %mul3A_289, %tanh3A_287 : vector<1024x128xf32>
    %add3A_291 = arith.constant 5.000000e-01 : f32
    %add3A_292 = vector.broadcast %add3A_291 : f32 to vector<1024x128xf32>
    %add3A_293 = arith.addf %mul3A_290, %add3A_292 : vector<1024x128xf32>
    %slice3A_294 = vector.extract_strided_slice %dot_general3A_262 {offsets = [0, 256], sizes = [1024, 128], strides = [1, 1]} : vector<1024x384xf32> to vector<1024x128xf32>
    %slice3A_295 = vector.extract_strided_slice %add3A_267 {offsets = [0, 256], sizes = [1024, 128], strides = [1, 1]} : vector<1024x384xf32> to vector<1024x128xf32>
    %mul3A_296 = arith.mulf %add3A_280, %slice3A_295 : vector<1024x128xf32>
    %add3A_297 = vector.broadcast %get3A_15 : vector<1x128xf32> to vector<1024x128xf32>
    %add3A_298 = arith.addf %mul3A_296, %add3A_297 : vector<1024x128xf32>
    %add3A_299 = arith.addf %slice3A_294, %add3A_298 : vector<1024x128xf32>
    %tanh3A_300 = math.tanh %add3A_299 : vector<1024x128xf32>
    %sub3A_301 = arith.subf %add3A_254, %tanh3A_300 : vector<1024x128xf32>
    %mul3A_302 = arith.mulf %add3A_293, %sub3A_301 : vector<1024x128xf32>
    %add3A_303 = arith.addf %tanh3A_300, %mul3A_302 : vector<1024x128xf32>
    %get3A_304 = arith.constant 2 : index
    %get3A_305 = arith.constant 0 : index
    %get3A_306 = arith.constant 0 : index
    %get3A_307 = vector.load %arg2[%get3A_304, %get3A_305, %get3A_306] : memref<4x1024x128xf32, #tpu.memory_space<vmem>>, vector<1x1024x128xf32>
    %get3A_308 = vector.shape_cast %get3A_307 : vector<1x1024x128xf32> to vector<1024x128xf32>
    %convert_element_type3A_309 = arith.truncf %get3A_308 : vector<1024x128xf32> to vector<1024x128xbf16>
    %dot_general3A_310 = arith.constant dense<0.000000e+00> : vector<1024x384xf32>
    %dot_general3A_311 = tpu.matmul %convert_element_type3A_309, %get3A_6, %dot_general3A_310 {dimension_numbers = #tpu.dot_dimension_numbers<[1], [0], [0], [1], [0, 0, 1, 1], [], []>, transpose_lhs_hint = false} : vector<1024x128xbf16>, vector<128x384xbf16>, vector<1024x384xf32> -> vector<1024x384xf32>
    %convert_element_type3A_312 = arith.truncf %add3A_303 : vector<1024x128xf32> to vector<1024x128xbf16>
    %dot_general3A_313 = arith.constant dense<0.000000e+00> : vector<1024x384xf32>
    %dot_general3A_314 = tpu.matmul %convert_element_type3A_312, %get3A_9, %dot_general3A_313 {dimension_numbers = #tpu.dot_dimension_numbers<[1], [0], [0], [1], [0, 0, 1, 1], [], []>, transpose_lhs_hint = false} : vector<1024x128xbf16>, vector<128x384xbf16>, vector<1024x384xf32> -> vector<1024x384xf32>
    %add3A_315 = vector.broadcast %get3A_12 : vector<1x384xf32> to vector<1024x384xf32>
    %add3A_316 = arith.addf %dot_general3A_314, %add3A_315 : vector<1024x384xf32>
    %slice3A_317 = vector.extract_strided_slice %dot_general3A_311 {offsets = [0, 0], sizes = [1024, 128], strides = [1, 1]} : vector<1024x384xf32> to vector<1024x128xf32>
    %slice3A_318 = vector.extract_strided_slice %add3A_316 {offsets = [0, 0], sizes = [1024, 128], strides = [1, 1]} : vector<1024x384xf32> to vector<1024x128xf32>
    %add3A_319 = arith.addf %slice3A_317, %slice3A_318 : vector<1024x128xf32>
    %mul3A_320 = arith.constant 5.000000e-01 : f32
    %mul3A_321 = vector.broadcast %mul3A_320 : f32 to vector<1024x128xf32>
    %mul3A_322 = arith.mulf %mul3A_321, %add3A_319 : vector<1024x128xf32>
    %tanh3A_323 = math.tanh %mul3A_322 : vector<1024x128xf32>
    %mul3A_324 = arith.constant 5.000000e-01 : f32
    %mul3A_325 = vector.broadcast %mul3A_324 : f32 to vector<1024x128xf32>
    %mul3A_326 = arith.mulf %mul3A_325, %tanh3A_323 : vector<1024x128xf32>
    %add3A_327 = arith.constant 5.000000e-01 : f32
    %add3A_328 = vector.broadcast %add3A_327 : f32 to vector<1024x128xf32>
    %add3A_329 = arith.addf %mul3A_326, %add3A_328 : vector<1024x128xf32>
    %slice3A_330 = vector.extract_strided_slice %dot_general3A_311 {offsets = [0, 128], sizes = [1024, 128], strides = [1, 1]} : vector<1024x384xf32> to vector<1024x128xf32>
    %slice3A_331 = vector.extract_strided_slice %add3A_316 {offsets = [0, 128], sizes = [1024, 128], strides = [1, 1]} : vector<1024x384xf32> to vector<1024x128xf32>
    %add3A_332 = arith.addf %slice3A_330, %slice3A_331 : vector<1024x128xf32>
    %mul3A_333 = arith.constant 5.000000e-01 : f32
    %mul3A_334 = vector.broadcast %mul3A_333 : f32 to vector<1024x128xf32>
    %mul3A_335 = arith.mulf %mul3A_334, %add3A_332 : vector<1024x128xf32>
    %tanh3A_336 = math.tanh %mul3A_335 : vector<1024x128xf32>
    %mul3A_337 = arith.constant 5.000000e-01 : f32
    %mul3A_338 = vector.broadcast %mul3A_337 : f32 to vector<1024x128xf32>
    %mul3A_339 = arith.mulf %mul3A_338, %tanh3A_336 : vector<1024x128xf32>
    %add3A_340 = arith.constant 5.000000e-01 : f32
    %add3A_341 = vector.broadcast %add3A_340 : f32 to vector<1024x128xf32>
    %add3A_342 = arith.addf %mul3A_339, %add3A_341 : vector<1024x128xf32>
    %slice3A_343 = vector.extract_strided_slice %dot_general3A_311 {offsets = [0, 256], sizes = [1024, 128], strides = [1, 1]} : vector<1024x384xf32> to vector<1024x128xf32>
    %slice3A_344 = vector.extract_strided_slice %add3A_316 {offsets = [0, 256], sizes = [1024, 128], strides = [1, 1]} : vector<1024x384xf32> to vector<1024x128xf32>
    %mul3A_345 = arith.mulf %add3A_329, %slice3A_344 : vector<1024x128xf32>
    %add3A_346 = vector.broadcast %get3A_15 : vector<1x128xf32> to vector<1024x128xf32>
    %add3A_347 = arith.addf %mul3A_345, %add3A_346 : vector<1024x128xf32>
    %add3A_348 = arith.addf %slice3A_343, %add3A_347 : vector<1024x128xf32>
    %tanh3A_349 = math.tanh %add3A_348 : vector<1024x128xf32>
    %sub3A_350 = arith.subf %add3A_303, %tanh3A_349 : vector<1024x128xf32>
    %mul3A_351 = arith.mulf %add3A_342, %sub3A_350 : vector<1024x128xf32>
    %add3A_352 = arith.addf %tanh3A_349, %mul3A_351 : vector<1024x128xf32>
    %get3A_353 = arith.constant 3 : index
    %get3A_354 = arith.constant 0 : index
    %get3A_355 = arith.constant 0 : index
    %get3A_356 = vector.load %arg2[%get3A_353, %get3A_354, %get3A_355] : memref<4x1024x128xf32, #tpu.memory_space<vmem>>, vector<1x1024x128xf32>
    %get3A_357 = vector.shape_cast %get3A_356 : vector<1x1024x128xf32> to vector<1024x128xf32>
    %convert_element_type3A_358 = arith.truncf %get3A_357 : vector<1024x128xf32> to vector<1024x128xbf16>
    %dot_general3A_359 = arith.constant dense<0.000000e+00> : vector<1024x384xf32>
    %dot_general3A_360 = tpu.matmul %convert_element_type3A_358, %get3A_6, %dot_general3A_359 {dimension_numbers = #tpu.dot_dimension_numbers<[1], [0], [0], [1], [0, 0, 1, 1], [], []>, transpose_lhs_hint = false} : vector<1024x128xbf16>, vector<128x384xbf16>, vector<1024x384xf32> -> vector<1024x384xf32>
    %convert_element_type3A_361 = arith.truncf %add3A_352 : vector<1024x128xf32> to vector<1024x128xbf16>
    %dot_general3A_362 = arith.constant dense<0.000000e+00> : vector<1024x384xf32>
    %dot_general3A_363 = tpu.matmul %convert_element_type3A_361, %get3A_9, %dot_general3A_362 {dimension_numbers = #tpu.dot_dimension_numbers<[1], [0], [0], [1], [0, 0, 1, 1], [], []>, transpose_lhs_hint = false} : vector<1024x128xbf16>, vector<128x384xbf16>, vector<1024x384xf32> -> vector<1024x384xf32>
    %add3A_364 = vector.broadcast %get3A_12 : vector<1x384xf32> to vector<1024x384xf32>
    %add3A_365 = arith.addf %dot_general3A_363, %add3A_364 : vector<1024x384xf32>
    %slice3A_366 = vector.extract_strided_slice %dot_general3A_360 {offsets = [0, 0], sizes = [1024, 128], strides = [1, 1]} : vector<1024x384xf32> to vector<1024x128xf32>
    %slice3A_367 = vector.extract_strided_slice %add3A_365 {offsets = [0, 0], sizes = [1024, 128], strides = [1, 1]} : vector<1024x384xf32> to vector<1024x128xf32>
    %add3A_368 = arith.addf %slice3A_366, %slice3A_367 : vector<1024x128xf32>
    %mul3A_369 = arith.constant 5.000000e-01 : f32
    %mul3A_370 = vector.broadcast %mul3A_369 : f32 to vector<1024x128xf32>
    %mul3A_371 = arith.mulf %mul3A_370, %add3A_368 : vector<1024x128xf32>
    %tanh3A_372 = math.tanh %mul3A_371 : vector<1024x128xf32>
    %mul3A_373 = arith.constant 5.000000e-01 : f32
    %mul3A_374 = vector.broadcast %mul3A_373 : f32 to vector<1024x128xf32>
    %mul3A_375 = arith.mulf %mul3A_374, %tanh3A_372 : vector<1024x128xf32>
    %add3A_376 = arith.constant 5.000000e-01 : f32
    %add3A_377 = vector.broadcast %add3A_376 : f32 to vector<1024x128xf32>
    %add3A_378 = arith.addf %mul3A_375, %add3A_377 : vector<1024x128xf32>
    %slice3A_379 = vector.extract_strided_slice %dot_general3A_360 {offsets = [0, 128], sizes = [1024, 128], strides = [1, 1]} : vector<1024x384xf32> to vector<1024x128xf32>
    %slice3A_380 = vector.extract_strided_slice %add3A_365 {offsets = [0, 128], sizes = [1024, 128], strides = [1, 1]} : vector<1024x384xf32> to vector<1024x128xf32>
    %add3A_381 = arith.addf %slice3A_379, %slice3A_380 : vector<1024x128xf32>
    %mul3A_382 = arith.constant 5.000000e-01 : f32
    %mul3A_383 = vector.broadcast %mul3A_382 : f32 to vector<1024x128xf32>
    %mul3A_384 = arith.mulf %mul3A_383, %add3A_381 : vector<1024x128xf32>
    %tanh3A_385 = math.tanh %mul3A_384 : vector<1024x128xf32>
    %mul3A_386 = arith.constant 5.000000e-01 : f32
    %mul3A_387 = vector.broadcast %mul3A_386 : f32 to vector<1024x128xf32>
    %mul3A_388 = arith.mulf %mul3A_387, %tanh3A_385 : vector<1024x128xf32>
    %add3A_389 = arith.constant 5.000000e-01 : f32
    %add3A_390 = vector.broadcast %add3A_389 : f32 to vector<1024x128xf32>
    %add3A_391 = arith.addf %mul3A_388, %add3A_390 : vector<1024x128xf32>
    %slice3A_392 = vector.extract_strided_slice %dot_general3A_360 {offsets = [0, 256], sizes = [1024, 128], strides = [1, 1]} : vector<1024x384xf32> to vector<1024x128xf32>
    %slice3A_393 = vector.extract_strided_slice %add3A_365 {offsets = [0, 256], sizes = [1024, 128], strides = [1, 1]} : vector<1024x384xf32> to vector<1024x128xf32>
    %mul3A_394 = arith.mulf %add3A_378, %slice3A_393 : vector<1024x128xf32>
    %add3A_395 = vector.broadcast %get3A_15 : vector<1x128xf32> to vector<1024x128xf32>
    %add3A_396 = arith.addf %mul3A_394, %add3A_395 : vector<1024x128xf32>
    %add3A_397 = arith.addf %slice3A_392, %add3A_396 : vector<1024x128xf32>
    %tanh3A_398 = math.tanh %add3A_397 : vector<1024x128xf32>
    %sub3A_399 = arith.subf %add3A_352, %tanh3A_398 : vector<1024x128xf32>
    %mul3A_400 = arith.mulf %add3A_391, %sub3A_399 : vector<1024x128xf32>
    %add3A_401 = arith.addf %tanh3A_398, %mul3A_400 : vector<1024x128xf32>
    %swap3A = arith.constant 0 : index
    %swap3A_402 = arith.constant 0 : index
    %swap3A_403 = vector.load %arg9[%swap3A, %swap3A_402] : memref<1024x128xf32, #tpu.memory_space<vmem>>, vector<1024x128xf32>
    tpu.vector_store %arg9[%swap3A, %swap3A_402], %add3A_401 {strides = array<i32>} : memref<1024x128xf32, #tpu.memory_space<vmem>>, vector<1024x128xf32>,
    %eq3A_404 = arith.constant 4 : i32
    %eq3A_405 = arith.cmpi eq, %arg0, %eq3A_404 : i32
    %convert_element_type3A_406 = arith.extui %eq3A_405 : i1 to i32
    %cond3A_407 = arith.constant 0 : i32
    %cond3A_408 = arith.cmpi ne, %convert_element_type3A_406, %cond3A_407 : i32
    scf.if %cond3A_408 {
      %swap3A_409 = arith.constant 0 : index
      %swap3A_410 = arith.constant 0 : index
      %swap3A_411 = vector.load %arg8[%swap3A_409, %swap3A_410] : memref<1024x128xf32, #tpu.memory_space<vmem>>, vector<1024x128xf32>
      tpu.vector_store %arg8[%swap3A_409, %swap3A_410], %add3A_401 {strides = array<i32>} : memref<1024x128xf32, #tpu.memory_space<vmem>>, vector<1024x128xf32>,
    } else {
    }
    return
  }
  func.func @transform_0(%arg0: i32) -> (i32, i32, i32) {
    %mul3A = arith.constant 2 : i32
    %mul3A_0 = arith.muli %mul3A, %arg0 : i32
    %c0_i32 = arith.constant 0 : i32
    %c0_i32_1 = arith.constant 0 : i32
    %c0_i32_2 = arith.constant 0 : i32
    return %mul3A_0, %c0_i32, %c0_i32_1 : i32, i32, i32
  }
  func.func @transform_1(%arg0: i32) -> (i32, i32, i32) {
    %mul3A = arith.constant 2 : i32
    %mul3A_0 = arith.muli %mul3A, %arg0 : i32
    %add3A = arith.constant 1 : i32
    %add3A_1 = arith.addi %mul3A_0, %add3A : i32
    %c0_i32 = arith.constant 0 : i32
    %c0_i32_2 = arith.constant 0 : i32
    %c0_i32_3 = arith.constant 0 : i32
    return %add3A_1, %c0_i32, %c0_i32_2 : i32, i32, i32
  }
  func.func @transform_2(%arg0: i32) -> (i32, i32) {
    %c0_i32 = arith.constant 0 : i32
    %c0_i32_0 = arith.constant 0 : i32
    %c0_i32_1 = arith.constant 0 : i32
    return %c0_i32, %c0_i32_0 : i32, i32
  }
  func.func @transform_3(%arg0: i32) -> (i32, i32) {
    %c0_i32 = arith.constant 0 : i32
    %c0_i32_0 = arith.constant 0 : i32
    %c0_i32_1 = arith.constant 0 : i32
    return %c0_i32, %c0_i32_0 : i32, i32
  }
  func.func @transform_4(%arg0: i32) -> (i32, i32) {
    %c0_i32 = arith.constant 0 : i32
    %c0_i32_0 = arith.constant 0 : i32
    %c0_i32_1 = arith.constant 0 : i32
    return %c0_i32, %c0_i32_0 : i32, i32
  }
  func.func @transform_5(%arg0: i32) -> (i32, i32) {
    %c0_i32 = arith.constant 0 : i32
    %c0_i32_0 = arith.constant 0 : i32
    %c0_i32_1 = arith.constant 0 : i32
    return %c0_i32, %c0_i32_0 : i32, i32
  }
  func.func @transform_6(%arg0: i32) -> (i32, i32) {
    %c0_i32 = arith.constant 0 : i32
    %c0_i32_0 = arith.constant 0 : i32
    %c0_i32_1 = arith.constant 0 : i32
    return %c0_i32, %c0_i32_0 : i32, i32
  }
  func.func @transform_7(%arg0: i32) -> (i32, i32) {
    %c0_i32 = arith.constant 0 : i32
    %c0_i32_0 = arith.constant 0 : i32
    %c0_i32_1 = arith.constant 0 : i32
    return %c0_i32, %c0_i32_0 : i32, i32
  }
}

module attributes {stable_mosaic.version = 14 : i64} {
  func.func @_gru_body(%arg0: i32, %arg1: memref<4x1024x128xf32, #tpu.memory_space<vmem>>, %arg2: memref<4x1024x128xf32, #tpu.memory_space<vmem>>, %arg3: memref<1024x128xf32, #tpu.memory_space<vmem>>, %arg4: memref<128x384xbf16, #tpu.memory_space<vmem>>, %arg5: memref<128x384xbf16, #tpu.memory_space<vmem>>, %arg6: memref<1x384xf32, #tpu.memory_space<vmem>>, %arg7: memref<1x128xf32, #tpu.memory_space<vmem>>, %arg8: memref<1024x128xf32, #tpu.memory_space<vmem>>, %arg9: memref<1024x128xf32, #tpu.memory_space<vmem>>) attributes {dimension_semantics = [#tpu.dimension_semantics<arbitrary>], iteration_bounds = array<i64: 6>, scalar_prefetch = 0 : i64, scratch_operands = 1 : i64, tpu.core_type = #tpu.core_type<tc>, window_params = [{transform_indices = @transform_0, window_bounds = array<i64: 4, 1024, 128>}, {transform_indices = @transform_1, window_bounds = array<i64: 4, 1024, 128>}, {pipeline_mode = #tpu.pipeline_mode<synchronous>, transform_indices = @transform_2, window_bounds = array<i64: 1024, 128>}, {pipeline_mode = #tpu.pipeline_mode<synchronous>, transform_indices = @transform_3, window_bounds = array<i64: 128, 384>}, {pipeline_mode = #tpu.pipeline_mode<synchronous>, transform_indices = @transform_4, window_bounds = array<i64: 128, 384>}, {pipeline_mode = #tpu.pipeline_mode<synchronous>, transform_indices = @transform_5, window_bounds = array<i64: 1, 384>}, {pipeline_mode = #tpu.pipeline_mode<synchronous>, transform_indices = @transform_6, window_bounds = array<i64: 1, 128>}, {pipeline_mode = #tpu.pipeline_mode<synchronous>, transform_indices = @transform_7, window_bounds = array<i64: 1024, 128>}]} {
    %eq3A = arith.constant 0 : i32
    %eq3A_0 = arith.cmpi eq, %arg0, %eq3A : i32
    %convert_element_type3A = arith.extui %eq3A_0 : i1 to i32
    %cond3A = arith.constant 0 : i32
    %cond3A_1 = arith.cmpi ne, %convert_element_type3A, %cond3A : i32
    scf.if %cond3A_1 {
      %get3A_409 = arith.constant 0 : index
      %get3A_410 = arith.constant 0 : index
      %get3A_411 = vector.load %arg3[%get3A_409, %get3A_410] : memref<1024x128xf32, #tpu.memory_space<vmem>>, vector<1024x128xf32>
      %swap3A_412 = arith.constant 0 : index
      %swap3A_413 = arith.constant 0 : index
      %swap3A_414 = vector.load %arg9[%swap3A_412, %swap3A_413] : memref<1024x128xf32, #tpu.memory_space<vmem>>, vector<1024x128xf32>
      tpu.vector_store %arg9[%swap3A_412, %swap3A_413], %get3A_411 {strides = array<i32>} : memref<1024x128xf32, #tpu.memory_space<vmem>>, vector<1024x128xf32>,
    } else {
    }
    %get3A = arith.constant 0 : index
    %get3A_2 = arith.constant 0 : index
    %get3A_3 = vector.load %arg9[%get3A, %get3A_2] : memref<1024x128xf32, #tpu.memory_space<vmem>>, vector<1024x128xf32>
    %get3A_4 = arith.constant 0 : index
    %get3A_5 = arith.constant 0 : index
    %get3A_6 = vector.load %arg4[%get3A_4, %get3A_5] : memref<128x384xbf16, #tpu.memory_space<vmem>>, vector<128x384xbf16>
    %get3A_7 = arith.constant 0 : index
    %get3A_8 = arith.constant 0 : index
    %get3A_9 = vector.load %arg5[%get3A_7, %get3A_8] : memref<128x384xbf16, #tpu.memory_space<vmem>>, vector<128x384xbf16>
    %get3A_10 = arith.constant 0 : index
    %get3A_11 = arith.constant 0 : index
    %get3A_12 = vector.load %arg6[%get3A_10, %get3A_11] : memref<1x384xf32, #tpu.memory_space<vmem>>, vector<1x384xf32>
    %get3A_13 = arith.constant 0 : index
    %get3A_14 = arith.constant 0 : index
    %get3A_15 = vector.load %arg7[%get3A_13, %get3A_14] : memref<1x128xf32, #tpu.memory_space<vmem>>, vector<1x128xf32>
    %get3A_16 = arith.constant 0 : index
    %get3A_17 = arith.constant 0 : index
    %get3A_18 = arith.constant 0 : index
    %get3A_19 = vector.load %arg1[%get3A_16, %get3A_17, %get3A_18] : memref<4x1024x128xf32, #tpu.memory_space<vmem>>, vector<1x1024x128xf32>
    %get3A_20 = vector.shape_cast %get3A_19 : vector<1x1024x128xf32> to vector<1024x128xf32>
    %convert_element_type3A_21 = arith.truncf %get3A_20 : vector<1024x128xf32> to vector<1024x128xbf16>
    %dot_general3A = arith.constant dense<0.000000e+00> : vector<1024x384xf32>
    %dot_general3A_22 = tpu.matmul %convert_element_type3A_21, %get3A_6, %dot_general3A {dimension_numbers = #tpu.dot_dimension_numbers<[1], [0], [0], [1], [0, 0, 1, 1], [], []>, transpose_lhs_hint = false} : vector<1024x128xbf16>, vector<128x384xbf16>, vector<1024x384xf32> -> vector<1024x384xf32>
    %convert_element_type3A_23 = arith.truncf %get3A_3 : vector<1024x128xf32> to vector<1024x128xbf16>
    %dot_general3A_24 = arith.constant dense<0.000000e+00> : vector<1024x384xf32>
    %dot_general3A_25 = tpu.matmul %convert_element_type3A_23, %get3A_9, %dot_general3A_24 {dimension_numbers = #tpu.dot_dimension_numbers<[1], [0], [0], [1], [0, 0, 1, 1], [], []>, transpose_lhs_hint = false} : vector<1024x128xbf16>, vector<128x384xbf16>, vector<1024x384xf32> -> vector<1024x384xf32>
    %add3A = vector.broadcast %get3A_12 : vector<1x384xf32> to vector<1024x384xf32>
    %add3A_26 = arith.addf %dot_general3A_25, %add3A : vector<1024x384xf32>
    %slice3A = vector.extract_strided_slice %dot_general3A_22 {offsets = [0, 0], sizes = [1024, 128], strides = [1, 1]} : vector<1024x384xf32> to vector<1024x128xf32>
    %slice3A_27 = vector.extract_strided_slice %add3A_26 {offsets = [0, 0], sizes = [1024, 128], strides = [1, 1]} : vector<1024x384xf32> to vector<1024x128xf32>
    %add3A_28 = arith.addf %slice3A, %slice3A_27 : vector<1024x128xf32>
    %mul3A = arith.constant 5.000000e-01 : f32
    %mul3A_29 = vector.broadcast %mul3A : f32 to vector<1024x128xf32>
    %mul3A_30 = arith.mulf %mul3A_29, %add3A_28 : vector<1024x128xf32>
    %tanh3A = math.tanh %mul3A_30 : vector<1024x128xf32>
    %mul3A_31 = arith.constant 5.000000e-01 : f32
    %mul3A_32 = vector.broadcast %mul3A_31 : f32 to vector<1024x128xf32>
    %mul3A_33 = arith.mulf %mul3A_32, %tanh3A : vector<1024x128xf32>
    %add3A_34 = arith.constant 5.000000e-01 : f32
    %add3A_35 = vector.broadcast %add3A_34 : f32 to vector<1024x128xf32>
    %add3A_36 = arith.addf %mul3A_33, %add3A_35 : vector<1024x128xf32>
    %slice3A_37 = vector.extract_strided_slice %dot_general3A_22 {offsets = [0, 128], sizes = [1024, 128], strides = [1, 1]} : vector<1024x384xf32> to vector<1024x128xf32>
    %slice3A_38 = vector.extract_strided_slice %add3A_26 {offsets = [0, 128], sizes = [1024, 128], strides = [1, 1]} : vector<1024x384xf32> to vector<1024x128xf32>
    %add3A_39 = arith.addf %slice3A_37, %slice3A_38 : vector<1024x128xf32>
    %mul3A_40 = arith.constant 5.000000e-01 : f32
    %mul3A_41 = vector.broadcast %mul3A_40 : f32 to vector<1024x128xf32>
    %mul3A_42 = arith.mulf %mul3A_41, %add3A_39 : vector<1024x128xf32>
    %tanh3A_43 = math.tanh %mul3A_42 : vector<1024x128xf32>
    %mul3A_44 = arith.constant 5.000000e-01 : f32
    %mul3A_45 = vector.broadcast %mul3A_44 : f32 to vector<1024x128xf32>
    %mul3A_46 = arith.mulf %mul3A_45, %tanh3A_43 : vector<1024x128xf32>
    %add3A_47 = arith.constant 5.000000e-01 : f32
    %add3A_48 = vector.broadcast %add3A_47 : f32 to vector<1024x128xf32>
    %add3A_49 = arith.addf %mul3A_46, %add3A_48 : vector<1024x128xf32>
    %slice3A_50 = vector.extract_strided_slice %dot_general3A_22 {offsets = [0, 256], sizes = [1024, 128], strides = [1, 1]} : vector<1024x384xf32> to vector<1024x128xf32>
    %slice3A_51 = vector.extract_strided_slice %add3A_26 {offsets = [0, 256], sizes = [1024, 128], strides = [1, 1]} : vector<1024x384xf32> to vector<1024x128xf32>
    %mul3A_52 = arith.mulf %add3A_36, %slice3A_51 : vector<1024x128xf32>
    %add3A_53 = vector.broadcast %get3A_15 : vector<1x128xf32> to vector<1024x128xf32>
    %add3A_54 = arith.addf %mul3A_52, %add3A_53 : vector<1024x128xf32>
    %add3A_55 = arith.addf %slice3A_50, %add3A_54 : vector<1024x128xf32>
    %tanh3A_56 = math.tanh %add3A_55 : vector<1024x128xf32>
    %sub3A = arith.subf %get3A_3, %tanh3A_56 : vector<1024x128xf32>
    %mul3A_57 = arith.mulf %add3A_49, %sub3A : vector<1024x128xf32>
    %add3A_58 = arith.addf %tanh3A_56, %mul3A_57 : vector<1024x128xf32>
    %get3A_59 = arith.constant 1 : index
    %get3A_60 = arith.constant 0 : index
    %get3A_61 = arith.constant 0 : index
    %get3A_62 = vector.load %arg1[%get3A_59, %get3A_60, %get3A_61] : memref<4x1024x128xf32, #tpu.memory_space<vmem>>, vector<1x1024x128xf32>
    %get3A_63 = vector.shape_cast %get3A_62 : vector<1x1024x128xf32> to vector<1024x128xf32>
    %convert_element_type3A_64 = arith.truncf %get3A_63 : vector<1024x128xf32> to vector<1024x128xbf16>
    %dot_general3A_65 = arith.constant dense<0.000000e+00> : vector<1024x384xf32>
    %dot_general3A_66 = tpu.matmul %convert_element_type3A_64, %get3A_6, %dot_general3A_65 {dimension_numbers = #tpu.dot_dimension_numbers<[1], [0], [0], [1], [0, 0, 1, 1], [], []>, transpose_lhs_hint = false} : vector<1024x128xbf16>, vector<128x384xbf16>, vector<1024x384xf32> -> vector<1024x384xf32>
    %convert_element_type3A_67 = arith.truncf %add3A_58 : vector<1024x128xf32> to vector<1024x128xbf16>
    %dot_general3A_68 = arith.constant dense<0.000000e+00> : vector<1024x384xf32>
    %dot_general3A_69 = tpu.matmul %convert_element_type3A_67, %get3A_9, %dot_general3A_68 {dimension_numbers = #tpu.dot_dimension_numbers<[1], [0], [0], [1], [0, 0, 1, 1], [], []>, transpose_lhs_hint = false} : vector<1024x128xbf16>, vector<128x384xbf16>, vector<1024x384xf32> -> vector<1024x384xf32>
    %add3A_70 = vector.broadcast %get3A_12 : vector<1x384xf32> to vector<1024x384xf32>
    %add3A_71 = arith.addf %dot_general3A_69, %add3A_70 : vector<1024x384xf32>
    %slice3A_72 = vector.extract_strided_slice %dot_general3A_66 {offsets = [0, 0], sizes = [1024, 128], strides = [1, 1]} : vector<1024x384xf32> to vector<1024x128xf32>
    %slice3A_73 = vector.extract_strided_slice %add3A_71 {offsets = [0, 0], sizes = [1024, 128], strides = [1, 1]} : vector<1024x384xf32> to vector<1024x128xf32>
    %add3A_74 = arith.addf %slice3A_72, %slice3A_73 : vector<1024x128xf32>
    %mul3A_75 = arith.constant 5.000000e-01 : f32
    %mul3A_76 = vector.broadcast %mul3A_75 : f32 to vector<1024x128xf32>
    %mul3A_77 = arith.mulf %mul3A_76, %add3A_74 : vector<1024x128xf32>
    %tanh3A_78 = math.tanh %mul3A_77 : vector<1024x128xf32>
    %mul3A_79 = arith.constant 5.000000e-01 : f32
    %mul3A_80 = vector.broadcast %mul3A_79 : f32 to vector<1024x128xf32>
    %mul3A_81 = arith.mulf %mul3A_80, %tanh3A_78 : vector<1024x128xf32>
    %add3A_82 = arith.constant 5.000000e-01 : f32
    %add3A_83 = vector.broadcast %add3A_82 : f32 to vector<1024x128xf32>
    %add3A_84 = arith.addf %mul3A_81, %add3A_83 : vector<1024x128xf32>
    %slice3A_85 = vector.extract_strided_slice %dot_general3A_66 {offsets = [0, 128], sizes = [1024, 128], strides = [1, 1]} : vector<1024x384xf32> to vector<1024x128xf32>
    %slice3A_86 = vector.extract_strided_slice %add3A_71 {offsets = [0, 128], sizes = [1024, 128], strides = [1, 1]} : vector<1024x384xf32> to vector<1024x128xf32>
    %add3A_87 = arith.addf %slice3A_85, %slice3A_86 : vector<1024x128xf32>
    %mul3A_88 = arith.constant 5.000000e-01 : f32
    %mul3A_89 = vector.broadcast %mul3A_88 : f32 to vector<1024x128xf32>
    %mul3A_90 = arith.mulf %mul3A_89, %add3A_87 : vector<1024x128xf32>
    %tanh3A_91 = math.tanh %mul3A_90 : vector<1024x128xf32>
    %mul3A_92 = arith.constant 5.000000e-01 : f32
    %mul3A_93 = vector.broadcast %mul3A_92 : f32 to vector<1024x128xf32>
    %mul3A_94 = arith.mulf %mul3A_93, %tanh3A_91 : vector<1024x128xf32>
    %add3A_95 = arith.constant 5.000000e-01 : f32
    %add3A_96 = vector.broadcast %add3A_95 : f32 to vector<1024x128xf32>
    %add3A_97 = arith.addf %mul3A_94, %add3A_96 : vector<1024x128xf32>
    %slice3A_98 = vector.extract_strided_slice %dot_general3A_66 {offsets = [0, 256], sizes = [1024, 128], strides = [1, 1]} : vector<1024x384xf32> to vector<1024x128xf32>
    %slice3A_99 = vector.extract_strided_slice %add3A_71 {offsets = [0, 256], sizes = [1024, 128], strides = [1, 1]} : vector<1024x384xf32> to vector<1024x128xf32>
    %mul3A_100 = arith.mulf %add3A_84, %slice3A_99 : vector<1024x128xf32>
    %add3A_101 = vector.broadcast %get3A_15 : vector<1x128xf32> to vector<1024x128xf32>
    %add3A_102 = arith.addf %mul3A_100, %add3A_101 : vector<1024x128xf32>
    %add3A_103 = arith.addf %slice3A_98, %add3A_102 : vector<1024x128xf32>
    %tanh3A_104 = math.tanh %add3A_103 : vector<1024x128xf32>
    %sub3A_105 = arith.subf %add3A_58, %tanh3A_104 : vector<1024x128xf32>
    %mul3A_106 = arith.mulf %add3A_97, %sub3A_105 : vector<1024x128xf32>
    %add3A_107 = arith.addf %tanh3A_104, %mul3A_106 : vector<1024x128xf32>
    %get3A_108 = arith.constant 2 : index
    %get3A_109 = arith.constant 0 : index
    %get3A_110 = arith.constant 0 : index
    %get3A_111 = vector.load %arg1[%get3A_108, %get3A_109, %get3A_110] : memref<4x1024x128xf32, #tpu.memory_space<vmem>>, vector<1x1024x128xf32>
    %get3A_112 = vector.shape_cast %get3A_111 : vector<1x1024x128xf32> to vector<1024x128xf32>
    %convert_element_type3A_113 = arith.truncf %get3A_112 : vector<1024x128xf32> to vector<1024x128xbf16>
    %dot_general3A_114 = arith.constant dense<0.000000e+00> : vector<1024x384xf32>
    %dot_general3A_115 = tpu.matmul %convert_element_type3A_113, %get3A_6, %dot_general3A_114 {dimension_numbers = #tpu.dot_dimension_numbers<[1], [0], [0], [1], [0, 0, 1, 1], [], []>, transpose_lhs_hint = false} : vector<1024x128xbf16>, vector<128x384xbf16>, vector<1024x384xf32> -> vector<1024x384xf32>
    %convert_element_type3A_116 = arith.truncf %add3A_107 : vector<1024x128xf32> to vector<1024x128xbf16>
    %dot_general3A_117 = arith.constant dense<0.000000e+00> : vector<1024x384xf32>
    %dot_general3A_118 = tpu.matmul %convert_element_type3A_116, %get3A_9, %dot_general3A_117 {dimension_numbers = #tpu.dot_dimension_numbers<[1], [0], [0], [1], [0, 0, 1, 1], [], []>, transpose_lhs_hint = false} : vector<1024x128xbf16>, vector<128x384xbf16>, vector<1024x384xf32> -> vector<1024x384xf32>
    %add3A_119 = vector.broadcast %get3A_12 : vector<1x384xf32> to vector<1024x384xf32>
    %add3A_120 = arith.addf %dot_general3A_118, %add3A_119 : vector<1024x384xf32>
    %slice3A_121 = vector.extract_strided_slice %dot_general3A_115 {offsets = [0, 0], sizes = [1024, 128], strides = [1, 1]} : vector<1024x384xf32> to vector<1024x128xf32>
    %slice3A_122 = vector.extract_strided_slice %add3A_120 {offsets = [0, 0], sizes = [1024, 128], strides = [1, 1]} : vector<1024x384xf32> to vector<1024x128xf32>
    %add3A_123 = arith.addf %slice3A_121, %slice3A_122 : vector<1024x128xf32>
    %mul3A_124 = arith.constant 5.000000e-01 : f32
    %mul3A_125 = vector.broadcast %mul3A_124 : f32 to vector<1024x128xf32>
    %mul3A_126 = arith.mulf %mul3A_125, %add3A_123 : vector<1024x128xf32>
    %tanh3A_127 = math.tanh %mul3A_126 : vector<1024x128xf32>
    %mul3A_128 = arith.constant 5.000000e-01 : f32
    %mul3A_129 = vector.broadcast %mul3A_128 : f32 to vector<1024x128xf32>
    %mul3A_130 = arith.mulf %mul3A_129, %tanh3A_127 : vector<1024x128xf32>
    %add3A_131 = arith.constant 5.000000e-01 : f32
    %add3A_132 = vector.broadcast %add3A_131 : f32 to vector<1024x128xf32>
    %add3A_133 = arith.addf %mul3A_130, %add3A_132 : vector<1024x128xf32>
    %slice3A_134 = vector.extract_strided_slice %dot_general3A_115 {offsets = [0, 128], sizes = [1024, 128], strides = [1, 1]} : vector<1024x384xf32> to vector<1024x128xf32>
    %slice3A_135 = vector.extract_strided_slice %add3A_120 {offsets = [0, 128], sizes = [1024, 128], strides = [1, 1]} : vector<1024x384xf32> to vector<1024x128xf32>
    %add3A_136 = arith.addf %slice3A_134, %slice3A_135 : vector<1024x128xf32>
    %mul3A_137 = arith.constant 5.000000e-01 : f32
    %mul3A_138 = vector.broadcast %mul3A_137 : f32 to vector<1024x128xf32>
    %mul3A_139 = arith.mulf %mul3A_138, %add3A_136 : vector<1024x128xf32>
    %tanh3A_140 = math.tanh %mul3A_139 : vector<1024x128xf32>
    %mul3A_141 = arith.constant 5.000000e-01 : f32
    %mul3A_142 = vector.broadcast %mul3A_141 : f32 to vector<1024x128xf32>
    %mul3A_143 = arith.mulf %mul3A_142, %tanh3A_140 : vector<1024x128xf32>
    %add3A_144 = arith.constant 5.000000e-01 : f32
    %add3A_145 = vector.broadcast %add3A_144 : f32 to vector<1024x128xf32>
    %add3A_146 = arith.addf %mul3A_143, %add3A_145 : vector<1024x128xf32>
    %slice3A_147 = vector.extract_strided_slice %dot_general3A_115 {offsets = [0, 256], sizes = [1024, 128], strides = [1, 1]} : vector<1024x384xf32> to vector<1024x128xf32>
    %slice3A_148 = vector.extract_strided_slice %add3A_120 {offsets = [0, 256], sizes = [1024, 128], strides = [1, 1]} : vector<1024x384xf32> to vector<1024x128xf32>
    %mul3A_149 = arith.mulf %add3A_133, %slice3A_148 : vector<1024x128xf32>
    %add3A_150 = vector.broadcast %get3A_15 : vector<1x128xf32> to vector<1024x128xf32>
    %add3A_151 = arith.addf %mul3A_149, %add3A_150 : vector<1024x128xf32>
    %add3A_152 = arith.addf %slice3A_147, %add3A_151 : vector<1024x128xf32>
    %tanh3A_153 = math.tanh %add3A_152 : vector<1024x128xf32>
    %sub3A_154 = arith.subf %add3A_107, %tanh3A_153 : vector<1024x128xf32>
    %mul3A_155 = arith.mulf %add3A_146, %sub3A_154 : vector<1024x128xf32>
    %add3A_156 = arith.addf %tanh3A_153, %mul3A_155 : vector<1024x128xf32>
    %get3A_157 = arith.constant 3 : index
    %get3A_158 = arith.constant 0 : index
    %get3A_159 = arith.constant 0 : index
    %get3A_160 = vector.load %arg1[%get3A_157, %get3A_158, %get3A_159] : memref<4x1024x128xf32, #tpu.memory_space<vmem>>, vector<1x1024x128xf32>
    %get3A_161 = vector.shape_cast %get3A_160 : vector<1x1024x128xf32> to vector<1024x128xf32>
    %convert_element_type3A_162 = arith.truncf %get3A_161 : vector<1024x128xf32> to vector<1024x128xbf16>
    %dot_general3A_163 = arith.constant dense<0.000000e+00> : vector<1024x384xf32>
    %dot_general3A_164 = tpu.matmul %convert_element_type3A_162, %get3A_6, %dot_general3A_163 {dimension_numbers = #tpu.dot_dimension_numbers<[1], [0], [0], [1], [0, 0, 1, 1], [], []>, transpose_lhs_hint = false} : vector<1024x128xbf16>, vector<128x384xbf16>, vector<1024x384xf32> -> vector<1024x384xf32>
    %convert_element_type3A_165 = arith.truncf %add3A_156 : vector<1024x128xf32> to vector<1024x128xbf16>
    %dot_general3A_166 = arith.constant dense<0.000000e+00> : vector<1024x384xf32>
    %dot_general3A_167 = tpu.matmul %convert_element_type3A_165, %get3A_9, %dot_general3A_166 {dimension_numbers = #tpu.dot_dimension_numbers<[1], [0], [0], [1], [0, 0, 1, 1], [], []>, transpose_lhs_hint = false} : vector<1024x128xbf16>, vector<128x384xbf16>, vector<1024x384xf32> -> vector<1024x384xf32>
    %add3A_168 = vector.broadcast %get3A_12 : vector<1x384xf32> to vector<1024x384xf32>
    %add3A_169 = arith.addf %dot_general3A_167, %add3A_168 : vector<1024x384xf32>
    %slice3A_170 = vector.extract_strided_slice %dot_general3A_164 {offsets = [0, 0], sizes = [1024, 128], strides = [1, 1]} : vector<1024x384xf32> to vector<1024x128xf32>
    %slice3A_171 = vector.extract_strided_slice %add3A_169 {offsets = [0, 0], sizes = [1024, 128], strides = [1, 1]} : vector<1024x384xf32> to vector<1024x128xf32>
    %add3A_172 = arith.addf %slice3A_170, %slice3A_171 : vector<1024x128xf32>
    %mul3A_173 = arith.constant 5.000000e-01 : f32
    %mul3A_174 = vector.broadcast %mul3A_173 : f32 to vector<1024x128xf32>
    %mul3A_175 = arith.mulf %mul3A_174, %add3A_172 : vector<1024x128xf32>
    %tanh3A_176 = math.tanh %mul3A_175 : vector<1024x128xf32>
    %mul3A_177 = arith.constant 5.000000e-01 : f32
    %mul3A_178 = vector.broadcast %mul3A_177 : f32 to vector<1024x128xf32>
    %mul3A_179 = arith.mulf %mul3A_178, %tanh3A_176 : vector<1024x128xf32>
    %add3A_180 = arith.constant 5.000000e-01 : f32
    %add3A_181 = vector.broadcast %add3A_180 : f32 to vector<1024x128xf32>
    %add3A_182 = arith.addf %mul3A_179, %add3A_181 : vector<1024x128xf32>
    %slice3A_183 = vector.extract_strided_slice %dot_general3A_164 {offsets = [0, 128], sizes = [1024, 128], strides = [1, 1]} : vector<1024x384xf32> to vector<1024x128xf32>
    %slice3A_184 = vector.extract_strided_slice %add3A_169 {offsets = [0, 128], sizes = [1024, 128], strides = [1, 1]} : vector<1024x384xf32> to vector<1024x128xf32>
    %add3A_185 = arith.addf %slice3A_183, %slice3A_184 : vector<1024x128xf32>
    %mul3A_186 = arith.constant 5.000000e-01 : f32
    %mul3A_187 = vector.broadcast %mul3A_186 : f32 to vector<1024x128xf32>
    %mul3A_188 = arith.mulf %mul3A_187, %add3A_185 : vector<1024x128xf32>
    %tanh3A_189 = math.tanh %mul3A_188 : vector<1024x128xf32>
    %mul3A_190 = arith.constant 5.000000e-01 : f32
    %mul3A_191 = vector.broadcast %mul3A_190 : f32 to vector<1024x128xf32>
    %mul3A_192 = arith.mulf %mul3A_191, %tanh3A_189 : vector<1024x128xf32>
    %add3A_193 = arith.constant 5.000000e-01 : f32
    %add3A_194 = vector.broadcast %add3A_193 : f32 to vector<1024x128xf32>
    %add3A_195 = arith.addf %mul3A_192, %add3A_194 : vector<1024x128xf32>
    %slice3A_196 = vector.extract_strided_slice %dot_general3A_164 {offsets = [0, 256], sizes = [1024, 128], strides = [1, 1]} : vector<1024x384xf32> to vector<1024x128xf32>
    %slice3A_197 = vector.extract_strided_slice %add3A_169 {offsets = [0, 256], sizes = [1024, 128], strides = [1, 1]} : vector<1024x384xf32> to vector<1024x128xf32>
    %mul3A_198 = arith.mulf %add3A_182, %slice3A_197 : vector<1024x128xf32>
    %add3A_199 = vector.broadcast %get3A_15 : vector<1x128xf32> to vector<1024x128xf32>
    %add3A_200 = arith.addf %mul3A_198, %add3A_199 : vector<1024x128xf32>
    %add3A_201 = arith.addf %slice3A_196, %add3A_200 : vector<1024x128xf32>
    %tanh3A_202 = math.tanh %add3A_201 : vector<1024x128xf32>
    %sub3A_203 = arith.subf %add3A_156, %tanh3A_202 : vector<1024x128xf32>
    %mul3A_204 = arith.mulf %add3A_195, %sub3A_203 : vector<1024x128xf32>
    %add3A_205 = arith.addf %tanh3A_202, %mul3A_204 : vector<1024x128xf32>
    %get3A_206 = arith.constant 0 : index
    %get3A_207 = arith.constant 0 : index
    %get3A_208 = arith.constant 0 : index
    %get3A_209 = vector.load %arg2[%get3A_206, %get3A_207, %get3A_208] : memref<4x1024x128xf32, #tpu.memory_space<vmem>>, vector<1x1024x128xf32>
    %get3A_210 = vector.shape_cast %get3A_209 : vector<1x1024x128xf32> to vector<1024x128xf32>
    %convert_element_type3A_211 = arith.truncf %get3A_210 : vector<1024x128xf32> to vector<1024x128xbf16>
    %dot_general3A_212 = arith.constant dense<0.000000e+00> : vector<1024x384xf32>
    %dot_general3A_213 = tpu.matmul %convert_element_type3A_211, %get3A_6, %dot_general3A_212 {dimension_numbers = #tpu.dot_dimension_numbers<[1], [0], [0], [1], [0, 0, 1, 1], [], []>, transpose_lhs_hint = false} : vector<1024x128xbf16>, vector<128x384xbf16>, vector<1024x384xf32> -> vector<1024x384xf32>
    %convert_element_type3A_214 = arith.truncf %add3A_205 : vector<1024x128xf32> to vector<1024x128xbf16>
    %dot_general3A_215 = arith.constant dense<0.000000e+00> : vector<1024x384xf32>
    %dot_general3A_216 = tpu.matmul %convert_element_type3A_214, %get3A_9, %dot_general3A_215 {dimension_numbers = #tpu.dot_dimension_numbers<[1], [0], [0], [1], [0, 0, 1, 1], [], []>, transpose_lhs_hint = false} : vector<1024x128xbf16>, vector<128x384xbf16>, vector<1024x384xf32> -> vector<1024x384xf32>
    %add3A_217 = vector.broadcast %get3A_12 : vector<1x384xf32> to vector<1024x384xf32>
    %add3A_218 = arith.addf %dot_general3A_216, %add3A_217 : vector<1024x384xf32>
    %slice3A_219 = vector.extract_strided_slice %dot_general3A_213 {offsets = [0, 0], sizes = [1024, 128], strides = [1, 1]} : vector<1024x384xf32> to vector<1024x128xf32>
    %slice3A_220 = vector.extract_strided_slice %add3A_218 {offsets = [0, 0], sizes = [1024, 128], strides = [1, 1]} : vector<1024x384xf32> to vector<1024x128xf32>
    %add3A_221 = arith.addf %slice3A_219, %slice3A_220 : vector<1024x128xf32>
    %mul3A_222 = arith.constant 5.000000e-01 : f32
    %mul3A_223 = vector.broadcast %mul3A_222 : f32 to vector<1024x128xf32>
    %mul3A_224 = arith.mulf %mul3A_223, %add3A_221 : vector<1024x128xf32>
    %tanh3A_225 = math.tanh %mul3A_224 : vector<1024x128xf32>
    %mul3A_226 = arith.constant 5.000000e-01 : f32
    %mul3A_227 = vector.broadcast %mul3A_226 : f32 to vector<1024x128xf32>
    %mul3A_228 = arith.mulf %mul3A_227, %tanh3A_225 : vector<1024x128xf32>
    %add3A_229 = arith.constant 5.000000e-01 : f32
    %add3A_230 = vector.broadcast %add3A_229 : f32 to vector<1024x128xf32>
    %add3A_231 = arith.addf %mul3A_228, %add3A_230 : vector<1024x128xf32>
    %slice3A_232 = vector.extract_strided_slice %dot_general3A_213 {offsets = [0, 128], sizes = [1024, 128], strides = [1, 1]} : vector<1024x384xf32> to vector<1024x128xf32>
    %slice3A_233 = vector.extract_strided_slice %add3A_218 {offsets = [0, 128], sizes = [1024, 128], strides = [1, 1]} : vector<1024x384xf32> to vector<1024x128xf32>
    %add3A_234 = arith.addf %slice3A_232, %slice3A_233 : vector<1024x128xf32>
    %mul3A_235 = arith.constant 5.000000e-01 : f32
    %mul3A_236 = vector.broadcast %mul3A_235 : f32 to vector<1024x128xf32>
    %mul3A_237 = arith.mulf %mul3A_236, %add3A_234 : vector<1024x128xf32>
    %tanh3A_238 = math.tanh %mul3A_237 : vector<1024x128xf32>
    %mul3A_239 = arith.constant 5.000000e-01 : f32
    %mul3A_240 = vector.broadcast %mul3A_239 : f32 to vector<1024x128xf32>
    %mul3A_241 = arith.mulf %mul3A_240, %tanh3A_238 : vector<1024x128xf32>
    %add3A_242 = arith.constant 5.000000e-01 : f32
    %add3A_243 = vector.broadcast %add3A_242 : f32 to vector<1024x128xf32>
    %add3A_244 = arith.addf %mul3A_241, %add3A_243 : vector<1024x128xf32>
    %slice3A_245 = vector.extract_strided_slice %dot_general3A_213 {offsets = [0, 256], sizes = [1024, 128], strides = [1, 1]} : vector<1024x384xf32> to vector<1024x128xf32>
    %slice3A_246 = vector.extract_strided_slice %add3A_218 {offsets = [0, 256], sizes = [1024, 128], strides = [1, 1]} : vector<1024x384xf32> to vector<1024x128xf32>
    %mul3A_247 = arith.mulf %add3A_231, %slice3A_246 : vector<1024x128xf32>
    %add3A_248 = vector.broadcast %get3A_15 : vector<1x128xf32> to vector<1024x128xf32>
    %add3A_249 = arith.addf %mul3A_247, %add3A_248 : vector<1024x128xf32>
    %add3A_250 = arith.addf %slice3A_245, %add3A_249 : vector<1024x128xf32>
    %tanh3A_251 = math.tanh %add3A_250 : vector<1024x128xf32>
    %sub3A_252 = arith.subf %add3A_205, %tanh3A_251 : vector<1024x128xf32>
    %mul3A_253 = arith.mulf %add3A_244, %sub3A_252 : vector<1024x128xf32>
    %add3A_254 = arith.addf %tanh3A_251, %mul3A_253 : vector<1024x128xf32>
    %get3A_255 = arith.constant 1 : index
    %get3A_256 = arith.constant 0 : index
    %get3A_257 = arith.constant 0 : index
    %get3A_258 = vector.load %arg2[%get3A_255, %get3A_256, %get3A_257] : memref<4x1024x128xf32, #tpu.memory_space<vmem>>, vector<1x1024x128xf32>
    %get3A_259 = vector.shape_cast %get3A_258 : vector<1x1024x128xf32> to vector<1024x128xf32>
    %convert_element_type3A_260 = arith.truncf %get3A_259 : vector<1024x128xf32> to vector<1024x128xbf16>
    %dot_general3A_261 = arith.constant dense<0.000000e+00> : vector<1024x384xf32>
    %dot_general3A_262 = tpu.matmul %convert_element_type3A_260, %get3A_6, %dot_general3A_261 {dimension_numbers = #tpu.dot_dimension_numbers<[1], [0], [0], [1], [0, 0, 1, 1], [], []>, transpose_lhs_hint = false} : vector<1024x128xbf16>, vector<128x384xbf16>, vector<1024x384xf32> -> vector<1024x384xf32>
    %convert_element_type3A_263 = arith.truncf %add3A_254 : vector<1024x128xf32> to vector<1024x128xbf16>
    %dot_general3A_264 = arith.constant dense<0.000000e+00> : vector<1024x384xf32>
    %dot_general3A_265 = tpu.matmul %convert_element_type3A_263, %get3A_9, %dot_general3A_264 {dimension_numbers = #tpu.dot_dimension_numbers<[1], [0], [0], [1], [0, 0, 1, 1], [], []>, transpose_lhs_hint = false} : vector<1024x128xbf16>, vector<128x384xbf16>, vector<1024x384xf32> -> vector<1024x384xf32>
    %add3A_266 = vector.broadcast %get3A_12 : vector<1x384xf32> to vector<1024x384xf32>
    %add3A_267 = arith.addf %dot_general3A_265, %add3A_266 : vector<1024x384xf32>
    %slice3A_268 = vector.extract_strided_slice %dot_general3A_262 {offsets = [0, 0], sizes = [1024, 128], strides = [1, 1]} : vector<1024x384xf32> to vector<1024x128xf32>
    %slice3A_269 = vector.extract_strided_slice %add3A_267 {offsets = [0, 0], sizes = [1024, 128], strides = [1, 1]} : vector<1024x384xf32> to vector<1024x128xf32>
    %add3A_270 = arith.addf %slice3A_268, %slice3A_269 : vector<1024x128xf32>
    %mul3A_271 = arith.constant 5.000000e-01 : f32
    %mul3A_272 = vector.broadcast %mul3A_271 : f32 to vector<1024x128xf32>
    %mul3A_273 = arith.mulf %mul3A_272, %add3A_270 : vector<1024x128xf32>
    %tanh3A_274 = math.tanh %mul3A_273 : vector<1024x128xf32>
    %mul3A_275 = arith.constant 5.000000e-01 : f32
    %mul3A_276 = vector.broadcast %mul3A_275 : f32 to vector<1024x128xf32>
    %mul3A_277 = arith.mulf %mul3A_276, %tanh3A_274 : vector<1024x128xf32>
    %add3A_278 = arith.constant 5.000000e-01 : f32
    %add3A_279 = vector.broadcast %add3A_278 : f32 to vector<1024x128xf32>
    %add3A_280 = arith.addf %mul3A_277, %add3A_279 : vector<1024x128xf32>
    %slice3A_281 = vector.extract_strided_slice %dot_general3A_262 {offsets = [0, 128], sizes = [1024, 128], strides = [1, 1]} : vector<1024x384xf32> to vector<1024x128xf32>
    %slice3A_282 = vector.extract_strided_slice %add3A_267 {offsets = [0, 128], sizes = [1024, 128], strides = [1, 1]} : vector<1024x384xf32> to vector<1024x128xf32>
    %add3A_283 = arith.addf %slice3A_281, %slice3A_282 : vector<1024x128xf32>
    %mul3A_284 = arith.constant 5.000000e-01 : f32
    %mul3A_285 = vector.broadcast %mul3A_284 : f32 to vector<1024x128xf32>
    %mul3A_286 = arith.mulf %mul3A_285, %add3A_283 : vector<1024x128xf32>
    %tanh3A_287 = math.tanh %mul3A_286 : vector<1024x128xf32>
    %mul3A_288 = arith.constant 5.000000e-01 : f32
    %mul3A_289 = vector.broadcast %mul3A_288 : f32 to vector<1024x128xf32>
    %mul3A_290 = arith.mulf %mul3A_289, %tanh3A_287 : vector<1024x128xf32>
    %add3A_291 = arith.constant 5.000000e-01 : f32
    %add3A_292 = vector.broadcast %add3A_291 : f32 to vector<1024x128xf32>
    %add3A_293 = arith.addf %mul3A_290, %add3A_292 : vector<1024x128xf32>
    %slice3A_294 = vector.extract_strided_slice %dot_general3A_262 {offsets = [0, 256], sizes = [1024, 128], strides = [1, 1]} : vector<1024x384xf32> to vector<1024x128xf32>
    %slice3A_295 = vector.extract_strided_slice %add3A_267 {offsets = [0, 256], sizes = [1024, 128], strides = [1, 1]} : vector<1024x384xf32> to vector<1024x128xf32>
    %mul3A_296 = arith.mulf %add3A_280, %slice3A_295 : vector<1024x128xf32>
    %add3A_297 = vector.broadcast %get3A_15 : vector<1x128xf32> to vector<1024x128xf32>
    %add3A_298 = arith.addf %mul3A_296, %add3A_297 : vector<1024x128xf32>
    %add3A_299 = arith.addf %slice3A_294, %add3A_298 : vector<1024x128xf32>
    %tanh3A_300 = math.tanh %add3A_299 : vector<1024x128xf32>
    %sub3A_301 = arith.subf %add3A_254, %tanh3A_300 : vector<1024x128xf32>
    %mul3A_302 = arith.mulf %add3A_293, %sub3A_301 : vector<1024x128xf32>
    %add3A_303 = arith.addf %tanh3A_300, %mul3A_302 : vector<1024x128xf32>
    %get3A_304 = arith.constant 2 : index
    %get3A_305 = arith.constant 0 : index
    %get3A_306 = arith.constant 0 : index
    %get3A_307 = vector.load %arg2[%get3A_304, %get3A_305, %get3A_306] : memref<4x1024x128xf32, #tpu.memory_space<vmem>>, vector<1x1024x128xf32>
    %get3A_308 = vector.shape_cast %get3A_307 : vector<1x1024x128xf32> to vector<1024x128xf32>
    %convert_element_type3A_309 = arith.truncf %get3A_308 : vector<1024x128xf32> to vector<1024x128xbf16>
    %dot_general3A_310 = arith.constant dense<0.000000e+00> : vector<1024x384xf32>
    %dot_general3A_311 = tpu.matmul %convert_element_type3A_309, %get3A_6, %dot_general3A_310 {dimension_numbers = #tpu.dot_dimension_numbers<[1], [0], [0], [1], [0, 0, 1, 1], [], []>, transpose_lhs_hint = false} : vector<1024x128xbf16>, vector<128x384xbf16>, vector<1024x384xf32> -> vector<1024x384xf32>
    %convert_element_type3A_312 = arith.truncf %add3A_303 : vector<1024x128xf32> to vector<1024x128xbf16>
    %dot_general3A_313 = arith.constant dense<0.000000e+00> : vector<1024x384xf32>
    %dot_general3A_314 = tpu.matmul %convert_element_type3A_312, %get3A_9, %dot_general3A_313 {dimension_numbers = #tpu.dot_dimension_numbers<[1], [0], [0], [1], [0, 0, 1, 1], [], []>, transpose_lhs_hint = false} : vector<1024x128xbf16>, vector<128x384xbf16>, vector<1024x384xf32> -> vector<1024x384xf32>
    %add3A_315 = vector.broadcast %get3A_12 : vector<1x384xf32> to vector<1024x384xf32>
    %add3A_316 = arith.addf %dot_general3A_314, %add3A_315 : vector<1024x384xf32>
    %slice3A_317 = vector.extract_strided_slice %dot_general3A_311 {offsets = [0, 0], sizes = [1024, 128], strides = [1, 1]} : vector<1024x384xf32> to vector<1024x128xf32>
    %slice3A_318 = vector.extract_strided_slice %add3A_316 {offsets = [0, 0], sizes = [1024, 128], strides = [1, 1]} : vector<1024x384xf32> to vector<1024x128xf32>
    %add3A_319 = arith.addf %slice3A_317, %slice3A_318 : vector<1024x128xf32>
    %mul3A_320 = arith.constant 5.000000e-01 : f32
    %mul3A_321 = vector.broadcast %mul3A_320 : f32 to vector<1024x128xf32>
    %mul3A_322 = arith.mulf %mul3A_321, %add3A_319 : vector<1024x128xf32>
    %tanh3A_323 = math.tanh %mul3A_322 : vector<1024x128xf32>
    %mul3A_324 = arith.constant 5.000000e-01 : f32
    %mul3A_325 = vector.broadcast %mul3A_324 : f32 to vector<1024x128xf32>
    %mul3A_326 = arith.mulf %mul3A_325, %tanh3A_323 : vector<1024x128xf32>
    %add3A_327 = arith.constant 5.000000e-01 : f32
    %add3A_328 = vector.broadcast %add3A_327 : f32 to vector<1024x128xf32>
    %add3A_329 = arith.addf %mul3A_326, %add3A_328 : vector<1024x128xf32>
    %slice3A_330 = vector.extract_strided_slice %dot_general3A_311 {offsets = [0, 128], sizes = [1024, 128], strides = [1, 1]} : vector<1024x384xf32> to vector<1024x128xf32>
    %slice3A_331 = vector.extract_strided_slice %add3A_316 {offsets = [0, 128], sizes = [1024, 128], strides = [1, 1]} : vector<1024x384xf32> to vector<1024x128xf32>
    %add3A_332 = arith.addf %slice3A_330, %slice3A_331 : vector<1024x128xf32>
    %mul3A_333 = arith.constant 5.000000e-01 : f32
    %mul3A_334 = vector.broadcast %mul3A_333 : f32 to vector<1024x128xf32>
    %mul3A_335 = arith.mulf %mul3A_334, %add3A_332 : vector<1024x128xf32>
    %tanh3A_336 = math.tanh %mul3A_335 : vector<1024x128xf32>
    %mul3A_337 = arith.constant 5.000000e-01 : f32
    %mul3A_338 = vector.broadcast %mul3A_337 : f32 to vector<1024x128xf32>
    %mul3A_339 = arith.mulf %mul3A_338, %tanh3A_336 : vector<1024x128xf32>
    %add3A_340 = arith.constant 5.000000e-01 : f32
    %add3A_341 = vector.broadcast %add3A_340 : f32 to vector<1024x128xf32>
    %add3A_342 = arith.addf %mul3A_339, %add3A_341 : vector<1024x128xf32>
    %slice3A_343 = vector.extract_strided_slice %dot_general3A_311 {offsets = [0, 256], sizes = [1024, 128], strides = [1, 1]} : vector<1024x384xf32> to vector<1024x128xf32>
    %slice3A_344 = vector.extract_strided_slice %add3A_316 {offsets = [0, 256], sizes = [1024, 128], strides = [1, 1]} : vector<1024x384xf32> to vector<1024x128xf32>
    %mul3A_345 = arith.mulf %add3A_329, %slice3A_344 : vector<1024x128xf32>
    %add3A_346 = vector.broadcast %get3A_15 : vector<1x128xf32> to vector<1024x128xf32>
    %add3A_347 = arith.addf %mul3A_345, %add3A_346 : vector<1024x128xf32>
    %add3A_348 = arith.addf %slice3A_343, %add3A_347 : vector<1024x128xf32>
    %tanh3A_349 = math.tanh %add3A_348 : vector<1024x128xf32>
    %sub3A_350 = arith.subf %add3A_303, %tanh3A_349 : vector<1024x128xf32>
    %mul3A_351 = arith.mulf %add3A_342, %sub3A_350 : vector<1024x128xf32>
    %add3A_352 = arith.addf %tanh3A_349, %mul3A_351 : vector<1024x128xf32>
    %get3A_353 = arith.constant 3 : index
    %get3A_354 = arith.constant 0 : index
    %get3A_355 = arith.constant 0 : index
    %get3A_356 = vector.load %arg2[%get3A_353, %get3A_354, %get3A_355] : memref<4x1024x128xf32, #tpu.memory_space<vmem>>, vector<1x1024x128xf32>
    %get3A_357 = vector.shape_cast %get3A_356 : vector<1x1024x128xf32> to vector<1024x128xf32>
    %convert_element_type3A_358 = arith.truncf %get3A_357 : vector<1024x128xf32> to vector<1024x128xbf16>
    %dot_general3A_359 = arith.constant dense<0.000000e+00> : vector<1024x384xf32>
    %dot_general3A_360 = tpu.matmul %convert_element_type3A_358, %get3A_6, %dot_general3A_359 {dimension_numbers = #tpu.dot_dimension_numbers<[1], [0], [0], [1], [0, 0, 1, 1], [], []>, transpose_lhs_hint = false} : vector<1024x128xbf16>, vector<128x384xbf16>, vector<1024x384xf32> -> vector<1024x384xf32>
    %convert_element_type3A_361 = arith.truncf %add3A_352 : vector<1024x128xf32> to vector<1024x128xbf16>
    %dot_general3A_362 = arith.constant dense<0.000000e+00> : vector<1024x384xf32>
    %dot_general3A_363 = tpu.matmul %convert_element_type3A_361, %get3A_9, %dot_general3A_362 {dimension_numbers = #tpu.dot_dimension_numbers<[1], [0], [0], [1], [0, 0, 1, 1], [], []>, transpose_lhs_hint = false} : vector<1024x128xbf16>, vector<128x384xbf16>, vector<1024x384xf32> -> vector<1024x384xf32>
    %add3A_364 = vector.broadcast %get3A_12 : vector<1x384xf32> to vector<1024x384xf32>
    %add3A_365 = arith.addf %dot_general3A_363, %add3A_364 : vector<1024x384xf32>
    %slice3A_366 = vector.extract_strided_slice %dot_general3A_360 {offsets = [0, 0], sizes = [1024, 128], strides = [1, 1]} : vector<1024x384xf32> to vector<1024x128xf32>
    %slice3A_367 = vector.extract_strided_slice %add3A_365 {offsets = [0, 0], sizes = [1024, 128], strides = [1, 1]} : vector<1024x384xf32> to vector<1024x128xf32>
    %add3A_368 = arith.addf %slice3A_366, %slice3A_367 : vector<1024x128xf32>
    %mul3A_369 = arith.constant 5.000000e-01 : f32
    %mul3A_370 = vector.broadcast %mul3A_369 : f32 to vector<1024x128xf32>
    %mul3A_371 = arith.mulf %mul3A_370, %add3A_368 : vector<1024x128xf32>
    %tanh3A_372 = math.tanh %mul3A_371 : vector<1024x128xf32>
    %mul3A_373 = arith.constant 5.000000e-01 : f32
    %mul3A_374 = vector.broadcast %mul3A_373 : f32 to vector<1024x128xf32>
    %mul3A_375 = arith.mulf %mul3A_374, %tanh3A_372 : vector<1024x128xf32>
    %add3A_376 = arith.constant 5.000000e-01 : f32
    %add3A_377 = vector.broadcast %add3A_376 : f32 to vector<1024x128xf32>
    %add3A_378 = arith.addf %mul3A_375, %add3A_377 : vector<1024x128xf32>
    %slice3A_379 = vector.extract_strided_slice %dot_general3A_360 {offsets = [0, 128], sizes = [1024, 128], strides = [1, 1]} : vector<1024x384xf32> to vector<1024x128xf32>
    %slice3A_380 = vector.extract_strided_slice %add3A_365 {offsets = [0, 128], sizes = [1024, 128], strides = [1, 1]} : vector<1024x384xf32> to vector<1024x128xf32>
    %add3A_381 = arith.addf %slice3A_379, %slice3A_380 : vector<1024x128xf32>
    %mul3A_382 = arith.constant 5.000000e-01 : f32
    %mul3A_383 = vector.broadcast %mul3A_382 : f32 to vector<1024x128xf32>
    %mul3A_384 = arith.mulf %mul3A_383, %add3A_381 : vector<1024x128xf32>
    %tanh3A_385 = math.tanh %mul3A_384 : vector<1024x128xf32>
    %mul3A_386 = arith.constant 5.000000e-01 : f32
    %mul3A_387 = vector.broadcast %mul3A_386 : f32 to vector<1024x128xf32>
    %mul3A_388 = arith.mulf %mul3A_387, %tanh3A_385 : vector<1024x128xf32>
    %add3A_389 = arith.constant 5.000000e-01 : f32
    %add3A_390 = vector.broadcast %add3A_389 : f32 to vector<1024x128xf32>
    %add3A_391 = arith.addf %mul3A_388, %add3A_390 : vector<1024x128xf32>
    %slice3A_392 = vector.extract_strided_slice %dot_general3A_360 {offsets = [0, 256], sizes = [1024, 128], strides = [1, 1]} : vector<1024x384xf32> to vector<1024x128xf32>
    %slice3A_393 = vector.extract_strided_slice %add3A_365 {offsets = [0, 256], sizes = [1024, 128], strides = [1, 1]} : vector<1024x384xf32> to vector<1024x128xf32>
    %mul3A_394 = arith.mulf %add3A_378, %slice3A_393 : vector<1024x128xf32>
    %add3A_395 = vector.broadcast %get3A_15 : vector<1x128xf32> to vector<1024x128xf32>
    %add3A_396 = arith.addf %mul3A_394, %add3A_395 : vector<1024x128xf32>
    %add3A_397 = arith.addf %slice3A_392, %add3A_396 : vector<1024x128xf32>
    %tanh3A_398 = math.tanh %add3A_397 : vector<1024x128xf32>
    %sub3A_399 = arith.subf %add3A_352, %tanh3A_398 : vector<1024x128xf32>
    %mul3A_400 = arith.mulf %add3A_391, %sub3A_399 : vector<1024x128xf32>
    %add3A_401 = arith.addf %tanh3A_398, %mul3A_400 : vector<1024x128xf32>
    %swap3A = arith.constant 0 : index
    %swap3A_402 = arith.constant 0 : index
    %swap3A_403 = vector.load %arg9[%swap3A, %swap3A_402] : memref<1024x128xf32, #tpu.memory_space<vmem>>, vector<1024x128xf32>
    tpu.vector_store %arg9[%swap3A, %swap3A_402], %add3A_401 {strides = array<i32>} : memref<1024x128xf32, #tpu.memory_space<vmem>>, vector<1024x128xf32>,
    %eq3A_404 = arith.constant 5 : i32
    %eq3A_405 = arith.cmpi eq, %arg0, %eq3A_404 : i32
    %convert_element_type3A_406 = arith.extui %eq3A_405 : i1 to i32
    %cond3A_407 = arith.constant 0 : i32
    %cond3A_408 = arith.cmpi ne, %convert_element_type3A_406, %cond3A_407 : i32
    scf.if %cond3A_408 {
      %swap3A_409 = arith.constant 0 : index
      %swap3A_410 = arith.constant 0 : index
      %swap3A_411 = vector.load %arg8[%swap3A_409, %swap3A_410] : memref<1024x128xf32, #tpu.memory_space<vmem>>, vector<1024x128xf32>
      tpu.vector_store %arg8[%swap3A_409, %swap3A_410], %add3A_401 {strides = array<i32>} : memref<1024x128xf32, #tpu.memory_space<vmem>>, vector<1024x128xf32>,
    } else {
    }
    return
  }
  func.func @transform_0(%arg0: i32) -> (i32, i32, i32) {
    %mul3A = arith.constant 2 : i32
    %mul3A_0 = arith.muli %mul3A, %arg0 : i32
    %c0_i32 = arith.constant 0 : i32
    %c0_i32_1 = arith.constant 0 : i32
    %c0_i32_2 = arith.constant 0 : i32
    return %mul3A_0, %c0_i32, %c0_i32_1 : i32, i32, i32
  }
  func.func @transform_1(%arg0: i32) -> (i32, i32, i32) {
    %mul3A = arith.constant 2 : i32
    %mul3A_0 = arith.muli %mul3A, %arg0 : i32
    %add3A = arith.constant 1 : i32
    %add3A_1 = arith.addi %mul3A_0, %add3A : i32
    %c0_i32 = arith.constant 0 : i32
    %c0_i32_2 = arith.constant 0 : i32
    %c0_i32_3 = arith.constant 0 : i32
    return %add3A_1, %c0_i32, %c0_i32_2 : i32, i32, i32
  }
  func.func @transform_2(%arg0: i32) -> (i32, i32) {
    %c0_i32 = arith.constant 0 : i32
    %c0_i32_0 = arith.constant 0 : i32
    %c0_i32_1 = arith.constant 0 : i32
    return %c0_i32, %c0_i32_0 : i32, i32
  }
  func.func @transform_3(%arg0: i32) -> (i32, i32) {
    %c0_i32 = arith.constant 0 : i32
    %c0_i32_0 = arith.constant 0 : i32
    %c0_i32_1 = arith.constant 0 : i32
    return %c0_i32, %c0_i32_0 : i32, i32
  }
  func.func @transform_4(%arg0: i32) -> (i32, i32) {
    %c0_i32 = arith.constant 0 : i32
    %c0_i32_0 = arith.constant 0 : i32
    %c0_i32_1 = arith.constant 0 : i32
    return %c0_i32, %c0_i32_0 : i32, i32
  }
  func.func @transform_5(%arg0: i32) -> (i32, i32) {
    %c0_i32 = arith.constant 0 : i32
    %c0_i32_0 = arith.constant 0 : i32
    %c0_i32_1 = arith.constant 0 : i32
    return %c0_i32, %c0_i32_0 : i32, i32
  }
  func.func @transform_6(%arg0: i32) -> (i32, i32) {
    %c0_i32 = arith.constant 0 : i32
    %c0_i32_0 = arith.constant 0 : i32
    %c0_i32_1 = arith.constant 0 : i32
    return %c0_i32, %c0_i32_0 : i32, i32
  }
  func.func @transform_7(%arg0: i32) -> (i32, i32) {
    %c0_i32 = arith.constant 0 : i32
    %c0_i32_0 = arith.constant 0 : i32
    %c0_i32_1 = arith.constant 0 : i32
    return %c0_i32, %c0_i32_0 : i32, i32
  }
}

module attributes {stable_mosaic.version = 14 : i64} {
  func.func @_gru_body(%arg0: i32, %arg1: memref<4x1024x128xf32, #tpu.memory_space<vmem>>, %arg2: memref<4x1024x128xf32, #tpu.memory_space<vmem>>, %arg3: memref<1024x128xf32, #tpu.memory_space<vmem>>, %arg4: memref<128x384xbf16, #tpu.memory_space<vmem>>, %arg5: memref<128x384xbf16, #tpu.memory_space<vmem>>, %arg6: memref<1x384xf32, #tpu.memory_space<vmem>>, %arg7: memref<1x128xf32, #tpu.memory_space<vmem>>, %arg8: memref<1024x128xf32, #tpu.memory_space<vmem>>, %arg9: memref<1024x128xf32, #tpu.memory_space<vmem>>) attributes {dimension_semantics = [#tpu.dimension_semantics<arbitrary>], iteration_bounds = array<i64: 3>, scalar_prefetch = 0 : i64, scratch_operands = 1 : i64, tpu.core_type = #tpu.core_type<tc>, window_params = [{transform_indices = @transform_0, window_bounds = array<i64: 4, 1024, 128>}, {transform_indices = @transform_1, window_bounds = array<i64: 4, 1024, 128>}, {pipeline_mode = #tpu.pipeline_mode<synchronous>, transform_indices = @transform_2, window_bounds = array<i64: 1024, 128>}, {pipeline_mode = #tpu.pipeline_mode<synchronous>, transform_indices = @transform_3, window_bounds = array<i64: 128, 384>}, {pipeline_mode = #tpu.pipeline_mode<synchronous>, transform_indices = @transform_4, window_bounds = array<i64: 128, 384>}, {pipeline_mode = #tpu.pipeline_mode<synchronous>, transform_indices = @transform_5, window_bounds = array<i64: 1, 384>}, {pipeline_mode = #tpu.pipeline_mode<synchronous>, transform_indices = @transform_6, window_bounds = array<i64: 1, 128>}, {pipeline_mode = #tpu.pipeline_mode<synchronous>, transform_indices = @transform_7, window_bounds = array<i64: 1024, 128>}]} {
    %eq3A = arith.constant 0 : i32
    %eq3A_0 = arith.cmpi eq, %arg0, %eq3A : i32
    %convert_element_type3A = arith.extui %eq3A_0 : i1 to i32
    %cond3A = arith.constant 0 : i32
    %cond3A_1 = arith.cmpi ne, %convert_element_type3A, %cond3A : i32
    scf.if %cond3A_1 {
      %get3A_409 = arith.constant 0 : index
      %get3A_410 = arith.constant 0 : index
      %get3A_411 = vector.load %arg3[%get3A_409, %get3A_410] : memref<1024x128xf32, #tpu.memory_space<vmem>>, vector<1024x128xf32>
      %swap3A_412 = arith.constant 0 : index
      %swap3A_413 = arith.constant 0 : index
      %swap3A_414 = vector.load %arg9[%swap3A_412, %swap3A_413] : memref<1024x128xf32, #tpu.memory_space<vmem>>, vector<1024x128xf32>
      tpu.vector_store %arg9[%swap3A_412, %swap3A_413], %get3A_411 {strides = array<i32>} : memref<1024x128xf32, #tpu.memory_space<vmem>>, vector<1024x128xf32>,
    } else {
    }
    %get3A = arith.constant 0 : index
    %get3A_2 = arith.constant 0 : index
    %get3A_3 = vector.load %arg9[%get3A, %get3A_2] : memref<1024x128xf32, #tpu.memory_space<vmem>>, vector<1024x128xf32>
    %get3A_4 = arith.constant 0 : index
    %get3A_5 = arith.constant 0 : index
    %get3A_6 = vector.load %arg4[%get3A_4, %get3A_5] : memref<128x384xbf16, #tpu.memory_space<vmem>>, vector<128x384xbf16>
    %get3A_7 = arith.constant 0 : index
    %get3A_8 = arith.constant 0 : index
    %get3A_9 = vector.load %arg5[%get3A_7, %get3A_8] : memref<128x384xbf16, #tpu.memory_space<vmem>>, vector<128x384xbf16>
    %get3A_10 = arith.constant 0 : index
    %get3A_11 = arith.constant 0 : index
    %get3A_12 = vector.load %arg6[%get3A_10, %get3A_11] : memref<1x384xf32, #tpu.memory_space<vmem>>, vector<1x384xf32>
    %get3A_13 = arith.constant 0 : index
    %get3A_14 = arith.constant 0 : index
    %get3A_15 = vector.load %arg7[%get3A_13, %get3A_14] : memref<1x128xf32, #tpu.memory_space<vmem>>, vector<1x128xf32>
    %get3A_16 = arith.constant 0 : index
    %get3A_17 = arith.constant 0 : index
    %get3A_18 = arith.constant 0 : index
    %get3A_19 = vector.load %arg1[%get3A_16, %get3A_17, %get3A_18] : memref<4x1024x128xf32, #tpu.memory_space<vmem>>, vector<1x1024x128xf32>
    %get3A_20 = vector.shape_cast %get3A_19 : vector<1x1024x128xf32> to vector<1024x128xf32>
    %convert_element_type3A_21 = arith.truncf %get3A_20 : vector<1024x128xf32> to vector<1024x128xbf16>
    %dot_general3A = arith.constant dense<0.000000e+00> : vector<1024x384xf32>
    %dot_general3A_22 = tpu.matmul %convert_element_type3A_21, %get3A_6, %dot_general3A {dimension_numbers = #tpu.dot_dimension_numbers<[1], [0], [0], [1], [0, 0, 1, 1], [], []>, transpose_lhs_hint = false} : vector<1024x128xbf16>, vector<128x384xbf16>, vector<1024x384xf32> -> vector<1024x384xf32>
    %convert_element_type3A_23 = arith.truncf %get3A_3 : vector<1024x128xf32> to vector<1024x128xbf16>
    %dot_general3A_24 = arith.constant dense<0.000000e+00> : vector<1024x384xf32>
    %dot_general3A_25 = tpu.matmul %convert_element_type3A_23, %get3A_9, %dot_general3A_24 {dimension_numbers = #tpu.dot_dimension_numbers<[1], [0], [0], [1], [0, 0, 1, 1], [], []>, transpose_lhs_hint = false} : vector<1024x128xbf16>, vector<128x384xbf16>, vector<1024x384xf32> -> vector<1024x384xf32>
    %add3A = vector.broadcast %get3A_12 : vector<1x384xf32> to vector<1024x384xf32>
    %add3A_26 = arith.addf %dot_general3A_25, %add3A : vector<1024x384xf32>
    %slice3A = vector.extract_strided_slice %dot_general3A_22 {offsets = [0, 0], sizes = [1024, 128], strides = [1, 1]} : vector<1024x384xf32> to vector<1024x128xf32>
    %slice3A_27 = vector.extract_strided_slice %add3A_26 {offsets = [0, 0], sizes = [1024, 128], strides = [1, 1]} : vector<1024x384xf32> to vector<1024x128xf32>
    %add3A_28 = arith.addf %slice3A, %slice3A_27 : vector<1024x128xf32>
    %mul3A = arith.constant 5.000000e-01 : f32
    %mul3A_29 = vector.broadcast %mul3A : f32 to vector<1024x128xf32>
    %mul3A_30 = arith.mulf %mul3A_29, %add3A_28 : vector<1024x128xf32>
    %tanh3A = math.tanh %mul3A_30 : vector<1024x128xf32>
    %mul3A_31 = arith.constant 5.000000e-01 : f32
    %mul3A_32 = vector.broadcast %mul3A_31 : f32 to vector<1024x128xf32>
    %mul3A_33 = arith.mulf %mul3A_32, %tanh3A : vector<1024x128xf32>
    %add3A_34 = arith.constant 5.000000e-01 : f32
    %add3A_35 = vector.broadcast %add3A_34 : f32 to vector<1024x128xf32>
    %add3A_36 = arith.addf %mul3A_33, %add3A_35 : vector<1024x128xf32>
    %slice3A_37 = vector.extract_strided_slice %dot_general3A_22 {offsets = [0, 128], sizes = [1024, 128], strides = [1, 1]} : vector<1024x384xf32> to vector<1024x128xf32>
    %slice3A_38 = vector.extract_strided_slice %add3A_26 {offsets = [0, 128], sizes = [1024, 128], strides = [1, 1]} : vector<1024x384xf32> to vector<1024x128xf32>
    %add3A_39 = arith.addf %slice3A_37, %slice3A_38 : vector<1024x128xf32>
    %mul3A_40 = arith.constant 5.000000e-01 : f32
    %mul3A_41 = vector.broadcast %mul3A_40 : f32 to vector<1024x128xf32>
    %mul3A_42 = arith.mulf %mul3A_41, %add3A_39 : vector<1024x128xf32>
    %tanh3A_43 = math.tanh %mul3A_42 : vector<1024x128xf32>
    %mul3A_44 = arith.constant 5.000000e-01 : f32
    %mul3A_45 = vector.broadcast %mul3A_44 : f32 to vector<1024x128xf32>
    %mul3A_46 = arith.mulf %mul3A_45, %tanh3A_43 : vector<1024x128xf32>
    %add3A_47 = arith.constant 5.000000e-01 : f32
    %add3A_48 = vector.broadcast %add3A_47 : f32 to vector<1024x128xf32>
    %add3A_49 = arith.addf %mul3A_46, %add3A_48 : vector<1024x128xf32>
    %slice3A_50 = vector.extract_strided_slice %dot_general3A_22 {offsets = [0, 256], sizes = [1024, 128], strides = [1, 1]} : vector<1024x384xf32> to vector<1024x128xf32>
    %slice3A_51 = vector.extract_strided_slice %add3A_26 {offsets = [0, 256], sizes = [1024, 128], strides = [1, 1]} : vector<1024x384xf32> to vector<1024x128xf32>
    %mul3A_52 = arith.mulf %add3A_36, %slice3A_51 : vector<1024x128xf32>
    %add3A_53 = vector.broadcast %get3A_15 : vector<1x128xf32> to vector<1024x128xf32>
    %add3A_54 = arith.addf %mul3A_52, %add3A_53 : vector<1024x128xf32>
    %add3A_55 = arith.addf %slice3A_50, %add3A_54 : vector<1024x128xf32>
    %tanh3A_56 = math.tanh %add3A_55 : vector<1024x128xf32>
    %sub3A = arith.subf %get3A_3, %tanh3A_56 : vector<1024x128xf32>
    %mul3A_57 = arith.mulf %add3A_49, %sub3A : vector<1024x128xf32>
    %add3A_58 = arith.addf %tanh3A_56, %mul3A_57 : vector<1024x128xf32>
    %get3A_59 = arith.constant 1 : index
    %get3A_60 = arith.constant 0 : index
    %get3A_61 = arith.constant 0 : index
    %get3A_62 = vector.load %arg1[%get3A_59, %get3A_60, %get3A_61] : memref<4x1024x128xf32, #tpu.memory_space<vmem>>, vector<1x1024x128xf32>
    %get3A_63 = vector.shape_cast %get3A_62 : vector<1x1024x128xf32> to vector<1024x128xf32>
    %convert_element_type3A_64 = arith.truncf %get3A_63 : vector<1024x128xf32> to vector<1024x128xbf16>
    %dot_general3A_65 = arith.constant dense<0.000000e+00> : vector<1024x384xf32>
    %dot_general3A_66 = tpu.matmul %convert_element_type3A_64, %get3A_6, %dot_general3A_65 {dimension_numbers = #tpu.dot_dimension_numbers<[1], [0], [0], [1], [0, 0, 1, 1], [], []>, transpose_lhs_hint = false} : vector<1024x128xbf16>, vector<128x384xbf16>, vector<1024x384xf32> -> vector<1024x384xf32>
    %convert_element_type3A_67 = arith.truncf %add3A_58 : vector<1024x128xf32> to vector<1024x128xbf16>
    %dot_general3A_68 = arith.constant dense<0.000000e+00> : vector<1024x384xf32>
    %dot_general3A_69 = tpu.matmul %convert_element_type3A_67, %get3A_9, %dot_general3A_68 {dimension_numbers = #tpu.dot_dimension_numbers<[1], [0], [0], [1], [0, 0, 1, 1], [], []>, transpose_lhs_hint = false} : vector<1024x128xbf16>, vector<128x384xbf16>, vector<1024x384xf32> -> vector<1024x384xf32>
    %add3A_70 = vector.broadcast %get3A_12 : vector<1x384xf32> to vector<1024x384xf32>
    %add3A_71 = arith.addf %dot_general3A_69, %add3A_70 : vector<1024x384xf32>
    %slice3A_72 = vector.extract_strided_slice %dot_general3A_66 {offsets = [0, 0], sizes = [1024, 128], strides = [1, 1]} : vector<1024x384xf32> to vector<1024x128xf32>
    %slice3A_73 = vector.extract_strided_slice %add3A_71 {offsets = [0, 0], sizes = [1024, 128], strides = [1, 1]} : vector<1024x384xf32> to vector<1024x128xf32>
    %add3A_74 = arith.addf %slice3A_72, %slice3A_73 : vector<1024x128xf32>
    %mul3A_75 = arith.constant 5.000000e-01 : f32
    %mul3A_76 = vector.broadcast %mul3A_75 : f32 to vector<1024x128xf32>
    %mul3A_77 = arith.mulf %mul3A_76, %add3A_74 : vector<1024x128xf32>
    %tanh3A_78 = math.tanh %mul3A_77 : vector<1024x128xf32>
    %mul3A_79 = arith.constant 5.000000e-01 : f32
    %mul3A_80 = vector.broadcast %mul3A_79 : f32 to vector<1024x128xf32>
    %mul3A_81 = arith.mulf %mul3A_80, %tanh3A_78 : vector<1024x128xf32>
    %add3A_82 = arith.constant 5.000000e-01 : f32
    %add3A_83 = vector.broadcast %add3A_82 : f32 to vector<1024x128xf32>
    %add3A_84 = arith.addf %mul3A_81, %add3A_83 : vector<1024x128xf32>
    %slice3A_85 = vector.extract_strided_slice %dot_general3A_66 {offsets = [0, 128], sizes = [1024, 128], strides = [1, 1]} : vector<1024x384xf32> to vector<1024x128xf32>
    %slice3A_86 = vector.extract_strided_slice %add3A_71 {offsets = [0, 128], sizes = [1024, 128], strides = [1, 1]} : vector<1024x384xf32> to vector<1024x128xf32>
    %add3A_87 = arith.addf %slice3A_85, %slice3A_86 : vector<1024x128xf32>
    %mul3A_88 = arith.constant 5.000000e-01 : f32
    %mul3A_89 = vector.broadcast %mul3A_88 : f32 to vector<1024x128xf32>
    %mul3A_90 = arith.mulf %mul3A_89, %add3A_87 : vector<1024x128xf32>
    %tanh3A_91 = math.tanh %mul3A_90 : vector<1024x128xf32>
    %mul3A_92 = arith.constant 5.000000e-01 : f32
    %mul3A_93 = vector.broadcast %mul3A_92 : f32 to vector<1024x128xf32>
    %mul3A_94 = arith.mulf %mul3A_93, %tanh3A_91 : vector<1024x128xf32>
    %add3A_95 = arith.constant 5.000000e-01 : f32
    %add3A_96 = vector.broadcast %add3A_95 : f32 to vector<1024x128xf32>
    %add3A_97 = arith.addf %mul3A_94, %add3A_96 : vector<1024x128xf32>
    %slice3A_98 = vector.extract_strided_slice %dot_general3A_66 {offsets = [0, 256], sizes = [1024, 128], strides = [1, 1]} : vector<1024x384xf32> to vector<1024x128xf32>
    %slice3A_99 = vector.extract_strided_slice %add3A_71 {offsets = [0, 256], sizes = [1024, 128], strides = [1, 1]} : vector<1024x384xf32> to vector<1024x128xf32>
    %mul3A_100 = arith.mulf %add3A_84, %slice3A_99 : vector<1024x128xf32>
    %add3A_101 = vector.broadcast %get3A_15 : vector<1x128xf32> to vector<1024x128xf32>
    %add3A_102 = arith.addf %mul3A_100, %add3A_101 : vector<1024x128xf32>
    %add3A_103 = arith.addf %slice3A_98, %add3A_102 : vector<1024x128xf32>
    %tanh3A_104 = math.tanh %add3A_103 : vector<1024x128xf32>
    %sub3A_105 = arith.subf %add3A_58, %tanh3A_104 : vector<1024x128xf32>
    %mul3A_106 = arith.mulf %add3A_97, %sub3A_105 : vector<1024x128xf32>
    %add3A_107 = arith.addf %tanh3A_104, %mul3A_106 : vector<1024x128xf32>
    %get3A_108 = arith.constant 2 : index
    %get3A_109 = arith.constant 0 : index
    %get3A_110 = arith.constant 0 : index
    %get3A_111 = vector.load %arg1[%get3A_108, %get3A_109, %get3A_110] : memref<4x1024x128xf32, #tpu.memory_space<vmem>>, vector<1x1024x128xf32>
    %get3A_112 = vector.shape_cast %get3A_111 : vector<1x1024x128xf32> to vector<1024x128xf32>
    %convert_element_type3A_113 = arith.truncf %get3A_112 : vector<1024x128xf32> to vector<1024x128xbf16>
    %dot_general3A_114 = arith.constant dense<0.000000e+00> : vector<1024x384xf32>
    %dot_general3A_115 = tpu.matmul %convert_element_type3A_113, %get3A_6, %dot_general3A_114 {dimension_numbers = #tpu.dot_dimension_numbers<[1], [0], [0], [1], [0, 0, 1, 1], [], []>, transpose_lhs_hint = false} : vector<1024x128xbf16>, vector<128x384xbf16>, vector<1024x384xf32> -> vector<1024x384xf32>
    %convert_element_type3A_116 = arith.truncf %add3A_107 : vector<1024x128xf32> to vector<1024x128xbf16>
    %dot_general3A_117 = arith.constant dense<0.000000e+00> : vector<1024x384xf32>
    %dot_general3A_118 = tpu.matmul %convert_element_type3A_116, %get3A_9, %dot_general3A_117 {dimension_numbers = #tpu.dot_dimension_numbers<[1], [0], [0], [1], [0, 0, 1, 1], [], []>, transpose_lhs_hint = false} : vector<1024x128xbf16>, vector<128x384xbf16>, vector<1024x384xf32> -> vector<1024x384xf32>
    %add3A_119 = vector.broadcast %get3A_12 : vector<1x384xf32> to vector<1024x384xf32>
    %add3A_120 = arith.addf %dot_general3A_118, %add3A_119 : vector<1024x384xf32>
    %slice3A_121 = vector.extract_strided_slice %dot_general3A_115 {offsets = [0, 0], sizes = [1024, 128], strides = [1, 1]} : vector<1024x384xf32> to vector<1024x128xf32>
    %slice3A_122 = vector.extract_strided_slice %add3A_120 {offsets = [0, 0], sizes = [1024, 128], strides = [1, 1]} : vector<1024x384xf32> to vector<1024x128xf32>
    %add3A_123 = arith.addf %slice3A_121, %slice3A_122 : vector<1024x128xf32>
    %mul3A_124 = arith.constant 5.000000e-01 : f32
    %mul3A_125 = vector.broadcast %mul3A_124 : f32 to vector<1024x128xf32>
    %mul3A_126 = arith.mulf %mul3A_125, %add3A_123 : vector<1024x128xf32>
    %tanh3A_127 = math.tanh %mul3A_126 : vector<1024x128xf32>
    %mul3A_128 = arith.constant 5.000000e-01 : f32
    %mul3A_129 = vector.broadcast %mul3A_128 : f32 to vector<1024x128xf32>
    %mul3A_130 = arith.mulf %mul3A_129, %tanh3A_127 : vector<1024x128xf32>
    %add3A_131 = arith.constant 5.000000e-01 : f32
    %add3A_132 = vector.broadcast %add3A_131 : f32 to vector<1024x128xf32>
    %add3A_133 = arith.addf %mul3A_130, %add3A_132 : vector<1024x128xf32>
    %slice3A_134 = vector.extract_strided_slice %dot_general3A_115 {offsets = [0, 128], sizes = [1024, 128], strides = [1, 1]} : vector<1024x384xf32> to vector<1024x128xf32>
    %slice3A_135 = vector.extract_strided_slice %add3A_120 {offsets = [0, 128], sizes = [1024, 128], strides = [1, 1]} : vector<1024x384xf32> to vector<1024x128xf32>
    %add3A_136 = arith.addf %slice3A_134, %slice3A_135 : vector<1024x128xf32>
    %mul3A_137 = arith.constant 5.000000e-01 : f32
    %mul3A_138 = vector.broadcast %mul3A_137 : f32 to vector<1024x128xf32>
    %mul3A_139 = arith.mulf %mul3A_138, %add3A_136 : vector<1024x128xf32>
    %tanh3A_140 = math.tanh %mul3A_139 : vector<1024x128xf32>
    %mul3A_141 = arith.constant 5.000000e-01 : f32
    %mul3A_142 = vector.broadcast %mul3A_141 : f32 to vector<1024x128xf32>
    %mul3A_143 = arith.mulf %mul3A_142, %tanh3A_140 : vector<1024x128xf32>
    %add3A_144 = arith.constant 5.000000e-01 : f32
    %add3A_145 = vector.broadcast %add3A_144 : f32 to vector<1024x128xf32>
    %add3A_146 = arith.addf %mul3A_143, %add3A_145 : vector<1024x128xf32>
    %slice3A_147 = vector.extract_strided_slice %dot_general3A_115 {offsets = [0, 256], sizes = [1024, 128], strides = [1, 1]} : vector<1024x384xf32> to vector<1024x128xf32>
    %slice3A_148 = vector.extract_strided_slice %add3A_120 {offsets = [0, 256], sizes = [1024, 128], strides = [1, 1]} : vector<1024x384xf32> to vector<1024x128xf32>
    %mul3A_149 = arith.mulf %add3A_133, %slice3A_148 : vector<1024x128xf32>
    %add3A_150 = vector.broadcast %get3A_15 : vector<1x128xf32> to vector<1024x128xf32>
    %add3A_151 = arith.addf %mul3A_149, %add3A_150 : vector<1024x128xf32>
    %add3A_152 = arith.addf %slice3A_147, %add3A_151 : vector<1024x128xf32>
    %tanh3A_153 = math.tanh %add3A_152 : vector<1024x128xf32>
    %sub3A_154 = arith.subf %add3A_107, %tanh3A_153 : vector<1024x128xf32>
    %mul3A_155 = arith.mulf %add3A_146, %sub3A_154 : vector<1024x128xf32>
    %add3A_156 = arith.addf %tanh3A_153, %mul3A_155 : vector<1024x128xf32>
    %get3A_157 = arith.constant 3 : index
    %get3A_158 = arith.constant 0 : index
    %get3A_159 = arith.constant 0 : index
    %get3A_160 = vector.load %arg1[%get3A_157, %get3A_158, %get3A_159] : memref<4x1024x128xf32, #tpu.memory_space<vmem>>, vector<1x1024x128xf32>
    %get3A_161 = vector.shape_cast %get3A_160 : vector<1x1024x128xf32> to vector<1024x128xf32>
    %convert_element_type3A_162 = arith.truncf %get3A_161 : vector<1024x128xf32> to vector<1024x128xbf16>
    %dot_general3A_163 = arith.constant dense<0.000000e+00> : vector<1024x384xf32>
    %dot_general3A_164 = tpu.matmul %convert_element_type3A_162, %get3A_6, %dot_general3A_163 {dimension_numbers = #tpu.dot_dimension_numbers<[1], [0], [0], [1], [0, 0, 1, 1], [], []>, transpose_lhs_hint = false} : vector<1024x128xbf16>, vector<128x384xbf16>, vector<1024x384xf32> -> vector<1024x384xf32>
    %convert_element_type3A_165 = arith.truncf %add3A_156 : vector<1024x128xf32> to vector<1024x128xbf16>
    %dot_general3A_166 = arith.constant dense<0.000000e+00> : vector<1024x384xf32>
    %dot_general3A_167 = tpu.matmul %convert_element_type3A_165, %get3A_9, %dot_general3A_166 {dimension_numbers = #tpu.dot_dimension_numbers<[1], [0], [0], [1], [0, 0, 1, 1], [], []>, transpose_lhs_hint = false} : vector<1024x128xbf16>, vector<128x384xbf16>, vector<1024x384xf32> -> vector<1024x384xf32>
    %add3A_168 = vector.broadcast %get3A_12 : vector<1x384xf32> to vector<1024x384xf32>
    %add3A_169 = arith.addf %dot_general3A_167, %add3A_168 : vector<1024x384xf32>
    %slice3A_170 = vector.extract_strided_slice %dot_general3A_164 {offsets = [0, 0], sizes = [1024, 128], strides = [1, 1]} : vector<1024x384xf32> to vector<1024x128xf32>
    %slice3A_171 = vector.extract_strided_slice %add3A_169 {offsets = [0, 0], sizes = [1024, 128], strides = [1, 1]} : vector<1024x384xf32> to vector<1024x128xf32>
    %add3A_172 = arith.addf %slice3A_170, %slice3A_171 : vector<1024x128xf32>
    %mul3A_173 = arith.constant 5.000000e-01 : f32
    %mul3A_174 = vector.broadcast %mul3A_173 : f32 to vector<1024x128xf32>
    %mul3A_175 = arith.mulf %mul3A_174, %add3A_172 : vector<1024x128xf32>
    %tanh3A_176 = math.tanh %mul3A_175 : vector<1024x128xf32>
    %mul3A_177 = arith.constant 5.000000e-01 : f32
    %mul3A_178 = vector.broadcast %mul3A_177 : f32 to vector<1024x128xf32>
    %mul3A_179 = arith.mulf %mul3A_178, %tanh3A_176 : vector<1024x128xf32>
    %add3A_180 = arith.constant 5.000000e-01 : f32
    %add3A_181 = vector.broadcast %add3A_180 : f32 to vector<1024x128xf32>
    %add3A_182 = arith.addf %mul3A_179, %add3A_181 : vector<1024x128xf32>
    %slice3A_183 = vector.extract_strided_slice %dot_general3A_164 {offsets = [0, 128], sizes = [1024, 128], strides = [1, 1]} : vector<1024x384xf32> to vector<1024x128xf32>
    %slice3A_184 = vector.extract_strided_slice %add3A_169 {offsets = [0, 128], sizes = [1024, 128], strides = [1, 1]} : vector<1024x384xf32> to vector<1024x128xf32>
    %add3A_185 = arith.addf %slice3A_183, %slice3A_184 : vector<1024x128xf32>
    %mul3A_186 = arith.constant 5.000000e-01 : f32
    %mul3A_187 = vector.broadcast %mul3A_186 : f32 to vector<1024x128xf32>
    %mul3A_188 = arith.mulf %mul3A_187, %add3A_185 : vector<1024x128xf32>
    %tanh3A_189 = math.tanh %mul3A_188 : vector<1024x128xf32>
    %mul3A_190 = arith.constant 5.000000e-01 : f32
    %mul3A_191 = vector.broadcast %mul3A_190 : f32 to vector<1024x128xf32>
    %mul3A_192 = arith.mulf %mul3A_191, %tanh3A_189 : vector<1024x128xf32>
    %add3A_193 = arith.constant 5.000000e-01 : f32
    %add3A_194 = vector.broadcast %add3A_193 : f32 to vector<1024x128xf32>
    %add3A_195 = arith.addf %mul3A_192, %add3A_194 : vector<1024x128xf32>
    %slice3A_196 = vector.extract_strided_slice %dot_general3A_164 {offsets = [0, 256], sizes = [1024, 128], strides = [1, 1]} : vector<1024x384xf32> to vector<1024x128xf32>
    %slice3A_197 = vector.extract_strided_slice %add3A_169 {offsets = [0, 256], sizes = [1024, 128], strides = [1, 1]} : vector<1024x384xf32> to vector<1024x128xf32>
    %mul3A_198 = arith.mulf %add3A_182, %slice3A_197 : vector<1024x128xf32>
    %add3A_199 = vector.broadcast %get3A_15 : vector<1x128xf32> to vector<1024x128xf32>
    %add3A_200 = arith.addf %mul3A_198, %add3A_199 : vector<1024x128xf32>
    %add3A_201 = arith.addf %slice3A_196, %add3A_200 : vector<1024x128xf32>
    %tanh3A_202 = math.tanh %add3A_201 : vector<1024x128xf32>
    %sub3A_203 = arith.subf %add3A_156, %tanh3A_202 : vector<1024x128xf32>
    %mul3A_204 = arith.mulf %add3A_195, %sub3A_203 : vector<1024x128xf32>
    %add3A_205 = arith.addf %tanh3A_202, %mul3A_204 : vector<1024x128xf32>
    %get3A_206 = arith.constant 0 : index
    %get3A_207 = arith.constant 0 : index
    %get3A_208 = arith.constant 0 : index
    %get3A_209 = vector.load %arg2[%get3A_206, %get3A_207, %get3A_208] : memref<4x1024x128xf32, #tpu.memory_space<vmem>>, vector<1x1024x128xf32>
    %get3A_210 = vector.shape_cast %get3A_209 : vector<1x1024x128xf32> to vector<1024x128xf32>
    %convert_element_type3A_211 = arith.truncf %get3A_210 : vector<1024x128xf32> to vector<1024x128xbf16>
    %dot_general3A_212 = arith.constant dense<0.000000e+00> : vector<1024x384xf32>
    %dot_general3A_213 = tpu.matmul %convert_element_type3A_211, %get3A_6, %dot_general3A_212 {dimension_numbers = #tpu.dot_dimension_numbers<[1], [0], [0], [1], [0, 0, 1, 1], [], []>, transpose_lhs_hint = false} : vector<1024x128xbf16>, vector<128x384xbf16>, vector<1024x384xf32> -> vector<1024x384xf32>
    %convert_element_type3A_214 = arith.truncf %add3A_205 : vector<1024x128xf32> to vector<1024x128xbf16>
    %dot_general3A_215 = arith.constant dense<0.000000e+00> : vector<1024x384xf32>
    %dot_general3A_216 = tpu.matmul %convert_element_type3A_214, %get3A_9, %dot_general3A_215 {dimension_numbers = #tpu.dot_dimension_numbers<[1], [0], [0], [1], [0, 0, 1, 1], [], []>, transpose_lhs_hint = false} : vector<1024x128xbf16>, vector<128x384xbf16>, vector<1024x384xf32> -> vector<1024x384xf32>
    %add3A_217 = vector.broadcast %get3A_12 : vector<1x384xf32> to vector<1024x384xf32>
    %add3A_218 = arith.addf %dot_general3A_216, %add3A_217 : vector<1024x384xf32>
    %slice3A_219 = vector.extract_strided_slice %dot_general3A_213 {offsets = [0, 0], sizes = [1024, 128], strides = [1, 1]} : vector<1024x384xf32> to vector<1024x128xf32>
    %slice3A_220 = vector.extract_strided_slice %add3A_218 {offsets = [0, 0], sizes = [1024, 128], strides = [1, 1]} : vector<1024x384xf32> to vector<1024x128xf32>
    %add3A_221 = arith.addf %slice3A_219, %slice3A_220 : vector<1024x128xf32>
    %mul3A_222 = arith.constant 5.000000e-01 : f32
    %mul3A_223 = vector.broadcast %mul3A_222 : f32 to vector<1024x128xf32>
    %mul3A_224 = arith.mulf %mul3A_223, %add3A_221 : vector<1024x128xf32>
    %tanh3A_225 = math.tanh %mul3A_224 : vector<1024x128xf32>
    %mul3A_226 = arith.constant 5.000000e-01 : f32
    %mul3A_227 = vector.broadcast %mul3A_226 : f32 to vector<1024x128xf32>
    %mul3A_228 = arith.mulf %mul3A_227, %tanh3A_225 : vector<1024x128xf32>
    %add3A_229 = arith.constant 5.000000e-01 : f32
    %add3A_230 = vector.broadcast %add3A_229 : f32 to vector<1024x128xf32>
    %add3A_231 = arith.addf %mul3A_228, %add3A_230 : vector<1024x128xf32>
    %slice3A_232 = vector.extract_strided_slice %dot_general3A_213 {offsets = [0, 128], sizes = [1024, 128], strides = [1, 1]} : vector<1024x384xf32> to vector<1024x128xf32>
    %slice3A_233 = vector.extract_strided_slice %add3A_218 {offsets = [0, 128], sizes = [1024, 128], strides = [1, 1]} : vector<1024x384xf32> to vector<1024x128xf32>
    %add3A_234 = arith.addf %slice3A_232, %slice3A_233 : vector<1024x128xf32>
    %mul3A_235 = arith.constant 5.000000e-01 : f32
    %mul3A_236 = vector.broadcast %mul3A_235 : f32 to vector<1024x128xf32>
    %mul3A_237 = arith.mulf %mul3A_236, %add3A_234 : vector<1024x128xf32>
    %tanh3A_238 = math.tanh %mul3A_237 : vector<1024x128xf32>
    %mul3A_239 = arith.constant 5.000000e-01 : f32
    %mul3A_240 = vector.broadcast %mul3A_239 : f32 to vector<1024x128xf32>
    %mul3A_241 = arith.mulf %mul3A_240, %tanh3A_238 : vector<1024x128xf32>
    %add3A_242 = arith.constant 5.000000e-01 : f32
    %add3A_243 = vector.broadcast %add3A_242 : f32 to vector<1024x128xf32>
    %add3A_244 = arith.addf %mul3A_241, %add3A_243 : vector<1024x128xf32>
    %slice3A_245 = vector.extract_strided_slice %dot_general3A_213 {offsets = [0, 256], sizes = [1024, 128], strides = [1, 1]} : vector<1024x384xf32> to vector<1024x128xf32>
    %slice3A_246 = vector.extract_strided_slice %add3A_218 {offsets = [0, 256], sizes = [1024, 128], strides = [1, 1]} : vector<1024x384xf32> to vector<1024x128xf32>
    %mul3A_247 = arith.mulf %add3A_231, %slice3A_246 : vector<1024x128xf32>
    %add3A_248 = vector.broadcast %get3A_15 : vector<1x128xf32> to vector<1024x128xf32>
    %add3A_249 = arith.addf %mul3A_247, %add3A_248 : vector<1024x128xf32>
    %add3A_250 = arith.addf %slice3A_245, %add3A_249 : vector<1024x128xf32>
    %tanh3A_251 = math.tanh %add3A_250 : vector<1024x128xf32>
    %sub3A_252 = arith.subf %add3A_205, %tanh3A_251 : vector<1024x128xf32>
    %mul3A_253 = arith.mulf %add3A_244, %sub3A_252 : vector<1024x128xf32>
    %add3A_254 = arith.addf %tanh3A_251, %mul3A_253 : vector<1024x128xf32>
    %get3A_255 = arith.constant 1 : index
    %get3A_256 = arith.constant 0 : index
    %get3A_257 = arith.constant 0 : index
    %get3A_258 = vector.load %arg2[%get3A_255, %get3A_256, %get3A_257] : memref<4x1024x128xf32, #tpu.memory_space<vmem>>, vector<1x1024x128xf32>
    %get3A_259 = vector.shape_cast %get3A_258 : vector<1x1024x128xf32> to vector<1024x128xf32>
    %convert_element_type3A_260 = arith.truncf %get3A_259 : vector<1024x128xf32> to vector<1024x128xbf16>
    %dot_general3A_261 = arith.constant dense<0.000000e+00> : vector<1024x384xf32>
    %dot_general3A_262 = tpu.matmul %convert_element_type3A_260, %get3A_6, %dot_general3A_261 {dimension_numbers = #tpu.dot_dimension_numbers<[1], [0], [0], [1], [0, 0, 1, 1], [], []>, transpose_lhs_hint = false} : vector<1024x128xbf16>, vector<128x384xbf16>, vector<1024x384xf32> -> vector<1024x384xf32>
    %convert_element_type3A_263 = arith.truncf %add3A_254 : vector<1024x128xf32> to vector<1024x128xbf16>
    %dot_general3A_264 = arith.constant dense<0.000000e+00> : vector<1024x384xf32>
    %dot_general3A_265 = tpu.matmul %convert_element_type3A_263, %get3A_9, %dot_general3A_264 {dimension_numbers = #tpu.dot_dimension_numbers<[1], [0], [0], [1], [0, 0, 1, 1], [], []>, transpose_lhs_hint = false} : vector<1024x128xbf16>, vector<128x384xbf16>, vector<1024x384xf32> -> vector<1024x384xf32>
    %add3A_266 = vector.broadcast %get3A_12 : vector<1x384xf32> to vector<1024x384xf32>
    %add3A_267 = arith.addf %dot_general3A_265, %add3A_266 : vector<1024x384xf32>
    %slice3A_268 = vector.extract_strided_slice %dot_general3A_262 {offsets = [0, 0], sizes = [1024, 128], strides = [1, 1]} : vector<1024x384xf32> to vector<1024x128xf32>
    %slice3A_269 = vector.extract_strided_slice %add3A_267 {offsets = [0, 0], sizes = [1024, 128], strides = [1, 1]} : vector<1024x384xf32> to vector<1024x128xf32>
    %add3A_270 = arith.addf %slice3A_268, %slice3A_269 : vector<1024x128xf32>
    %mul3A_271 = arith.constant 5.000000e-01 : f32
    %mul3A_272 = vector.broadcast %mul3A_271 : f32 to vector<1024x128xf32>
    %mul3A_273 = arith.mulf %mul3A_272, %add3A_270 : vector<1024x128xf32>
    %tanh3A_274 = math.tanh %mul3A_273 : vector<1024x128xf32>
    %mul3A_275 = arith.constant 5.000000e-01 : f32
    %mul3A_276 = vector.broadcast %mul3A_275 : f32 to vector<1024x128xf32>
    %mul3A_277 = arith.mulf %mul3A_276, %tanh3A_274 : vector<1024x128xf32>
    %add3A_278 = arith.constant 5.000000e-01 : f32
    %add3A_279 = vector.broadcast %add3A_278 : f32 to vector<1024x128xf32>
    %add3A_280 = arith.addf %mul3A_277, %add3A_279 : vector<1024x128xf32>
    %slice3A_281 = vector.extract_strided_slice %dot_general3A_262 {offsets = [0, 128], sizes = [1024, 128], strides = [1, 1]} : vector<1024x384xf32> to vector<1024x128xf32>
    %slice3A_282 = vector.extract_strided_slice %add3A_267 {offsets = [0, 128], sizes = [1024, 128], strides = [1, 1]} : vector<1024x384xf32> to vector<1024x128xf32>
    %add3A_283 = arith.addf %slice3A_281, %slice3A_282 : vector<1024x128xf32>
    %mul3A_284 = arith.constant 5.000000e-01 : f32
    %mul3A_285 = vector.broadcast %mul3A_284 : f32 to vector<1024x128xf32>
    %mul3A_286 = arith.mulf %mul3A_285, %add3A_283 : vector<1024x128xf32>
    %tanh3A_287 = math.tanh %mul3A_286 : vector<1024x128xf32>
    %mul3A_288 = arith.constant 5.000000e-01 : f32
    %mul3A_289 = vector.broadcast %mul3A_288 : f32 to vector<1024x128xf32>
    %mul3A_290 = arith.mulf %mul3A_289, %tanh3A_287 : vector<1024x128xf32>
    %add3A_291 = arith.constant 5.000000e-01 : f32
    %add3A_292 = vector.broadcast %add3A_291 : f32 to vector<1024x128xf32>
    %add3A_293 = arith.addf %mul3A_290, %add3A_292 : vector<1024x128xf32>
    %slice3A_294 = vector.extract_strided_slice %dot_general3A_262 {offsets = [0, 256], sizes = [1024, 128], strides = [1, 1]} : vector<1024x384xf32> to vector<1024x128xf32>
    %slice3A_295 = vector.extract_strided_slice %add3A_267 {offsets = [0, 256], sizes = [1024, 128], strides = [1, 1]} : vector<1024x384xf32> to vector<1024x128xf32>
    %mul3A_296 = arith.mulf %add3A_280, %slice3A_295 : vector<1024x128xf32>
    %add3A_297 = vector.broadcast %get3A_15 : vector<1x128xf32> to vector<1024x128xf32>
    %add3A_298 = arith.addf %mul3A_296, %add3A_297 : vector<1024x128xf32>
    %add3A_299 = arith.addf %slice3A_294, %add3A_298 : vector<1024x128xf32>
    %tanh3A_300 = math.tanh %add3A_299 : vector<1024x128xf32>
    %sub3A_301 = arith.subf %add3A_254, %tanh3A_300 : vector<1024x128xf32>
    %mul3A_302 = arith.mulf %add3A_293, %sub3A_301 : vector<1024x128xf32>
    %add3A_303 = arith.addf %tanh3A_300, %mul3A_302 : vector<1024x128xf32>
    %get3A_304 = arith.constant 2 : index
    %get3A_305 = arith.constant 0 : index
    %get3A_306 = arith.constant 0 : index
    %get3A_307 = vector.load %arg2[%get3A_304, %get3A_305, %get3A_306] : memref<4x1024x128xf32, #tpu.memory_space<vmem>>, vector<1x1024x128xf32>
    %get3A_308 = vector.shape_cast %get3A_307 : vector<1x1024x128xf32> to vector<1024x128xf32>
    %convert_element_type3A_309 = arith.truncf %get3A_308 : vector<1024x128xf32> to vector<1024x128xbf16>
    %dot_general3A_310 = arith.constant dense<0.000000e+00> : vector<1024x384xf32>
    %dot_general3A_311 = tpu.matmul %convert_element_type3A_309, %get3A_6, %dot_general3A_310 {dimension_numbers = #tpu.dot_dimension_numbers<[1], [0], [0], [1], [0, 0, 1, 1], [], []>, transpose_lhs_hint = false} : vector<1024x128xbf16>, vector<128x384xbf16>, vector<1024x384xf32> -> vector<1024x384xf32>
    %convert_element_type3A_312 = arith.truncf %add3A_303 : vector<1024x128xf32> to vector<1024x128xbf16>
    %dot_general3A_313 = arith.constant dense<0.000000e+00> : vector<1024x384xf32>
    %dot_general3A_314 = tpu.matmul %convert_element_type3A_312, %get3A_9, %dot_general3A_313 {dimension_numbers = #tpu.dot_dimension_numbers<[1], [0], [0], [1], [0, 0, 1, 1], [], []>, transpose_lhs_hint = false} : vector<1024x128xbf16>, vector<128x384xbf16>, vector<1024x384xf32> -> vector<1024x384xf32>
    %add3A_315 = vector.broadcast %get3A_12 : vector<1x384xf32> to vector<1024x384xf32>
    %add3A_316 = arith.addf %dot_general3A_314, %add3A_315 : vector<1024x384xf32>
    %slice3A_317 = vector.extract_strided_slice %dot_general3A_311 {offsets = [0, 0], sizes = [1024, 128], strides = [1, 1]} : vector<1024x384xf32> to vector<1024x128xf32>
    %slice3A_318 = vector.extract_strided_slice %add3A_316 {offsets = [0, 0], sizes = [1024, 128], strides = [1, 1]} : vector<1024x384xf32> to vector<1024x128xf32>
    %add3A_319 = arith.addf %slice3A_317, %slice3A_318 : vector<1024x128xf32>
    %mul3A_320 = arith.constant 5.000000e-01 : f32
    %mul3A_321 = vector.broadcast %mul3A_320 : f32 to vector<1024x128xf32>
    %mul3A_322 = arith.mulf %mul3A_321, %add3A_319 : vector<1024x128xf32>
    %tanh3A_323 = math.tanh %mul3A_322 : vector<1024x128xf32>
    %mul3A_324 = arith.constant 5.000000e-01 : f32
    %mul3A_325 = vector.broadcast %mul3A_324 : f32 to vector<1024x128xf32>
    %mul3A_326 = arith.mulf %mul3A_325, %tanh3A_323 : vector<1024x128xf32>
    %add3A_327 = arith.constant 5.000000e-01 : f32
    %add3A_328 = vector.broadcast %add3A_327 : f32 to vector<1024x128xf32>
    %add3A_329 = arith.addf %mul3A_326, %add3A_328 : vector<1024x128xf32>
    %slice3A_330 = vector.extract_strided_slice %dot_general3A_311 {offsets = [0, 128], sizes = [1024, 128], strides = [1, 1]} : vector<1024x384xf32> to vector<1024x128xf32>
    %slice3A_331 = vector.extract_strided_slice %add3A_316 {offsets = [0, 128], sizes = [1024, 128], strides = [1, 1]} : vector<1024x384xf32> to vector<1024x128xf32>
    %add3A_332 = arith.addf %slice3A_330, %slice3A_331 : vector<1024x128xf32>
    %mul3A_333 = arith.constant 5.000000e-01 : f32
    %mul3A_334 = vector.broadcast %mul3A_333 : f32 to vector<1024x128xf32>
    %mul3A_335 = arith.mulf %mul3A_334, %add3A_332 : vector<1024x128xf32>
    %tanh3A_336 = math.tanh %mul3A_335 : vector<1024x128xf32>
    %mul3A_337 = arith.constant 5.000000e-01 : f32
    %mul3A_338 = vector.broadcast %mul3A_337 : f32 to vector<1024x128xf32>
    %mul3A_339 = arith.mulf %mul3A_338, %tanh3A_336 : vector<1024x128xf32>
    %add3A_340 = arith.constant 5.000000e-01 : f32
    %add3A_341 = vector.broadcast %add3A_340 : f32 to vector<1024x128xf32>
    %add3A_342 = arith.addf %mul3A_339, %add3A_341 : vector<1024x128xf32>
    %slice3A_343 = vector.extract_strided_slice %dot_general3A_311 {offsets = [0, 256], sizes = [1024, 128], strides = [1, 1]} : vector<1024x384xf32> to vector<1024x128xf32>
    %slice3A_344 = vector.extract_strided_slice %add3A_316 {offsets = [0, 256], sizes = [1024, 128], strides = [1, 1]} : vector<1024x384xf32> to vector<1024x128xf32>
    %mul3A_345 = arith.mulf %add3A_329, %slice3A_344 : vector<1024x128xf32>
    %add3A_346 = vector.broadcast %get3A_15 : vector<1x128xf32> to vector<1024x128xf32>
    %add3A_347 = arith.addf %mul3A_345, %add3A_346 : vector<1024x128xf32>
    %add3A_348 = arith.addf %slice3A_343, %add3A_347 : vector<1024x128xf32>
    %tanh3A_349 = math.tanh %add3A_348 : vector<1024x128xf32>
    %sub3A_350 = arith.subf %add3A_303, %tanh3A_349 : vector<1024x128xf32>
    %mul3A_351 = arith.mulf %add3A_342, %sub3A_350 : vector<1024x128xf32>
    %add3A_352 = arith.addf %tanh3A_349, %mul3A_351 : vector<1024x128xf32>
    %get3A_353 = arith.constant 3 : index
    %get3A_354 = arith.constant 0 : index
    %get3A_355 = arith.constant 0 : index
    %get3A_356 = vector.load %arg2[%get3A_353, %get3A_354, %get3A_355] : memref<4x1024x128xf32, #tpu.memory_space<vmem>>, vector<1x1024x128xf32>
    %get3A_357 = vector.shape_cast %get3A_356 : vector<1x1024x128xf32> to vector<1024x128xf32>
    %convert_element_type3A_358 = arith.truncf %get3A_357 : vector<1024x128xf32> to vector<1024x128xbf16>
    %dot_general3A_359 = arith.constant dense<0.000000e+00> : vector<1024x384xf32>
    %dot_general3A_360 = tpu.matmul %convert_element_type3A_358, %get3A_6, %dot_general3A_359 {dimension_numbers = #tpu.dot_dimension_numbers<[1], [0], [0], [1], [0, 0, 1, 1], [], []>, transpose_lhs_hint = false} : vector<1024x128xbf16>, vector<128x384xbf16>, vector<1024x384xf32> -> vector<1024x384xf32>
    %convert_element_type3A_361 = arith.truncf %add3A_352 : vector<1024x128xf32> to vector<1024x128xbf16>
    %dot_general3A_362 = arith.constant dense<0.000000e+00> : vector<1024x384xf32>
    %dot_general3A_363 = tpu.matmul %convert_element_type3A_361, %get3A_9, %dot_general3A_362 {dimension_numbers = #tpu.dot_dimension_numbers<[1], [0], [0], [1], [0, 0, 1, 1], [], []>, transpose_lhs_hint = false} : vector<1024x128xbf16>, vector<128x384xbf16>, vector<1024x384xf32> -> vector<1024x384xf32>
    %add3A_364 = vector.broadcast %get3A_12 : vector<1x384xf32> to vector<1024x384xf32>
    %add3A_365 = arith.addf %dot_general3A_363, %add3A_364 : vector<1024x384xf32>
    %slice3A_366 = vector.extract_strided_slice %dot_general3A_360 {offsets = [0, 0], sizes = [1024, 128], strides = [1, 1]} : vector<1024x384xf32> to vector<1024x128xf32>
    %slice3A_367 = vector.extract_strided_slice %add3A_365 {offsets = [0, 0], sizes = [1024, 128], strides = [1, 1]} : vector<1024x384xf32> to vector<1024x128xf32>
    %add3A_368 = arith.addf %slice3A_366, %slice3A_367 : vector<1024x128xf32>
    %mul3A_369 = arith.constant 5.000000e-01 : f32
    %mul3A_370 = vector.broadcast %mul3A_369 : f32 to vector<1024x128xf32>
    %mul3A_371 = arith.mulf %mul3A_370, %add3A_368 : vector<1024x128xf32>
    %tanh3A_372 = math.tanh %mul3A_371 : vector<1024x128xf32>
    %mul3A_373 = arith.constant 5.000000e-01 : f32
    %mul3A_374 = vector.broadcast %mul3A_373 : f32 to vector<1024x128xf32>
    %mul3A_375 = arith.mulf %mul3A_374, %tanh3A_372 : vector<1024x128xf32>
    %add3A_376 = arith.constant 5.000000e-01 : f32
    %add3A_377 = vector.broadcast %add3A_376 : f32 to vector<1024x128xf32>
    %add3A_378 = arith.addf %mul3A_375, %add3A_377 : vector<1024x128xf32>
    %slice3A_379 = vector.extract_strided_slice %dot_general3A_360 {offsets = [0, 128], sizes = [1024, 128], strides = [1, 1]} : vector<1024x384xf32> to vector<1024x128xf32>
    %slice3A_380 = vector.extract_strided_slice %add3A_365 {offsets = [0, 128], sizes = [1024, 128], strides = [1, 1]} : vector<1024x384xf32> to vector<1024x128xf32>
    %add3A_381 = arith.addf %slice3A_379, %slice3A_380 : vector<1024x128xf32>
    %mul3A_382 = arith.constant 5.000000e-01 : f32
    %mul3A_383 = vector.broadcast %mul3A_382 : f32 to vector<1024x128xf32>
    %mul3A_384 = arith.mulf %mul3A_383, %add3A_381 : vector<1024x128xf32>
    %tanh3A_385 = math.tanh %mul3A_384 : vector<1024x128xf32>
    %mul3A_386 = arith.constant 5.000000e-01 : f32
    %mul3A_387 = vector.broadcast %mul3A_386 : f32 to vector<1024x128xf32>
    %mul3A_388 = arith.mulf %mul3A_387, %tanh3A_385 : vector<1024x128xf32>
    %add3A_389 = arith.constant 5.000000e-01 : f32
    %add3A_390 = vector.broadcast %add3A_389 : f32 to vector<1024x128xf32>
    %add3A_391 = arith.addf %mul3A_388, %add3A_390 : vector<1024x128xf32>
    %slice3A_392 = vector.extract_strided_slice %dot_general3A_360 {offsets = [0, 256], sizes = [1024, 128], strides = [1, 1]} : vector<1024x384xf32> to vector<1024x128xf32>
    %slice3A_393 = vector.extract_strided_slice %add3A_365 {offsets = [0, 256], sizes = [1024, 128], strides = [1, 1]} : vector<1024x384xf32> to vector<1024x128xf32>
    %mul3A_394 = arith.mulf %add3A_378, %slice3A_393 : vector<1024x128xf32>
    %add3A_395 = vector.broadcast %get3A_15 : vector<1x128xf32> to vector<1024x128xf32>
    %add3A_396 = arith.addf %mul3A_394, %add3A_395 : vector<1024x128xf32>
    %add3A_397 = arith.addf %slice3A_392, %add3A_396 : vector<1024x128xf32>
    %tanh3A_398 = math.tanh %add3A_397 : vector<1024x128xf32>
    %sub3A_399 = arith.subf %add3A_352, %tanh3A_398 : vector<1024x128xf32>
    %mul3A_400 = arith.mulf %add3A_391, %sub3A_399 : vector<1024x128xf32>
    %add3A_401 = arith.addf %tanh3A_398, %mul3A_400 : vector<1024x128xf32>
    %swap3A = arith.constant 0 : index
    %swap3A_402 = arith.constant 0 : index
    %swap3A_403 = vector.load %arg9[%swap3A, %swap3A_402] : memref<1024x128xf32, #tpu.memory_space<vmem>>, vector<1024x128xf32>
    tpu.vector_store %arg9[%swap3A, %swap3A_402], %add3A_401 {strides = array<i32>} : memref<1024x128xf32, #tpu.memory_space<vmem>>, vector<1024x128xf32>,
    %eq3A_404 = arith.constant 2 : i32
    %eq3A_405 = arith.cmpi eq, %arg0, %eq3A_404 : i32
    %convert_element_type3A_406 = arith.extui %eq3A_405 : i1 to i32
    %cond3A_407 = arith.constant 0 : i32
    %cond3A_408 = arith.cmpi ne, %convert_element_type3A_406, %cond3A_407 : i32
    scf.if %cond3A_408 {
      %swap3A_409 = arith.constant 0 : index
      %swap3A_410 = arith.constant 0 : index
      %swap3A_411 = vector.load %arg8[%swap3A_409, %swap3A_410] : memref<1024x128xf32, #tpu.memory_space<vmem>>, vector<1024x128xf32>
      tpu.vector_store %arg8[%swap3A_409, %swap3A_410], %add3A_401 {strides = array<i32>} : memref<1024x128xf32, #tpu.memory_space<vmem>>, vector<1024x128xf32>,
    } else {
    }
    return
  }
  func.func @transform_0(%arg0: i32) -> (i32, i32, i32) {
    %mul3A = arith.constant 2 : i32
    %mul3A_0 = arith.muli %mul3A, %arg0 : i32
    %c0_i32 = arith.constant 0 : i32
    %c0_i32_1 = arith.constant 0 : i32
    %c0_i32_2 = arith.constant 0 : i32
    return %mul3A_0, %c0_i32, %c0_i32_1 : i32, i32, i32
  }
  func.func @transform_1(%arg0: i32) -> (i32, i32, i32) {
    %mul3A = arith.constant 2 : i32
    %mul3A_0 = arith.muli %mul3A, %arg0 : i32
    %add3A = arith.constant 1 : i32
    %add3A_1 = arith.addi %mul3A_0, %add3A : i32
    %c0_i32 = arith.constant 0 : i32
    %c0_i32_2 = arith.constant 0 : i32
    %c0_i32_3 = arith.constant 0 : i32
    return %add3A_1, %c0_i32, %c0_i32_2 : i32, i32, i32
  }
  func.func @transform_2(%arg0: i32) -> (i32, i32) {
    %c0_i32 = arith.constant 0 : i32
    %c0_i32_0 = arith.constant 0 : i32
    %c0_i32_1 = arith.constant 0 : i32
    return %c0_i32, %c0_i32_0 : i32, i32
  }
  func.func @transform_3(%arg0: i32) -> (i32, i32) {
    %c0_i32 = arith.constant 0 : i32
    %c0_i32_0 = arith.constant 0 : i32
    %c0_i32_1 = arith.constant 0 : i32
    return %c0_i32, %c0_i32_0 : i32, i32
  }
  func.func @transform_4(%arg0: i32) -> (i32, i32) {
    %c0_i32 = arith.constant 0 : i32
    %c0_i32_0 = arith.constant 0 : i32
    %c0_i32_1 = arith.constant 0 : i32
    return %c0_i32, %c0_i32_0 : i32, i32
  }
  func.func @transform_5(%arg0: i32) -> (i32, i32) {
    %c0_i32 = arith.constant 0 : i32
    %c0_i32_0 = arith.constant 0 : i32
    %c0_i32_1 = arith.constant 0 : i32
    return %c0_i32, %c0_i32_0 : i32, i32
  }
  func.func @transform_6(%arg0: i32) -> (i32, i32) {
    %c0_i32 = arith.constant 0 : i32
    %c0_i32_0 = arith.constant 0 : i32
    %c0_i32_1 = arith.constant 0 : i32
    return %c0_i32, %c0_i32_0 : i32, i32
  }
  func.func @transform_7(%arg0: i32) -> (i32, i32) {
    %c0_i32 = arith.constant 0 : i32
    %c0_i32_0 = arith.constant 0 : i32
    %c0_i32_1 = arith.constant 0 : i32
    return %c0_i32, %c0_i32_0 : i32, i32
  }
}

module attributes {stable_mosaic.version = 14 : i64} {
  func.func @_gru_body(%arg0: i32, %arg1: memref<4x1024x128xf32, #tpu.memory_space<vmem>>, %arg2: memref<4x1024x128xf32, #tpu.memory_space<vmem>>, %arg3: memref<1024x128xf32, #tpu.memory_space<vmem>>, %arg4: memref<128x384xbf16, #tpu.memory_space<vmem>>, %arg5: memref<128x384xbf16, #tpu.memory_space<vmem>>, %arg6: memref<1x384xf32, #tpu.memory_space<vmem>>, %arg7: memref<1x128xf32, #tpu.memory_space<vmem>>, %arg8: memref<1024x128xf32, #tpu.memory_space<vmem>>, %arg9: memref<1024x128xf32, #tpu.memory_space<vmem>>) attributes {dimension_semantics = [#tpu.dimension_semantics<arbitrary>], iteration_bounds = array<i64: 6>, scalar_prefetch = 0 : i64, scratch_operands = 1 : i64, tpu.core_type = #tpu.core_type<tc>, window_params = [{transform_indices = @transform_0, window_bounds = array<i64: 4, 1024, 128>}, {transform_indices = @transform_1, window_bounds = array<i64: 4, 1024, 128>}, {pipeline_mode = #tpu.pipeline_mode<synchronous>, transform_indices = @transform_2, window_bounds = array<i64: 1024, 128>}, {pipeline_mode = #tpu.pipeline_mode<synchronous>, transform_indices = @transform_3, window_bounds = array<i64: 128, 384>}, {pipeline_mode = #tpu.pipeline_mode<synchronous>, transform_indices = @transform_4, window_bounds = array<i64: 128, 384>}, {pipeline_mode = #tpu.pipeline_mode<synchronous>, transform_indices = @transform_5, window_bounds = array<i64: 1, 384>}, {pipeline_mode = #tpu.pipeline_mode<synchronous>, transform_indices = @transform_6, window_bounds = array<i64: 1, 128>}, {pipeline_mode = #tpu.pipeline_mode<synchronous>, transform_indices = @transform_7, window_bounds = array<i64: 1024, 128>}]} {
    %eq3A = arith.constant 0 : i32
    %eq3A_0 = arith.cmpi eq, %arg0, %eq3A : i32
    %convert_element_type3A = arith.extui %eq3A_0 : i1 to i32
    %cond3A = arith.constant 0 : i32
    %cond3A_1 = arith.cmpi ne, %convert_element_type3A, %cond3A : i32
    scf.if %cond3A_1 {
      %get3A_409 = arith.constant 0 : index
      %get3A_410 = arith.constant 0 : index
      %get3A_411 = vector.load %arg3[%get3A_409, %get3A_410] : memref<1024x128xf32, #tpu.memory_space<vmem>>, vector<1024x128xf32>
      %swap3A_412 = arith.constant 0 : index
      %swap3A_413 = arith.constant 0 : index
      %swap3A_414 = vector.load %arg9[%swap3A_412, %swap3A_413] : memref<1024x128xf32, #tpu.memory_space<vmem>>, vector<1024x128xf32>
      tpu.vector_store %arg9[%swap3A_412, %swap3A_413], %get3A_411 {strides = array<i32>} : memref<1024x128xf32, #tpu.memory_space<vmem>>, vector<1024x128xf32>,
    } else {
    }
    %get3A = arith.constant 0 : index
    %get3A_2 = arith.constant 0 : index
    %get3A_3 = vector.load %arg9[%get3A, %get3A_2] : memref<1024x128xf32, #tpu.memory_space<vmem>>, vector<1024x128xf32>
    %get3A_4 = arith.constant 0 : index
    %get3A_5 = arith.constant 0 : index
    %get3A_6 = vector.load %arg4[%get3A_4, %get3A_5] : memref<128x384xbf16, #tpu.memory_space<vmem>>, vector<128x384xbf16>
    %get3A_7 = arith.constant 0 : index
    %get3A_8 = arith.constant 0 : index
    %get3A_9 = vector.load %arg5[%get3A_7, %get3A_8] : memref<128x384xbf16, #tpu.memory_space<vmem>>, vector<128x384xbf16>
    %get3A_10 = arith.constant 0 : index
    %get3A_11 = arith.constant 0 : index
    %get3A_12 = vector.load %arg6[%get3A_10, %get3A_11] : memref<1x384xf32, #tpu.memory_space<vmem>>, vector<1x384xf32>
    %get3A_13 = arith.constant 0 : index
    %get3A_14 = arith.constant 0 : index
    %get3A_15 = vector.load %arg7[%get3A_13, %get3A_14] : memref<1x128xf32, #tpu.memory_space<vmem>>, vector<1x128xf32>
    %get3A_16 = arith.constant 0 : index
    %get3A_17 = arith.constant 0 : index
    %get3A_18 = arith.constant 0 : index
    %get3A_19 = vector.load %arg1[%get3A_16, %get3A_17, %get3A_18] : memref<4x1024x128xf32, #tpu.memory_space<vmem>>, vector<1x1024x128xf32>
    %get3A_20 = vector.shape_cast %get3A_19 : vector<1x1024x128xf32> to vector<1024x128xf32>
    %convert_element_type3A_21 = arith.truncf %get3A_20 : vector<1024x128xf32> to vector<1024x128xbf16>
    %dot_general3A = arith.constant dense<0.000000e+00> : vector<1024x384xf32>
    %dot_general3A_22 = tpu.matmul %convert_element_type3A_21, %get3A_6, %dot_general3A {dimension_numbers = #tpu.dot_dimension_numbers<[1], [0], [0], [1], [0, 0, 1, 1], [], []>, transpose_lhs_hint = false} : vector<1024x128xbf16>, vector<128x384xbf16>, vector<1024x384xf32> -> vector<1024x384xf32>
    %convert_element_type3A_23 = arith.truncf %get3A_3 : vector<1024x128xf32> to vector<1024x128xbf16>
    %dot_general3A_24 = arith.constant dense<0.000000e+00> : vector<1024x384xf32>
    %dot_general3A_25 = tpu.matmul %convert_element_type3A_23, %get3A_9, %dot_general3A_24 {dimension_numbers = #tpu.dot_dimension_numbers<[1], [0], [0], [1], [0, 0, 1, 1], [], []>, transpose_lhs_hint = false} : vector<1024x128xbf16>, vector<128x384xbf16>, vector<1024x384xf32> -> vector<1024x384xf32>
    %add3A = vector.broadcast %get3A_12 : vector<1x384xf32> to vector<1024x384xf32>
    %add3A_26 = arith.addf %dot_general3A_25, %add3A : vector<1024x384xf32>
    %slice3A = vector.extract_strided_slice %dot_general3A_22 {offsets = [0, 0], sizes = [1024, 128], strides = [1, 1]} : vector<1024x384xf32> to vector<1024x128xf32>
    %slice3A_27 = vector.extract_strided_slice %add3A_26 {offsets = [0, 0], sizes = [1024, 128], strides = [1, 1]} : vector<1024x384xf32> to vector<1024x128xf32>
    %add3A_28 = arith.addf %slice3A, %slice3A_27 : vector<1024x128xf32>
    %mul3A = arith.constant 5.000000e-01 : f32
    %mul3A_29 = vector.broadcast %mul3A : f32 to vector<1024x128xf32>
    %mul3A_30 = arith.mulf %mul3A_29, %add3A_28 : vector<1024x128xf32>
    %tanh3A = math.tanh %mul3A_30 : vector<1024x128xf32>
    %mul3A_31 = arith.constant 5.000000e-01 : f32
    %mul3A_32 = vector.broadcast %mul3A_31 : f32 to vector<1024x128xf32>
    %mul3A_33 = arith.mulf %mul3A_32, %tanh3A : vector<1024x128xf32>
    %add3A_34 = arith.constant 5.000000e-01 : f32
    %add3A_35 = vector.broadcast %add3A_34 : f32 to vector<1024x128xf32>
    %add3A_36 = arith.addf %mul3A_33, %add3A_35 : vector<1024x128xf32>
    %slice3A_37 = vector.extract_strided_slice %dot_general3A_22 {offsets = [0, 128], sizes = [1024, 128], strides = [1, 1]} : vector<1024x384xf32> to vector<1024x128xf32>
    %slice3A_38 = vector.extract_strided_slice %add3A_26 {offsets = [0, 128], sizes = [1024, 128], strides = [1, 1]} : vector<1024x384xf32> to vector<1024x128xf32>
    %add3A_39 = arith.addf %slice3A_37, %slice3A_38 : vector<1024x128xf32>
    %mul3A_40 = arith.constant 5.000000e-01 : f32
    %mul3A_41 = vector.broadcast %mul3A_40 : f32 to vector<1024x128xf32>
    %mul3A_42 = arith.mulf %mul3A_41, %add3A_39 : vector<1024x128xf32>
    %tanh3A_43 = math.tanh %mul3A_42 : vector<1024x128xf32>
    %mul3A_44 = arith.constant 5.000000e-01 : f32
    %mul3A_45 = vector.broadcast %mul3A_44 : f32 to vector<1024x128xf32>
    %mul3A_46 = arith.mulf %mul3A_45, %tanh3A_43 : vector<1024x128xf32>
    %add3A_47 = arith.constant 5.000000e-01 : f32
    %add3A_48 = vector.broadcast %add3A_47 : f32 to vector<1024x128xf32>
    %add3A_49 = arith.addf %mul3A_46, %add3A_48 : vector<1024x128xf32>
    %slice3A_50 = vector.extract_strided_slice %dot_general3A_22 {offsets = [0, 256], sizes = [1024, 128], strides = [1, 1]} : vector<1024x384xf32> to vector<1024x128xf32>
    %slice3A_51 = vector.extract_strided_slice %add3A_26 {offsets = [0, 256], sizes = [1024, 128], strides = [1, 1]} : vector<1024x384xf32> to vector<1024x128xf32>
    %mul3A_52 = arith.mulf %add3A_36, %slice3A_51 : vector<1024x128xf32>
    %add3A_53 = vector.broadcast %get3A_15 : vector<1x128xf32> to vector<1024x128xf32>
    %add3A_54 = arith.addf %mul3A_52, %add3A_53 : vector<1024x128xf32>
    %add3A_55 = arith.addf %slice3A_50, %add3A_54 : vector<1024x128xf32>
    %tanh3A_56 = math.tanh %add3A_55 : vector<1024x128xf32>
    %sub3A = arith.subf %get3A_3, %tanh3A_56 : vector<1024x128xf32>
    %mul3A_57 = arith.mulf %add3A_49, %sub3A : vector<1024x128xf32>
    %add3A_58 = arith.addf %tanh3A_56, %mul3A_57 : vector<1024x128xf32>
    %get3A_59 = arith.constant 1 : index
    %get3A_60 = arith.constant 0 : index
    %get3A_61 = arith.constant 0 : index
    %get3A_62 = vector.load %arg1[%get3A_59, %get3A_60, %get3A_61] : memref<4x1024x128xf32, #tpu.memory_space<vmem>>, vector<1x1024x128xf32>
    %get3A_63 = vector.shape_cast %get3A_62 : vector<1x1024x128xf32> to vector<1024x128xf32>
    %convert_element_type3A_64 = arith.truncf %get3A_63 : vector<1024x128xf32> to vector<1024x128xbf16>
    %dot_general3A_65 = arith.constant dense<0.000000e+00> : vector<1024x384xf32>
    %dot_general3A_66 = tpu.matmul %convert_element_type3A_64, %get3A_6, %dot_general3A_65 {dimension_numbers = #tpu.dot_dimension_numbers<[1], [0], [0], [1], [0, 0, 1, 1], [], []>, transpose_lhs_hint = false} : vector<1024x128xbf16>, vector<128x384xbf16>, vector<1024x384xf32> -> vector<1024x384xf32>
    %convert_element_type3A_67 = arith.truncf %add3A_58 : vector<1024x128xf32> to vector<1024x128xbf16>
    %dot_general3A_68 = arith.constant dense<0.000000e+00> : vector<1024x384xf32>
    %dot_general3A_69 = tpu.matmul %convert_element_type3A_67, %get3A_9, %dot_general3A_68 {dimension_numbers = #tpu.dot_dimension_numbers<[1], [0], [0], [1], [0, 0, 1, 1], [], []>, transpose_lhs_hint = false} : vector<1024x128xbf16>, vector<128x384xbf16>, vector<1024x384xf32> -> vector<1024x384xf32>
    %add3A_70 = vector.broadcast %get3A_12 : vector<1x384xf32> to vector<1024x384xf32>
    %add3A_71 = arith.addf %dot_general3A_69, %add3A_70 : vector<1024x384xf32>
    %slice3A_72 = vector.extract_strided_slice %dot_general3A_66 {offsets = [0, 0], sizes = [1024, 128], strides = [1, 1]} : vector<1024x384xf32> to vector<1024x128xf32>
    %slice3A_73 = vector.extract_strided_slice %add3A_71 {offsets = [0, 0], sizes = [1024, 128], strides = [1, 1]} : vector<1024x384xf32> to vector<1024x128xf32>
    %add3A_74 = arith.addf %slice3A_72, %slice3A_73 : vector<1024x128xf32>
    %mul3A_75 = arith.constant 5.000000e-01 : f32
    %mul3A_76 = vector.broadcast %mul3A_75 : f32 to vector<1024x128xf32>
    %mul3A_77 = arith.mulf %mul3A_76, %add3A_74 : vector<1024x128xf32>
    %tanh3A_78 = math.tanh %mul3A_77 : vector<1024x128xf32>
    %mul3A_79 = arith.constant 5.000000e-01 : f32
    %mul3A_80 = vector.broadcast %mul3A_79 : f32 to vector<1024x128xf32>
    %mul3A_81 = arith.mulf %mul3A_80, %tanh3A_78 : vector<1024x128xf32>
    %add3A_82 = arith.constant 5.000000e-01 : f32
    %add3A_83 = vector.broadcast %add3A_82 : f32 to vector<1024x128xf32>
    %add3A_84 = arith.addf %mul3A_81, %add3A_83 : vector<1024x128xf32>
    %slice3A_85 = vector.extract_strided_slice %dot_general3A_66 {offsets = [0, 128], sizes = [1024, 128], strides = [1, 1]} : vector<1024x384xf32> to vector<1024x128xf32>
    %slice3A_86 = vector.extract_strided_slice %add3A_71 {offsets = [0, 128], sizes = [1024, 128], strides = [1, 1]} : vector<1024x384xf32> to vector<1024x128xf32>
    %add3A_87 = arith.addf %slice3A_85, %slice3A_86 : vector<1024x128xf32>
    %mul3A_88 = arith.constant 5.000000e-01 : f32
    %mul3A_89 = vector.broadcast %mul3A_88 : f32 to vector<1024x128xf32>
    %mul3A_90 = arith.mulf %mul3A_89, %add3A_87 : vector<1024x128xf32>
    %tanh3A_91 = math.tanh %mul3A_90 : vector<1024x128xf32>
    %mul3A_92 = arith.constant 5.000000e-01 : f32
    %mul3A_93 = vector.broadcast %mul3A_92 : f32 to vector<1024x128xf32>
    %mul3A_94 = arith.mulf %mul3A_93, %tanh3A_91 : vector<1024x128xf32>
    %add3A_95 = arith.constant 5.000000e-01 : f32
    %add3A_96 = vector.broadcast %add3A_95 : f32 to vector<1024x128xf32>
    %add3A_97 = arith.addf %mul3A_94, %add3A_96 : vector<1024x128xf32>
    %slice3A_98 = vector.extract_strided_slice %dot_general3A_66 {offsets = [0, 256], sizes = [1024, 128], strides = [1, 1]} : vector<1024x384xf32> to vector<1024x128xf32>
    %slice3A_99 = vector.extract_strided_slice %add3A_71 {offsets = [0, 256], sizes = [1024, 128], strides = [1, 1]} : vector<1024x384xf32> to vector<1024x128xf32>
    %mul3A_100 = arith.mulf %add3A_84, %slice3A_99 : vector<1024x128xf32>
    %add3A_101 = vector.broadcast %get3A_15 : vector<1x128xf32> to vector<1024x128xf32>
    %add3A_102 = arith.addf %mul3A_100, %add3A_101 : vector<1024x128xf32>
    %add3A_103 = arith.addf %slice3A_98, %add3A_102 : vector<1024x128xf32>
    %tanh3A_104 = math.tanh %add3A_103 : vector<1024x128xf32>
    %sub3A_105 = arith.subf %add3A_58, %tanh3A_104 : vector<1024x128xf32>
    %mul3A_106 = arith.mulf %add3A_97, %sub3A_105 : vector<1024x128xf32>
    %add3A_107 = arith.addf %tanh3A_104, %mul3A_106 : vector<1024x128xf32>
    %get3A_108 = arith.constant 2 : index
    %get3A_109 = arith.constant 0 : index
    %get3A_110 = arith.constant 0 : index
    %get3A_111 = vector.load %arg1[%get3A_108, %get3A_109, %get3A_110] : memref<4x1024x128xf32, #tpu.memory_space<vmem>>, vector<1x1024x128xf32>
    %get3A_112 = vector.shape_cast %get3A_111 : vector<1x1024x128xf32> to vector<1024x128xf32>
    %convert_element_type3A_113 = arith.truncf %get3A_112 : vector<1024x128xf32> to vector<1024x128xbf16>
    %dot_general3A_114 = arith.constant dense<0.000000e+00> : vector<1024x384xf32>
    %dot_general3A_115 = tpu.matmul %convert_element_type3A_113, %get3A_6, %dot_general3A_114 {dimension_numbers = #tpu.dot_dimension_numbers<[1], [0], [0], [1], [0, 0, 1, 1], [], []>, transpose_lhs_hint = false} : vector<1024x128xbf16>, vector<128x384xbf16>, vector<1024x384xf32> -> vector<1024x384xf32>
    %convert_element_type3A_116 = arith.truncf %add3A_107 : vector<1024x128xf32> to vector<1024x128xbf16>
    %dot_general3A_117 = arith.constant dense<0.000000e+00> : vector<1024x384xf32>
    %dot_general3A_118 = tpu.matmul %convert_element_type3A_116, %get3A_9, %dot_general3A_117 {dimension_numbers = #tpu.dot_dimension_numbers<[1], [0], [0], [1], [0, 0, 1, 1], [], []>, transpose_lhs_hint = false} : vector<1024x128xbf16>, vector<128x384xbf16>, vector<1024x384xf32> -> vector<1024x384xf32>
    %add3A_119 = vector.broadcast %get3A_12 : vector<1x384xf32> to vector<1024x384xf32>
    %add3A_120 = arith.addf %dot_general3A_118, %add3A_119 : vector<1024x384xf32>
    %slice3A_121 = vector.extract_strided_slice %dot_general3A_115 {offsets = [0, 0], sizes = [1024, 128], strides = [1, 1]} : vector<1024x384xf32> to vector<1024x128xf32>
    %slice3A_122 = vector.extract_strided_slice %add3A_120 {offsets = [0, 0], sizes = [1024, 128], strides = [1, 1]} : vector<1024x384xf32> to vector<1024x128xf32>
    %add3A_123 = arith.addf %slice3A_121, %slice3A_122 : vector<1024x128xf32>
    %mul3A_124 = arith.constant 5.000000e-01 : f32
    %mul3A_125 = vector.broadcast %mul3A_124 : f32 to vector<1024x128xf32>
    %mul3A_126 = arith.mulf %mul3A_125, %add3A_123 : vector<1024x128xf32>
    %tanh3A_127 = math.tanh %mul3A_126 : vector<1024x128xf32>
    %mul3A_128 = arith.constant 5.000000e-01 : f32
    %mul3A_129 = vector.broadcast %mul3A_128 : f32 to vector<1024x128xf32>
    %mul3A_130 = arith.mulf %mul3A_129, %tanh3A_127 : vector<1024x128xf32>
    %add3A_131 = arith.constant 5.000000e-01 : f32
    %add3A_132 = vector.broadcast %add3A_131 : f32 to vector<1024x128xf32>
    %add3A_133 = arith.addf %mul3A_130, %add3A_132 : vector<1024x128xf32>
    %slice3A_134 = vector.extract_strided_slice %dot_general3A_115 {offsets = [0, 128], sizes = [1024, 128], strides = [1, 1]} : vector<1024x384xf32> to vector<1024x128xf32>
    %slice3A_135 = vector.extract_strided_slice %add3A_120 {offsets = [0, 128], sizes = [1024, 128], strides = [1, 1]} : vector<1024x384xf32> to vector<1024x128xf32>
    %add3A_136 = arith.addf %slice3A_134, %slice3A_135 : vector<1024x128xf32>
    %mul3A_137 = arith.constant 5.000000e-01 : f32
    %mul3A_138 = vector.broadcast %mul3A_137 : f32 to vector<1024x128xf32>
    %mul3A_139 = arith.mulf %mul3A_138, %add3A_136 : vector<1024x128xf32>
    %tanh3A_140 = math.tanh %mul3A_139 : vector<1024x128xf32>
    %mul3A_141 = arith.constant 5.000000e-01 : f32
    %mul3A_142 = vector.broadcast %mul3A_141 : f32 to vector<1024x128xf32>
    %mul3A_143 = arith.mulf %mul3A_142, %tanh3A_140 : vector<1024x128xf32>
    %add3A_144 = arith.constant 5.000000e-01 : f32
    %add3A_145 = vector.broadcast %add3A_144 : f32 to vector<1024x128xf32>
    %add3A_146 = arith.addf %mul3A_143, %add3A_145 : vector<1024x128xf32>
    %slice3A_147 = vector.extract_strided_slice %dot_general3A_115 {offsets = [0, 256], sizes = [1024, 128], strides = [1, 1]} : vector<1024x384xf32> to vector<1024x128xf32>
    %slice3A_148 = vector.extract_strided_slice %add3A_120 {offsets = [0, 256], sizes = [1024, 128], strides = [1, 1]} : vector<1024x384xf32> to vector<1024x128xf32>
    %mul3A_149 = arith.mulf %add3A_133, %slice3A_148 : vector<1024x128xf32>
    %add3A_150 = vector.broadcast %get3A_15 : vector<1x128xf32> to vector<1024x128xf32>
    %add3A_151 = arith.addf %mul3A_149, %add3A_150 : vector<1024x128xf32>
    %add3A_152 = arith.addf %slice3A_147, %add3A_151 : vector<1024x128xf32>
    %tanh3A_153 = math.tanh %add3A_152 : vector<1024x128xf32>
    %sub3A_154 = arith.subf %add3A_107, %tanh3A_153 : vector<1024x128xf32>
    %mul3A_155 = arith.mulf %add3A_146, %sub3A_154 : vector<1024x128xf32>
    %add3A_156 = arith.addf %tanh3A_153, %mul3A_155 : vector<1024x128xf32>
    %get3A_157 = arith.constant 3 : index
    %get3A_158 = arith.constant 0 : index
    %get3A_159 = arith.constant 0 : index
    %get3A_160 = vector.load %arg1[%get3A_157, %get3A_158, %get3A_159] : memref<4x1024x128xf32, #tpu.memory_space<vmem>>, vector<1x1024x128xf32>
    %get3A_161 = vector.shape_cast %get3A_160 : vector<1x1024x128xf32> to vector<1024x128xf32>
    %convert_element_type3A_162 = arith.truncf %get3A_161 : vector<1024x128xf32> to vector<1024x128xbf16>
    %dot_general3A_163 = arith.constant dense<0.000000e+00> : vector<1024x384xf32>
    %dot_general3A_164 = tpu.matmul %convert_element_type3A_162, %get3A_6, %dot_general3A_163 {dimension_numbers = #tpu.dot_dimension_numbers<[1], [0], [0], [1], [0, 0, 1, 1], [], []>, transpose_lhs_hint = false} : vector<1024x128xbf16>, vector<128x384xbf16>, vector<1024x384xf32> -> vector<1024x384xf32>
    %convert_element_type3A_165 = arith.truncf %add3A_156 : vector<1024x128xf32> to vector<1024x128xbf16>
    %dot_general3A_166 = arith.constant dense<0.000000e+00> : vector<1024x384xf32>
    %dot_general3A_167 = tpu.matmul %convert_element_type3A_165, %get3A_9, %dot_general3A_166 {dimension_numbers = #tpu.dot_dimension_numbers<[1], [0], [0], [1], [0, 0, 1, 1], [], []>, transpose_lhs_hint = false} : vector<1024x128xbf16>, vector<128x384xbf16>, vector<1024x384xf32> -> vector<1024x384xf32>
    %add3A_168 = vector.broadcast %get3A_12 : vector<1x384xf32> to vector<1024x384xf32>
    %add3A_169 = arith.addf %dot_general3A_167, %add3A_168 : vector<1024x384xf32>
    %slice3A_170 = vector.extract_strided_slice %dot_general3A_164 {offsets = [0, 0], sizes = [1024, 128], strides = [1, 1]} : vector<1024x384xf32> to vector<1024x128xf32>
    %slice3A_171 = vector.extract_strided_slice %add3A_169 {offsets = [0, 0], sizes = [1024, 128], strides = [1, 1]} : vector<1024x384xf32> to vector<1024x128xf32>
    %add3A_172 = arith.addf %slice3A_170, %slice3A_171 : vector<1024x128xf32>
    %mul3A_173 = arith.constant 5.000000e-01 : f32
    %mul3A_174 = vector.broadcast %mul3A_173 : f32 to vector<1024x128xf32>
    %mul3A_175 = arith.mulf %mul3A_174, %add3A_172 : vector<1024x128xf32>
    %tanh3A_176 = math.tanh %mul3A_175 : vector<1024x128xf32>
    %mul3A_177 = arith.constant 5.000000e-01 : f32
    %mul3A_178 = vector.broadcast %mul3A_177 : f32 to vector<1024x128xf32>
    %mul3A_179 = arith.mulf %mul3A_178, %tanh3A_176 : vector<1024x128xf32>
    %add3A_180 = arith.constant 5.000000e-01 : f32
    %add3A_181 = vector.broadcast %add3A_180 : f32 to vector<1024x128xf32>
    %add3A_182 = arith.addf %mul3A_179, %add3A_181 : vector<1024x128xf32>
    %slice3A_183 = vector.extract_strided_slice %dot_general3A_164 {offsets = [0, 128], sizes = [1024, 128], strides = [1, 1]} : vector<1024x384xf32> to vector<1024x128xf32>
    %slice3A_184 = vector.extract_strided_slice %add3A_169 {offsets = [0, 128], sizes = [1024, 128], strides = [1, 1]} : vector<1024x384xf32> to vector<1024x128xf32>
    %add3A_185 = arith.addf %slice3A_183, %slice3A_184 : vector<1024x128xf32>
    %mul3A_186 = arith.constant 5.000000e-01 : f32
    %mul3A_187 = vector.broadcast %mul3A_186 : f32 to vector<1024x128xf32>
    %mul3A_188 = arith.mulf %mul3A_187, %add3A_185 : vector<1024x128xf32>
    %tanh3A_189 = math.tanh %mul3A_188 : vector<1024x128xf32>
    %mul3A_190 = arith.constant 5.000000e-01 : f32
    %mul3A_191 = vector.broadcast %mul3A_190 : f32 to vector<1024x128xf32>
    %mul3A_192 = arith.mulf %mul3A_191, %tanh3A_189 : vector<1024x128xf32>
    %add3A_193 = arith.constant 5.000000e-01 : f32
    %add3A_194 = vector.broadcast %add3A_193 : f32 to vector<1024x128xf32>
    %add3A_195 = arith.addf %mul3A_192, %add3A_194 : vector<1024x128xf32>
    %slice3A_196 = vector.extract_strided_slice %dot_general3A_164 {offsets = [0, 256], sizes = [1024, 128], strides = [1, 1]} : vector<1024x384xf32> to vector<1024x128xf32>
    %slice3A_197 = vector.extract_strided_slice %add3A_169 {offsets = [0, 256], sizes = [1024, 128], strides = [1, 1]} : vector<1024x384xf32> to vector<1024x128xf32>
    %mul3A_198 = arith.mulf %add3A_182, %slice3A_197 : vector<1024x128xf32>
    %add3A_199 = vector.broadcast %get3A_15 : vector<1x128xf32> to vector<1024x128xf32>
    %add3A_200 = arith.addf %mul3A_198, %add3A_199 : vector<1024x128xf32>
    %add3A_201 = arith.addf %slice3A_196, %add3A_200 : vector<1024x128xf32>
    %tanh3A_202 = math.tanh %add3A_201 : vector<1024x128xf32>
    %sub3A_203 = arith.subf %add3A_156, %tanh3A_202 : vector<1024x128xf32>
    %mul3A_204 = arith.mulf %add3A_195, %sub3A_203 : vector<1024x128xf32>
    %add3A_205 = arith.addf %tanh3A_202, %mul3A_204 : vector<1024x128xf32>
    %get3A_206 = arith.constant 0 : index
    %get3A_207 = arith.constant 0 : index
    %get3A_208 = arith.constant 0 : index
    %get3A_209 = vector.load %arg2[%get3A_206, %get3A_207, %get3A_208] : memref<4x1024x128xf32, #tpu.memory_space<vmem>>, vector<1x1024x128xf32>
    %get3A_210 = vector.shape_cast %get3A_209 : vector<1x1024x128xf32> to vector<1024x128xf32>
    %convert_element_type3A_211 = arith.truncf %get3A_210 : vector<1024x128xf32> to vector<1024x128xbf16>
    %dot_general3A_212 = arith.constant dense<0.000000e+00> : vector<1024x384xf32>
    %dot_general3A_213 = tpu.matmul %convert_element_type3A_211, %get3A_6, %dot_general3A_212 {dimension_numbers = #tpu.dot_dimension_numbers<[1], [0], [0], [1], [0, 0, 1, 1], [], []>, transpose_lhs_hint = false} : vector<1024x128xbf16>, vector<128x384xbf16>, vector<1024x384xf32> -> vector<1024x384xf32>
    %convert_element_type3A_214 = arith.truncf %add3A_205 : vector<1024x128xf32> to vector<1024x128xbf16>
    %dot_general3A_215 = arith.constant dense<0.000000e+00> : vector<1024x384xf32>
    %dot_general3A_216 = tpu.matmul %convert_element_type3A_214, %get3A_9, %dot_general3A_215 {dimension_numbers = #tpu.dot_dimension_numbers<[1], [0], [0], [1], [0, 0, 1, 1], [], []>, transpose_lhs_hint = false} : vector<1024x128xbf16>, vector<128x384xbf16>, vector<1024x384xf32> -> vector<1024x384xf32>
    %add3A_217 = vector.broadcast %get3A_12 : vector<1x384xf32> to vector<1024x384xf32>
    %add3A_218 = arith.addf %dot_general3A_216, %add3A_217 : vector<1024x384xf32>
    %slice3A_219 = vector.extract_strided_slice %dot_general3A_213 {offsets = [0, 0], sizes = [1024, 128], strides = [1, 1]} : vector<1024x384xf32> to vector<1024x128xf32>
    %slice3A_220 = vector.extract_strided_slice %add3A_218 {offsets = [0, 0], sizes = [1024, 128], strides = [1, 1]} : vector<1024x384xf32> to vector<1024x128xf32>
    %add3A_221 = arith.addf %slice3A_219, %slice3A_220 : vector<1024x128xf32>
    %mul3A_222 = arith.constant 5.000000e-01 : f32
    %mul3A_223 = vector.broadcast %mul3A_222 : f32 to vector<1024x128xf32>
    %mul3A_224 = arith.mulf %mul3A_223, %add3A_221 : vector<1024x128xf32>
    %tanh3A_225 = math.tanh %mul3A_224 : vector<1024x128xf32>
    %mul3A_226 = arith.constant 5.000000e-01 : f32
    %mul3A_227 = vector.broadcast %mul3A_226 : f32 to vector<1024x128xf32>
    %mul3A_228 = arith.mulf %mul3A_227, %tanh3A_225 : vector<1024x128xf32>
    %add3A_229 = arith.constant 5.000000e-01 : f32
    %add3A_230 = vector.broadcast %add3A_229 : f32 to vector<1024x128xf32>
    %add3A_231 = arith.addf %mul3A_228, %add3A_230 : vector<1024x128xf32>
    %slice3A_232 = vector.extract_strided_slice %dot_general3A_213 {offsets = [0, 128], sizes = [1024, 128], strides = [1, 1]} : vector<1024x384xf32> to vector<1024x128xf32>
    %slice3A_233 = vector.extract_strided_slice %add3A_218 {offsets = [0, 128], sizes = [1024, 128], strides = [1, 1]} : vector<1024x384xf32> to vector<1024x128xf32>
    %add3A_234 = arith.addf %slice3A_232, %slice3A_233 : vector<1024x128xf32>
    %mul3A_235 = arith.constant 5.000000e-01 : f32
    %mul3A_236 = vector.broadcast %mul3A_235 : f32 to vector<1024x128xf32>
    %mul3A_237 = arith.mulf %mul3A_236, %add3A_234 : vector<1024x128xf32>
    %tanh3A_238 = math.tanh %mul3A_237 : vector<1024x128xf32>
    %mul3A_239 = arith.constant 5.000000e-01 : f32
    %mul3A_240 = vector.broadcast %mul3A_239 : f32 to vector<1024x128xf32>
    %mul3A_241 = arith.mulf %mul3A_240, %tanh3A_238 : vector<1024x128xf32>
    %add3A_242 = arith.constant 5.000000e-01 : f32
    %add3A_243 = vector.broadcast %add3A_242 : f32 to vector<1024x128xf32>
    %add3A_244 = arith.addf %mul3A_241, %add3A_243 : vector<1024x128xf32>
    %slice3A_245 = vector.extract_strided_slice %dot_general3A_213 {offsets = [0, 256], sizes = [1024, 128], strides = [1, 1]} : vector<1024x384xf32> to vector<1024x128xf32>
    %slice3A_246 = vector.extract_strided_slice %add3A_218 {offsets = [0, 256], sizes = [1024, 128], strides = [1, 1]} : vector<1024x384xf32> to vector<1024x128xf32>
    %mul3A_247 = arith.mulf %add3A_231, %slice3A_246 : vector<1024x128xf32>
    %add3A_248 = vector.broadcast %get3A_15 : vector<1x128xf32> to vector<1024x128xf32>
    %add3A_249 = arith.addf %mul3A_247, %add3A_248 : vector<1024x128xf32>
    %add3A_250 = arith.addf %slice3A_245, %add3A_249 : vector<1024x128xf32>
    %tanh3A_251 = math.tanh %add3A_250 : vector<1024x128xf32>
    %sub3A_252 = arith.subf %add3A_205, %tanh3A_251 : vector<1024x128xf32>
    %mul3A_253 = arith.mulf %add3A_244, %sub3A_252 : vector<1024x128xf32>
    %add3A_254 = arith.addf %tanh3A_251, %mul3A_253 : vector<1024x128xf32>
    %get3A_255 = arith.constant 1 : index
    %get3A_256 = arith.constant 0 : index
    %get3A_257 = arith.constant 0 : index
    %get3A_258 = vector.load %arg2[%get3A_255, %get3A_256, %get3A_257] : memref<4x1024x128xf32, #tpu.memory_space<vmem>>, vector<1x1024x128xf32>
    %get3A_259 = vector.shape_cast %get3A_258 : vector<1x1024x128xf32> to vector<1024x128xf32>
    %convert_element_type3A_260 = arith.truncf %get3A_259 : vector<1024x128xf32> to vector<1024x128xbf16>
    %dot_general3A_261 = arith.constant dense<0.000000e+00> : vector<1024x384xf32>
    %dot_general3A_262 = tpu.matmul %convert_element_type3A_260, %get3A_6, %dot_general3A_261 {dimension_numbers = #tpu.dot_dimension_numbers<[1], [0], [0], [1], [0, 0, 1, 1], [], []>, transpose_lhs_hint = false} : vector<1024x128xbf16>, vector<128x384xbf16>, vector<1024x384xf32> -> vector<1024x384xf32>
    %convert_element_type3A_263 = arith.truncf %add3A_254 : vector<1024x128xf32> to vector<1024x128xbf16>
    %dot_general3A_264 = arith.constant dense<0.000000e+00> : vector<1024x384xf32>
    %dot_general3A_265 = tpu.matmul %convert_element_type3A_263, %get3A_9, %dot_general3A_264 {dimension_numbers = #tpu.dot_dimension_numbers<[1], [0], [0], [1], [0, 0, 1, 1], [], []>, transpose_lhs_hint = false} : vector<1024x128xbf16>, vector<128x384xbf16>, vector<1024x384xf32> -> vector<1024x384xf32>
    %add3A_266 = vector.broadcast %get3A_12 : vector<1x384xf32> to vector<1024x384xf32>
    %add3A_267 = arith.addf %dot_general3A_265, %add3A_266 : vector<1024x384xf32>
    %slice3A_268 = vector.extract_strided_slice %dot_general3A_262 {offsets = [0, 0], sizes = [1024, 128], strides = [1, 1]} : vector<1024x384xf32> to vector<1024x128xf32>
    %slice3A_269 = vector.extract_strided_slice %add3A_267 {offsets = [0, 0], sizes = [1024, 128], strides = [1, 1]} : vector<1024x384xf32> to vector<1024x128xf32>
    %add3A_270 = arith.addf %slice3A_268, %slice3A_269 : vector<1024x128xf32>
    %mul3A_271 = arith.constant 5.000000e-01 : f32
    %mul3A_272 = vector.broadcast %mul3A_271 : f32 to vector<1024x128xf32>
    %mul3A_273 = arith.mulf %mul3A_272, %add3A_270 : vector<1024x128xf32>
    %tanh3A_274 = math.tanh %mul3A_273 : vector<1024x128xf32>
    %mul3A_275 = arith.constant 5.000000e-01 : f32
    %mul3A_276 = vector.broadcast %mul3A_275 : f32 to vector<1024x128xf32>
    %mul3A_277 = arith.mulf %mul3A_276, %tanh3A_274 : vector<1024x128xf32>
    %add3A_278 = arith.constant 5.000000e-01 : f32
    %add3A_279 = vector.broadcast %add3A_278 : f32 to vector<1024x128xf32>
    %add3A_280 = arith.addf %mul3A_277, %add3A_279 : vector<1024x128xf32>
    %slice3A_281 = vector.extract_strided_slice %dot_general3A_262 {offsets = [0, 128], sizes = [1024, 128], strides = [1, 1]} : vector<1024x384xf32> to vector<1024x128xf32>
    %slice3A_282 = vector.extract_strided_slice %add3A_267 {offsets = [0, 128], sizes = [1024, 128], strides = [1, 1]} : vector<1024x384xf32> to vector<1024x128xf32>
    %add3A_283 = arith.addf %slice3A_281, %slice3A_282 : vector<1024x128xf32>
    %mul3A_284 = arith.constant 5.000000e-01 : f32
    %mul3A_285 = vector.broadcast %mul3A_284 : f32 to vector<1024x128xf32>
    %mul3A_286 = arith.mulf %mul3A_285, %add3A_283 : vector<1024x128xf32>
    %tanh3A_287 = math.tanh %mul3A_286 : vector<1024x128xf32>
    %mul3A_288 = arith.constant 5.000000e-01 : f32
    %mul3A_289 = vector.broadcast %mul3A_288 : f32 to vector<1024x128xf32>
    %mul3A_290 = arith.mulf %mul3A_289, %tanh3A_287 : vector<1024x128xf32>
    %add3A_291 = arith.constant 5.000000e-01 : f32
    %add3A_292 = vector.broadcast %add3A_291 : f32 to vector<1024x128xf32>
    %add3A_293 = arith.addf %mul3A_290, %add3A_292 : vector<1024x128xf32>
    %slice3A_294 = vector.extract_strided_slice %dot_general3A_262 {offsets = [0, 256], sizes = [1024, 128], strides = [1, 1]} : vector<1024x384xf32> to vector<1024x128xf32>
    %slice3A_295 = vector.extract_strided_slice %add3A_267 {offsets = [0, 256], sizes = [1024, 128], strides = [1, 1]} : vector<1024x384xf32> to vector<1024x128xf32>
    %mul3A_296 = arith.mulf %add3A_280, %slice3A_295 : vector<1024x128xf32>
    %add3A_297 = vector.broadcast %get3A_15 : vector<1x128xf32> to vector<1024x128xf32>
    %add3A_298 = arith.addf %mul3A_296, %add3A_297 : vector<1024x128xf32>
    %add3A_299 = arith.addf %slice3A_294, %add3A_298 : vector<1024x128xf32>
    %tanh3A_300 = math.tanh %add3A_299 : vector<1024x128xf32>
    %sub3A_301 = arith.subf %add3A_254, %tanh3A_300 : vector<1024x128xf32>
    %mul3A_302 = arith.mulf %add3A_293, %sub3A_301 : vector<1024x128xf32>
    %add3A_303 = arith.addf %tanh3A_300, %mul3A_302 : vector<1024x128xf32>
    %get3A_304 = arith.constant 2 : index
    %get3A_305 = arith.constant 0 : index
    %get3A_306 = arith.constant 0 : index
    %get3A_307 = vector.load %arg2[%get3A_304, %get3A_305, %get3A_306] : memref<4x1024x128xf32, #tpu.memory_space<vmem>>, vector<1x1024x128xf32>
    %get3A_308 = vector.shape_cast %get3A_307 : vector<1x1024x128xf32> to vector<1024x128xf32>
    %convert_element_type3A_309 = arith.truncf %get3A_308 : vector<1024x128xf32> to vector<1024x128xbf16>
    %dot_general3A_310 = arith.constant dense<0.000000e+00> : vector<1024x384xf32>
    %dot_general3A_311 = tpu.matmul %convert_element_type3A_309, %get3A_6, %dot_general3A_310 {dimension_numbers = #tpu.dot_dimension_numbers<[1], [0], [0], [1], [0, 0, 1, 1], [], []>, transpose_lhs_hint = false} : vector<1024x128xbf16>, vector<128x384xbf16>, vector<1024x384xf32> -> vector<1024x384xf32>
    %convert_element_type3A_312 = arith.truncf %add3A_303 : vector<1024x128xf32> to vector<1024x128xbf16>
    %dot_general3A_313 = arith.constant dense<0.000000e+00> : vector<1024x384xf32>
    %dot_general3A_314 = tpu.matmul %convert_element_type3A_312, %get3A_9, %dot_general3A_313 {dimension_numbers = #tpu.dot_dimension_numbers<[1], [0], [0], [1], [0, 0, 1, 1], [], []>, transpose_lhs_hint = false} : vector<1024x128xbf16>, vector<128x384xbf16>, vector<1024x384xf32> -> vector<1024x384xf32>
    %add3A_315 = vector.broadcast %get3A_12 : vector<1x384xf32> to vector<1024x384xf32>
    %add3A_316 = arith.addf %dot_general3A_314, %add3A_315 : vector<1024x384xf32>
    %slice3A_317 = vector.extract_strided_slice %dot_general3A_311 {offsets = [0, 0], sizes = [1024, 128], strides = [1, 1]} : vector<1024x384xf32> to vector<1024x128xf32>
    %slice3A_318 = vector.extract_strided_slice %add3A_316 {offsets = [0, 0], sizes = [1024, 128], strides = [1, 1]} : vector<1024x384xf32> to vector<1024x128xf32>
    %add3A_319 = arith.addf %slice3A_317, %slice3A_318 : vector<1024x128xf32>
    %mul3A_320 = arith.constant 5.000000e-01 : f32
    %mul3A_321 = vector.broadcast %mul3A_320 : f32 to vector<1024x128xf32>
    %mul3A_322 = arith.mulf %mul3A_321, %add3A_319 : vector<1024x128xf32>
    %tanh3A_323 = math.tanh %mul3A_322 : vector<1024x128xf32>
    %mul3A_324 = arith.constant 5.000000e-01 : f32
    %mul3A_325 = vector.broadcast %mul3A_324 : f32 to vector<1024x128xf32>
    %mul3A_326 = arith.mulf %mul3A_325, %tanh3A_323 : vector<1024x128xf32>
    %add3A_327 = arith.constant 5.000000e-01 : f32
    %add3A_328 = vector.broadcast %add3A_327 : f32 to vector<1024x128xf32>
    %add3A_329 = arith.addf %mul3A_326, %add3A_328 : vector<1024x128xf32>
    %slice3A_330 = vector.extract_strided_slice %dot_general3A_311 {offsets = [0, 128], sizes = [1024, 128], strides = [1, 1]} : vector<1024x384xf32> to vector<1024x128xf32>
    %slice3A_331 = vector.extract_strided_slice %add3A_316 {offsets = [0, 128], sizes = [1024, 128], strides = [1, 1]} : vector<1024x384xf32> to vector<1024x128xf32>
    %add3A_332 = arith.addf %slice3A_330, %slice3A_331 : vector<1024x128xf32>
    %mul3A_333 = arith.constant 5.000000e-01 : f32
    %mul3A_334 = vector.broadcast %mul3A_333 : f32 to vector<1024x128xf32>
    %mul3A_335 = arith.mulf %mul3A_334, %add3A_332 : vector<1024x128xf32>
    %tanh3A_336 = math.tanh %mul3A_335 : vector<1024x128xf32>
    %mul3A_337 = arith.constant 5.000000e-01 : f32
    %mul3A_338 = vector.broadcast %mul3A_337 : f32 to vector<1024x128xf32>
    %mul3A_339 = arith.mulf %mul3A_338, %tanh3A_336 : vector<1024x128xf32>
    %add3A_340 = arith.constant 5.000000e-01 : f32
    %add3A_341 = vector.broadcast %add3A_340 : f32 to vector<1024x128xf32>
    %add3A_342 = arith.addf %mul3A_339, %add3A_341 : vector<1024x128xf32>
    %slice3A_343 = vector.extract_strided_slice %dot_general3A_311 {offsets = [0, 256], sizes = [1024, 128], strides = [1, 1]} : vector<1024x384xf32> to vector<1024x128xf32>
    %slice3A_344 = vector.extract_strided_slice %add3A_316 {offsets = [0, 256], sizes = [1024, 128], strides = [1, 1]} : vector<1024x384xf32> to vector<1024x128xf32>
    %mul3A_345 = arith.mulf %add3A_329, %slice3A_344 : vector<1024x128xf32>
    %add3A_346 = vector.broadcast %get3A_15 : vector<1x128xf32> to vector<1024x128xf32>
    %add3A_347 = arith.addf %mul3A_345, %add3A_346 : vector<1024x128xf32>
    %add3A_348 = arith.addf %slice3A_343, %add3A_347 : vector<1024x128xf32>
    %tanh3A_349 = math.tanh %add3A_348 : vector<1024x128xf32>
    %sub3A_350 = arith.subf %add3A_303, %tanh3A_349 : vector<1024x128xf32>
    %mul3A_351 = arith.mulf %add3A_342, %sub3A_350 : vector<1024x128xf32>
    %add3A_352 = arith.addf %tanh3A_349, %mul3A_351 : vector<1024x128xf32>
    %get3A_353 = arith.constant 3 : index
    %get3A_354 = arith.constant 0 : index
    %get3A_355 = arith.constant 0 : index
    %get3A_356 = vector.load %arg2[%get3A_353, %get3A_354, %get3A_355] : memref<4x1024x128xf32, #tpu.memory_space<vmem>>, vector<1x1024x128xf32>
    %get3A_357 = vector.shape_cast %get3A_356 : vector<1x1024x128xf32> to vector<1024x128xf32>
    %convert_element_type3A_358 = arith.truncf %get3A_357 : vector<1024x128xf32> to vector<1024x128xbf16>
    %dot_general3A_359 = arith.constant dense<0.000000e+00> : vector<1024x384xf32>
    %dot_general3A_360 = tpu.matmul %convert_element_type3A_358, %get3A_6, %dot_general3A_359 {dimension_numbers = #tpu.dot_dimension_numbers<[1], [0], [0], [1], [0, 0, 1, 1], [], []>, transpose_lhs_hint = false} : vector<1024x128xbf16>, vector<128x384xbf16>, vector<1024x384xf32> -> vector<1024x384xf32>
    %convert_element_type3A_361 = arith.truncf %add3A_352 : vector<1024x128xf32> to vector<1024x128xbf16>
    %dot_general3A_362 = arith.constant dense<0.000000e+00> : vector<1024x384xf32>
    %dot_general3A_363 = tpu.matmul %convert_element_type3A_361, %get3A_9, %dot_general3A_362 {dimension_numbers = #tpu.dot_dimension_numbers<[1], [0], [0], [1], [0, 0, 1, 1], [], []>, transpose_lhs_hint = false} : vector<1024x128xbf16>, vector<128x384xbf16>, vector<1024x384xf32> -> vector<1024x384xf32>
    %add3A_364 = vector.broadcast %get3A_12 : vector<1x384xf32> to vector<1024x384xf32>
    %add3A_365 = arith.addf %dot_general3A_363, %add3A_364 : vector<1024x384xf32>
    %slice3A_366 = vector.extract_strided_slice %dot_general3A_360 {offsets = [0, 0], sizes = [1024, 128], strides = [1, 1]} : vector<1024x384xf32> to vector<1024x128xf32>
    %slice3A_367 = vector.extract_strided_slice %add3A_365 {offsets = [0, 0], sizes = [1024, 128], strides = [1, 1]} : vector<1024x384xf32> to vector<1024x128xf32>
    %add3A_368 = arith.addf %slice3A_366, %slice3A_367 : vector<1024x128xf32>
    %mul3A_369 = arith.constant 5.000000e-01 : f32
    %mul3A_370 = vector.broadcast %mul3A_369 : f32 to vector<1024x128xf32>
    %mul3A_371 = arith.mulf %mul3A_370, %add3A_368 : vector<1024x128xf32>
    %tanh3A_372 = math.tanh %mul3A_371 : vector<1024x128xf32>
    %mul3A_373 = arith.constant 5.000000e-01 : f32
    %mul3A_374 = vector.broadcast %mul3A_373 : f32 to vector<1024x128xf32>
    %mul3A_375 = arith.mulf %mul3A_374, %tanh3A_372 : vector<1024x128xf32>
    %add3A_376 = arith.constant 5.000000e-01 : f32
    %add3A_377 = vector.broadcast %add3A_376 : f32 to vector<1024x128xf32>
    %add3A_378 = arith.addf %mul3A_375, %add3A_377 : vector<1024x128xf32>
    %slice3A_379 = vector.extract_strided_slice %dot_general3A_360 {offsets = [0, 128], sizes = [1024, 128], strides = [1, 1]} : vector<1024x384xf32> to vector<1024x128xf32>
    %slice3A_380 = vector.extract_strided_slice %add3A_365 {offsets = [0, 128], sizes = [1024, 128], strides = [1, 1]} : vector<1024x384xf32> to vector<1024x128xf32>
    %add3A_381 = arith.addf %slice3A_379, %slice3A_380 : vector<1024x128xf32>
    %mul3A_382 = arith.constant 5.000000e-01 : f32
    %mul3A_383 = vector.broadcast %mul3A_382 : f32 to vector<1024x128xf32>
    %mul3A_384 = arith.mulf %mul3A_383, %add3A_381 : vector<1024x128xf32>
    %tanh3A_385 = math.tanh %mul3A_384 : vector<1024x128xf32>
    %mul3A_386 = arith.constant 5.000000e-01 : f32
    %mul3A_387 = vector.broadcast %mul3A_386 : f32 to vector<1024x128xf32>
    %mul3A_388 = arith.mulf %mul3A_387, %tanh3A_385 : vector<1024x128xf32>
    %add3A_389 = arith.constant 5.000000e-01 : f32
    %add3A_390 = vector.broadcast %add3A_389 : f32 to vector<1024x128xf32>
    %add3A_391 = arith.addf %mul3A_388, %add3A_390 : vector<1024x128xf32>
    %slice3A_392 = vector.extract_strided_slice %dot_general3A_360 {offsets = [0, 256], sizes = [1024, 128], strides = [1, 1]} : vector<1024x384xf32> to vector<1024x128xf32>
    %slice3A_393 = vector.extract_strided_slice %add3A_365 {offsets = [0, 256], sizes = [1024, 128], strides = [1, 1]} : vector<1024x384xf32> to vector<1024x128xf32>
    %mul3A_394 = arith.mulf %add3A_378, %slice3A_393 : vector<1024x128xf32>
    %add3A_395 = vector.broadcast %get3A_15 : vector<1x128xf32> to vector<1024x128xf32>
    %add3A_396 = arith.addf %mul3A_394, %add3A_395 : vector<1024x128xf32>
    %add3A_397 = arith.addf %slice3A_392, %add3A_396 : vector<1024x128xf32>
    %tanh3A_398 = math.tanh %add3A_397 : vector<1024x128xf32>
    %sub3A_399 = arith.subf %add3A_352, %tanh3A_398 : vector<1024x128xf32>
    %mul3A_400 = arith.mulf %add3A_391, %sub3A_399 : vector<1024x128xf32>
    %add3A_401 = arith.addf %tanh3A_398, %mul3A_400 : vector<1024x128xf32>
    %swap3A = arith.constant 0 : index
    %swap3A_402 = arith.constant 0 : index
    %swap3A_403 = vector.load %arg9[%swap3A, %swap3A_402] : memref<1024x128xf32, #tpu.memory_space<vmem>>, vector<1024x128xf32>
    tpu.vector_store %arg9[%swap3A, %swap3A_402], %add3A_401 {strides = array<i32>} : memref<1024x128xf32, #tpu.memory_space<vmem>>, vector<1024x128xf32>,
    %eq3A_404 = arith.constant 5 : i32
    %eq3A_405 = arith.cmpi eq, %arg0, %eq3A_404 : i32
    %convert_element_type3A_406 = arith.extui %eq3A_405 : i1 to i32
    %cond3A_407 = arith.constant 0 : i32
    %cond3A_408 = arith.cmpi ne, %convert_element_type3A_406, %cond3A_407 : i32
    scf.if %cond3A_408 {
      %swap3A_409 = arith.constant 0 : index
      %swap3A_410 = arith.constant 0 : index
      %swap3A_411 = vector.load %arg8[%swap3A_409, %swap3A_410] : memref<1024x128xf32, #tpu.memory_space<vmem>>, vector<1024x128xf32>
      tpu.vector_store %arg8[%swap3A_409, %swap3A_410], %add3A_401 {strides = array<i32>} : memref<1024x128xf32, #tpu.memory_space<vmem>>, vector<1024x128xf32>,
    } else {
    }
    return
  }
  func.func @transform_0(%arg0: i32) -> (i32, i32, i32) {
    %mul3A = arith.constant 2 : i32
    %mul3A_0 = arith.muli %mul3A, %arg0 : i32
    %c0_i32 = arith.constant 0 : i32
    %c0_i32_1 = arith.constant 0 : i32
    %c0_i32_2 = arith.constant 0 : i32
    return %mul3A_0, %c0_i32, %c0_i32_1 : i32, i32, i32
  }
  func.func @transform_1(%arg0: i32) -> (i32, i32, i32) {
    %mul3A = arith.constant 2 : i32
    %mul3A_0 = arith.muli %mul3A, %arg0 : i32
    %add3A = arith.constant 1 : i32
    %add3A_1 = arith.addi %mul3A_0, %add3A : i32
    %c0_i32 = arith.constant 0 : i32
    %c0_i32_2 = arith.constant 0 : i32
    %c0_i32_3 = arith.constant 0 : i32
    return %add3A_1, %c0_i32, %c0_i32_2 : i32, i32, i32
  }
  func.func @transform_2(%arg0: i32) -> (i32, i32) {
    %c0_i32 = arith.constant 0 : i32
    %c0_i32_0 = arith.constant 0 : i32
    %c0_i32_1 = arith.constant 0 : i32
    return %c0_i32, %c0_i32_0 : i32, i32
  }
  func.func @transform_3(%arg0: i32) -> (i32, i32) {
    %c0_i32 = arith.constant 0 : i32
    %c0_i32_0 = arith.constant 0 : i32
    %c0_i32_1 = arith.constant 0 : i32
    return %c0_i32, %c0_i32_0 : i32, i32
  }
  func.func @transform_4(%arg0: i32) -> (i32, i32) {
    %c0_i32 = arith.constant 0 : i32
    %c0_i32_0 = arith.constant 0 : i32
    %c0_i32_1 = arith.constant 0 : i32
    return %c0_i32, %c0_i32_0 : i32, i32
  }
  func.func @transform_5(%arg0: i32) -> (i32, i32) {
    %c0_i32 = arith.constant 0 : i32
    %c0_i32_0 = arith.constant 0 : i32
    %c0_i32_1 = arith.constant 0 : i32
    return %c0_i32, %c0_i32_0 : i32, i32
  }
  func.func @transform_6(%arg0: i32) -> (i32, i32) {
    %c0_i32 = arith.constant 0 : i32
    %c0_i32_0 = arith.constant 0 : i32
    %c0_i32_1 = arith.constant 0 : i32
    return %c0_i32, %c0_i32_0 : i32, i32
  }
  func.func @transform_7(%arg0: i32) -> (i32, i32) {
    %c0_i32 = arith.constant 0 : i32
    %c0_i32_0 = arith.constant 0 : i32
    %c0_i32_1 = arith.constant 0 : i32
    return %c0_i32, %c0_i32_0 : i32, i32
  }
}

</mosaic_0001>

<sc_bundles>
// kernel: kernel.12.cloned.1.call-start
scs
__scs_entry_jumppad:
0x0: {  	(pc) =	sbr.rel $0x88, $3  }
0x1: {  	(tag) =	ssettag $0x0;
	lr =	simm.s32 $0x1  }
0x2: {  	[smem:$0x3F9B] =	sst lr;
	_ =	strace $0xD0000000  }
0x3: {  	_ = 	snop  }
0x4: {  	_ = 	snop  }
0x5: {  	_ = 	snop  }
0x6: {  	_ = 	snop  }
0x7: {  	_ = 	snop  }
__scs_overlays_trampoline_lowered:
0x8: {  	[smem:$0x3FAA] =	sst s0  }
0x9: {  	[smem:$0x3FAB] =	sst s1  }
0xa: {  	[smem:$0x3FAC] =	sst s2  }
0xb: {  	[smem:$0x3FAD] =	sst s3  }
0xc: {  	[smem:$0x3FAE] =	sst s4  }
0xd: {  	[smem:$0x3FAF] =	sst s5  }
0xe: {  	[smem:$0x3FB0] =	sst s6  }
0xf: {  	[smem:$0x3FB1] =	sst s7  }
0x10: {  	[smem:$0x3FB2] =	sst s8  }
0x11: {  	[smem:$0x3FB3] =	sst s9;
	s0 =	simm.s32 @!p0 $0x0  }
0x12: {  	s1 =	sld [smem:$0x3F99];
	s0 =	simm.s32 @p0 $0x1  }
0x13: {  	[smem:$0x3FB4] =	sst s0;
	s0 =	simm.s32 @!p1 $0x0  }
0x14: {  	s2 =	sld [smem:$0x3F98];
	s0 =	simm.s32 @p1 $0x1  }
0x15: {  	[smem:$0x3FB5] =	sst s0;
	s0 =	simm.s32 @!p2 $0x0  }
0x16: {  	s3 =	sld [smem:$0x3FDB];
	s0 =	simm.s32 @p2 $0x1  }
0x17: {  	s4 =	simm.s32 $0x1BF5;
	[smem:$0x3FB7] =	sst s0  }
0x18: {  	s0 =	sld [smem:$0x3F9A];
	_ =	swait.ge [sflag:s4], $0x0  }
0x19: {  	s7 =	sld [smem:$0x3F9B]  }
0x1a: {  	s8 =	sadd.s32 $0xFFFFE003, lr  }
0x1b: {  	s9 =	sadd.s32 $0xFFFFFEF7, lr;
	s5 =	simm.s32 $0xFFFFFFFF;
	p2 =	slt.u32 s8, $0xFFFFF086  }
0x1c: {  	p1 =	slt.u32 s9, $0xF7A;
	s5 =	simm.s32 @!p2 $0x0  }
0x1d: {  	s5 =	simm.s32 @p1 $0x1;
	p0 =	seq.s32 s7, s2  }
0x1e: {  	s7 =	smul.u32 @!p0 $0xF7A, s2;
	p2 =	seq.s32 @!p0 s5, $0x0  }
0x1f: {  	s9 =	smul.u32 $0xF7A, s1;
	s8 =	simm.s32 @!p0 $0x1BF5;
	p2 =	por !p2, p0  }
0x20: {  	[sflag:s8] =	ssyncset.s32 @!p0 $0xFFFFF086;
	s6 =	sadd.s32 @!p0 s3, s7;
	s7 =	simm.s32 @!p0 $0x108  }
0x21: {  	s3 =	sadd.s32 s3, s9;
	s6 =	sadd.s32 @!p0 $0x88, s6;
	s7 =	simm.s32 @p2 $0x1082  }
0x22: {  	[simem:s7], [sflag:s8] =	dma.local @!p0 [hbm:s6], $0xF7A  }
0x23: {  	s9 =	sor.u32 $0xD0000000, s2;
	s6 =	simm.s32 $0x108;
	_ =	swait.ge @!p0 [sflag:s8], $0x0  }
0x24: {  	s3 =	sadd.s32 $0x88, s3;
	s6 =	simm.s32 @!p1 $0x1082;
	[sflag:s4] =	ssyncset.s32 $0xFFFFF086  }
0x25: {  	[simem:s6], [sflag:s4] =	dma.local [hbm:s3], $0xF7A  }
0x26: {  	[smem:$0x3F9B] =	sst s1;
	(tag) =	ssettag s2;
	_ =	strace s9  }
0x27: {  	s1 =	sld [smem:$0x3FAB]  }
0x28: {  	s2 =	sld [smem:$0x3FAC]  }
0x29: {  	s4 =	sld [smem:$0x3FAE]  }
0x2a: {  	p0 =	seq.s32 s5, $0x0;
	s5 =	sld [smem:$0x3FAF]  }
0x2b: {  	s6 =	sld [smem:$0x3FB0]  }
0x2c: {  	s7 =	sld [smem:$0x3FB1]  }
0x2d: {  	s3 =	simm.s32 $0x108;
	s8 =	sld [smem:$0x3FB2]  }
0x2e: {  	s3 =	simm.s32 @!p0 $0x1082;
	s9 =	sld [smem:$0x3FB3]  }
0x2f: {  	lr =	sadd.s32 s0, s3;
	s0 =	sld [smem:$0x3FAA]  }
0x30: {  	s3 =	sld [smem:$0x3FAD]  }
0x31: {  	[smem:$0x3FB6] =	sst s10  }
0x32: {  	s10 =	sld [smem:$0x3FB4];
	_ =	sdelay $0x3  }
0x33: {  	p0 =	seq.s32 s10, $0x1;
	s10 =	sld [smem:$0x3FB6];
	_ =	sdelay $0x3  }
0x34: {  	[smem:$0x3FB6] =	sst s10  }
0x35: {  	s10 =	sld [smem:$0x3FB5];
	_ =	sdelay $0x3  }
0x36: {  	p1 =	seq.s32 s10, $0x1;
	s10 =	sld [smem:$0x3FB6];
	_ =	sdelay $0x3  }
0x37: {  	[smem:$0x3FB6] =	sst s10  }
0x38: {  	s10 =	sld [smem:$0x3FB7]  }
0x39: {  	_ = 	snop;
	(pc) =	sbr.ind lr, $3  }
0x3a: {  	_ = 	snop  }
0x3b: {  	_ = 	snop  }
0x3c: {  	p2 =	seq.s32 s10, $0x1;
	s10 =	sld [smem:$0x3FB6]  }
0x3d: {  	_ =	shalt  }
0x3e: {  	_ =	shalt  }
0x3f: {  	_ =	shalt  }
0x40: {  	_ =	shalt  }
0x41: {  	_ =	shalt  }
0x42: {  	_ =	shalt  }
0x43: {  	_ =	shalt  }
0x44: {  	_ =	shalt  }
0x45: {  	_ =	shalt  }
0x46: {  	_ =	shalt  }
0x47: {  	_ =	shalt  }
0x48: {  	_ =	shalt  }
0x49: {  	_ =	shalt  }
0x4a: {  	_ =	shalt  }
0x4b: {  	_ =	shalt  }
0x4c: {  	_ =	shalt  }
0x4d: {  	_ =	shalt  }
0x4e: {  	_ =	shalt  }
0x4f: {  	_ =	shalt  }
0x50: {  	_ =	shalt  }
0x51: {  	_ =	shalt  }
0x52: {  	_ =	shalt  }
0x53: {  	_ =	shalt  }
0x54: {  	_ =	shalt  }
0x55: {  	_ =	shalt  }
0x56: {  	_ =	shalt  }
0x57: {  	_ =	shalt  }
0x58: {  	_ =	shalt  }
0x59: {  	_ =	shalt  }
0x5a: {  	_ =	shalt  }
0x5b: {  	_ =	shalt  }
0x5c: {  	_ =	shalt  }
0x5d: {  	_ =	shalt  }
0x5e: {  	_ =	shalt  }
0x5f: {  	_ =	shalt  }
0x60: {  	_ =	shalt  }
0x61: {  	_ =	shalt  }
0x62: {  	_ =	shalt  }
0x63: {  	_ =	shalt  }
0x64: {  	_ =	shalt  }
0x65: {  	_ =	shalt  }
0x66: {  	_ =	shalt  }
0x67: {  	_ =	shalt  }
0x68: {  	_ =	shalt  }
0x69: {  	_ =	shalt  }
0x6a: {  	_ =	shalt  }
0x6b: {  	_ =	shalt  }
0x6c: {  	_ =	shalt  }
0x6d: {  	_ =	shalt  }
0x6e: {  	_ =	shalt  }
0x6f: {  	_ =	shalt  }
0x70: {  	_ =	shalt  }
0x71: {  	_ =	shalt  }
0x72: {  	_ =	shalt  }
0x73: {  	_ =	shalt  }
0x74: {  	_ =	shalt  }
0x75: {  	_ =	shalt  }
0x76: {  	_ =	shalt  }
0x77: {  	_ =	shalt  }
0x78: {  	_ =	shalt  }
0x79: {  	_ =	shalt  }
0x7a: {  	_ =	shalt  }
0x7b: {  	_ =	shalt  }
0x7c: {  	_ =	shalt  }
0x7d: {  	_ =	shalt  }
0x7e: {  	_ =	shalt  }
0x7f: {  	_ =	shalt  }
0x80: {  	_ =	shalt  }
0x81: {  	_ =	shalt  }
0x82: {  	_ =	shalt  }
0x83: {  	_ =	shalt  }
0x84: {  	_ =	shalt  }
0x85: {  	_ =	shalt  }
0x86: {  	_ =	shalt  }
0x87: {  	_ =	shalt  }
.Lfunc_end0:
.L_simem_size_0:
called_computation_lowered:
.L_overlay_start_0:
0x88: {  	s2 =	sld [smem:$0x3FD9]  }
0x89: {  	s3 =	sld [smem:$0x3FFE];
	_ =	sdelay $0x1  }
0x8a: {  	s1 =	srdreg.scid  }
0x8b: {  	s0 =	sand.u32 $0x1, s1  }
0x8c: {  	s17 =	sshll.u32 s0, $0xA;
	s2 =	sadd.s32 s3, s2  }
0x8d: {  	s2 =	sadd.s32 s2, s17  }
0x8e: {  	[smem:$0x3FC2] =	sst s2  }
0x8f: {  	_ = 	snop  }
0x90: {  	s2 =	sld [smem:$0x3FC8];
	(tm) =	ssettm $0x1  }
0x91: {  	s18 =	sld [smem:$0x3FFB];
	_ =	sdelay $0x3  }
0x92: {  	_ =	strace s18  }
0x93: {  	s3 =	sld [smem:$0x3FFC];
	_ =	sdelay $0x3  }
0x94: {  	_ =	strace s3  }
0x95: {  	s3 =	sld [smem:$0x3FFD];
	_ =	sdelay $0x3  }
0x96: {  	_ =	strace s3  }
0x97: {  	_ =	strace $0x8FFFFFFF  }
0x98: {  	s19 =	sld [smem:$0x3FDB];
	_ =	sdelay $0x1  }
0x99: {  	s4 =	simm.s32 $_scs_section_size  }
0x9a: {  	s5 =	simm.s32 $_size__tile_overlayer_lowered;
	s6 =	simm.s32 $_tile_overlayer_lowered  }
0x9b: {  	s22 =	simm.s32 $0x1BFF;
	s21 =	sshll.u32 s6, $0x1;
	s3 =	sadd.s32 s4, s19  }
0x9c: {  	s7 =	simm.s32 $0x0;
	s20 =	sshll.u32 s5, $0x1;
	s5 =	sadd.s32 s21, s3  }
0x9d: {  	[timem:s7], [sflag:s22] =	dma.local [hbm:s5], s20  }
0x9e: {  	_ =	swait.ge [sflag:s22], s20  }
0x9f: {  	s4 =	ssub.s32 $0x0, s20;
	[sflag:s22] =	ssyncset.done $0x0  }
0xa0: {  	[sflag:s22] =	ssyncadd.s32 s4;
	_ =	sdelay $0x1  }
0xa1: {  	s23 =	simm.s32 $0x1B8B  }
0xa2: {  	_ =	swait.ge [sflag:s23], $0x1  }
0xa3: {  	[sflag:s23] =	ssyncset.done $0x0  }
0xa4: {  	s25 =	simm.s32 $0x1B8E;
	s24 =	sld [smem:$0x3FFE];
	[sflag:s23] =	ssyncadd.s32 $0xFFFFFFFF  }
0xa5: {  	s26 =	simm.s32 $execute0_lowered;
	[smem:$0x3FD2] =	sst s25  }
0xa6: {  	s5 =	sshll.u32 s26, $0x1;
	_ =	strace $0x80000046;
	[dreg:$0x1] =	wrdreg $0xFFFFFFFF  }
0xa7: {  	s28 =	simm.s32 $_size_execute0_lowered;
	s3 =	sadd.s32 s3, s5;
	[dreg:$0x0] =	wrdreg $0x0  }
0xa8: {  	s5 =	sshll.u32 s28, $0x1;
	[dreg:$0x2] =	wrdreg s3  }
0xa9: {  	[dreg:$0x3] =	wrdreg s5  }
0xaa: {  	[dreg:$0x4] =	wrdreg $0xC0  }
0xab: {  	_ =	task [dreg:s7], $0x5FFFF  }
0xac: {  	[dreg:$0x1] =	wrdreg $0xFFFFFFFF  }
0xad: {  	[dreg:$0x0] =	wrdreg $0x60  }
0xae: {  	[dreg:$0x2] =	wrdreg s2  }
0xaf: {  	[dreg:$0x3] =	wrdreg s24  }
0xb0: {  	[dreg:$0x4] =	wrdreg $0x9  }
0xb1: {  	_ =	task.clear_ibuf [dreg:s7], $0x5FFFF;
	_ =	strace $0x90000046  }
0xb2: {  	s29 =	simm.s32 $0x9;
	_ =	strace $0x80000048  }
0xb3: {  	_ =	swait.ge [sflag:s29], $0x1  }
0xb4: {  	[sflag:s29] =	ssyncadd.s32 $0xFFFFFFFF  }
0xb5: {  	_ =	strace $0x90000048  }
0xb6: {  	_ =	sfence  }
0xb7: {  	s30 =	sld [smem:$0x0];
	_ =	sdelay $0x2  }
0xb8: {  	s31 =	sshll.u32 s1, $0xD;
	s1 =	sshrl.u32 s1, $0x2  }
0xb9: {  	s3 =	sand.u32 $0x4000, s31;
	s1 =	sadd.s32 s1, s30  }
0xba: {  	s0 =	sor.u32 s3, s0;
	s1 =	sshll.u32 s1, $0x11  }
0xbb: {  	s0 =	sor.u32 s1, s0  }
0xbc: {  	s0 =	sadd.s32 $0x8F2B, s0  }
0xbd: {  	[sflag:s0] =	ssyncadd.remote.s32 $0x1  }
0xbe: {  	_ =	sfence.sel $0xFFFF  }
0xbf: {  	[dreg:$0x0] =	wrdreg $0xFFFFFFFF;
	(pc) =	sbr.abs _section_cstart, $3  }
0xc0: {  	[dreg:$0x1] =	wrdreg $0xFFFFFFFF  }
0xc1: {  	_ =	task.clear_ibuf [dreg:s7], $0x2FFFF;
	_ =	strace $0x9FFFFFFF  }
0xc2: {  	(tm) =	ssettm $0x7FFFFFFF  }
0xc3: {  	_ =	shalt  }
tec
execute0_lowered:
.L_overlay_start_1:
0x0: {  	(tag) =	ssettag $0x1  }
0x1: {  	s1 =	srdreg.scid;
	s0 =	stileid.u32  }
0x2: {  	s30 =	sand.u32 $0x1, s1;
	s31 =	sshll.u32 s0, $0x1  }
0x3: {  	s2 =	rddreg [dreg:$0x0];
	s15 =	sor.u32 s30, s31  }
0x4: {  	s10 =	rddreg [dreg:$0x1];
	s3 =	simm.s32 $0x0;
	s4 =	sshll.u32 s15, $0x7  }
0x5: {  	s5 =	simm.s32 $0x9;
	[smem:$0x7FF] =	sst s3;
	s4 =	sadd.s32 s4, s10  }
0x6: {  	s1 =	rddreg [dreg:$0x2];
	_ =	strace $0x80000047;
	s4 =	sadd.s32 $0x2800, s4  }
0x7: {  	[tilespmem:s3], [sflag:$0x9] =	stream.linear.gather [hbm4b:s4+s3], $0x300, $0x38;
	[tilespmem:$0x10400] =	vst v63  }
0x8: {  	_ =	swait.ge [sflag:s5], $0x300  }
0x9: {  	[sflag:s5] =	ssyncset.done $0x0  }
0xa: {  	s6 =	simm.s32 $0x80;
	s7 =	simm.s32 $0x400;
	[sflag:s5] =	ssyncadd.s32 $0xFFFFFD00  }
0xb: {  	[tilespmem:s7], [sflag:$0x1] =	stream.indirect.gather [hbm4b:s2+s6], $0x80, s3, s6, $0xb8;
	[tilespmem:$0x10400] =	vst v63  }
0xc: {  	s8 =	simm.s32 $0x4400;
	s9 =	simm.s32 $0x1  }
0xd: {  	[tilespmem:s8], [sflag:$0x2] =	stream.indirect.gather [hbm4b:s2+s6], $0x80, s6, s6, $0xb8;
	[tilespmem:$0x10400] =	vst v63  }
0xe: {  	s11 =	smul.u32 $0x3000, s15;
	_ =	swait.ge [sflag:s9], $0x4000  }
0xf: {  	s18 =	sadd.s32 $0x3800, s10;
	[sflag:s9] =	ssyncset.done $0x0  }
0x10: {  	s10 =	sadd.s32 s18, s11;
	[sflag:s9] =	ssyncadd.s32 $0xFFFFC000  }
0x11: {  	[hbm4b:s10+s3] =	stream.linear.scatter [tilespmem:s7], [sflag:$0x5], $0x4000, $0x38;
	[tilespmem:$0x10400] =	vst v63  }
0x12: {  	s12 =	simm.s32 $0x8400;
	s13 =	simm.s32 $0x2;
	s11 =	simm.s32 $0x100  }
0x13: {  	[tilespmem:s12], [sflag:$0x3] =	stream.indirect.gather [hbm4b:s2+s6], $0x80, s11, s6, $0xb8;
	[tilespmem:$0x10400] =	vst v63  }
0x14: {  	_ =	swait.ge [sflag:s13], $0x4000  }
0x15: {  	[sflag:s13] =	ssyncset.done $0x0  }
0x16: {  	s16 =	simm.s32 $0xC400;
	s14 =	sadd.s32 $0x800, s10;
	[sflag:s13] =	ssyncadd.s32 $0xFFFFC000  }
0x17: {  	[hbm4b:s14+s3] =	stream.linear.scatter [tilespmem:s8], [sflag:$0x6], $0x4000, $0x38;
	[tilespmem:$0x10400] =	vst v63  }
0x18: {  	s17 =	simm.s32 $0x3;
	s19 =	smul.u32 $0x18000, s15;
	s15 =	simm.s32 $0x180  }
0x19: {  	[tilespmem:s16], [sflag:$0x4] =	stream.indirect.gather [hbm4b:s2+s6], $0x80, s15, s6, $0xb8;
	[tilespmem:$0x10400] =	vst v63  }
0x1a: {  	s19 =	sshrl.u32 s19, $0x3;
	_ =	swait.ge [sflag:s17], $0x4000  }
0x1b: {  	s26 =	sadd.s32 s18, s19;
	[sflag:s17] =	ssyncset.done $0x0  }
0x1c: {  	s19 =	simm.s32 $0x5;
	s18 =	sadd.s32 $0x1000, s26;
	[sflag:s17] =	ssyncadd.s32 $0xFFFFC000  }
0x1d: {  	[hbm4b:s18+s3] =	stream.linear.scatter [tilespmem:s12], [sflag:$0x7], $0x4000, $0x38;
	[tilespmem:$0x10400] =	vst v63  }
0x1e: {  	_ =	swait.ge [sflag:s19], $0x4000  }
0x1f: {  	[sflag:s19] =	ssyncset.done $0x0  }
0x20: {  	s20 =	simm.s32 $0x200;
	s21 =	simm.s32 $0x4;
	[sflag:s19] =	ssyncadd.s32 $0xFFFFC000  }
0x21: {  	[tilespmem:s7], [sflag:$0x1] =	stream.indirect.gather [hbm4b:s2+s6], $0x80, s20, s6, $0xb8;
	[tilespmem:$0x10400] =	vst v63  }
0x22: {  	_ =	swait.ge [sflag:s21], $0x4000  }
0x23: {  	[sflag:s21] =	ssyncset.done $0x0  }
0x24: {  	s22 =	simm.s32 $0x6;
	s23 =	sadd.s32 $0x1800, s26;
	[sflag:s21] =	ssyncadd.s32 $0xFFFFC000  }
0x25: {  	[hbm4b:s23+s3] =	stream.linear.scatter [tilespmem:s16], [sflag:$0x8], $0x4000, $0x38;
	[tilespmem:$0x10400] =	vst v63  }
0x26: {  	_ =	swait.ge [sflag:s22], $0x4000  }
0x27: {  	[sflag:s22] =	ssyncset.done $0x0  }
0x28: {  	s24 =	simm.s32 $0x280;
	[sflag:s22] =	ssyncadd.s32 $0xFFFFC000  }
0x29: {  	[tilespmem:s8], [sflag:$0x2] =	stream.indirect.gather [hbm4b:s2+s6], $0x80, s24, s6, $0xb8;
	[tilespmem:$0x10400] =	vst v63  }
0x2a: {  	_ =	swait.ge [sflag:s9], $0x4000  }
0x2b: {  	[sflag:s9] =	ssyncset.done $0x0  }
0x2c: {  	s25 =	sadd.s32 $0x2000, s26;
	[sflag:s9] =	ssyncadd.s32 $0xFFFFC000  }
0x2d: {  	[hbm4b:s25+s3] =	stream.linear.scatter [tilespmem:s7], [sflag:$0x5], $0x4000, $0x38;
	[tilespmem:$0x10400] =	vst v63  }
0x2e: {  	_ =	swait.ge [sflag:s13], $0x4000  }
0x2f: {  	[sflag:s13] =	ssyncset.done $0x0  }
0x30: {  	s28 =	simm.s32 $0x7;
	s26 =	sadd.s32 $0x2800, s26;
	[sflag:s13] =	ssyncadd.s32 $0xFFFFC000  }
0x31: {  	[hbm4b:s26+s3] =	stream.linear.scatter [tilespmem:s8], [sflag:$0x6], $0x4000, $0x38;
	[tilespmem:$0x10400] =	vst v63  }
0x32: {  	_ =	swait.ge [sflag:s28], $0x4000  }
0x33: {  	s30 =	ssub.s32 $0x2, s30;
	[sflag:s28] =	ssyncset.done $0x0  }
0x34: {  	s29 =	simm.s32 $0x8;
	s31 =	sshrl.u32 s30, $0x1;
	[sflag:s28] =	ssyncadd.s32 $0xFFFFC000  }
0x35: {  	s30 =	ssub.s32 s30, s31;
	_ =	swait.ge [sflag:s29], $0x4000  }
0x36: {  	s30 =	smax.u32 s30, $0x1;
	[sflag:s29] =	ssyncset.done $0x0  }
0x37: {  	p0 =	sne.s32 s30, $0x1;
	[sflag:s29] =	ssyncadd.s32 $0xFFFFC000  }
.Ltmp0:
0x38: {  	_ =	swait.ge [sflag:s19], $0x4000;
	(pc) =	sbr.rel @!p0 .LBB2_2-.Ltmp0, $4  }
0x39: {  	[sflag:s19] =	ssyncset.done $0x0  }
0x3a: {  	[sflag:s19] =	ssyncadd.s32 $0xFFFFC000  }
0x3b: {  	_ =	swait.ge [sflag:s22], $0x4000  }
0x3c: {  	s30 =	sadd.s32 $0xFFFFFFFF, s30;
	[sflag:s22] =	ssyncset.done $0x0  }
.LBB2_1:
0x3d: {  	p0 =	sne.s32 s30, $0x1;
	s30 =	sadd.s32 $0xFFFFFFFF, s30;
	[sflag:s22] =	ssyncadd.s32 $0xFFFFC000  }
0x3e: {  	[tilespmem:s3], [sflag:$0x9] =	stream.linear.gather [hbm4b:s4+s3], $0x300, $0x38;
	[tilespmem:$0x10400] =	vst v63  }
0x3f: {  	_ =	swait.ge [sflag:s5], $0x300  }
0x40: {  	[sflag:s5] =	ssyncset.done $0x0  }
0x41: {  	[sflag:s5] =	ssyncadd.s32 $0xFFFFFD00  }
0x42: {  	[tilespmem:s7], [sflag:$0x1] =	stream.indirect.gather [hbm4b:s2+s6], $0x80, s3, s6, $0xb8;
	[tilespmem:$0x10400] =	vst v63  }
0x43: {  	_ = 	snop  }
0x44: {  	[tilespmem:s8], [sflag:$0x2] =	stream.indirect.gather [hbm4b:s2+s6], $0x80, s6, s6, $0xb8;
	[tilespmem:$0x10400] =	vst v63  }
0x45: {  	_ =	swait.ge [sflag:s9], $0x4000  }
0x46: {  	[sflag:s9] =	ssyncset.done $0x0  }
0x47: {  	[sflag:s9] =	ssyncadd.s32 $0xFFFFC000  }
0x48: {  	[hbm4b:s10+s3] =	stream.linear.scatter [tilespmem:s7], [sflag:$0x5], $0x4000, $0x38;
	[tilespmem:$0x10400] =	vst v63  }
0x49: {  	_ = 	snop  }
0x4a: {  	[tilespmem:s12], [sflag:$0x3] =	stream.indirect.gather [hbm4b:s2+s6], $0x80, s11, s6, $0xb8;
	[tilespmem:$0x10400] =	vst v63  }
0x4b: {  	_ =	swait.ge [sflag:s13], $0x4000  }
0x4c: {  	[sflag:s13] =	ssyncset.done $0x0  }
0x4d: {  	[sflag:s13] =	ssyncadd.s32 $0xFFFFC000  }
0x4e: {  	[hbm4b:s14+s3] =	stream.linear.scatter [tilespmem:s8], [sflag:$0x6], $0x4000, $0x38;
	[tilespmem:$0x10400] =	vst v63  }
0x4f: {  	_ = 	snop  }
0x50: {  	[tilespmem:s16], [sflag:$0x4] =	stream.indirect.gather [hbm4b:s2+s6], $0x80, s15, s6, $0xb8;
	[tilespmem:$0x10400] =	vst v63  }
0x51: {  	_ =	swait.ge [sflag:s17], $0x4000  }
0x52: {  	[sflag:s17] =	ssyncset.done $0x0  }
0x53: {  	[sflag:s17] =	ssyncadd.s32 $0xFFFFC000  }
0x54: {  	[hbm4b:s18+s3] =	stream.linear.scatter [tilespmem:s12], [sflag:$0x7], $0x4000, $0x38;
	[tilespmem:$0x10400] =	vst v63  }
0x55: {  	_ =	swait.ge [sflag:s19], $0x4000  }
0x56: {  	[sflag:s19] =	ssyncset.done $0x0  }
0x57: {  	[sflag:s19] =	ssyncadd.s32 $0xFFFFC000  }
0x58: {  	[tilespmem:s7], [sflag:$0x1] =	stream.indirect.gather [hbm4b:s2+s6], $0x80, s20, s6, $0xb8;
	[tilespmem:$0x10400] =	vst v63  }
0x59: {  	_ =	swait.ge [sflag:s21], $0x4000  }
0x5a: {  	[sflag:s21] =	ssyncset.done $0x0  }
0x5b: {  	[sflag:s21] =	ssyncadd.s32 $0xFFFFC000  }
0x5c: {  	[hbm4b:s23+s3] =	stream.linear.scatter [tilespmem:s16], [sflag:$0x8], $0x4000, $0x38;
	[tilespmem:$0x10400] =	vst v63  }
0x5d: {  	_ =	swait.ge [sflag:s22], $0x4000  }
0x5e: {  	[sflag:s22] =	ssyncset.done $0x0  }
0x5f: {  	[sflag:s22] =	ssyncadd.s32 $0xFFFFC000  }
0x60: {  	[tilespmem:s8], [sflag:$0x2] =	stream.indirect.gather [hbm4b:s2+s6], $0x80, s24, s6, $0xb8;
	[tilespmem:$0x10400] =	vst v63  }
0x61: {  	_ =	swait.ge [sflag:s9], $0x4000  }
0x62: {  	[sflag:s9] =	ssyncset.done $0x0  }
0x63: {  	[sflag:s9] =	ssyncadd.s32 $0xFFFFC000  }
0x64: {  	[hbm4b:s25+s3] =	stream.linear.scatter [tilespmem:s7], [sflag:$0x5], $0x4000, $0x38;
	[tilespmem:$0x10400] =	vst v63  }
0x65: {  	_ =	swait.ge [sflag:s13], $0x4000  }
0x66: {  	[sflag:s13] =	ssyncset.done $0x0  }
0x67: {  	[sflag:s13] =	ssyncadd.s32 $0xFFFFC000  }
0x68: {  	[hbm4b:s26+s3] =	stream.linear.scatter [tilespmem:s8], [sflag:$0x6], $0x4000, $0x38;
	[tilespmem:$0x10400] =	vst v63  }
0x69: {  	_ =	swait.ge [sflag:s28], $0x4000  }
0x6a: {  	[sflag:s28] =	ssyncset.done $0x0  }
0x6b: {  	[sflag:s28] =	ssyncadd.s32 $0xFFFFC000  }
0x6c: {  	_ =	swait.ge [sflag:s29], $0x4000  }
0x6d: {  	[sflag:s29] =	ssyncset.done $0x0  }
0x6e: {  	[sflag:s29] =	ssyncadd.s32 $0xFFFFC000  }
.Ltmp1:
0x6f: {  	_ =	swait.ge [sflag:s19], $0x4000;
	(pc) =	sbr.rel @p0 .LBB2_1-.Ltmp1, $4  }
0x70: {  	[sflag:s19] =	ssyncset.done $0x0  }
0x71: {  	[sflag:s19] =	ssyncadd.s32 $0xFFFFC000  }
0x72: {  	_ =	swait.ge [sflag:s22], $0x4000  }
0x73: {  	[sflag:s22] =	ssyncset.done $0x0  }
.LBB2_2:
0x74: {  	[sflag:s22] =	ssyncadd.s32 $0xFFFFC000  }
0x75: {  	_ =	sfence.sel $0x180000  }
0x76: {  	[bflag:$0x0] =	sbarrier.arrive $0xFFFF  }
0x77: {  	p0 =	sne.s32 s0, $0x0;
	_ =	strace $0x90000047  }
0x78: {  	s0 =	sadd.s32 @!p0 $0x100000, s1;
	[bflag:$0x2] =	sbarrier.arrive $0xFFFF  }
0x79: {  	[sflag:s0] =	ssyncadd.tile.s32 @!p0 $0x1;
	_ =	shalt  }
.Lfunc_end2:
_tile_overlayer_lowered:
.L_overlay_start_2:
0x7a: {  	(tag) =	ssettag $0x2  }
0x7b: {  	s0 =	rddreg [dreg:$0x0];
	s2 =	stileid.u32  }
0x7c: {  	s1 =	rddreg [dreg:$0x1];
	p0 =	sne.s32 s2, $0x0  }
0x7d: {  	s3 =	rddreg [dreg:$0x2];
	[bflag:$0x3] =	sbarrier.arrive $0xFFFF;
	s2 =	simm.s32 @!p0 $0x1C09  }
0x7e: {  	[timem:s3], [sflag:s2] =	dma.local @!p0 [hbm:s0], s1  }
0x7f: {  	s0 =	simm.s32 @!p0 $0x9  }
0x80: {  	_ =	swait.ge @!p0 [sflag:s0], s1  }
0x81: {  	s1 =	ssub.s32 @!p0 $0x0, s1;
	[sflag:s0] =	ssyncset.done @!p0 $0x0  }
0x82: {  	[sflag:s0] =	ssyncadd.s32 @!p0 s1  }
0x83: {  	[bflag:$0x3] =	sbarrier.arrive $0xFFFF  }
0x84: {  	_ =	shalt  }

// kernel: kernel.15.cloned.1.call-start
scs
__scs_entry_jumppad:
0x0: {  	(pc) =	sbr.rel $0x88, $3  }
0x1: {  	(tag) =	ssettag $0x0;
	lr =	simm.s32 $0x1  }
0x2: {  	[smem:$0x3F9B] =	sst lr;
	_ =	strace $0xD0000000  }
0x3: {  	_ = 	snop  }
0x4: {  	_ = 	snop  }
0x5: {  	_ = 	snop  }
0x6: {  	_ = 	snop  }
0x7: {  	_ = 	snop  }
__scs_overlays_trampoline_lowered:
0x8: {  	[smem:$0x3FAA] =	sst s0  }
0x9: {  	[smem:$0x3FAB] =	sst s1  }
0xa: {  	[smem:$0x3FAC] =	sst s2  }
0xb: {  	[smem:$0x3FAD] =	sst s3  }
0xc: {  	[smem:$0x3FAE] =	sst s4  }
0xd: {  	[smem:$0x3FAF] =	sst s5  }
0xe: {  	[smem:$0x3FB0] =	sst s6  }
0xf: {  	[smem:$0x3FB1] =	sst s7  }
0x10: {  	[smem:$0x3FB2] =	sst s8  }
0x11: {  	[smem:$0x3FB3] =	sst s9;
	s0 =	simm.s32 @!p0 $0x0  }
0x12: {  	s1 =	sld [smem:$0x3F99];
	s0 =	simm.s32 @p0 $0x1  }
0x13: {  	[smem:$0x3FB4] =	sst s0;
	s0 =	simm.s32 @!p1 $0x0  }
0x14: {  	s2 =	sld [smem:$0x3F98];
	s0 =	simm.s32 @p1 $0x1  }
0x15: {  	[smem:$0x3FB5] =	sst s0;
	s0 =	simm.s32 @!p2 $0x0  }
0x16: {  	s3 =	sld [smem:$0x3FDB];
	s0 =	simm.s32 @p2 $0x1  }
0x17: {  	s4 =	simm.s32 $0x1BF5;
	[smem:$0x3FB7] =	sst s0  }
0x18: {  	s0 =	sld [smem:$0x3F9A];
	_ =	swait.ge [sflag:s4], $0x0  }
0x19: {  	s7 =	sld [smem:$0x3F9B]  }
0x1a: {  	s8 =	sadd.s32 $0xFFFFE003, lr  }
0x1b: {  	s9 =	sadd.s32 $0xFFFFFEF7, lr;
	s5 =	simm.s32 $0xFFFFFFFF;
	p2 =	slt.u32 s8, $0xFFFFF086  }
0x1c: {  	p1 =	slt.u32 s9, $0xF7A;
	s5 =	simm.s32 @!p2 $0x0  }
0x1d: {  	s5 =	simm.s32 @p1 $0x1;
	p0 =	seq.s32 s7, s2  }
0x1e: {  	s7 =	smul.u32 @!p0 $0xF7A, s2;
	p2 =	seq.s32 @!p0 s5, $0x0  }
0x1f: {  	s9 =	smul.u32 $0xF7A, s1;
	s8 =	simm.s32 @!p0 $0x1BF5;
	p2 =	por !p2, p0  }
0x20: {  	[sflag:s8] =	ssyncset.s32 @!p0 $0xFFFFF086;
	s6 =	sadd.s32 @!p0 s3, s7;
	s7 =	simm.s32 @!p0 $0x108  }
0x21: {  	s3 =	sadd.s32 s3, s9;
	s6 =	sadd.s32 @!p0 $0x88, s6;
	s7 =	simm.s32 @p2 $0x1082  }
0x22: {  	[simem:s7], [sflag:s8] =	dma.local @!p0 [hbm:s6], $0xF7A  }
0x23: {  	s9 =	sor.u32 $0xD0000000, s2;
	s6 =	simm.s32 $0x108;
	_ =	swait.ge @!p0 [sflag:s8], $0x0  }
0x24: {  	s3 =	sadd.s32 $0x88, s3;
	s6 =	simm.s32 @!p1 $0x1082;
	[sflag:s4] =	ssyncset.s32 $0xFFFFF086  }
0x25: {  	[simem:s6], [sflag:s4] =	dma.local [hbm:s3], $0xF7A  }
0x26: {  	[smem:$0x3F9B] =	sst s1;
	(tag) =	ssettag s2;
	_ =	strace s9  }
0x27: {  	s1 =	sld [smem:$0x3FAB]  }
0x28: {  	s2 =	sld [smem:$0x3FAC]  }
0x29: {  	s4 =	sld [smem:$0x3FAE]  }
0x2a: {  	p0 =	seq.s32 s5, $0x0;
	s5 =	sld [smem:$0x3FAF]  }
0x2b: {  	s6 =	sld [smem:$0x3FB0]  }
0x2c: {  	s7 =	sld [smem:$0x3FB1]  }
0x2d: {  	s3 =	simm.s32 $0x108;
	s8 =	sld [smem:$0x3FB2]  }
0x2e: {  	s3 =	simm.s32 @!p0 $0x1082;
	s9 =	sld [smem:$0x3FB3]  }
0x2f: {  	lr =	sadd.s32 s0, s3;
	s0 =	sld [smem:$0x3FAA]  }
0x30: {  	s3 =	sld [smem:$0x3FAD]  }
0x31: {  	[smem:$0x3FB6] =	sst s10  }
0x32: {  	s10 =	sld [smem:$0x3FB4];
	_ =	sdelay $0x3  }
0x33: {  	p0 =	seq.s32 s10, $0x1;
	s10 =	sld [smem:$0x3FB6];
	_ =	sdelay $0x3  }
0x34: {  	[smem:$0x3FB6] =	sst s10  }
0x35: {  	s10 =	sld [smem:$0x3FB5];
	_ =	sdelay $0x3  }
0x36: {  	p1 =	seq.s32 s10, $0x1;
	s10 =	sld [smem:$0x3FB6];
	_ =	sdelay $0x3  }
0x37: {  	[smem:$0x3FB6] =	sst s10  }
0x38: {  	s10 =	sld [smem:$0x3FB7]  }
0x39: {  	_ = 	snop;
	(pc) =	sbr.ind lr, $3  }
0x3a: {  	_ = 	snop  }
0x3b: {  	_ = 	snop  }
0x3c: {  	p2 =	seq.s32 s10, $0x1;
	s10 =	sld [smem:$0x3FB6]  }
0x3d: {  	_ =	shalt  }
0x3e: {  	_ =	shalt  }
0x3f: {  	_ =	shalt  }
0x40: {  	_ =	shalt  }
0x41: {  	_ =	shalt  }
0x42: {  	_ =	shalt  }
0x43: {  	_ =	shalt  }
0x44: {  	_ =	shalt  }
0x45: {  	_ =	shalt  }
0x46: {  	_ =	shalt  }
0x47: {  	_ =	shalt  }
0x48: {  	_ =	shalt  }
0x49: {  	_ =	shalt  }
0x4a: {  	_ =	shalt  }
0x4b: {  	_ =	shalt  }
0x4c: {  	_ =	shalt  }
0x4d: {  	_ =	shalt  }
0x4e: {  	_ =	shalt  }
0x4f: {  	_ =	shalt  }
0x50: {  	_ =	shalt  }
0x51: {  	_ =	shalt  }
0x52: {  	_ =	shalt  }
0x53: {  	_ =	shalt  }
0x54: {  	_ =	shalt  }
0x55: {  	_ =	shalt  }
0x56: {  	_ =	shalt  }
0x57: {  	_ =	shalt  }
0x58: {  	_ =	shalt  }
0x59: {  	_ =	shalt  }
0x5a: {  	_ =	shalt  }
0x5b: {  	_ =	shalt  }
0x5c: {  	_ =	shalt  }
0x5d: {  	_ =	shalt  }
0x5e: {  	_ =	shalt  }
0x5f: {  	_ =	shalt  }
0x60: {  	_ =	shalt  }
0x61: {  	_ =	shalt  }
0x62: {  	_ =	shalt  }
0x63: {  	_ =	shalt  }
0x64: {  	_ =	shalt  }
0x65: {  	_ =	shalt  }
0x66: {  	_ =	shalt  }
0x67: {  	_ =	shalt  }
0x68: {  	_ =	shalt  }
0x69: {  	_ =	shalt  }
0x6a: {  	_ =	shalt  }
0x6b: {  	_ =	shalt  }
0x6c: {  	_ =	shalt  }
0x6d: {  	_ =	shalt  }
0x6e: {  	_ =	shalt  }
0x6f: {  	_ =	shalt  }
0x70: {  	_ =	shalt  }
0x71: {  	_ =	shalt  }
0x72: {  	_ =	shalt  }
0x73: {  	_ =	shalt  }
0x74: {  	_ =	shalt  }
0x75: {  	_ =	shalt  }
0x76: {  	_ =	shalt  }
0x77: {  	_ =	shalt  }
0x78: {  	_ =	shalt  }
0x79: {  	_ =	shalt  }
0x7a: {  	_ =	shalt  }
0x7b: {  	_ =	shalt  }
0x7c: {  	_ =	shalt  }
0x7d: {  	_ =	shalt  }
0x7e: {  	_ =	shalt  }
0x7f: {  	_ =	shalt  }
0x80: {  	_ =	shalt  }
0x81: {  	_ =	shalt  }
0x82: {  	_ =	shalt  }
0x83: {  	_ =	shalt  }
0x84: {  	_ =	shalt  }
0x85: {  	_ =	shalt  }
0x86: {  	_ =	shalt  }
0x87: {  	_ =	shalt  }
.Lfunc_end0:
.L_simem_size_0:
called_computation.1_lowered:
.L_overlay_start_0:
0x88: {  	s2 =	sld [smem:$0x3FD9]  }
0x89: {  	s3 =	sld [smem:$0x3FFE];
	_ =	sdelay $0x1  }
0x8a: {  	s1 =	srdreg.scid  }
0x8b: {  	s0 =	sand.u32 $0x1, s1  }
0x8c: {  	s17 =	sshll.u32 s0, $0xA;
	s2 =	sadd.s32 s3, s2  }
0x8d: {  	s2 =	sadd.s32 s2, s17  }
0x8e: {  	[smem:$0x3FC2] =	sst s2  }
0x8f: {  	_ = 	snop  }
0x90: {  	s18 =	sld [smem:$0x3FC8];
	(tm) =	ssettm $0x1  }
0x91: {  	s19 =	sld [smem:$0x3FFB];
	_ =	sdelay $0x3  }
0x92: {  	_ =	strace s19  }
0x93: {  	s2 =	sld [smem:$0x3FFC];
	_ =	sdelay $0x3  }
0x94: {  	_ =	strace s2  }
0x95: {  	s2 =	sld [smem:$0x3FFD];
	_ =	sdelay $0x3  }
0x96: {  	_ =	strace s2  }
0x97: {  	_ =	strace $0x8FFFFFFF  }
0x98: {  	s20 =	sld [smem:$0x3FDB];
	_ =	sdelay $0x1  }
0x99: {  	s4 =	simm.s32 $_scs_section_size  }
0x9a: {  	s5 =	simm.s32 $_size__tile_overlayer_lowered;
	s6 =	simm.s32 $_tile_overlayer_lowered  }
0x9b: {  	s7 =	simm.s32 $0x1BFF;
	s21 =	sshll.u32 s6, $0x1;
	s4 =	sadd.s32 s4, s20  }
0x9c: {  	s22 =	simm.s32 $0x0;
	s5 =	sshll.u32 s5, $0x1;
	s6 =	sadd.s32 s21, s4  }
0x9d: {  	[timem:s22], [sflag:s7] =	dma.local [hbm:s6], s5  }
0x9e: {  	_ =	swait.ge [sflag:s7], s5  }
0x9f: {  	s5 =	ssub.s32 $0x0, s5;
	[sflag:s7] =	ssyncset.done $0x0  }
0xa0: {  	[sflag:s7] =	ssyncadd.s32 s5;
	_ =	sdelay $0x1  }
0xa1: {  	s23 =	simm.s32 $0x1B8B  }
0xa2: {  	_ =	swait.ge [sflag:s23], $0x1  }
0xa3: {  	[sflag:s23] =	ssyncset.done $0x0  }
0xa4: {  	[sflag:s23] =	ssyncadd.s32 $0xFFFFFFFF  }
0xa5: {  	s5 =	sld [smem:$0x0]  }
0xa6: {  	s6 =	sand.u32 $0xFFFFFFFE, s1  }
0xa7: {  	p0 =	sne.s32 s1, s6  }
0xa8: {  	s6 =	sshll.u32 @p0 s6, $0xE  }
0xa9: {  	s6 =	sadd.s32 @p0 $0x11B8D, s6;
	s7 =	sshll.u32 @p0 s5, $0x11  }
0xaa: {  	s6 =	sor.u32 @p0 s7, s6  }
0xab: {  	[sflag:s6] =	ssyncadd.remote.s32 @p0 $0x1;
	_ =	sdelay $0x1  }
0xac: {  	s6 =	simm.s32 @p0 $0x1B8D  }
0xad: {  	_ =	swait.eq @p0 [sflag:s6], $0x1  }
0xae: {  	[sflag:s6] =	ssyncadd.s32 @p0 $0xFFFFFFFF  }
0xaf: {  	s7 =	sshll.u32 @!p0 s1, $0xE  }
0xb0: {  	s7 =	sor.u32 @!p0 $0x4000, s7;
	s6 =	simm.s32 @!p0 $0x1B8D  }
0xb1: {  	s5 =	sshll.u32 @!p0 s5, $0x11;
	s7 =	sadd.s32 @!p0 $0x11B8D, s7;
	_ =	swait.eq @!p0 [sflag:s6], $0x1  }
0xb2: {  	s5 =	sor.u32 @!p0 s5, s7;
	[sflag:s6] =	ssyncadd.s32 @!p0 $0xFFFFFFFF  }
0xb3: {  	s25 =	simm.s32 $0x1B8E;
	s24 =	sld [smem:$0x3FFE];
	[sflag:s5] =	ssyncadd.remote.s32 @!p0 $0x1  }
0xb4: {  	s26 =	simm.s32 $execute0_lowered;
	[smem:$0x3FD2] =	sst s25  }
0xb5: {  	s6 =	sshll.u32 s26, $0x1;
	_ =	strace $0x80000049;
	[dreg:$0x1] =	wrdreg $0xFFFFFFFF  }
0xb6: {  	s28 =	simm.s32 $_size_execute0_lowered;
	s4 =	sadd.s32 s4, s6;
	[dreg:$0x0] =	wrdreg $0x0  }
0xb7: {  	s6 =	sshll.u32 s28, $0x1;
	[dreg:$0x2] =	wrdreg s4  }
0xb8: {  	[dreg:$0x3] =	wrdreg s6  }
0xb9: {  	[dreg:$0x4] =	wrdreg $0xC0  }
0xba: {  	_ =	task [dreg:s22], $0x5FFFF  }
0xbb: {  	[dreg:$0x1] =	wrdreg $0xFFFFFFFF  }
0xbc: {  	[dreg:$0x0] =	wrdreg $0x60  }
0xbd: {  	[dreg:$0x2] =	wrdreg s18  }
0xbe: {  	[dreg:$0x3] =	wrdreg s24  }
0xbf: {  	[dreg:$0x4] =	wrdreg $0xA  }
0xc0: {  	_ =	task.clear_ibuf [dreg:s22], $0x5FFFF;
	_ =	strace $0x90000049  }
0xc1: {  	s29 =	simm.s32 $0xA;
	_ =	strace $0x8000004B  }
0xc2: {  	_ =	swait.ge [sflag:s29], $0x1  }
0xc3: {  	[sflag:s29] =	ssyncadd.s32 $0xFFFFFFFF  }
0xc4: {  	_ =	strace $0x9000004B  }
0xc5: {  	_ =	sfence  }
0xc6: {  	s30 =	sld [smem:$0x0];
	_ =	sdelay $0x2  }
0xc7: {  	s31 =	sshll.u32 s1, $0xD;
	s1 =	sshrl.u32 s1, $0x2  }
0xc8: {  	s4 =	sand.u32 $0x4000, s31;
	s1 =	sadd.s32 s1, s30  }
0xc9: {  	s0 =	sor.u32 s4, s0;
	s1 =	sshll.u32 s1, $0x11  }
0xca: {  	s0 =	sor.u32 s1, s0  }
0xcb: {  	s0 =	sadd.s32 $0x8F2B, s0  }
0xcc: {  	[sflag:s0] =	ssyncadd.remote.s32 $0x1  }
0xcd: {  	_ =	sfence.sel $0xFFFF  }
0xce: {  	[dreg:$0x0] =	wrdreg $0xFFFFFFFF;
	(pc) =	sbr.abs _section_cstart, $3  }
0xcf: {  	[dreg:$0x1] =	wrdreg $0xFFFFFFFF  }
0xd0: {  	_ =	task.clear_ibuf [dreg:s22], $0x2FFFF;
	_ =	strace $0x9FFFFFFF  }
0xd1: {  	(tm) =	ssettm $0x7FFFFFFF  }
tec
execute0_lowered:
.L_overlay_start_1:
0x0: {  	(tag) =	ssettag $0x1  }
0x1: {  	s1 =	srdreg.scid;
	s0 =	stileid.u32  }
0x2: {  	s4 =	rddreg [dreg:$0x1];
	s1 =	sand.u32 $0x1, s1;
	s3 =	sshll.u32 s0, $0x1  }
0x3: {  	s2 =	rddreg [dreg:$0x0];
	s8 =	sadd.s32 $0x65800, s4;
	s5 =	sor.u32 s1, s3  }
0x4: {  	s3 =	simm.s32 $0x0;
	s6 =	smul.u32 $0x5000, s5;
	s7 =	sshll.u32 s5, $0x8  }
0x5: {  	[smem:$0x7FF] =	sst s3;
	s5 =	smul.u32 $0x28000, s5;
	s7 =	sadd.s32 s7, s4  }
0x6: {  	_ =	strace $0x8000004A;
	s7 =	sadd.s32 $0x63800, s7;
	s4 =	sadd.s32 s8, s6  }
0x7: {  	s5 =	sshrl.u32 s5, $0x3;
	[dreg:$0x3] =	wrdreg s7;
	s6 =	sadd.s32 $0x800, s4  }
0x8: {  	s31 =	sadd.s32 s8, s5;
	[dreg:$0x4] =	wrdreg s6  }
0x9: {  	s5 =	sadd.s32 $0x1000, s31;
	s25 =	rddreg [dreg:$0x3]  }
0xa: {  	s23 =	sadd.s32 $0x1800, s31;
	[dreg:$0x5] =	wrdreg s5  }
0xb: {  	s24 =	sadd.s32 $0x2000, s31;
	[dreg:$0x6] =	wrdreg s23  }
0xc: {  	s26 =	sadd.s32 $0x2800, s31;
	[dreg:$0x7] =	wrdreg s24  }
0xd: {  	[dreg:$0x8] =	wrdreg s26;
	s5 =	simm.s32 $0x9  }
0xe: {  	[tilespmem:s3], [sflag:$0x9] =	stream.linear.gather [hbm4b:s25+s3], $0x500, $0x38;
	[tilespmem:$0x10800] =	vst v63  }
0xf: {  	_ =	swait.ge [sflag:s5], $0x500  }
0x10: {  	[sflag:s5] =	ssyncset.done $0x0  }
0x11: {  	s7 =	simm.s32 $0x800;
	s6 =	simm.s32 $0x80;
	[sflag:s5] =	ssyncadd.s32 $0xFFFFFB00  }
0x12: {  	[tilespmem:s7], [sflag:$0x1] =	stream.indirect.gather [hbm4b:s2+s6], $0x80, s3, s6, $0xb8;
	[tilespmem:$0x10800] =	vst v63  }
0x13: {  	s9 =	simm.s32 $0x1;
	s8 =	simm.s32 $0x4800  }
0x14: {  	[tilespmem:s8], [sflag:$0x2] =	stream.indirect.gather [hbm4b:s2+s6], $0x80, s6, s6, $0xb8;
	[tilespmem:$0x10800] =	vst v63  }
0x15: {  	_ =	swait.ge [sflag:s9], $0x4000  }
0x16: {  	[sflag:s9] =	ssyncset.done $0x0  }
0x17: {  	[sflag:s9] =	ssyncadd.s32 $0xFFFFC000  }
0x18: {  	[hbm4b:s4+s3] =	stream.linear.scatter [tilespmem:s7], [sflag:$0x5], $0x4000, $0x38;
	[tilespmem:$0x10800] =	vst v63  }
0x19: {  	s10 =	simm.s32 $0x100;
	s11 =	simm.s32 $0x8800;
	s12 =	simm.s32 $0x2  }
0x1a: {  	[tilespmem:s11], [sflag:$0x3] =	stream.indirect.gather [hbm4b:s2+s6], $0x80, s10, s6, $0xb8;
	[tilespmem:$0x10800] =	vst v63  }
0x1b: {  	_ =	swait.ge [sflag:s12], $0x4000  }
0x1c: {  	[sflag:s12] =	ssyncset.done $0x0  }
0x1d: {  	s13 =	rddreg [dreg:$0x4];
	[sflag:s12] =	ssyncadd.s32 $0xFFFFC000  }
0x1e: {  	[hbm4b:s13+s3] =	stream.linear.scatter [tilespmem:s8], [sflag:$0x6], $0x4000, $0x38;
	[tilespmem:$0x10800] =	vst v63  }
0x1f: {  	s14 =	simm.s32 $0xC800;
	s15 =	simm.s32 $0x3;
	s13 =	simm.s32 $0x180  }
0x20: {  	[tilespmem:s14], [sflag:$0x4] =	stream.indirect.gather [hbm4b:s2+s6], $0x80, s13, s6, $0xb8;
	[tilespmem:$0x10800] =	vst v63  }
0x21: {  	_ =	swait.ge [sflag:s15], $0x4000  }
0x22: {  	[sflag:s15] =	ssyncset.done $0x0  }
0x23: {  	s16 =	simm.s32 $0x5;
	s17 =	rddreg [dreg:$0x5];
	[sflag:s15] =	ssyncadd.s32 $0xFFFFC000  }
0x24: {  	[hbm4b:s17+s3] =	stream.linear.scatter [tilespmem:s11], [sflag:$0x7], $0x4000, $0x38;
	[tilespmem:$0x10800] =	vst v63  }
0x25: {  	_ =	swait.ge [sflag:s16], $0x4000  }
0x26: {  	[sflag:s16] =	ssyncset.done $0x0  }
0x27: {  	s18 =	simm.s32 $0x4;
	s17 =	simm.s32 $0x200;
	[sflag:s16] =	ssyncadd.s32 $0xFFFFC000  }
0x28: {  	[tilespmem:s7], [sflag:$0x1] =	stream.indirect.gather [hbm4b:s2+s6], $0x80, s17, s6, $0xb8;
	[tilespmem:$0x10800] =	vst v63  }
0x29: {  	_ =	swait.ge [sflag:s18], $0x4000  }
0x2a: {  	[sflag:s18] =	ssyncset.done $0x0  }
0x2b: {  	s19 =	simm.s32 $0x6;
	s20 =	rddreg [dreg:$0x6];
	[sflag:s18] =	ssyncadd.s32 $0xFFFFC000  }
0x2c: {  	[hbm4b:s20+s3] =	stream.linear.scatter [tilespmem:s14], [sflag:$0x8], $0x4000, $0x38;
	[tilespmem:$0x10800] =	vst v63  }
0x2d: {  	_ =	swait.ge [sflag:s19], $0x4000  }
0x2e: {  	[sflag:s19] =	ssyncset.done $0x0  }
0x2f: {  	s20 =	simm.s32 $0x280;
	[sflag:s19] =	ssyncadd.s32 $0xFFFFC000  }
0x30: {  	[tilespmem:s8], [sflag:$0x2] =	stream.indirect.gather [hbm4b:s2+s6], $0x80, s20, s6, $0xb8;
	[tilespmem:$0x10800] =	vst v63  }
0x31: {  	_ =	swait.ge [sflag:s9], $0x4000  }
0x32: {  	[sflag:s9] =	ssyncset.done $0x0  }
0x33: {  	s21 =	simm.s32 $0x7;
	s22 =	rddreg [dreg:$0x7];
	[sflag:s9] =	ssyncadd.s32 $0xFFFFC000  }
0x34: {  	[hbm4b:s22+s3] =	stream.linear.scatter [tilespmem:s7], [sflag:$0x5], $0x4000, $0x38;
	[tilespmem:$0x10800] =	vst v63  }
0x35: {  	_ =	swait.ge [sflag:s21], $0x4000  }
0x36: {  	[sflag:s21] =	ssyncset.done $0x0  }
0x37: {  	s22 =	simm.s32 $0x300;
	[sflag:s21] =	ssyncadd.s32 $0xFFFFC000  }
0x38: {  	[tilespmem:s11], [sflag:$0x3] =	stream.indirect.gather [hbm4b:s2+s6], $0x80, s22, s6, $0xb8;
	[tilespmem:$0x10800] =	vst v63  }
0x39: {  	_ =	swait.ge [sflag:s12], $0x4000  }
0x3a: {  	[sflag:s12] =	ssyncset.done $0x0  }
0x3b: {  	s23 =	rddreg [dreg:$0x8];
	[sflag:s12] =	ssyncadd.s32 $0xFFFFC000  }
0x3c: {  	[hbm4b:s23+s3] =	stream.linear.scatter [tilespmem:s8], [sflag:$0x6], $0x4000, $0x38;
	[tilespmem:$0x10800] =	vst v63  }
0x3d: {  	s23 =	simm.s32 $0x8  }
0x3e: {  	_ =	swait.ge [sflag:s23], $0x4000  }
0x3f: {  	[sflag:s23] =	ssyncset.done $0x0  }
0x40: {  	s24 =	simm.s32 $0x380;
	[sflag:s23] =	ssyncadd.s32 $0xFFFFC000  }
0x41: {  	[tilespmem:s14], [sflag:$0x4] =	stream.indirect.gather [hbm4b:s2+s6], $0x80, s24, s6, $0xb8;
	[tilespmem:$0x10800] =	vst v63  }
0x42: {  	_ =	swait.ge [sflag:s15], $0x4000  }
0x43: {  	[sflag:s15] =	ssyncset.done $0x0  }
0x44: {  	s25 =	sadd.s32 $0x3000, s31;
	[sflag:s15] =	ssyncadd.s32 $0xFFFFC000  }
0x45: {  	[hbm4b:s25+s3] =	stream.linear.scatter [tilespmem:s11], [sflag:$0x7], $0x4000, $0x38;
	[tilespmem:$0x10800] =	vst v63  }
0x46: {  	_ =	swait.ge [sflag:s16], $0x4000  }
0x47: {  	[sflag:s16] =	ssyncset.done $0x0  }
0x48: {  	s26 =	simm.s32 $0x400;
	[sflag:s16] =	ssyncadd.s32 $0xFFFFC000  }
0x49: {  	[tilespmem:s7], [sflag:$0x1] =	stream.indirect.gather [hbm4b:s2+s6], $0x80, s26, s6, $0xb8;
	[tilespmem:$0x10800] =	vst v63  }
0x4a: {  	_ =	swait.ge [sflag:s18], $0x4000  }
0x4b: {  	[sflag:s18] =	ssyncset.done $0x0  }
0x4c: {  	s28 =	sadd.s32 $0x3800, s31;
	[sflag:s18] =	ssyncadd.s32 $0xFFFFC000  }
0x4d: {  	[hbm4b:s28+s3] =	stream.linear.scatter [tilespmem:s14], [sflag:$0x8], $0x4000, $0x38;
	[tilespmem:$0x10800] =	vst v63  }
0x4e: {  	_ =	swait.ge [sflag:s19], $0x4000  }
0x4f: {  	[sflag:s19] =	ssyncset.done $0x0  }
0x50: {  	s29 =	simm.s32 $0x480;
	[sflag:s19] =	ssyncadd.s32 $0xFFFFC000  }
0x51: {  	[tilespmem:s8], [sflag:$0x2] =	stream.indirect.gather [hbm4b:s2+s6], $0x80, s29, s6, $0xb8;
	[tilespmem:$0x10800] =	vst v63  }
0x52: {  	_ =	swait.ge [sflag:s9], $0x4000  }
0x53: {  	[sflag:s9] =	ssyncset.done $0x0  }
0x54: {  	s30 =	sadd.s32 $0x4000, s31;
	[sflag:s9] =	ssyncadd.s32 $0xFFFFC000  }
0x55: {  	[hbm4b:s30+s3] =	stream.linear.scatter [tilespmem:s7], [sflag:$0x5], $0x4000, $0x38;
	[tilespmem:$0x10800] =	vst v63  }
0x56: {  	_ =	swait.ge [sflag:s12], $0x4000  }
0x57: {  	[sflag:s12] =	ssyncset.done $0x0  }
0x58: {  	s31 =	sadd.s32 $0x4800, s31;
	[sflag:s12] =	ssyncadd.s32 $0xFFFFC000  }
0x59: {  	[hbm4b:s31+s3] =	stream.linear.scatter [tilespmem:s8], [sflag:$0x6], $0x4000, $0x38;
	[tilespmem:$0x10800] =	vst v63  }
0x5a: {  	s1 =	ssub.s32 $0x2, s1;
	_ =	swait.ge [sflag:s21], $0x4000  }
0x5b: {  	s0 =	sshrl.u32 s1, $0x1;
	[sflag:s21] =	ssyncset.done $0x0  }
0x5c: {  	s0 =	ssub.s32 s1, s0;
	[sflag:s21] =	ssyncadd.s32 $0xFFFFC000  }
0x5d: {  	s0 =	smax.u32 s0, $0x1;
	_ =	swait.ge [sflag:s23], $0x4000  }
0x5e: {  	p0 =	sne.s32 s0, $0x1;
	[sflag:s23] =	ssyncset.done $0x0  }
.Ltmp0:
0x5f: {  	[sflag:s23] =	ssyncadd.s32 $0xFFFFC000;
	(pc) =	sbr.rel @!p0 .LBB2_2-.Ltmp0, $4  }
0x60: {  	_ =	swait.ge [sflag:s16], $0x4000  }
0x61: {  	[sflag:s16] =	ssyncset.done $0x0  }
0x62: {  	[sflag:s16] =	ssyncadd.s32 $0xFFFFC000  }
0x63: {  	s1 =	sadd.s32 $0xFFFFFFFF, s0;
	_ =	swait.ge [sflag:s19], $0x4000  }
.LBB2_1:
0x64: {  	[sflag:s19] =	ssyncset.done $0x0  }
0x65: {  	s0 =	rddreg [dreg:$0x3];
	[sflag:s19] =	ssyncadd.s32 $0xFFFFC000  }
0x66: {  	[tilespmem:s3], [sflag:$0x9] =	stream.linear.gather [hbm4b:s0+s3], $0x500, $0x38;
	[tilespmem:$0x10800] =	vst v63  }
0x67: {  	_ =	swait.ge [sflag:s5], $0x500  }
0x68: {  	[sflag:s5] =	ssyncset.done $0x0  }
0x69: {  	[sflag:s5] =	ssyncadd.s32 $0xFFFFFB00  }
0x6a: {  	[tilespmem:s7], [sflag:$0x1] =	stream.indirect.gather [hbm4b:s2+s6], $0x80, s3, s6, $0xb8;
	[tilespmem:$0x10800] =	vst v63  }
0x6b: {  	_ = 	snop  }
0x6c: {  	[tilespmem:s8], [sflag:$0x2] =	stream.indirect.gather [hbm4b:s2+s6], $0x80, s6, s6, $0xb8;
	[tilespmem:$0x10800] =	vst v63  }
0x6d: {  	_ =	swait.ge [sflag:s9], $0x4000  }
0x6e: {  	[sflag:s9] =	ssyncset.done $0x0  }
0x6f: {  	[sflag:s9] =	ssyncadd.s32 $0xFFFFC000  }
0x70: {  	[hbm4b:s4+s3] =	stream.linear.scatter [tilespmem:s7], [sflag:$0x5], $0x4000, $0x38;
	[tilespmem:$0x10800] =	vst v63  }
0x71: {  	_ = 	snop  }
0x72: {  	[tilespmem:s11], [sflag:$0x3] =	stream.indirect.gather [hbm4b:s2+s6], $0x80, s10, s6, $0xb8;
	[tilespmem:$0x10800] =	vst v63  }
0x73: {  	_ =	swait.ge [sflag:s12], $0x4000  }
0x74: {  	[sflag:s12] =	ssyncset.done $0x0  }
0x75: {  	s0 =	rddreg [dreg:$0x4];
	[sflag:s12] =	ssyncadd.s32 $0xFFFFC000  }
0x76: {  	[hbm4b:s0+s3] =	stream.linear.scatter [tilespmem:s8], [sflag:$0x6], $0x4000, $0x38;
	[tilespmem:$0x10800] =	vst v63  }
0x77: {  	_ = 	snop  }
0x78: {  	[tilespmem:s14], [sflag:$0x4] =	stream.indirect.gather [hbm4b:s2+s6], $0x80, s13, s6, $0xb8;
	[tilespmem:$0x10800] =	vst v63  }
0x79: {  	_ =	swait.ge [sflag:s15], $0x4000  }
0x7a: {  	[sflag:s15] =	ssyncset.done $0x0  }
0x7b: {  	s0 =	rddreg [dreg:$0x5];
	[sflag:s15] =	ssyncadd.s32 $0xFFFFC000  }
0x7c: {  	[hbm4b:s0+s3] =	stream.linear.scatter [tilespmem:s11], [sflag:$0x7], $0x4000, $0x38;
	[tilespmem:$0x10800] =	vst v63  }
0x7d: {  	_ =	swait.ge [sflag:s16], $0x4000  }
0x7e: {  	[sflag:s16] =	ssyncset.done $0x0  }
0x7f: {  	[sflag:s16] =	ssyncadd.s32 $0xFFFFC000  }
0x80: {  	[tilespmem:s7], [sflag:$0x1] =	stream.indirect.gather [hbm4b:s2+s6], $0x80, s17, s6, $0xb8;
	[tilespmem:$0x10800] =	vst v63  }
0x81: {  	_ =	swait.ge [sflag:s18], $0x4000  }
0x82: {  	[sflag:s18] =	ssyncset.done $0x0  }
0x83: {  	s0 =	rddreg [dreg:$0x6];
	[sflag:s18] =	ssyncadd.s32 $0xFFFFC000  }
0x84: {  	[hbm4b:s0+s3] =	stream.linear.scatter [tilespmem:s14], [sflag:$0x8], $0x4000, $0x38;
	[tilespmem:$0x10800] =	vst v63  }
0x85: {  	_ =	swait.ge [sflag:s19], $0x4000  }
0x86: {  	[sflag:s19] =	ssyncset.done $0x0  }
0x87: {  	[sflag:s19] =	ssyncadd.s32 $0xFFFFC000  }
0x88: {  	[tilespmem:s8], [sflag:$0x2] =	stream.indirect.gather [hbm4b:s2+s6], $0x80, s20, s6, $0xb8;
	[tilespmem:$0x10800] =	vst v63  }
0x89: {  	_ =	swait.ge [sflag:s9], $0x4000  }
0x8a: {  	[sflag:s9] =	ssyncset.done $0x0  }
0x8b: {  	s0 =	rddreg [dreg:$0x7];
	[sflag:s9] =	ssyncadd.s32 $0xFFFFC000  }
0x8c: {  	[hbm4b:s0+s3] =	stream.linear.scatter [tilespmem:s7], [sflag:$0x5], $0x4000, $0x38;
	[tilespmem:$0x10800] =	vst v63  }
0x8d: {  	_ =	swait.ge [sflag:s21], $0x4000  }
0x8e: {  	[sflag:s21] =	ssyncset.done $0x0  }
0x8f: {  	[sflag:s21] =	ssyncadd.s32 $0xFFFFC000  }
0x90: {  	[tilespmem:s11], [sflag:$0x3] =	stream.indirect.gather [hbm4b:s2+s6], $0x80, s22, s6, $0xb8;
	[tilespmem:$0x10800] =	vst v63  }
0x91: {  	_ =	swait.ge [sflag:s12], $0x4000  }
0x92: {  	[sflag:s12] =	ssyncset.done $0x0  }
0x93: {  	s0 =	rddreg [dreg:$0x8];
	[sflag:s12] =	ssyncadd.s32 $0xFFFFC000  }
0x94: {  	[hbm4b:s0+s3] =	stream.linear.scatter [tilespmem:s8], [sflag:$0x6], $0x4000, $0x38;
	[tilespmem:$0x10800] =	vst v63  }
0x95: {  	_ =	swait.ge [sflag:s23], $0x4000  }
0x96: {  	[sflag:s23] =	ssyncset.done $0x0  }
0x97: {  	[sflag:s23] =	ssyncadd.s32 $0xFFFFC000  }
0x98: {  	[tilespmem:s14], [sflag:$0x4] =	stream.indirect.gather [hbm4b:s2+s6], $0x80, s24, s6, $0xb8;
	[tilespmem:$0x10800] =	vst v63  }
0x99: {  	_ =	swait.ge [sflag:s15], $0x4000  }
0x9a: {  	[sflag:s15] =	ssyncset.done $0x0  }
0x9b: {  	[sflag:s15] =	ssyncadd.s32 $0xFFFFC000  }
0x9c: {  	[hbm4b:s25+s3] =	stream.linear.scatter [tilespmem:s11], [sflag:$0x7], $0x4000, $0x38;
	[tilespmem:$0x10800] =	vst v63  }
0x9d: {  	_ =	swait.ge [sflag:s16], $0x4000  }
0x9e: {  	[sflag:s16] =	ssyncset.done $0x0  }
0x9f: {  	[sflag:s16] =	ssyncadd.s32 $0xFFFFC000  }
0xa0: {  	[tilespmem:s7], [sflag:$0x1] =	stream.indirect.gather [hbm4b:s2+s6], $0x80, s26, s6, $0xb8;
	[tilespmem:$0x10800] =	vst v63  }
0xa1: {  	_ =	swait.ge [sflag:s18], $0x4000  }
0xa2: {  	[sflag:s18] =	ssyncset.done $0x0  }
0xa3: {  	[sflag:s18] =	ssyncadd.s32 $0xFFFFC000  }
0xa4: {  	[hbm4b:s28+s3] =	stream.linear.scatter [tilespmem:s14], [sflag:$0x8], $0x4000, $0x38;
	[tilespmem:$0x10800] =	vst v63  }
0xa5: {  	_ =	swait.ge [sflag:s19], $0x4000  }
0xa6: {  	[sflag:s19] =	ssyncset.done $0x0  }
0xa7: {  	[sflag:s19] =	ssyncadd.s32 $0xFFFFC000  }
0xa8: {  	[tilespmem:s8], [sflag:$0x2] =	stream.indirect.gather [hbm4b:s2+s6], $0x80, s29, s6, $0xb8;
	[tilespmem:$0x10800] =	vst v63  }
0xa9: {  	_ =	swait.ge [sflag:s9], $0x4000  }
0xaa: {  	[sflag:s9] =	ssyncset.done $0x0  }
0xab: {  	[sflag:s9] =	ssyncadd.s32 $0xFFFFC000  }
0xac: {  	[hbm4b:s30+s3] =	stream.linear.scatter [tilespmem:s7], [sflag:$0x5], $0x4000, $0x38;
	[tilespmem:$0x10800] =	vst v63  }
0xad: {  	_ =	swait.ge [sflag:s12], $0x4000  }
0xae: {  	[sflag:s12] =	ssyncset.done $0x0  }
0xaf: {  	[sflag:s12] =	ssyncadd.s32 $0xFFFFC000  }
0xb0: {  	[hbm4b:s31+s3] =	stream.linear.scatter [tilespmem:s8], [sflag:$0x6], $0x4000, $0x38;
	[tilespmem:$0x10800] =	vst v63  }
0xb1: {  	_ =	swait.ge [sflag:s21], $0x4000  }
0xb2: {  	[sflag:s21] =	ssyncset.done $0x0  }
0xb3: {  	[sflag:s21] =	ssyncadd.s32 $0xFFFFC000  }
0xb4: {  	_ =	swait.ge [sflag:s23], $0x4000  }
0xb5: {  	p0 =	sne.s32 s1, $0x1;
	[sflag:s23] =	ssyncset.done $0x0  }
.Ltmp1:
0xb6: {  	[sflag:s23] =	ssyncadd.s32 $0xFFFFC000;
	(pc) =	sbr.rel @p0 .LBB2_1-.Ltmp1, $4  }
0xb7: {  	_ =	swait.ge [sflag:s16], $0x4000  }
0xb8: {  	[sflag:s16] =	ssyncset.done $0x0  }
0xb9: {  	[sflag:s16] =	ssyncadd.s32 $0xFFFFC000  }
0xba: {  	s1 =	sadd.s32 $0xFFFFFFFF, s1;
	_ =	swait.ge [sflag:s19], $0x4000  }
.LBB2_2:
0xbb: {  	[sflag:s19] =	ssyncset.done $0x0  }
0xbc: {  	[sflag:s19] =	ssyncadd.s32 $0xFFFFC000  }
0xbd: {  	_ =	sfence.sel $0x180000  }
0xbe: {  	[bflag:$0x0] =	sbarrier.arrive $0xFFFF  }
0xbf: {  	_ =	strace $0x9000004A  }
0xc0: {  	s0 =	stileid.u32;
	[bflag:$0x2] =	sbarrier.arrive $0xFFFF  }
0xc1: {  	p0 =	sne.s32 s0, $0x0;
	s0 =	rddreg [dreg:$0x2]  }
0xc2: {  	s0 =	sadd.s32 @!p0 $0x100000, s0  }
0xc3: {  	[sflag:s0] =	ssyncadd.tile.s32 @!p0 $0x1;
	_ =	shalt  }
.Lfunc_end2:
_tile_overlayer_lowered:
.L_overlay_start_2:
0xc4: {  	(tag) =	ssettag $0x2  }
0xc5: {  	s0 =	rddreg [dreg:$0x0];
	s2 =	stileid.u32  }
0xc6: {  	s1 =	rddreg [dreg:$0x1];
	p0 =	sne.s32 s2, $0x0  }
0xc7: {  	s3 =	rddreg [dreg:$0x2];
	[bflag:$0x3] =	sbarrier.arrive $0xFFFF;
	s2 =	simm.s32 @!p0 $0x1C09  }
0xc8: {  	[timem:s3], [sflag:s2] =	dma.local @!p0 [hbm:s0], s1  }
0xc9: {  	s0 =	simm.s32 @!p0 $0x9  }
0xca: {  	_ =	swait.ge @!p0 [sflag:s0], s1  }
0xcb: {  	s1 =	ssub.s32 @!p0 $0x0, s1;
	[sflag:s0] =	ssyncset.done @!p0 $0x0  }
0xcc: {  	[sflag:s0] =	ssyncadd.s32 @!p0 s1  }
0xcd: {  	[bflag:$0x3] =	sbarrier.arrive $0xFFFF  }
0xce: {  	_ =	shalt  }

// kernel: kernel.18.cloned.1.call-start
scs
__scs_entry_jumppad:
0x0: {  	(pc) =	sbr.rel $0x88, $3  }
0x1: {  	(tag) =	ssettag $0x0;
	lr =	simm.s32 $0x1  }
0x2: {  	[smem:$0x3F9B] =	sst lr;
	_ =	strace $0xD0000000  }
0x3: {  	_ = 	snop  }
0x4: {  	_ = 	snop  }
0x5: {  	_ = 	snop  }
0x6: {  	_ = 	snop  }
0x7: {  	_ = 	snop  }
__scs_overlays_trampoline_lowered:
0x8: {  	[smem:$0x3FAA] =	sst s0  }
0x9: {  	[smem:$0x3FAB] =	sst s1  }
0xa: {  	[smem:$0x3FAC] =	sst s2  }
0xb: {  	[smem:$0x3FAD] =	sst s3  }
0xc: {  	[smem:$0x3FAE] =	sst s4  }
0xd: {  	[smem:$0x3FAF] =	sst s5  }
0xe: {  	[smem:$0x3FB0] =	sst s6  }
0xf: {  	[smem:$0x3FB1] =	sst s7  }
0x10: {  	[smem:$0x3FB2] =	sst s8  }
0x11: {  	[smem:$0x3FB3] =	sst s9;
	s0 =	simm.s32 @!p0 $0x0  }
0x12: {  	s1 =	sld [smem:$0x3F99];
	s0 =	simm.s32 @p0 $0x1  }
0x13: {  	[smem:$0x3FB4] =	sst s0;
	s0 =	simm.s32 @!p1 $0x0  }
0x14: {  	s2 =	sld [smem:$0x3F98];
	s0 =	simm.s32 @p1 $0x1  }
0x15: {  	[smem:$0x3FB5] =	sst s0;
	s0 =	simm.s32 @!p2 $0x0  }
0x16: {  	s3 =	sld [smem:$0x3FDB];
	s0 =	simm.s32 @p2 $0x1  }
0x17: {  	s4 =	simm.s32 $0x1BF5;
	[smem:$0x3FB7] =	sst s0  }
0x18: {  	s0 =	sld [smem:$0x3F9A];
	_ =	swait.ge [sflag:s4], $0x0  }
0x19: {  	s7 =	sld [smem:$0x3F9B]  }
0x1a: {  	s8 =	sadd.s32 $0xFFFFE003, lr  }
0x1b: {  	s9 =	sadd.s32 $0xFFFFFEF7, lr;
	s5 =	simm.s32 $0xFFFFFFFF;
	p2 =	slt.u32 s8, $0xFFFFF086  }
0x1c: {  	p1 =	slt.u32 s9, $0xF7A;
	s5 =	simm.s32 @!p2 $0x0  }
0x1d: {  	s5 =	simm.s32 @p1 $0x1;
	p0 =	seq.s32 s7, s2  }
0x1e: {  	s7 =	smul.u32 @!p0 $0xF7A, s2;
	p2 =	seq.s32 @!p0 s5, $0x0  }
0x1f: {  	s9 =	smul.u32 $0xF7A, s1;
	s8 =	simm.s32 @!p0 $0x1BF5;
	p2 =	por !p2, p0  }
0x20: {  	[sflag:s8] =	ssyncset.s32 @!p0 $0xFFFFF086;
	s6 =	sadd.s32 @!p0 s3, s7;
	s7 =	simm.s32 @!p0 $0x108  }
0x21: {  	s3 =	sadd.s32 s3, s9;
	s6 =	sadd.s32 @!p0 $0x88, s6;
	s7 =	simm.s32 @p2 $0x1082  }
0x22: {  	[simem:s7], [sflag:s8] =	dma.local @!p0 [hbm:s6], $0xF7A  }
0x23: {  	s9 =	sor.u32 $0xD0000000, s2;
	s6 =	simm.s32 $0x108;
	_ =	swait.ge @!p0 [sflag:s8], $0x0  }
0x24: {  	s3 =	sadd.s32 $0x88, s3;
	s6 =	simm.s32 @!p1 $0x1082;
	[sflag:s4] =	ssyncset.s32 $0xFFFFF086  }
0x25: {  	[simem:s6], [sflag:s4] =	dma.local [hbm:s3], $0xF7A  }
0x26: {  	[smem:$0x3F9B] =	sst s1;
	(tag) =	ssettag s2;
	_ =	strace s9  }
0x27: {  	s1 =	sld [smem:$0x3FAB]  }
0x28: {  	s2 =	sld [smem:$0x3FAC]  }
0x29: {  	s4 =	sld [smem:$0x3FAE]  }
0x2a: {  	p0 =	seq.s32 s5, $0x0;
	s5 =	sld [smem:$0x3FAF]  }
0x2b: {  	s6 =	sld [smem:$0x3FB0]  }
0x2c: {  	s7 =	sld [smem:$0x3FB1]  }
0x2d: {  	s3 =	simm.s32 $0x108;
	s8 =	sld [smem:$0x3FB2]  }
0x2e: {  	s3 =	simm.s32 @!p0 $0x1082;
	s9 =	sld [smem:$0x3FB3]  }
0x2f: {  	lr =	sadd.s32 s0, s3;
	s0 =	sld [smem:$0x3FAA]  }
0x30: {  	s3 =	sld [smem:$0x3FAD]  }
0x31: {  	[smem:$0x3FB6] =	sst s10  }
0x32: {  	s10 =	sld [smem:$0x3FB4];
	_ =	sdelay $0x3  }
0x33: {  	p0 =	seq.s32 s10, $0x1;
	s10 =	sld [smem:$0x3FB6];
	_ =	sdelay $0x3  }
0x34: {  	[smem:$0x3FB6] =	sst s10  }
0x35: {  	s10 =	sld [smem:$0x3FB5];
	_ =	sdelay $0x3  }
0x36: {  	p1 =	seq.s32 s10, $0x1;
	s10 =	sld [smem:$0x3FB6];
	_ =	sdelay $0x3  }
0x37: {  	[smem:$0x3FB6] =	sst s10  }
0x38: {  	s10 =	sld [smem:$0x3FB7]  }
0x39: {  	_ = 	snop;
	(pc) =	sbr.ind lr, $3  }
0x3a: {  	_ = 	snop  }
0x3b: {  	_ = 	snop  }
0x3c: {  	p2 =	seq.s32 s10, $0x1;
	s10 =	sld [smem:$0x3FB6]  }
0x3d: {  	_ =	shalt  }
0x3e: {  	_ =	shalt  }
0x3f: {  	_ =	shalt  }
0x40: {  	_ =	shalt  }
0x41: {  	_ =	shalt  }
0x42: {  	_ =	shalt  }
0x43: {  	_ =	shalt  }
0x44: {  	_ =	shalt  }
0x45: {  	_ =	shalt  }
0x46: {  	_ =	shalt  }
0x47: {  	_ =	shalt  }
0x48: {  	_ =	shalt  }
0x49: {  	_ =	shalt  }
0x4a: {  	_ =	shalt  }
0x4b: {  	_ =	shalt  }
0x4c: {  	_ =	shalt  }
0x4d: {  	_ =	shalt  }
0x4e: {  	_ =	shalt  }
0x4f: {  	_ =	shalt  }
0x50: {  	_ =	shalt  }
0x51: {  	_ =	shalt  }
0x52: {  	_ =	shalt  }
0x53: {  	_ =	shalt  }
0x54: {  	_ =	shalt  }
0x55: {  	_ =	shalt  }
0x56: {  	_ =	shalt  }
0x57: {  	_ =	shalt  }
0x58: {  	_ =	shalt  }
0x59: {  	_ =	shalt  }
0x5a: {  	_ =	shalt  }
0x5b: {  	_ =	shalt  }
0x5c: {  	_ =	shalt  }
0x5d: {  	_ =	shalt  }
0x5e: {  	_ =	shalt  }
0x5f: {  	_ =	shalt  }
0x60: {  	_ =	shalt  }
0x61: {  	_ =	shalt  }
0x62: {  	_ =	shalt  }
0x63: {  	_ =	shalt  }
0x64: {  	_ =	shalt  }
0x65: {  	_ =	shalt  }
0x66: {  	_ =	shalt  }
0x67: {  	_ =	shalt  }
0x68: {  	_ =	shalt  }
0x69: {  	_ =	shalt  }
0x6a: {  	_ =	shalt  }
0x6b: {  	_ =	shalt  }
0x6c: {  	_ =	shalt  }
0x6d: {  	_ =	shalt  }
0x6e: {  	_ =	shalt  }
0x6f: {  	_ =	shalt  }
0x70: {  	_ =	shalt  }
0x71: {  	_ =	shalt  }
0x72: {  	_ =	shalt  }
0x73: {  	_ =	shalt  }
0x74: {  	_ =	shalt  }
0x75: {  	_ =	shalt  }
0x76: {  	_ =	shalt  }
0x77: {  	_ =	shalt  }
0x78: {  	_ =	shalt  }
0x79: {  	_ =	shalt  }
0x7a: {  	_ =	shalt  }
0x7b: {  	_ =	shalt  }
0x7c: {  	_ =	shalt  }
0x7d: {  	_ =	shalt  }
0x7e: {  	_ =	shalt  }
0x7f: {  	_ =	shalt  }
0x80: {  	_ =	shalt  }
0x81: {  	_ =	shalt  }
0x82: {  	_ =	shalt  }
0x83: {  	_ =	shalt  }
0x84: {  	_ =	shalt  }
0x85: {  	_ =	shalt  }
0x86: {  	_ =	shalt  }
0x87: {  	_ =	shalt  }
.Lfunc_end0:
.L_simem_size_0:
called_computation.2_lowered:
.L_overlay_start_0:
0x88: {  	s2 =	sld [smem:$0x3FD9]  }
0x89: {  	s3 =	sld [smem:$0x3FFE];
	_ =	sdelay $0x1  }
0x8a: {  	s1 =	srdreg.scid  }
0x8b: {  	s0 =	sand.u32 $0x1, s1  }
0x8c: {  	s17 =	sshll.u32 s0, $0xA;
	s2 =	sadd.s32 s3, s2  }
0x8d: {  	s2 =	sadd.s32 s2, s17  }
0x8e: {  	[smem:$0x3FC2] =	sst s2  }
0x8f: {  	_ = 	snop  }
0x90: {  	s18 =	sld [smem:$0x3FC8];
	(tm) =	ssettm $0x1  }
0x91: {  	s19 =	sld [smem:$0x3FFB];
	_ =	sdelay $0x3  }
0x92: {  	_ =	strace s19  }
0x93: {  	s2 =	sld [smem:$0x3FFC];
	_ =	sdelay $0x3  }
0x94: {  	_ =	strace s2  }
0x95: {  	s2 =	sld [smem:$0x3FFD];
	_ =	sdelay $0x3  }
0x96: {  	_ =	strace s2  }
0x97: {  	_ =	strace $0x8FFFFFFF  }
0x98: {  	s20 =	sld [smem:$0x3FDB];
	_ =	sdelay $0x1  }
0x99: {  	s4 =	simm.s32 $_scs_section_size  }
0x9a: {  	s5 =	simm.s32 $_size__tile_overlayer_lowered;
	s6 =	simm.s32 $_tile_overlayer_lowered  }
0x9b: {  	s7 =	simm.s32 $0x1BFF;
	s21 =	sshll.u32 s6, $0x1;
	s4 =	sadd.s32 s4, s20  }
0x9c: {  	s22 =	simm.s32 $0x0;
	s5 =	sshll.u32 s5, $0x1;
	s6 =	sadd.s32 s21, s4  }
0x9d: {  	[timem:s22], [sflag:s7] =	dma.local [hbm:s6], s5  }
0x9e: {  	_ =	swait.ge [sflag:s7], s5  }
0x9f: {  	s5 =	ssub.s32 $0x0, s5;
	[sflag:s7] =	ssyncset.done $0x0  }
0xa0: {  	[sflag:s7] =	ssyncadd.s32 s5;
	_ =	sdelay $0x1  }
0xa1: {  	s23 =	simm.s32 $0x1B8B  }
0xa2: {  	_ =	swait.ge [sflag:s23], $0x1  }
0xa3: {  	[sflag:s23] =	ssyncset.done $0x0  }
0xa4: {  	[sflag:s23] =	ssyncadd.s32 $0xFFFFFFFF  }
0xa5: {  	s5 =	sld [smem:$0x0]  }
0xa6: {  	s6 =	sand.u32 $0xFFFFFFFE, s1  }
0xa7: {  	p0 =	sne.s32 s1, s6  }
0xa8: {  	s6 =	sshll.u32 @p0 s6, $0xE  }
0xa9: {  	s6 =	sadd.s32 @p0 $0x11B8D, s6;
	s7 =	sshll.u32 @p0 s5, $0x11  }
0xaa: {  	s6 =	sor.u32 @p0 s7, s6  }
0xab: {  	[sflag:s6] =	ssyncadd.remote.s32 @p0 $0x1;
	_ =	sdelay $0x1  }
0xac: {  	s6 =	simm.s32 @p0 $0x1B8D  }
0xad: {  	_ =	swait.eq @p0 [sflag:s6], $0x1  }
0xae: {  	[sflag:s6] =	ssyncadd.s32 @p0 $0xFFFFFFFF  }
0xaf: {  	s7 =	sshll.u32 @!p0 s1, $0xE  }
0xb0: {  	s7 =	sor.u32 @!p0 $0x4000, s7;
	s6 =	simm.s32 @!p0 $0x1B8D  }
0xb1: {  	s5 =	sshll.u32 @!p0 s5, $0x11;
	s7 =	sadd.s32 @!p0 $0x11B8D, s7;
	_ =	swait.eq @!p0 [sflag:s6], $0x1  }
0xb2: {  	s5 =	sor.u32 @!p0 s5, s7;
	[sflag:s6] =	ssyncadd.s32 @!p0 $0xFFFFFFFF  }
0xb3: {  	s25 =	simm.s32 $0x1B8E;
	s24 =	sld [smem:$0x3FFE];
	[sflag:s5] =	ssyncadd.remote.s32 @!p0 $0x1  }
0xb4: {  	s26 =	simm.s32 $execute0_lowered;
	[smem:$0x3FD2] =	sst s25  }
0xb5: {  	s6 =	sshll.u32 s26, $0x1;
	_ =	strace $0x8000004C;
	[dreg:$0x1] =	wrdreg $0xFFFFFFFF  }
0xb6: {  	s28 =	simm.s32 $_size_execute0_lowered;
	s4 =	sadd.s32 s4, s6;
	[dreg:$0x0] =	wrdreg $0x0  }
0xb7: {  	s6 =	sshll.u32 s28, $0x1;
	[dreg:$0x2] =	wrdreg s4  }
0xb8: {  	[dreg:$0x3] =	wrdreg s6  }
0xb9: {  	[dreg:$0x4] =	wrdreg $0xC0  }
0xba: {  	_ =	task [dreg:s22], $0x5FFFF  }
0xbb: {  	[dreg:$0x1] =	wrdreg $0xFFFFFFFF  }
0xbc: {  	[dreg:$0x0] =	wrdreg $0x60  }
0xbd: {  	[dreg:$0x2] =	wrdreg s18  }
0xbe: {  	[dreg:$0x3] =	wrdreg s24  }
0xbf: {  	[dreg:$0x4] =	wrdreg $0xB  }
0xc0: {  	_ =	task.clear_ibuf [dreg:s22], $0x5FFFF;
	_ =	strace $0x9000004C  }
0xc1: {  	s29 =	simm.s32 $0xB;
	_ =	strace $0x8000004E  }
0xc2: {  	_ =	swait.ge [sflag:s29], $0x1  }
0xc3: {  	[sflag:s29] =	ssyncadd.s32 $0xFFFFFFFF  }
0xc4: {  	_ =	strace $0x9000004E  }
0xc5: {  	_ =	sfence  }
0xc6: {  	s30 =	sld [smem:$0x0];
	_ =	sdelay $0x2  }
0xc7: {  	s31 =	sshll.u32 s1, $0xD;
	s1 =	sshrl.u32 s1, $0x2  }
0xc8: {  	s4 =	sand.u32 $0x4000, s31;
	s1 =	sadd.s32 s1, s30  }
0xc9: {  	s0 =	sor.u32 s4, s0;
	s1 =	sshll.u32 s1, $0x11  }
0xca: {  	s0 =	sor.u32 s1, s0  }
0xcb: {  	s0 =	sadd.s32 $0x8F2B, s0  }
0xcc: {  	[sflag:s0] =	ssyncadd.remote.s32 $0x1  }
0xcd: {  	_ =	sfence.sel $0xFFFF  }
0xce: {  	[dreg:$0x0] =	wrdreg $0xFFFFFFFF;
	(pc) =	sbr.abs _section_cstart, $3  }
0xcf: {  	[dreg:$0x1] =	wrdreg $0xFFFFFFFF  }
0xd0: {  	_ =	task.clear_ibuf [dreg:s22], $0x2FFFF;
	_ =	strace $0x9FFFFFFF  }
0xd1: {  	(tm) =	ssettm $0x7FFFFFFF  }
tec
execute0_lowered:
.L_overlay_start_1:
0x0: {  	(tag) =	ssettag $0x1  }
0x1: {  	s1 =	srdreg.scid;
	s0 =	stileid.u32  }
0x2: {  	s4 =	rddreg [dreg:$0x1];
	s1 =	sand.u32 $0x1, s1;
	s3 =	sshll.u32 s0, $0x1  }
0x3: {  	s2 =	rddreg [dreg:$0x0];
	s8 =	sadd.s32 $0x107800, s4;
	s5 =	sor.u32 s1, s3  }
0x4: {  	s3 =	simm.s32 $0x0;
	s6 =	smul.u32 $0x5000, s5;
	s7 =	sshll.u32 s5, $0x8  }
0x5: {  	[smem:$0x7FF] =	sst s3;
	s5 =	smul.u32 $0x28000, s5;
	s7 =	sadd.s32 s7, s4  }
0x6: {  	_ =	strace $0x8000004D;
	s7 =	sadd.s32 $0x105800, s7;
	s4 =	sadd.s32 s8, s6  }
0x7: {  	s5 =	sshrl.u32 s5, $0x3;
	[dreg:$0x3] =	wrdreg s7;
	s6 =	sadd.s32 $0x800, s4  }
0x8: {  	s31 =	sadd.s32 s8, s5;
	[dreg:$0x4] =	wrdreg s6  }
0x9: {  	s5 =	sadd.s32 $0x1000, s31;
	s25 =	rddreg [dreg:$0x3]  }
0xa: {  	s23 =	sadd.s32 $0x1800, s31;
	[dreg:$0x5] =	wrdreg s5  }
0xb: {  	s24 =	sadd.s32 $0x2000, s31;
	[dreg:$0x6] =	wrdreg s23  }
0xc: {  	s26 =	sadd.s32 $0x2800, s31;
	[dreg:$0x7] =	wrdreg s24  }
0xd: {  	[dreg:$0x8] =	wrdreg s26;
	s5 =	simm.s32 $0x9  }
0xe: {  	[tilespmem:s3], [sflag:$0x9] =	stream.linear.gather [hbm4b:s25+s3], $0x500, $0x38;
	[tilespmem:$0x10800] =	vst v63  }
0xf: {  	_ =	swait.ge [sflag:s5], $0x500  }
0x10: {  	[sflag:s5] =	ssyncset.done $0x0  }
0x11: {  	s7 =	simm.s32 $0x800;
	s6 =	simm.s32 $0x80;
	[sflag:s5] =	ssyncadd.s32 $0xFFFFFB00  }
0x12: {  	[tilespmem:s7], [sflag:$0x1] =	stream.indirect.gather [hbm4b:s2+s6], $0x80, s3, s6, $0xb8;
	[tilespmem:$0x10800] =	vst v63  }
0x13: {  	s9 =	simm.s32 $0x1;
	s8 =	simm.s32 $0x4800  }
0x14: {  	[tilespmem:s8], [sflag:$0x2] =	stream.indirect.gather [hbm4b:s2+s6], $0x80, s6, s6, $0xb8;
	[tilespmem:$0x10800] =	vst v63  }
0x15: {  	_ =	swait.ge [sflag:s9], $0x4000  }
0x16: {  	[sflag:s9] =	ssyncset.done $0x0  }
0x17: {  	[sflag:s9] =	ssyncadd.s32 $0xFFFFC000  }
0x18: {  	[hbm4b:s4+s3] =	stream.linear.scatter [tilespmem:s7], [sflag:$0x5], $0x4000, $0x38;
	[tilespmem:$0x10800] =	vst v63  }
0x19: {  	s10 =	simm.s32 $0x100;
	s11 =	simm.s32 $0x8800;
	s12 =	simm.s32 $0x2  }
0x1a: {  	[tilespmem:s11], [sflag:$0x3] =	stream.indirect.gather [hbm4b:s2+s6], $0x80, s10, s6, $0xb8;
	[tilespmem:$0x10800] =	vst v63  }
0x1b: {  	_ =	swait.ge [sflag:s12], $0x4000  }
0x1c: {  	[sflag:s12] =	ssyncset.done $0x0  }
0x1d: {  	s13 =	rddreg [dreg:$0x4];
	[sflag:s12] =	ssyncadd.s32 $0xFFFFC000  }
0x1e: {  	[hbm4b:s13+s3] =	stream.linear.scatter [tilespmem:s8], [sflag:$0x6], $0x4000, $0x38;
	[tilespmem:$0x10800] =	vst v63  }
0x1f: {  	s14 =	simm.s32 $0xC800;
	s15 =	simm.s32 $0x3;
	s13 =	simm.s32 $0x180  }
0x20: {  	[tilespmem:s14], [sflag:$0x4] =	stream.indirect.gather [hbm4b:s2+s6], $0x80, s13, s6, $0xb8;
	[tilespmem:$0x10800] =	vst v63  }
0x21: {  	_ =	swait.ge [sflag:s15], $0x4000  }
0x22: {  	[sflag:s15] =	ssyncset.done $0x0  }
0x23: {  	s16 =	simm.s32 $0x5;
	s17 =	rddreg [dreg:$0x5];
	[sflag:s15] =	ssyncadd.s32 $0xFFFFC000  }
0x24: {  	[hbm4b:s17+s3] =	stream.linear.scatter [tilespmem:s11], [sflag:$0x7], $0x4000, $0x38;
	[tilespmem:$0x10800] =	vst v63  }
0x25: {  	_ =	swait.ge [sflag:s16], $0x4000  }
0x26: {  	[sflag:s16] =	ssyncset.done $0x0  }
0x27: {  	s18 =	simm.s32 $0x4;
	s17 =	simm.s32 $0x200;
	[sflag:s16] =	ssyncadd.s32 $0xFFFFC000  }
0x28: {  	[tilespmem:s7], [sflag:$0x1] =	stream.indirect.gather [hbm4b:s2+s6], $0x80, s17, s6, $0xb8;
	[tilespmem:$0x10800] =	vst v63  }
0x29: {  	_ =	swait.ge [sflag:s18], $0x4000  }
0x2a: {  	[sflag:s18] =	ssyncset.done $0x0  }
0x2b: {  	s19 =	simm.s32 $0x6;
	s20 =	rddreg [dreg:$0x6];
	[sflag:s18] =	ssyncadd.s32 $0xFFFFC000  }
0x2c: {  	[hbm4b:s20+s3] =	stream.linear.scatter [tilespmem:s14], [sflag:$0x8], $0x4000, $0x38;
	[tilespmem:$0x10800] =	vst v63  }
0x2d: {  	_ =	swait.ge [sflag:s19], $0x4000  }
0x2e: {  	[sflag:s19] =	ssyncset.done $0x0  }
0x2f: {  	s20 =	simm.s32 $0x280;
	[sflag:s19] =	ssyncadd.s32 $0xFFFFC000  }
0x30: {  	[tilespmem:s8], [sflag:$0x2] =	stream.indirect.gather [hbm4b:s2+s6], $0x80, s20, s6, $0xb8;
	[tilespmem:$0x10800] =	vst v63  }
0x31: {  	_ =	swait.ge [sflag:s9], $0x4000  }
0x32: {  	[sflag:s9] =	ssyncset.done $0x0  }
0x33: {  	s21 =	simm.s32 $0x7;
	s22 =	rddreg [dreg:$0x7];
	[sflag:s9] =	ssyncadd.s32 $0xFFFFC000  }
0x34: {  	[hbm4b:s22+s3] =	stream.linear.scatter [tilespmem:s7], [sflag:$0x5], $0x4000, $0x38;
	[tilespmem:$0x10800] =	vst v63  }
0x35: {  	_ =	swait.ge [sflag:s21], $0x4000  }
0x36: {  	[sflag:s21] =	ssyncset.done $0x0  }
0x37: {  	s22 =	simm.s32 $0x300;
	[sflag:s21] =	ssyncadd.s32 $0xFFFFC000  }
0x38: {  	[tilespmem:s11], [sflag:$0x3] =	stream.indirect.gather [hbm4b:s2+s6], $0x80, s22, s6, $0xb8;
	[tilespmem:$0x10800] =	vst v63  }
0x39: {  	_ =	swait.ge [sflag:s12], $0x4000  }
0x3a: {  	[sflag:s12] =	ssyncset.done $0x0  }
0x3b: {  	s23 =	rddreg [dreg:$0x8];
	[sflag:s12] =	ssyncadd.s32 $0xFFFFC000  }
0x3c: {  	[hbm4b:s23+s3] =	stream.linear.scatter [tilespmem:s8], [sflag:$0x6], $0x4000, $0x38;
	[tilespmem:$0x10800] =	vst v63  }
0x3d: {  	s23 =	simm.s32 $0x8  }
0x3e: {  	_ =	swait.ge [sflag:s23], $0x4000  }
0x3f: {  	[sflag:s23] =	ssyncset.done $0x0  }
0x40: {  	s24 =	simm.s32 $0x380;
	[sflag:s23] =	ssyncadd.s32 $0xFFFFC000  }
0x41: {  	[tilespmem:s14], [sflag:$0x4] =	stream.indirect.gather [hbm4b:s2+s6], $0x80, s24, s6, $0xb8;
	[tilespmem:$0x10800] =	vst v63  }
0x42: {  	_ =	swait.ge [sflag:s15], $0x4000  }
0x43: {  	[sflag:s15] =	ssyncset.done $0x0  }
0x44: {  	s25 =	sadd.s32 $0x3000, s31;
	[sflag:s15] =	ssyncadd.s32 $0xFFFFC000  }
0x45: {  	[hbm4b:s25+s3] =	stream.linear.scatter [tilespmem:s11], [sflag:$0x7], $0x4000, $0x38;
	[tilespmem:$0x10800] =	vst v63  }
0x46: {  	_ =	swait.ge [sflag:s16], $0x4000  }
0x47: {  	[sflag:s16] =	ssyncset.done $0x0  }
0x48: {  	s26 =	simm.s32 $0x400;
	[sflag:s16] =	ssyncadd.s32 $0xFFFFC000  }
0x49: {  	[tilespmem:s7], [sflag:$0x1] =	stream.indirect.gather [hbm4b:s2+s6], $0x80, s26, s6, $0xb8;
	[tilespmem:$0x10800] =	vst v63  }
0x4a: {  	_ =	swait.ge [sflag:s18], $0x4000  }
0x4b: {  	[sflag:s18] =	ssyncset.done $0x0  }
0x4c: {  	s28 =	sadd.s32 $0x3800, s31;
	[sflag:s18] =	ssyncadd.s32 $0xFFFFC000  }
0x4d: {  	[hbm4b:s28+s3] =	stream.linear.scatter [tilespmem:s14], [sflag:$0x8], $0x4000, $0x38;
	[tilespmem:$0x10800] =	vst v63  }
0x4e: {  	_ =	swait.ge [sflag:s19], $0x4000  }
0x4f: {  	[sflag:s19] =	ssyncset.done $0x0  }
0x50: {  	s29 =	simm.s32 $0x480;
	[sflag:s19] =	ssyncadd.s32 $0xFFFFC000  }
0x51: {  	[tilespmem:s8], [sflag:$0x2] =	stream.indirect.gather [hbm4b:s2+s6], $0x80, s29, s6, $0xb8;
	[tilespmem:$0x10800] =	vst v63  }
0x52: {  	_ =	swait.ge [sflag:s9], $0x4000  }
0x53: {  	[sflag:s9] =	ssyncset.done $0x0  }
0x54: {  	s30 =	sadd.s32 $0x4000, s31;
	[sflag:s9] =	ssyncadd.s32 $0xFFFFC000  }
0x55: {  	[hbm4b:s30+s3] =	stream.linear.scatter [tilespmem:s7], [sflag:$0x5], $0x4000, $0x38;
	[tilespmem:$0x10800] =	vst v63  }
0x56: {  	_ =	swait.ge [sflag:s12], $0x4000  }
0x57: {  	[sflag:s12] =	ssyncset.done $0x0  }
0x58: {  	s31 =	sadd.s32 $0x4800, s31;
	[sflag:s12] =	ssyncadd.s32 $0xFFFFC000  }
0x59: {  	[hbm4b:s31+s3] =	stream.linear.scatter [tilespmem:s8], [sflag:$0x6], $0x4000, $0x38;
	[tilespmem:$0x10800] =	vst v63  }
0x5a: {  	s1 =	ssub.s32 $0x2, s1;
	_ =	swait.ge [sflag:s21], $0x4000  }
0x5b: {  	s0 =	sshrl.u32 s1, $0x1;
	[sflag:s21] =	ssyncset.done $0x0  }
0x5c: {  	s0 =	ssub.s32 s1, s0;
	[sflag:s21] =	ssyncadd.s32 $0xFFFFC000  }
0x5d: {  	s0 =	smax.u32 s0, $0x1;
	_ =	swait.ge [sflag:s23], $0x4000  }
0x5e: {  	p0 =	sne.s32 s0, $0x1;
	[sflag:s23] =	ssyncset.done $0x0  }
.Ltmp0:
0x5f: {  	[sflag:s23] =	ssyncadd.s32 $0xFFFFC000;
	(pc) =	sbr.rel @!p0 .LBB2_2-.Ltmp0, $4  }
0x60: {  	_ =	swait.ge [sflag:s16], $0x4000  }
0x61: {  	[sflag:s16] =	ssyncset.done $0x0  }
0x62: {  	[sflag:s16] =	ssyncadd.s32 $0xFFFFC000  }
0x63: {  	s1 =	sadd.s32 $0xFFFFFFFF, s0;
	_ =	swait.ge [sflag:s19], $0x4000  }
.LBB2_1:
0x64: {  	[sflag:s19] =	ssyncset.done $0x0  }
0x65: {  	s0 =	rddreg [dreg:$0x3];
	[sflag:s19] =	ssyncadd.s32 $0xFFFFC000  }
0x66: {  	[tilespmem:s3], [sflag:$0x9] =	stream.linear.gather [hbm4b:s0+s3], $0x500, $0x38;
	[tilespmem:$0x10800] =	vst v63  }
0x67: {  	_ =	swait.ge [sflag:s5], $0x500  }
0x68: {  	[sflag:s5] =	ssyncset.done $0x0  }
0x69: {  	[sflag:s5] =	ssyncadd.s32 $0xFFFFFB00  }
0x6a: {  	[tilespmem:s7], [sflag:$0x1] =	stream.indirect.gather [hbm4b:s2+s6], $0x80, s3, s6, $0xb8;
	[tilespmem:$0x10800] =	vst v63  }
0x6b: {  	_ = 	snop  }
0x6c: {  	[tilespmem:s8], [sflag:$0x2] =	stream.indirect.gather [hbm4b:s2+s6], $0x80, s6, s6, $0xb8;
	[tilespmem:$0x10800] =	vst v63  }
0x6d: {  	_ =	swait.ge [sflag:s9], $0x4000  }
0x6e: {  	[sflag:s9] =	ssyncset.done $0x0  }
0x6f: {  	[sflag:s9] =	ssyncadd.s32 $0xFFFFC000  }
0x70: {  	[hbm4b:s4+s3] =	stream.linear.scatter [tilespmem:s7], [sflag:$0x5], $0x4000, $0x38;
	[tilespmem:$0x10800] =	vst v63  }
0x71: {  	_ = 	snop  }
0x72: {  	[tilespmem:s11], [sflag:$0x3] =	stream.indirect.gather [hbm4b:s2+s6], $0x80, s10, s6, $0xb8;
	[tilespmem:$0x10800] =	vst v63  }
0x73: {  	_ =	swait.ge [sflag:s12], $0x4000  }
0x74: {  	[sflag:s12] =	ssyncset.done $0x0  }
0x75: {  	s0 =	rddreg [dreg:$0x4];
	[sflag:s12] =	ssyncadd.s32 $0xFFFFC000  }
0x76: {  	[hbm4b:s0+s3] =	stream.linear.scatter [tilespmem:s8], [sflag:$0x6], $0x4000, $0x38;
	[tilespmem:$0x10800] =	vst v63  }
0x77: {  	_ = 	snop  }
0x78: {  	[tilespmem:s14], [sflag:$0x4] =	stream.indirect.gather [hbm4b:s2+s6], $0x80, s13, s6, $0xb8;
	[tilespmem:$0x10800] =	vst v63  }
0x79: {  	_ =	swait.ge [sflag:s15], $0x4000  }
0x7a: {  	[sflag:s15] =	ssyncset.done $0x0  }
0x7b: {  	s0 =	rddreg [dreg:$0x5];
	[sflag:s15] =	ssyncadd.s32 $0xFFFFC000  }
0x7c: {  	[hbm4b:s0+s3] =	stream.linear.scatter [tilespmem:s11], [sflag:$0x7], $0x4000, $0x38;
	[tilespmem:$0x10800] =	vst v63  }
0x7d: {  	_ =	swait.ge [sflag:s16], $0x4000  }
0x7e: {  	[sflag:s16] =	ssyncset.done $0x0  }
0x7f: {  	[sflag:s16] =	ssyncadd.s32 $0xFFFFC000  }
0x80: {  	[tilespmem:s7], [sflag:$0x1] =	stream.indirect.gather [hbm4b:s2+s6], $0x80, s17, s6, $0xb8;
	[tilespmem:$0x10800] =	vst v63  }
0x81: {  	_ =	swait.ge [sflag:s18], $0x4000  }
0x82: {  	[sflag:s18] =	ssyncset.done $0x0  }
0x83: {  	s0 =	rddreg [dreg:$0x6];
	[sflag:s18] =	ssyncadd.s32 $0xFFFFC000  }
0x84: {  	[hbm4b:s0+s3] =	stream.linear.scatter [tilespmem:s14], [sflag:$0x8], $0x4000, $0x38;
	[tilespmem:$0x10800] =	vst v63  }
0x85: {  	_ =	swait.ge [sflag:s19], $0x4000  }
0x86: {  	[sflag:s19] =	ssyncset.done $0x0  }
0x87: {  	[sflag:s19] =	ssyncadd.s32 $0xFFFFC000  }
0x88: {  	[tilespmem:s8], [sflag:$0x2] =	stream.indirect.gather [hbm4b:s2+s6], $0x80, s20, s6, $0xb8;
	[tilespmem:$0x10800] =	vst v63  }
0x89: {  	_ =	swait.ge [sflag:s9], $0x4000  }
0x8a: {  	[sflag:s9] =	ssyncset.done $0x0  }
0x8b: {  	s0 =	rddreg [dreg:$0x7];
	[sflag:s9] =	ssyncadd.s32 $0xFFFFC000  }
0x8c: {  	[hbm4b:s0+s3] =	stream.linear.scatter [tilespmem:s7], [sflag:$0x5], $0x4000, $0x38;
	[tilespmem:$0x10800] =	vst v63  }
0x8d: {  	_ =	swait.ge [sflag:s21], $0x4000  }
0x8e: {  	[sflag:s21] =	ssyncset.done $0x0  }
0x8f: {  	[sflag:s21] =	ssyncadd.s32 $0xFFFFC000  }
0x90: {  	[tilespmem:s11], [sflag:$0x3] =	stream.indirect.gather [hbm4b:s2+s6], $0x80, s22, s6, $0xb8;
	[tilespmem:$0x10800] =	vst v63  }
0x91: {  	_ =	swait.ge [sflag:s12], $0x4000  }
0x92: {  	[sflag:s12] =	ssyncset.done $0x0  }
0x93: {  	s0 =	rddreg [dreg:$0x8];
	[sflag:s12] =	ssyncadd.s32 $0xFFFFC000  }
0x94: {  	[hbm4b:s0+s3] =	stream.linear.scatter [tilespmem:s8], [sflag:$0x6], $0x4000, $0x38;
	[tilespmem:$0x10800] =	vst v63  }
0x95: {  	_ =	swait.ge [sflag:s23], $0x4000  }
0x96: {  	[sflag:s23] =	ssyncset.done $0x0  }
0x97: {  	[sflag:s23] =	ssyncadd.s32 $0xFFFFC000  }
0x98: {  	[tilespmem:s14], [sflag:$0x4] =	stream.indirect.gather [hbm4b:s2+s6], $0x80, s24, s6, $0xb8;
	[tilespmem:$0x10800] =	vst v63  }
0x99: {  	_ =	swait.ge [sflag:s15], $0x4000  }
0x9a: {  	[sflag:s15] =	ssyncset.done $0x0  }
0x9b: {  	[sflag:s15] =	ssyncadd.s32 $0xFFFFC000  }
0x9c: {  	[hbm4b:s25+s3] =	stream.linear.scatter [tilespmem:s11], [sflag:$0x7], $0x4000, $0x38;
	[tilespmem:$0x10800] =	vst v63  }
0x9d: {  	_ =	swait.ge [sflag:s16], $0x4000  }
0x9e: {  	[sflag:s16] =	ssyncset.done $0x0  }
0x9f: {  	[sflag:s16] =	ssyncadd.s32 $0xFFFFC000  }
0xa0: {  	[tilespmem:s7], [sflag:$0x1] =	stream.indirect.gather [hbm4b:s2+s6], $0x80, s26, s6, $0xb8;
	[tilespmem:$0x10800] =	vst v63  }
0xa1: {  	_ =	swait.ge [sflag:s18], $0x4000  }
0xa2: {  	[sflag:s18] =	ssyncset.done $0x0  }
0xa3: {  	[sflag:s18] =	ssyncadd.s32 $0xFFFFC000  }
0xa4: {  	[hbm4b:s28+s3] =	stream.linear.scatter [tilespmem:s14], [sflag:$0x8], $0x4000, $0x38;
	[tilespmem:$0x10800] =	vst v63  }
0xa5: {  	_ =	swait.ge [sflag:s19], $0x4000  }
0xa6: {  	[sflag:s19] =	ssyncset.done $0x0  }
0xa7: {  	[sflag:s19] =	ssyncadd.s32 $0xFFFFC000  }
0xa8: {  	[tilespmem:s8], [sflag:$0x2] =	stream.indirect.gather [hbm4b:s2+s6], $0x80, s29, s6, $0xb8;
	[tilespmem:$0x10800] =	vst v63  }
0xa9: {  	_ =	swait.ge [sflag:s9], $0x4000  }
0xaa: {  	[sflag:s9] =	ssyncset.done $0x0  }
0xab: {  	[sflag:s9] =	ssyncadd.s32 $0xFFFFC000  }
0xac: {  	[hbm4b:s30+s3] =	stream.linear.scatter [tilespmem:s7], [sflag:$0x5], $0x4000, $0x38;
	[tilespmem:$0x10800] =	vst v63  }
0xad: {  	_ =	swait.ge [sflag:s12], $0x4000  }
0xae: {  	[sflag:s12] =	ssyncset.done $0x0  }
0xaf: {  	[sflag:s12] =	ssyncadd.s32 $0xFFFFC000  }
0xb0: {  	[hbm4b:s31+s3] =	stream.linear.scatter [tilespmem:s8], [sflag:$0x6], $0x4000, $0x38;
	[tilespmem:$0x10800] =	vst v63  }
0xb1: {  	_ =	swait.ge [sflag:s21], $0x4000  }
0xb2: {  	[sflag:s21] =	ssyncset.done $0x0  }
0xb3: {  	[sflag:s21] =	ssyncadd.s32 $0xFFFFC000  }
0xb4: {  	_ =	swait.ge [sflag:s23], $0x4000  }
0xb5: {  	p0 =	sne.s32 s1, $0x1;
	[sflag:s23] =	ssyncset.done $0x0  }
.Ltmp1:
0xb6: {  	[sflag:s23] =	ssyncadd.s32 $0xFFFFC000;
	(pc) =	sbr.rel @p0 .LBB2_1-.Ltmp1, $4  }
0xb7: {  	_ =	swait.ge [sflag:s16], $0x4000  }
0xb8: {  	[sflag:s16] =	ssyncset.done $0x0  }
0xb9: {  	[sflag:s16] =	ssyncadd.s32 $0xFFFFC000  }
0xba: {  	s1 =	sadd.s32 $0xFFFFFFFF, s1;
	_ =	swait.ge [sflag:s19], $0x4000  }
.LBB2_2:
0xbb: {  	[sflag:s19] =	ssyncset.done $0x0  }
0xbc: {  	[sflag:s19] =	ssyncadd.s32 $0xFFFFC000  }
0xbd: {  	_ =	sfence.sel $0x180000  }
0xbe: {  	[bflag:$0x0] =	sbarrier.arrive $0xFFFF  }
0xbf: {  	_ =	strace $0x9000004D  }
0xc0: {  	s0 =	stileid.u32;
	[bflag:$0x2] =	sbarrier.arrive $0xFFFF  }
0xc1: {  	p0 =	sne.s32 s0, $0x0;
	s0 =	rddreg [dreg:$0x2]  }
0xc2: {  	s0 =	sadd.s32 @!p0 $0x100000, s0  }
0xc3: {  	[sflag:s0] =	ssyncadd.tile.s32 @!p0 $0x1;
	_ =	shalt  }
.Lfunc_end2:
_tile_overlayer_lowered:
.L_overlay_start_2:
0xc4: {  	(tag) =	ssettag $0x2  }
0xc5: {  	s0 =	rddreg [dreg:$0x0];
	s2 =	stileid.u32  }
0xc6: {  	s1 =	rddreg [dreg:$0x1];
	p0 =	sne.s32 s2, $0x0  }
0xc7: {  	s3 =	rddreg [dreg:$0x2];
	[bflag:$0x3] =	sbarrier.arrive $0xFFFF;
	s2 =	simm.s32 @!p0 $0x1C09  }
0xc8: {  	[timem:s3], [sflag:s2] =	dma.local @!p0 [hbm:s0], s1  }
0xc9: {  	s0 =	simm.s32 @!p0 $0x9  }
0xca: {  	_ =	swait.ge @!p0 [sflag:s0], s1  }
0xcb: {  	s1 =	ssub.s32 @!p0 $0x0, s1;
	[sflag:s0] =	ssyncset.done @!p0 $0x0  }
0xcc: {  	[sflag:s0] =	ssyncadd.s32 @!p0 s1  }
0xcd: {  	[bflag:$0x3] =	sbarrier.arrive $0xFFFF  }
0xce: {  	_ =	shalt  }

// kernel: kernel.21.cloned.1.call-start
scs
__scs_entry_jumppad:
0x0: {  	(pc) =	sbr.rel $0x88, $3  }
0x1: {  	(tag) =	ssettag $0x0;
	lr =	simm.s32 $0x1  }
0x2: {  	[smem:$0x3F9B] =	sst lr;
	_ =	strace $0xD0000000  }
0x3: {  	_ = 	snop  }
0x4: {  	_ = 	snop  }
0x5: {  	_ = 	snop  }
0x6: {  	_ = 	snop  }
0x7: {  	_ = 	snop  }
__scs_overlays_trampoline_lowered:
0x8: {  	[smem:$0x3FAA] =	sst s0  }
0x9: {  	[smem:$0x3FAB] =	sst s1  }
0xa: {  	[smem:$0x3FAC] =	sst s2  }
0xb: {  	[smem:$0x3FAD] =	sst s3  }
0xc: {  	[smem:$0x3FAE] =	sst s4  }
0xd: {  	[smem:$0x3FAF] =	sst s5  }
0xe: {  	[smem:$0x3FB0] =	sst s6  }
0xf: {  	[smem:$0x3FB1] =	sst s7  }
0x10: {  	[smem:$0x3FB2] =	sst s8  }
0x11: {  	[smem:$0x3FB3] =	sst s9;
	s0 =	simm.s32 @!p0 $0x0  }
0x12: {  	s1 =	sld [smem:$0x3F99];
	s0 =	simm.s32 @p0 $0x1  }
0x13: {  	[smem:$0x3FB4] =	sst s0;
	s0 =	simm.s32 @!p1 $0x0  }
0x14: {  	s2 =	sld [smem:$0x3F98];
	s0 =	simm.s32 @p1 $0x1  }
0x15: {  	[smem:$0x3FB5] =	sst s0;
	s0 =	simm.s32 @!p2 $0x0  }
0x16: {  	s3 =	sld [smem:$0x3FDB];
	s0 =	simm.s32 @p2 $0x1  }
0x17: {  	s4 =	simm.s32 $0x1BF5;
	[smem:$0x3FB7] =	sst s0  }
0x18: {  	s0 =	sld [smem:$0x3F9A];
	_ =	swait.ge [sflag:s4], $0x0  }
0x19: {  	s7 =	sld [smem:$0x3F9B]  }
0x1a: {  	s8 =	sadd.s32 $0xFFFFE003, lr  }
0x1b: {  	s9 =	sadd.s32 $0xFFFFFEF7, lr;
	s5 =	simm.s32 $0xFFFFFFFF;
	p2 =	slt.u32 s8, $0xFFFFF086  }
0x1c: {  	p1 =	slt.u32 s9, $0xF7A;
	s5 =	simm.s32 @!p2 $0x0  }
0x1d: {  	s5 =	simm.s32 @p1 $0x1;
	p0 =	seq.s32 s7, s2  }
0x1e: {  	s7 =	smul.u32 @!p0 $0xF7A, s2;
	p2 =	seq.s32 @!p0 s5, $0x0  }
0x1f: {  	s9 =	smul.u32 $0xF7A, s1;
	s8 =	simm.s32 @!p0 $0x1BF5;
	p2 =	por !p2, p0  }
0x20: {  	[sflag:s8] =	ssyncset.s32 @!p0 $0xFFFFF086;
	s6 =	sadd.s32 @!p0 s3, s7;
	s7 =	simm.s32 @!p0 $0x108  }
0x21: {  	s3 =	sadd.s32 s3, s9;
	s6 =	sadd.s32 @!p0 $0x88, s6;
	s7 =	simm.s32 @p2 $0x1082  }
0x22: {  	[simem:s7], [sflag:s8] =	dma.local @!p0 [hbm:s6], $0xF7A  }
0x23: {  	s9 =	sor.u32 $0xD0000000, s2;
	s6 =	simm.s32 $0x108;
	_ =	swait.ge @!p0 [sflag:s8], $0x0  }
0x24: {  	s3 =	sadd.s32 $0x88, s3;
	s6 =	simm.s32 @!p1 $0x1082;
	[sflag:s4] =	ssyncset.s32 $0xFFFFF086  }
0x25: {  	[simem:s6], [sflag:s4] =	dma.local [hbm:s3], $0xF7A  }
0x26: {  	[smem:$0x3F9B] =	sst s1;
	(tag) =	ssettag s2;
	_ =	strace s9  }
0x27: {  	s1 =	sld [smem:$0x3FAB]  }
0x28: {  	s2 =	sld [smem:$0x3FAC]  }
0x29: {  	s4 =	sld [smem:$0x3FAE]  }
0x2a: {  	p0 =	seq.s32 s5, $0x0;
	s5 =	sld [smem:$0x3FAF]  }
0x2b: {  	s6 =	sld [smem:$0x3FB0]  }
0x2c: {  	s7 =	sld [smem:$0x3FB1]  }
0x2d: {  	s3 =	simm.s32 $0x108;
	s8 =	sld [smem:$0x3FB2]  }
0x2e: {  	s3 =	simm.s32 @!p0 $0x1082;
	s9 =	sld [smem:$0x3FB3]  }
0x2f: {  	lr =	sadd.s32 s0, s3;
	s0 =	sld [smem:$0x3FAA]  }
0x30: {  	s3 =	sld [smem:$0x3FAD]  }
0x31: {  	[smem:$0x3FB6] =	sst s10  }
0x32: {  	s10 =	sld [smem:$0x3FB4];
	_ =	sdelay $0x3  }
0x33: {  	p0 =	seq.s32 s10, $0x1;
	s10 =	sld [smem:$0x3FB6];
	_ =	sdelay $0x3  }
0x34: {  	[smem:$0x3FB6] =	sst s10  }
0x35: {  	s10 =	sld [smem:$0x3FB5];
	_ =	sdelay $0x3  }
0x36: {  	p1 =	seq.s32 s10, $0x1;
	s10 =	sld [smem:$0x3FB6];
	_ =	sdelay $0x3  }
0x37: {  	[smem:$0x3FB6] =	sst s10  }
0x38: {  	s10 =	sld [smem:$0x3FB7]  }
0x39: {  	_ = 	snop;
	(pc) =	sbr.ind lr, $3  }
0x3a: {  	_ = 	snop  }
0x3b: {  	_ = 	snop  }
0x3c: {  	p2 =	seq.s32 s10, $0x1;
	s10 =	sld [smem:$0x3FB6]  }
0x3d: {  	_ =	shalt  }
0x3e: {  	_ =	shalt  }
0x3f: {  	_ =	shalt  }
0x40: {  	_ =	shalt  }
0x41: {  	_ =	shalt  }
0x42: {  	_ =	shalt  }
0x43: {  	_ =	shalt  }
0x44: {  	_ =	shalt  }
0x45: {  	_ =	shalt  }
0x46: {  	_ =	shalt  }
0x47: {  	_ =	shalt  }
0x48: {  	_ =	shalt  }
0x49: {  	_ =	shalt  }
0x4a: {  	_ =	shalt  }
0x4b: {  	_ =	shalt  }
0x4c: {  	_ =	shalt  }
0x4d: {  	_ =	shalt  }
0x4e: {  	_ =	shalt  }
0x4f: {  	_ =	shalt  }
0x50: {  	_ =	shalt  }
0x51: {  	_ =	shalt  }
0x52: {  	_ =	shalt  }
0x53: {  	_ =	shalt  }
0x54: {  	_ =	shalt  }
0x55: {  	_ =	shalt  }
0x56: {  	_ =	shalt  }
0x57: {  	_ =	shalt  }
0x58: {  	_ =	shalt  }
0x59: {  	_ =	shalt  }
0x5a: {  	_ =	shalt  }
0x5b: {  	_ =	shalt  }
0x5c: {  	_ =	shalt  }
0x5d: {  	_ =	shalt  }
0x5e: {  	_ =	shalt  }
0x5f: {  	_ =	shalt  }
0x60: {  	_ =	shalt  }
0x61: {  	_ =	shalt  }
0x62: {  	_ =	shalt  }
0x63: {  	_ =	shalt  }
0x64: {  	_ =	shalt  }
0x65: {  	_ =	shalt  }
0x66: {  	_ =	shalt  }
0x67: {  	_ =	shalt  }
0x68: {  	_ =	shalt  }
0x69: {  	_ =	shalt  }
0x6a: {  	_ =	shalt  }
0x6b: {  	_ =	shalt  }
0x6c: {  	_ =	shalt  }
0x6d: {  	_ =	shalt  }
0x6e: {  	_ =	shalt  }
0x6f: {  	_ =	shalt  }
0x70: {  	_ =	shalt  }
0x71: {  	_ =	shalt  }
0x72: {  	_ =	shalt  }
0x73: {  	_ =	shalt  }
0x74: {  	_ =	shalt  }
0x75: {  	_ =	shalt  }
0x76: {  	_ =	shalt  }
0x77: {  	_ =	shalt  }
0x78: {  	_ =	shalt  }
0x79: {  	_ =	shalt  }
0x7a: {  	_ =	shalt  }
0x7b: {  	_ =	shalt  }
0x7c: {  	_ =	shalt  }
0x7d: {  	_ =	shalt  }
0x7e: {  	_ =	shalt  }
0x7f: {  	_ =	shalt  }
0x80: {  	_ =	shalt  }
0x81: {  	_ =	shalt  }
0x82: {  	_ =	shalt  }
0x83: {  	_ =	shalt  }
0x84: {  	_ =	shalt  }
0x85: {  	_ =	shalt  }
0x86: {  	_ =	shalt  }
0x87: {  	_ =	shalt  }
.Lfunc_end0:
.L_simem_size_0:
called_computation.3_lowered:
.L_overlay_start_0:
0x88: {  	s2 =	sld [smem:$0x3FD9]  }
0x89: {  	s3 =	sld [smem:$0x3FFE];
	_ =	sdelay $0x1  }
0x8a: {  	s1 =	srdreg.scid  }
0x8b: {  	s0 =	sand.u32 $0x1, s1  }
0x8c: {  	s17 =	sshll.u32 s0, $0xA;
	s2 =	sadd.s32 s3, s2  }
0x8d: {  	s2 =	sadd.s32 s2, s17  }
0x8e: {  	[smem:$0x3FC2] =	sst s2  }
0x8f: {  	_ = 	snop  }
0x90: {  	s18 =	sld [smem:$0x3FC8];
	(tm) =	ssettm $0x1  }
0x91: {  	s19 =	sld [smem:$0x3FFB];
	_ =	sdelay $0x3  }
0x92: {  	_ =	strace s19  }
0x93: {  	s2 =	sld [smem:$0x3FFC];
	_ =	sdelay $0x3  }
0x94: {  	_ =	strace s2  }
0x95: {  	s2 =	sld [smem:$0x3FFD];
	_ =	sdelay $0x3  }
0x96: {  	_ =	strace s2  }
0x97: {  	_ =	strace $0x8FFFFFFF  }
0x98: {  	s20 =	sld [smem:$0x3FDB];
	_ =	sdelay $0x1  }
0x99: {  	s4 =	simm.s32 $_scs_section_size  }
0x9a: {  	s5 =	simm.s32 $_size__tile_overlayer_lowered;
	s6 =	simm.s32 $_tile_overlayer_lowered  }
0x9b: {  	s7 =	simm.s32 $0x1BFF;
	s21 =	sshll.u32 s6, $0x1;
	s4 =	sadd.s32 s4, s20  }
0x9c: {  	s22 =	simm.s32 $0x0;
	s5 =	sshll.u32 s5, $0x1;
	s6 =	sadd.s32 s21, s4  }
0x9d: {  	[timem:s22], [sflag:s7] =	dma.local [hbm:s6], s5  }
0x9e: {  	_ =	swait.ge [sflag:s7], s5  }
0x9f: {  	s5 =	ssub.s32 $0x0, s5;
	[sflag:s7] =	ssyncset.done $0x0  }
0xa0: {  	[sflag:s7] =	ssyncadd.s32 s5;
	_ =	sdelay $0x1  }
0xa1: {  	s23 =	simm.s32 $0x1B8B  }
0xa2: {  	_ =	swait.ge [sflag:s23], $0x1  }
0xa3: {  	[sflag:s23] =	ssyncset.done $0x0  }
0xa4: {  	[sflag:s23] =	ssyncadd.s32 $0xFFFFFFFF  }
0xa5: {  	s5 =	sld [smem:$0x0]  }
0xa6: {  	s6 =	sand.u32 $0xFFFFFFFE, s1  }
0xa7: {  	p0 =	sne.s32 s1, s6  }
0xa8: {  	s6 =	sshll.u32 @p0 s6, $0xE  }
0xa9: {  	s6 =	sadd.s32 @p0 $0x11B8D, s6;
	s7 =	sshll.u32 @p0 s5, $0x11  }
0xaa: {  	s6 =	sor.u32 @p0 s7, s6  }
0xab: {  	[sflag:s6] =	ssyncadd.remote.s32 @p0 $0x1;
	_ =	sdelay $0x1  }
0xac: {  	s6 =	simm.s32 @p0 $0x1B8D  }
0xad: {  	_ =	swait.eq @p0 [sflag:s6], $0x1  }
0xae: {  	[sflag:s6] =	ssyncadd.s32 @p0 $0xFFFFFFFF  }
0xaf: {  	s7 =	sshll.u32 @!p0 s1, $0xE  }
0xb0: {  	s7 =	sor.u32 @!p0 $0x4000, s7;
	s6 =	simm.s32 @!p0 $0x1B8D  }
0xb1: {  	s5 =	sshll.u32 @!p0 s5, $0x11;
	s7 =	sadd.s32 @!p0 $0x11B8D, s7;
	_ =	swait.eq @!p0 [sflag:s6], $0x1  }
0xb2: {  	s5 =	sor.u32 @!p0 s5, s7;
	[sflag:s6] =	ssyncadd.s32 @!p0 $0xFFFFFFFF  }
0xb3: {  	s25 =	simm.s32 $0x1B8E;
	s24 =	sld [smem:$0x3FFE];
	[sflag:s5] =	ssyncadd.remote.s32 @!p0 $0x1  }
0xb4: {  	s26 =	simm.s32 $execute0_lowered;
	[smem:$0x3FD2] =	sst s25  }
0xb5: {  	s6 =	sshll.u32 s26, $0x1;
	_ =	strace $0x8000004F;
	[dreg:$0x1] =	wrdreg $0xFFFFFFFF  }
0xb6: {  	s28 =	simm.s32 $_size_execute0_lowered;
	s4 =	sadd.s32 s4, s6;
	[dreg:$0x0] =	wrdreg $0x0  }
0xb7: {  	s6 =	sshll.u32 s28, $0x1;
	[dreg:$0x2] =	wrdreg s4  }
0xb8: {  	[dreg:$0x3] =	wrdreg s6  }
0xb9: {  	[dreg:$0x4] =	wrdreg $0xC0  }
0xba: {  	_ =	task [dreg:s22], $0x5FFFF  }
0xbb: {  	[dreg:$0x1] =	wrdreg $0xFFFFFFFF  }
0xbc: {  	[dreg:$0x0] =	wrdreg $0x60  }
0xbd: {  	[dreg:$0x2] =	wrdreg s18  }
0xbe: {  	[dreg:$0x3] =	wrdreg s24  }
0xbf: {  	[dreg:$0x4] =	wrdreg $0xC  }
0xc0: {  	_ =	task.clear_ibuf [dreg:s22], $0x5FFFF;
	_ =	strace $0x9000004F  }
0xc1: {  	s29 =	simm.s32 $0xC;
	_ =	strace $0x80000051  }
0xc2: {  	_ =	swait.ge [sflag:s29], $0x1  }
0xc3: {  	[sflag:s29] =	ssyncadd.s32 $0xFFFFFFFF  }
0xc4: {  	_ =	strace $0x90000051  }
0xc5: {  	_ =	sfence  }
0xc6: {  	s30 =	sld [smem:$0x0];
	_ =	sdelay $0x2  }
0xc7: {  	s31 =	sshll.u32 s1, $0xD;
	s1 =	sshrl.u32 s1, $0x2  }
0xc8: {  	s4 =	sand.u32 $0x4000, s31;
	s1 =	sadd.s32 s1, s30  }
0xc9: {  	s0 =	sor.u32 s4, s0;
	s1 =	sshll.u32 s1, $0x11  }
0xca: {  	s0 =	sor.u32 s1, s0  }
0xcb: {  	s0 =	sadd.s32 $0x8F2B, s0  }
0xcc: {  	[sflag:s0] =	ssyncadd.remote.s32 $0x1  }
0xcd: {  	_ =	sfence.sel $0xFFFF  }
0xce: {  	[dreg:$0x0] =	wrdreg $0xFFFFFFFF;
	(pc) =	sbr.abs _section_cstart, $3  }
0xcf: {  	[dreg:$0x1] =	wrdreg $0xFFFFFFFF  }
0xd0: {  	_ =	task.clear_ibuf [dreg:s22], $0x2FFFF;
	_ =	strace $0x9FFFFFFF  }
0xd1: {  	(tm) =	ssettm $0x7FFFFFFF  }
tec
execute0_lowered:
.L_overlay_start_1:
0x0: {  	(tag) =	ssettag $0x1  }
0x1: {  	s3 =	rddreg [dreg:$0x0];
	s0 =	srdreg.scid  }
0x2: {  	s2 =	stileid.u32;
	s1 =	rddreg [dreg:$0x1]  }
0x3: {  	s31 =	simm.s32 $0x9;
	s9 =	simm.s32 $0x80;
	s14 =	simm.s32 $0x4800  }
0x4: {  	s30 =	simm.s32 $0x100;
	s12 =	simm.s32 $0x8800;
	s16 =	simm.s32 $0x2  }
0x5: {  	s29 =	simm.s32 $0x180;
	s10 =	simm.s32 $0xC800;
	s15 =	simm.s32 $0x3  }
0x6: {  	s7 =	simm.s32 $0x5;
	s28 =	simm.s32 $0x200;
	s13 =	simm.s32 $0x4  }
0x7: {  	s8 =	simm.s32 $0x6;
	p0 =	por $0x0, $0x0;
	s11 =	simm.s32 $0x8  }
0x8: {  	s0 =	sand.u32 $0x1, s0;
	s4 =	sshll.u32 s2, $0x1;
	s2 =	simm.s32 $0x0  }
0x9: {  	s4 =	sor.u32 s0, s4;
	[smem:$0x7FF] =	sst s2;
	s0 =	ssub.s32 $0x2, s0  }
0xa: {  	s5 =	sshll.u32 s4, $0x8;
	s6 =	smul.u32 $0x6000, s4;
	_ =	strace $0x80000050  }
0xb: {  	s4 =	smul.u32 $0x30000, s4;
	s25 =	sshrl.u32 s0, $0x1;
	s5 =	sadd.s32 s5, s1  }
0xc: {  	s1 =	sadd.s32 $0x1A9800, s1;
	s0 =	ssub.s32 s0, s25;
	s25 =	simm.s32 $0x300  }
0xd: {  	s5 =	sadd.s32 $0x1A7800, s5;
	s22 =	sadd.s32 s1, s6;
	s4 =	sshrl.u32 s4, $0x3  }
0xe: {  	s0 =	smax.u32 s0, $0x1;
	[dreg:$0x3] =	wrdreg s5;
	s17 =	sadd.s32 $0x800, s22  }
0xf: {  	s6 =	simm.s32 $0x7;
	s18 =	sadd.s32 $0x1000, s22;
	[dreg:$0x4] =	wrdreg s17  }
0x10: {  	s19 =	sadd.s32 $0x1800, s22;
	s1 =	sadd.s32 s1, s4;
	[dreg:$0x5] =	wrdreg s18  }
0x11: {  	p1 =	sne.s32 s0, $0x1;
	[dreg:$0x6] =	wrdreg s19;
	s4 =	sadd.s32 $0x2000, s1  }
0x12: {  	s20 =	sadd.s32 $0x2800, s1;
	s21 =	sadd.s32 $0x3000, s1;
	[dreg:$0x7] =	wrdreg s4  }
0x13: {  	s23 =	sadd.s32 $0x3800, s1;
	s24 =	sadd.s32 $0x4000, s1;
	[dreg:$0x8] =	wrdreg s20  }
0x14: {  	s26 =	sadd.s32 $0x4800, s1;
	s5 =	sadd.s32 $0x5000, s1;
	[dreg:$0x9] =	wrdreg s21  }
.Ltmp0:
0x15: {  	s17 =	simm.s32 $0x800;
	[dreg:$0xa] =	wrdreg s23;
	(pc) =	sbr.rel @!p1 .LBB2_3-.Ltmp0, $4  }
0x16: {  	s18 =	simm.s32 $0x1;
	s19 =	simm.s32 $0x580;
	[dreg:$0xb] =	wrdreg s24  }
0x17: {  	[dreg:$0xc] =	wrdreg s26;
	s4 =	sadd.s32 $0x5800, s1;
	s26 =	simm.s32 $0x280  }
0x18: {  	s1 =	sadd.s32 $0xFFFFFFFF, s0;
	s24 =	simm.s32 $0x380;
	s23 =	simm.s32 $0x400  }
0x19: {  	s21 =	simm.s32 $0x480;
	s20 =	simm.s32 $0x500;
	s0 =	rddreg [dreg:$0x3]  }
0x1a: {  	[tilespmem:s2], [sflag:$0x9] =	stream.linear.gather [hbm4b:s0+s2], $0x600, $0x38;
	[tilespmem:$0x10800] =	vst v63  }
0x1b: {  	_ =	swait.ge [sflag:s31], $0x600  }
0x1c: {  	[sflag:s31] =	ssyncset.done $0x0  }
0x1d: {  	[sflag:s31] =	ssyncadd.s32 $0xFFFFFA00  }
0x1e: {  	[tilespmem:s17], [sflag:$0x1] =	stream.indirect.gather [hbm4b:s3+s9], $0x80, s2, s9, $0xb8;
	[tilespmem:$0x10800] =	vst v63  }
0x1f: {  	_ = 	snop  }
0x20: {  	[tilespmem:s14], [sflag:$0x2] =	stream.indirect.gather [hbm4b:s3+s9], $0x80, s9, s9, $0xb8;
	[tilespmem:$0x10800] =	vst v63  }
0x21: {  	_ =	swait.ge [sflag:s18], $0x4000  }
0x22: {  	[sflag:s18] =	ssyncset.done $0x0  }
0x23: {  	[sflag:s18] =	ssyncadd.s32 $0xFFFFC000  }
0x24: {  	[hbm4b:s22+s2] =	stream.linear.scatter [tilespmem:s17], [sflag:$0x5], $0x4000, $0x38;
	[tilespmem:$0x10800] =	vst v63  }
0x25: {  	_ = 	snop  }
0x26: {  	[tilespmem:s12], [sflag:$0x3] =	stream.indirect.gather [hbm4b:s3+s9], $0x80, s30, s9, $0xb8;
	[tilespmem:$0x10800] =	vst v63  }
0x27: {  	_ =	swait.ge [sflag:s16], $0x4000  }
0x28: {  	[sflag:s16] =	ssyncset.done $0x0  }
0x29: {  	s0 =	rddreg [dreg:$0x4];
	[sflag:s16] =	ssyncadd.s32 $0xFFFFC000  }
0x2a: {  	[hbm4b:s0+s2] =	stream.linear.scatter [tilespmem:s14], [sflag:$0x6], $0x4000, $0x38;
	[tilespmem:$0x10800] =	vst v63  }
0x2b: {  	_ = 	snop  }
0x2c: {  	[tilespmem:s10], [sflag:$0x4] =	stream.indirect.gather [hbm4b:s3+s9], $0x80, s29, s9, $0xb8;
	[tilespmem:$0x10800] =	vst v63  }
0x2d: {  	_ =	swait.ge [sflag:s15], $0x4000  }
0x2e: {  	[sflag:s15] =	ssyncset.done $0x0  }
0x2f: {  	s0 =	rddreg [dreg:$0x5];
	[sflag:s15] =	ssyncadd.s32 $0xFFFFC000  }
0x30: {  	[hbm4b:s0+s2] =	stream.linear.scatter [tilespmem:s12], [sflag:$0x7], $0x4000, $0x38;
	[tilespmem:$0x10800] =	vst v63  }
0x31: {  	_ =	swait.ge [sflag:s7], $0x4000  }
0x32: {  	[sflag:s7] =	ssyncset.done $0x0  }
0x33: {  	[sflag:s7] =	ssyncadd.s32 $0xFFFFC000  }
0x34: {  	[tilespmem:s17], [sflag:$0x1] =	stream.indirect.gather [hbm4b:s3+s9], $0x80, s28, s9, $0xb8;
	[tilespmem:$0x10800] =	vst v63  }
0x35: {  	_ =	swait.ge [sflag:s13], $0x4000  }
0x36: {  	[sflag:s13] =	ssyncset.done $0x0  }
0x37: {  	s0 =	rddreg [dreg:$0x6];
	[sflag:s13] =	ssyncadd.s32 $0xFFFFC000  }
0x38: {  	[hbm4b:s0+s2] =	stream.linear.scatter [tilespmem:s10], [sflag:$0x8], $0x4000, $0x38;
	[tilespmem:$0x10800] =	vst v63  }
0x39: {  	_ =	swait.ge [sflag:s8], $0x4000  }
0x3a: {  	[sflag:s8] =	ssyncset.done $0x0  }
0x3b: {  	[sflag:s8] =	ssyncadd.s32 $0xFFFFC000  }
0x3c: {  	[tilespmem:s14], [sflag:$0x2] =	stream.indirect.gather [hbm4b:s3+s9], $0x80, s26, s9, $0xb8;
	[tilespmem:$0x10800] =	vst v63  }
0x3d: {  	_ =	swait.ge [sflag:s18], $0x4000  }
0x3e: {  	[sflag:s18] =	ssyncset.done $0x0  }
0x3f: {  	s0 =	rddreg [dreg:$0x7];
	[sflag:s18] =	ssyncadd.s32 $0xFFFFC000  }
0x40: {  	[hbm4b:s0+s2] =	stream.linear.scatter [tilespmem:s17], [sflag:$0x5], $0x4000, $0x38;
	[tilespmem:$0x10800] =	vst v63  }
0x41: {  	_ =	swait.ge [sflag:s6], $0x4000  }
0x42: {  	[sflag:s6] =	ssyncset.done $0x0  }
0x43: {  	[sflag:s6] =	ssyncadd.s32 $0xFFFFC000  }
0x44: {  	[tilespmem:s12], [sflag:$0x3] =	stream.indirect.gather [hbm4b:s3+s9], $0x80, s25, s9, $0xb8;
	[tilespmem:$0x10800] =	vst v63  }
0x45: {  	_ =	swait.ge [sflag:s16], $0x4000  }
0x46: {  	[sflag:s16] =	ssyncset.done $0x0  }
0x47: {  	s0 =	rddreg [dreg:$0x8];
	[sflag:s16] =	ssyncadd.s32 $0xFFFFC000  }
0x48: {  	[hbm4b:s0+s2] =	stream.linear.scatter [tilespmem:s14], [sflag:$0x6], $0x4000, $0x38;
	[tilespmem:$0x10800] =	vst v63  }
0x49: {  	_ =	swait.ge [sflag:s11], $0x4000  }
0x4a: {  	[sflag:s11] =	ssyncset.done $0x0  }
0x4b: {  	[sflag:s11] =	ssyncadd.s32 $0xFFFFC000  }
0x4c: {  	[tilespmem:s10], [sflag:$0x4] =	stream.indirect.gather [hbm4b:s3+s9], $0x80, s24, s9, $0xb8;
	[tilespmem:$0x10800] =	vst v63  }
0x4d: {  	_ =	swait.ge [sflag:s15], $0x4000  }
0x4e: {  	[sflag:s15] =	ssyncset.done $0x0  }
0x4f: {  	s0 =	rddreg [dreg:$0x9];
	[sflag:s15] =	ssyncadd.s32 $0xFFFFC000  }
0x50: {  	[hbm4b:s0+s2] =	stream.linear.scatter [tilespmem:s12], [sflag:$0x7], $0x4000, $0x38;
	[tilespmem:$0x10800] =	vst v63  }
0x51: {  	_ =	swait.ge [sflag:s7], $0x4000  }
0x52: {  	[sflag:s7] =	ssyncset.done $0x0  }
0x53: {  	[sflag:s7] =	ssyncadd.s32 $0xFFFFC000  }
0x54: {  	[tilespmem:s17], [sflag:$0x1] =	stream.indirect.gather [hbm4b:s3+s9], $0x80, s23, s9, $0xb8;
	[tilespmem:$0x10800] =	vst v63  }
0x55: {  	_ =	swait.ge [sflag:s13], $0x4000  }
0x56: {  	[sflag:s13] =	ssyncset.done $0x0  }
0x57: {  	s0 =	rddreg [dreg:$0xa];
	[sflag:s13] =	ssyncadd.s32 $0xFFFFC000  }
0x58: {  	[hbm4b:s0+s2] =	stream.linear.scatter [tilespmem:s10], [sflag:$0x8], $0x4000, $0x38;
	[tilespmem:$0x10800] =	vst v63  }
0x59: {  	_ =	swait.ge [sflag:s8], $0x4000  }
0x5a: {  	[sflag:s8] =	ssyncset.done $0x0  }
0x5b: {  	[sflag:s8] =	ssyncadd.s32 $0xFFFFC000  }
0x5c: {  	[tilespmem:s14], [sflag:$0x2] =	stream.indirect.gather [hbm4b:s3+s9], $0x80, s21, s9, $0xb8;
	[tilespmem:$0x10800] =	vst v63  }
0x5d: {  	_ =	swait.ge [sflag:s18], $0x4000  }
0x5e: {  	[sflag:s18] =	ssyncset.done $0x0  }
0x5f: {  	s0 =	rddreg [dreg:$0xb];
	[sflag:s18] =	ssyncadd.s32 $0xFFFFC000  }
0x60: {  	[hbm4b:s0+s2] =	stream.linear.scatter [tilespmem:s17], [sflag:$0x5], $0x4000, $0x38;
	[tilespmem:$0x10800] =	vst v63  }
0x61: {  	_ =	swait.ge [sflag:s6], $0x4000  }
0x62: {  	[sflag:s6] =	ssyncset.done $0x0  }
0x63: {  	[sflag:s6] =	ssyncadd.s32 $0xFFFFC000  }
0x64: {  	[tilespmem:s12], [sflag:$0x3] =	stream.indirect.gather [hbm4b:s3+s9], $0x80, s20, s9, $0xb8;
	[tilespmem:$0x10800] =	vst v63  }
0x65: {  	_ =	swait.ge [sflag:s16], $0x4000  }
0x66: {  	[sflag:s16] =	ssyncset.done $0x0  }
0x67: {  	s0 =	rddreg [dreg:$0xc];
	[sflag:s16] =	ssyncadd.s32 $0xFFFFC000  }
0x68: {  	[hbm4b:s0+s2] =	stream.linear.scatter [tilespmem:s14], [sflag:$0x6], $0x4000, $0x38;
	[tilespmem:$0x10800] =	vst v63  }
0x69: {  	_ =	swait.ge [sflag:s11], $0x4000  }
0x6a: {  	[sflag:s11] =	ssyncset.done $0x0  }
0x6b: {  	[sflag:s11] =	ssyncadd.s32 $0xFFFFC000  }
0x6c: {  	[tilespmem:s10], [sflag:$0x4] =	stream.indirect.gather [hbm4b:s3+s9], $0x80, s19, s9, $0xb8;
	[tilespmem:$0x10800] =	vst v63  }
0x6d: {  	_ =	swait.ge [sflag:s15], $0x4000  }
0x6e: {  	[sflag:s15] =	ssyncset.done $0x0  }
0x6f: {  	[sflag:s15] =	ssyncadd.s32 $0xFFFFC000  }
0x70: {  	[hbm4b:s5+s2] =	stream.linear.scatter [tilespmem:s12], [sflag:$0x7], $0x4000, $0x38;
	[tilespmem:$0x10800] =	vst v63  }
0x71: {  	_ =	swait.ge [sflag:s13], $0x4000  }
0x72: {  	[sflag:s13] =	ssyncset.done $0x0  }
0x73: {  	[sflag:s13] =	ssyncadd.s32 $0xFFFFC000  }
0x74: {  	[hbm4b:s4+s2] =	stream.linear.scatter [tilespmem:s10], [sflag:$0x8], $0x4000, $0x38;
	[tilespmem:$0x10800] =	vst v63  }
0x75: {  	_ =	swait.ge [sflag:s7], $0x4000  }
0x76: {  	[sflag:s7] =	ssyncset.done $0x0  }
0x77: {  	[sflag:s7] =	ssyncadd.s32 $0xFFFFC000  }
0x78: {  	_ =	swait.ge [sflag:s8], $0x4000  }
0x79: {  	[sflag:s8] =	ssyncset.done $0x0  }
0x7a: {  	p1 =	sne.s32 s1, $0x1;
	[sflag:s8] =	ssyncadd.s32 $0xFFFFC000  }
.Ltmp1:
0x7b: {  	_ =	swait.ge [sflag:s6], $0x4000;
	(pc) =	sbr.rel @!p1 .LBB2_3-.Ltmp1, $4  }
0x7c: {  	[sflag:s6] =	ssyncset.done $0x0  }
0x7d: {  	[sflag:s6] =	ssyncadd.s32 $0xFFFFC000  }
0x7e: {  	s1 =	sadd.s32 $0xFFFFFFFF, s1;
	_ =	swait.ge [sflag:s11], $0x4000  }
0x7f: {  	p0 =	por $0x1, $0x1;
	s0 =	rddreg [dreg:$0x3];
	[sflag:s11] =	ssyncset.done $0x0  }
.LBB2_2:
0x80: {  	[sflag:s11] =	ssyncadd.s32 $0xFFFFC000  }
0x81: {  	[tilespmem:s2], [sflag:$0x9] =	stream.linear.gather [hbm4b:s0+s2], $0x600, $0x38;
	[tilespmem:$0x10800] =	vst v63  }
0x82: {  	_ =	swait.ge [sflag:s31], $0x600  }
0x83: {  	[sflag:s31] =	ssyncset.done $0x0  }
0x84: {  	[sflag:s31] =	ssyncadd.s32 $0xFFFFFA00  }
0x85: {  	[tilespmem:s17], [sflag:$0x1] =	stream.indirect.gather [hbm4b:s3+s9], $0x80, s2, s9, $0xb8;
	[tilespmem:$0x10800] =	vst v63  }
0x86: {  	_ = 	snop  }
0x87: {  	[tilespmem:s14], [sflag:$0x2] =	stream.indirect.gather [hbm4b:s3+s9], $0x80, s9, s9, $0xb8;
	[tilespmem:$0x10800] =	vst v63  }
0x88: {  	_ =	swait.ge [sflag:s18], $0x4000  }
0x89: {  	[sflag:s18] =	ssyncset.done $0x0  }
0x8a: {  	[sflag:s18] =	ssyncadd.s32 $0xFFFFC000  }
0x8b: {  	[hbm4b:s22+s2] =	stream.linear.scatter [tilespmem:s17], [sflag:$0x5], $0x4000, $0x38;
	[tilespmem:$0x10800] =	vst v63  }
0x8c: {  	_ = 	snop  }
0x8d: {  	[tilespmem:s12], [sflag:$0x3] =	stream.indirect.gather [hbm4b:s3+s9], $0x80, s30, s9, $0xb8;
	[tilespmem:$0x10800] =	vst v63  }
0x8e: {  	_ =	swait.ge [sflag:s16], $0x4000  }
0x8f: {  	[sflag:s16] =	ssyncset.done $0x0  }
0x90: {  	s0 =	rddreg [dreg:$0x4];
	[sflag:s16] =	ssyncadd.s32 $0xFFFFC000  }
0x91: {  	[hbm4b:s0+s2] =	stream.linear.scatter [tilespmem:s14], [sflag:$0x6], $0x4000, $0x38;
	[tilespmem:$0x10800] =	vst v63  }
0x92: {  	_ = 	snop  }
0x93: {  	[tilespmem:s10], [sflag:$0x4] =	stream.indirect.gather [hbm4b:s3+s9], $0x80, s29, s9, $0xb8;
	[tilespmem:$0x10800] =	vst v63  }
0x94: {  	_ =	swait.ge [sflag:s15], $0x4000  }
0x95: {  	[sflag:s15] =	ssyncset.done $0x0  }
0x96: {  	s0 =	rddreg [dreg:$0x5];
	[sflag:s15] =	ssyncadd.s32 $0xFFFFC000  }
0x97: {  	[hbm4b:s0+s2] =	stream.linear.scatter [tilespmem:s12], [sflag:$0x7], $0x4000, $0x38;
	[tilespmem:$0x10800] =	vst v63  }
0x98: {  	_ =	swait.ge [sflag:s7], $0x4000  }
0x99: {  	[sflag:s7] =	ssyncset.done $0x0  }
0x9a: {  	[sflag:s7] =	ssyncadd.s32 $0xFFFFC000  }
0x9b: {  	[tilespmem:s17], [sflag:$0x1] =	stream.indirect.gather [hbm4b:s3+s9], $0x80, s28, s9, $0xb8;
	[tilespmem:$0x10800] =	vst v63  }
0x9c: {  	_ =	swait.ge [sflag:s13], $0x4000  }
0x9d: {  	[sflag:s13] =	ssyncset.done $0x0  }
0x9e: {  	s0 =	rddreg [dreg:$0x6];
	[sflag:s13] =	ssyncadd.s32 $0xFFFFC000  }
0x9f: {  	[hbm4b:s0+s2] =	stream.linear.scatter [tilespmem:s10], [sflag:$0x8], $0x4000, $0x38;
	[tilespmem:$0x10800] =	vst v63  }
0xa0: {  	_ =	swait.ge [sflag:s8], $0x4000  }
0xa1: {  	[sflag:s8] =	ssyncset.done $0x0  }
0xa2: {  	[sflag:s8] =	ssyncadd.s32 $0xFFFFC000  }
0xa3: {  	[tilespmem:s14], [sflag:$0x2] =	stream.indirect.gather [hbm4b:s3+s9], $0x80, s26, s9, $0xb8;
	[tilespmem:$0x10800] =	vst v63  }
0xa4: {  	_ =	swait.ge [sflag:s18], $0x4000  }
0xa5: {  	[sflag:s18] =	ssyncset.done $0x0  }
0xa6: {  	s0 =	rddreg [dreg:$0x7];
	[sflag:s18] =	ssyncadd.s32 $0xFFFFC000  }
0xa7: {  	[hbm4b:s0+s2] =	stream.linear.scatter [tilespmem:s17], [sflag:$0x5], $0x4000, $0x38;
	[tilespmem:$0x10800] =	vst v63  }
0xa8: {  	_ =	swait.ge [sflag:s6], $0x4000  }
0xa9: {  	[sflag:s6] =	ssyncset.done $0x0  }
0xaa: {  	[sflag:s6] =	ssyncadd.s32 $0xFFFFC000  }
0xab: {  	[tilespmem:s12], [sflag:$0x3] =	stream.indirect.gather [hbm4b:s3+s9], $0x80, s25, s9, $0xb8;
	[tilespmem:$0x10800] =	vst v63  }
0xac: {  	_ =	swait.ge [sflag:s16], $0x4000  }
0xad: {  	[sflag:s16] =	ssyncset.done $0x0  }
0xae: {  	s0 =	rddreg [dreg:$0x8];
	[sflag:s16] =	ssyncadd.s32 $0xFFFFC000  }
0xaf: {  	[hbm4b:s0+s2] =	stream.linear.scatter [tilespmem:s14], [sflag:$0x6], $0x4000, $0x38;
	[tilespmem:$0x10800] =	vst v63  }
0xb0: {  	_ =	swait.ge [sflag:s11], $0x4000  }
0xb1: {  	[sflag:s11] =	ssyncset.done $0x0  }
0xb2: {  	[sflag:s11] =	ssyncadd.s32 $0xFFFFC000  }
0xb3: {  	[tilespmem:s10], [sflag:$0x4] =	stream.indirect.gather [hbm4b:s3+s9], $0x80, s24, s9, $0xb8;
	[tilespmem:$0x10800] =	vst v63  }
0xb4: {  	_ =	swait.ge [sflag:s15], $0x4000  }
0xb5: {  	[sflag:s15] =	ssyncset.done $0x0  }
0xb6: {  	s0 =	rddreg [dreg:$0x9];
	[sflag:s15] =	ssyncadd.s32 $0xFFFFC000  }
0xb7: {  	[hbm4b:s0+s2] =	stream.linear.scatter [tilespmem:s12], [sflag:$0x7], $0x4000, $0x38;
	[tilespmem:$0x10800] =	vst v63  }
0xb8: {  	_ =	swait.ge [sflag:s7], $0x4000  }
0xb9: {  	[sflag:s7] =	ssyncset.done $0x0  }
0xba: {  	[sflag:s7] =	ssyncadd.s32 $0xFFFFC000  }
0xbb: {  	[tilespmem:s17], [sflag:$0x1] =	stream.indirect.gather [hbm4b:s3+s9], $0x80, s23, s9, $0xb8;
	[tilespmem:$0x10800] =	vst v63  }
0xbc: {  	_ =	swait.ge [sflag:s13], $0x4000  }
0xbd: {  	[sflag:s13] =	ssyncset.done $0x0  }
0xbe: {  	s0 =	rddreg [dreg:$0xa];
	[sflag:s13] =	ssyncadd.s32 $0xFFFFC000  }
0xbf: {  	[hbm4b:s0+s2] =	stream.linear.scatter [tilespmem:s10], [sflag:$0x8], $0x4000, $0x38;
	[tilespmem:$0x10800] =	vst v63  }
0xc0: {  	_ =	swait.ge [sflag:s8], $0x4000  }
0xc1: {  	[sflag:s8] =	ssyncset.done $0x0  }
0xc2: {  	[sflag:s8] =	ssyncadd.s32 $0xFFFFC000  }
0xc3: {  	[tilespmem:s14], [sflag:$0x2] =	stream.indirect.gather [hbm4b:s3+s9], $0x80, s21, s9, $0xb8;
	[tilespmem:$0x10800] =	vst v63  }
0xc4: {  	_ =	swait.ge [sflag:s18], $0x4000  }
0xc5: {  	[sflag:s18] =	ssyncset.done $0x0  }
0xc6: {  	s0 =	rddreg [dreg:$0xb];
	[sflag:s18] =	ssyncadd.s32 $0xFFFFC000  }
0xc7: {  	[hbm4b:s0+s2] =	stream.linear.scatter [tilespmem:s17], [sflag:$0x5], $0x4000, $0x38;
	[tilespmem:$0x10800] =	vst v63  }
0xc8: {  	_ =	swait.ge [sflag:s6], $0x4000  }
0xc9: {  	[sflag:s6] =	ssyncset.done $0x0  }
0xca: {  	[sflag:s6] =	ssyncadd.s32 $0xFFFFC000  }
0xcb: {  	[tilespmem:s12], [sflag:$0x3] =	stream.indirect.gather [hbm4b:s3+s9], $0x80, s20, s9, $0xb8;
	[tilespmem:$0x10800] =	vst v63  }
0xcc: {  	_ =	swait.ge [sflag:s16], $0x4000  }
0xcd: {  	[sflag:s16] =	ssyncset.done $0x0  }
0xce: {  	s0 =	rddreg [dreg:$0xc];
	[sflag:s16] =	ssyncadd.s32 $0xFFFFC000  }
0xcf: {  	[hbm4b:s0+s2] =	stream.linear.scatter [tilespmem:s14], [sflag:$0x6], $0x4000, $0x38;
	[tilespmem:$0x10800] =	vst v63  }
0xd0: {  	_ =	swait.ge [sflag:s11], $0x4000  }
0xd1: {  	[sflag:s11] =	ssyncset.done $0x0  }
0xd2: {  	[sflag:s11] =	ssyncadd.s32 $0xFFFFC000  }
0xd3: {  	[tilespmem:s10], [sflag:$0x4] =	stream.indirect.gather [hbm4b:s3+s9], $0x80, s19, s9, $0xb8;
	[tilespmem:$0x10800] =	vst v63  }
0xd4: {  	_ =	swait.ge [sflag:s15], $0x4000  }
0xd5: {  	[sflag:s15] =	ssyncset.done $0x0  }
0xd6: {  	[sflag:s15] =	ssyncadd.s32 $0xFFFFC000  }
0xd7: {  	[hbm4b:s5+s2] =	stream.linear.scatter [tilespmem:s12], [sflag:$0x7], $0x4000, $0x38;
	[tilespmem:$0x10800] =	vst v63  }
0xd8: {  	_ =	swait.ge [sflag:s13], $0x4000  }
0xd9: {  	[sflag:s13] =	ssyncset.done $0x0  }
0xda: {  	[sflag:s13] =	ssyncadd.s32 $0xFFFFC000  }
0xdb: {  	[hbm4b:s4+s2] =	stream.linear.scatter [tilespmem:s10], [sflag:$0x8], $0x4000, $0x38;
	[tilespmem:$0x10800] =	vst v63  }
0xdc: {  	_ =	swait.ge [sflag:s7], $0x4000  }
0xdd: {  	[sflag:s7] =	ssyncset.done $0x0  }
0xde: {  	[sflag:s7] =	ssyncadd.s32 $0xFFFFC000  }
0xdf: {  	_ =	swait.ge [sflag:s8], $0x4000  }
0xe0: {  	[sflag:s8] =	ssyncset.done $0x0  }
0xe1: {  	p1 =	sne.s32 s1, $0x1;
	[sflag:s8] =	ssyncadd.s32 $0xFFFFC000  }
.Ltmp2:
0xe2: {  	_ =	swait.ge [sflag:s6], $0x4000;
	(pc) =	sbr.rel @p1 .LBB2_2-.Ltmp2, $4  }
0xe3: {  	[sflag:s6] =	ssyncset.done $0x0  }
0xe4: {  	[sflag:s6] =	ssyncadd.s32 $0xFFFFC000  }
0xe5: {  	_ =	swait.ge [sflag:s11], $0x4000  }
0xe6: {  	s1 =	sadd.s32 $0xFFFFFFFF, s1;
	s0 =	rddreg [dreg:$0x3];
	[sflag:s11] =	ssyncset.done $0x0  }
.LBB2_3:
0xe7: {  	[sflag:s11] =	ssyncadd.s32 @p0 $0xFFFFC000  }
0xe8: {  	[tilespmem:s2], [sflag:$0x9] =	stream.linear.gather [hbm4b:s0+s2], $0x600, $0x38;
	[tilespmem:$0x10800] =	vst v63  }
0xe9: {  	_ =	swait.ge [sflag:s31], $0x600  }
0xea: {  	[sflag:s31] =	ssyncset.done $0x0  }
0xeb: {  	[sflag:s31] =	ssyncadd.s32 $0xFFFFFA00  }
0xec: {  	[tilespmem:s17], [sflag:$0x1] =	stream.indirect.gather [hbm4b:s3+s9], $0x80, s2, s9, $0xb8;
	[tilespmem:$0x10800] =	vst v63  }
0xed: {  	_ = 	snop  }
0xee: {  	[tilespmem:s14], [sflag:$0x2] =	stream.indirect.gather [hbm4b:s3+s9], $0x80, s9, s9, $0xb8;
	[tilespmem:$0x10800] =	vst v63  }
0xef: {  	_ =	swait.ge [sflag:s18], $0x4000  }
0xf0: {  	[sflag:s18] =	ssyncset.done $0x0  }
0xf1: {  	[sflag:s18] =	ssyncadd.s32 $0xFFFFC000  }
0xf2: {  	[hbm4b:s22+s2] =	stream.linear.scatter [tilespmem:s17], [sflag:$0x5], $0x4000, $0x38;
	[tilespmem:$0x10800] =	vst v63  }
0xf3: {  	_ = 	snop  }
0xf4: {  	[tilespmem:s12], [sflag:$0x3] =	stream.indirect.gather [hbm4b:s3+s9], $0x80, s30, s9, $0xb8;
	[tilespmem:$0x10800] =	vst v63  }
0xf5: {  	_ =	swait.ge [sflag:s16], $0x4000  }
0xf6: {  	[sflag:s16] =	ssyncset.done $0x0  }
0xf7: {  	s30 =	rddreg [dreg:$0x4];
	[sflag:s16] =	ssyncadd.s32 $0xFFFFC000  }
0xf8: {  	[hbm4b:s30+s2] =	stream.linear.scatter [tilespmem:s14], [sflag:$0x6], $0x4000, $0x38;
	[tilespmem:$0x10800] =	vst v63  }
0xf9: {  	_ = 	snop  }
0xfa: {  	[tilespmem:s10], [sflag:$0x4] =	stream.indirect.gather [hbm4b:s3+s9], $0x80, s29, s9, $0xb8;
	[tilespmem:$0x10800] =	vst v63  }
0xfb: {  	_ =	swait.ge [sflag:s15], $0x4000  }
0xfc: {  	[sflag:s15] =	ssyncset.done $0x0  }
0xfd: {  	s31 =	rddreg [dreg:$0x5];
	[sflag:s15] =	ssyncadd.s32 $0xFFFFC000  }
0xfe: {  	[hbm4b:s31+s2] =	stream.linear.scatter [tilespmem:s12], [sflag:$0x7], $0x4000, $0x38;
	[tilespmem:$0x10800] =	vst v63  }
0xff: {  	_ =	swait.ge [sflag:s7], $0x4000  }
0x100: {  	[sflag:s7] =	ssyncset.done $0x0  }
0x101: {  	[sflag:s7] =	ssyncadd.s32 $0xFFFFC000  }
0x102: {  	[tilespmem:s17], [sflag:$0x1] =	stream.indirect.gather [hbm4b:s3+s9], $0x80, s28, s9, $0xb8;
	[tilespmem:$0x10800] =	vst v63  }
0x103: {  	_ =	swait.ge [sflag:s13], $0x4000  }
0x104: {  	[sflag:s13] =	ssyncset.done $0x0  }
0x105: {  	s1 =	rddreg [dreg:$0x6];
	[sflag:s13] =	ssyncadd.s32 $0xFFFFC000  }
0x106: {  	[hbm4b:s1+s2] =	stream.linear.scatter [tilespmem:s10], [sflag:$0x8], $0x4000, $0x38;
	[tilespmem:$0x10800] =	vst v63  }
0x107: {  	_ =	swait.ge [sflag:s8], $0x4000  }
0x108: {  	[sflag:s8] =	ssyncset.done $0x0  }
0x109: {  	[sflag:s8] =	ssyncadd.s32 $0xFFFFC000  }
0x10a: {  	[tilespmem:s14], [sflag:$0x2] =	stream.indirect.gather [hbm4b:s3+s9], $0x80, s26, s9, $0xb8;
	[tilespmem:$0x10800] =	vst v63  }
0x10b: {  	_ =	swait.ge [sflag:s18], $0x4000  }
0x10c: {  	[sflag:s18] =	ssyncset.done $0x0  }
0x10d: {  	s22 =	rddreg [dreg:$0x7];
	[sflag:s18] =	ssyncadd.s32 $0xFFFFC000  }
0x10e: {  	[hbm4b:s22+s2] =	stream.linear.scatter [tilespmem:s17], [sflag:$0x5], $0x4000, $0x38;
	[tilespmem:$0x10800] =	vst v63  }
0x10f: {  	_ =	swait.ge [sflag:s6], $0x4000  }
0x110: {  	[sflag:s6] =	ssyncset.done $0x0  }
0x111: {  	[sflag:s6] =	ssyncadd.s32 $0xFFFFC000  }
0x112: {  	[tilespmem:s12], [sflag:$0x3] =	stream.indirect.gather [hbm4b:s3+s9], $0x80, s25, s9, $0xb8;
	[tilespmem:$0x10800] =	vst v63  }
0x113: {  	_ =	swait.ge [sflag:s16], $0x4000  }
0x114: {  	[sflag:s16] =	ssyncset.done $0x0  }
0x115: {  	s25 =	rddreg [dreg:$0x8];
	[sflag:s16] =	ssyncadd.s32 $0xFFFFC000  }
0x116: {  	[hbm4b:s25+s2] =	stream.linear.scatter [tilespmem:s14], [sflag:$0x6], $0x4000, $0x38;
	[tilespmem:$0x10800] =	vst v63  }
0x117: {  	_ =	swait.ge [sflag:s11], $0x4000  }
0x118: {  	[sflag:s11] =	ssyncset.done $0x0  }
0x119: {  	[sflag:s11] =	ssyncadd.s32 $0xFFFFC000  }
0x11a: {  	[tilespmem:s10], [sflag:$0x4] =	stream.indirect.gather [hbm4b:s3+s9], $0x80, s24, s9, $0xb8;
	[tilespmem:$0x10800] =	vst v63  }
0x11b: {  	_ =	swait.ge [sflag:s15], $0x4000  }
0x11c: {  	[sflag:s15] =	ssyncset.done $0x0  }
0x11d: {  	s26 =	rddreg [dreg:$0x9];
	[sflag:s15] =	ssyncadd.s32 $0xFFFFC000  }
0x11e: {  	[hbm4b:s26+s2] =	stream.linear.scatter [tilespmem:s12], [sflag:$0x7], $0x4000, $0x38;
	[tilespmem:$0x10800] =	vst v63  }
0x11f: {  	_ =	swait.ge [sflag:s7], $0x4000  }
0x120: {  	[sflag:s7] =	ssyncset.done $0x0  }
0x121: {  	[sflag:s7] =	ssyncadd.s32 $0xFFFFC000  }
0x122: {  	[tilespmem:s17], [sflag:$0x1] =	stream.indirect.gather [hbm4b:s3+s9], $0x80, s23, s9, $0xb8;
	[tilespmem:$0x10800] =	vst v63  }
0x123: {  	_ =	swait.ge [sflag:s13], $0x4000  }
0x124: {  	[sflag:s13] =	ssyncset.done $0x0  }
0x125: {  	s28 =	rddreg [dreg:$0xa];
	[sflag:s13] =	ssyncadd.s32 $0xFFFFC000  }
0x126: {  	[hbm4b:s28+s2] =	stream.linear.scatter [tilespmem:s10], [sflag:$0x8], $0x4000, $0x38;
	[tilespmem:$0x10800] =	vst v63  }
0x127: {  	_ =	swait.ge [sflag:s8], $0x4000  }
0x128: {  	[sflag:s8] =	ssyncset.done $0x0  }
0x129: {  	[sflag:s8] =	ssyncadd.s32 $0xFFFFC000  }
0x12a: {  	[tilespmem:s14], [sflag:$0x2] =	stream.indirect.gather [hbm4b:s3+s9], $0x80, s21, s9, $0xb8;
	[tilespmem:$0x10800] =	vst v63  }
0x12b: {  	_ =	swait.ge [sflag:s18], $0x4000  }
0x12c: {  	[sflag:s18] =	ssyncset.done $0x0  }
0x12d: {  	s29 =	rddreg [dreg:$0xb];
	[sflag:s18] =	ssyncadd.s32 $0xFFFFC000  }
0x12e: {  	[hbm4b:s29+s2] =	stream.linear.scatter [tilespmem:s17], [sflag:$0x5], $0x4000, $0x38;
	[tilespmem:$0x10800] =	vst v63  }
0x12f: {  	_ =	swait.ge [sflag:s6], $0x4000  }
0x130: {  	[sflag:s6] =	ssyncset.done $0x0  }
0x131: {  	[sflag:s6] =	ssyncadd.s32 $0xFFFFC000  }
0x132: {  	[tilespmem:s12], [sflag:$0x3] =	stream.indirect.gather [hbm4b:s3+s9], $0x80, s20, s9, $0xb8;
	[tilespmem:$0x10800] =	vst v63  }
0x133: {  	_ =	swait.ge [sflag:s16], $0x4000  }
0x134: {  	[sflag:s16] =	ssyncset.done $0x0  }
0x135: {  	s30 =	rddreg [dreg:$0xc];
	[sflag:s16] =	ssyncadd.s32 $0xFFFFC000  }
0x136: {  	[hbm4b:s30+s2] =	stream.linear.scatter [tilespmem:s14], [sflag:$0x6], $0x4000, $0x38;
	[tilespmem:$0x10800] =	vst v63  }
0x137: {  	_ =	swait.ge [sflag:s11], $0x4000  }
0x138: {  	[sflag:s11] =	ssyncset.done $0x0  }
0x139: {  	[sflag:s11] =	ssyncadd.s32 $0xFFFFC000  }
0x13a: {  	[tilespmem:s10], [sflag:$0x4] =	stream.indirect.gather [hbm4b:s3+s9], $0x80, s19, s9, $0xb8;
	[tilespmem:$0x10800] =	vst v63  }
0x13b: {  	_ =	swait.ge [sflag:s15], $0x4000  }
0x13c: {  	[sflag:s15] =	ssyncset.done $0x0  }
0x13d: {  	[sflag:s15] =	ssyncadd.s32 $0xFFFFC000  }
0x13e: {  	[hbm4b:s5+s2] =	stream.linear.scatter [tilespmem:s12], [sflag:$0x7], $0x4000, $0x38;
	[tilespmem:$0x10800] =	vst v63  }
0x13f: {  	_ =	swait.ge [sflag:s13], $0x4000  }
0x140: {  	[sflag:s13] =	ssyncset.done $0x0  }
0x141: {  	[sflag:s13] =	ssyncadd.s32 $0xFFFFC000  }
0x142: {  	[hbm4b:s4+s2] =	stream.linear.scatter [tilespmem:s10], [sflag:$0x8], $0x4000, $0x38;
	[tilespmem:$0x10800] =	vst v63  }
0x143: {  	_ =	swait.ge [sflag:s7], $0x4000  }
0x144: {  	[sflag:s7] =	ssyncset.done $0x0  }
0x145: {  	[sflag:s7] =	ssyncadd.s32 $0xFFFFC000  }
0x146: {  	_ =	swait.ge [sflag:s8], $0x4000  }
0x147: {  	[sflag:s8] =	ssyncset.done $0x0  }
0x148: {  	[sflag:s8] =	ssyncadd.s32 $0xFFFFC000  }
0x149: {  	_ =	swait.ge [sflag:s6], $0x4000  }
0x14a: {  	[sflag:s6] =	ssyncset.done $0x0  }
0x14b: {  	[sflag:s6] =	ssyncadd.s32 $0xFFFFC000  }
0x14c: {  	_ =	swait.ge [sflag:s11], $0x4000  }
0x14d: {  	[sflag:s11] =	ssyncset.done $0x0  }
0x14e: {  	[sflag:s11] =	ssyncadd.s32 $0xFFFFC000  }
0x14f: {  	_ =	sfence.sel $0x180000  }
0x150: {  	[bflag:$0x0] =	sbarrier.arrive $0xFFFF  }
0x151: {  	_ =	strace $0x90000050  }
0x152: {  	s31 =	stileid.u32;
	[bflag:$0x2] =	sbarrier.arrive $0xFFFF  }
0x153: {  	p0 =	sne.s32 s31, $0x0;
	s0 =	rddreg [dreg:$0x2]  }
0x154: {  	s0 =	sadd.s32 @!p0 $0x100000, s0  }
0x155: {  	[sflag:s0] =	ssyncadd.tile.s32 @!p0 $0x1;
	_ =	shalt  }
.Lfunc_end2:
_tile_overlayer_lowered:
.L_overlay_start_2:
0x156: {  	(tag) =	ssettag $0x2  }
0x157: {  	s0 =	rddreg [dreg:$0x0];
	s2 =	stileid.u32  }
0x158: {  	s1 =	rddreg [dreg:$0x1];
	p0 =	sne.s32 s2, $0x0  }
0x159: {  	s3 =	rddreg [dreg:$0x2];
	[bflag:$0x3] =	sbarrier.arrive $0xFFFF;
	s2 =	simm.s32 @!p0 $0x1C09  }
0x15a: {  	[timem:s3], [sflag:s2] =	dma.local @!p0 [hbm:s0], s1  }
0x15b: {  	s0 =	simm.s32 @!p0 $0x9  }
0x15c: {  	_ =	swait.ge @!p0 [sflag:s0], s1  }
0x15d: {  	s1 =	ssub.s32 @!p0 $0x0, s1;
	[sflag:s0] =	ssyncset.done @!p0 $0x0  }
0x15e: {  	[sflag:s0] =	ssyncadd.s32 @!p0 s1  }
0x15f: {  	[bflag:$0x3] =	sbarrier.arrive $0xFFFF  }
0x160: {  	_ =	shalt  }

// kernel: kernel.24.cloned.1.call-start
scs
__scs_entry_jumppad:
0x0: {  	(pc) =	sbr.rel $0x88, $3  }
0x1: {  	(tag) =	ssettag $0x0;
	lr =	simm.s32 $0x1  }
0x2: {  	[smem:$0x3F9B] =	sst lr;
	_ =	strace $0xD0000000  }
0x3: {  	_ = 	snop  }
0x4: {  	_ = 	snop  }
0x5: {  	_ = 	snop  }
0x6: {  	_ = 	snop  }
0x7: {  	_ = 	snop  }
__scs_overlays_trampoline_lowered:
0x8: {  	[smem:$0x3FAA] =	sst s0  }
0x9: {  	[smem:$0x3FAB] =	sst s1  }
0xa: {  	[smem:$0x3FAC] =	sst s2  }
0xb: {  	[smem:$0x3FAD] =	sst s3  }
0xc: {  	[smem:$0x3FAE] =	sst s4  }
0xd: {  	[smem:$0x3FAF] =	sst s5  }
0xe: {  	[smem:$0x3FB0] =	sst s6  }
0xf: {  	[smem:$0x3FB1] =	sst s7  }
0x10: {  	[smem:$0x3FB2] =	sst s8  }
0x11: {  	[smem:$0x3FB3] =	sst s9;
	s0 =	simm.s32 @!p0 $0x0  }
0x12: {  	s1 =	sld [smem:$0x3F99];
	s0 =	simm.s32 @p0 $0x1  }
0x13: {  	[smem:$0x3FB4] =	sst s0;
	s0 =	simm.s32 @!p1 $0x0  }
0x14: {  	s2 =	sld [smem:$0x3F98];
	s0 =	simm.s32 @p1 $0x1  }
0x15: {  	[smem:$0x3FB5] =	sst s0;
	s0 =	simm.s32 @!p2 $0x0  }
0x16: {  	s3 =	sld [smem:$0x3FDB];
	s0 =	simm.s32 @p2 $0x1  }
0x17: {  	s4 =	simm.s32 $0x1BF5;
	[smem:$0x3FB7] =	sst s0  }
0x18: {  	s0 =	sld [smem:$0x3F9A];
	_ =	swait.ge [sflag:s4], $0x0  }
0x19: {  	s7 =	sld [smem:$0x3F9B]  }
0x1a: {  	s8 =	sadd.s32 $0xFFFFE003, lr  }
0x1b: {  	s9 =	sadd.s32 $0xFFFFFEF7, lr;
	s5 =	simm.s32 $0xFFFFFFFF;
	p2 =	slt.u32 s8, $0xFFFFF086  }
0x1c: {  	p1 =	slt.u32 s9, $0xF7A;
	s5 =	simm.s32 @!p2 $0x0  }
0x1d: {  	s5 =	simm.s32 @p1 $0x1;
	p0 =	seq.s32 s7, s2  }
0x1e: {  	s7 =	smul.u32 @!p0 $0xF7A, s2;
	p2 =	seq.s32 @!p0 s5, $0x0  }
0x1f: {  	s9 =	smul.u32 $0xF7A, s1;
	s8 =	simm.s32 @!p0 $0x1BF5;
	p2 =	por !p2, p0  }
0x20: {  	[sflag:s8] =	ssyncset.s32 @!p0 $0xFFFFF086;
	s6 =	sadd.s32 @!p0 s3, s7;
	s7 =	simm.s32 @!p0 $0x108  }
0x21: {  	s3 =	sadd.s32 s3, s9;
	s6 =	sadd.s32 @!p0 $0x88, s6;
	s7 =	simm.s32 @p2 $0x1082  }
0x22: {  	[simem:s7], [sflag:s8] =	dma.local @!p0 [hbm:s6], $0xF7A  }
0x23: {  	s9 =	sor.u32 $0xD0000000, s2;
	s6 =	simm.s32 $0x108;
	_ =	swait.ge @!p0 [sflag:s8], $0x0  }
0x24: {  	s3 =	sadd.s32 $0x88, s3;
	s6 =	simm.s32 @!p1 $0x1082;
	[sflag:s4] =	ssyncset.s32 $0xFFFFF086  }
0x25: {  	[simem:s6], [sflag:s4] =	dma.local [hbm:s3], $0xF7A  }
0x26: {  	[smem:$0x3F9B] =	sst s1;
	(tag) =	ssettag s2;
	_ =	strace s9  }
0x27: {  	s1 =	sld [smem:$0x3FAB]  }
0x28: {  	s2 =	sld [smem:$0x3FAC]  }
0x29: {  	s4 =	sld [smem:$0x3FAE]  }
0x2a: {  	p0 =	seq.s32 s5, $0x0;
	s5 =	sld [smem:$0x3FAF]  }
0x2b: {  	s6 =	sld [smem:$0x3FB0]  }
0x2c: {  	s7 =	sld [smem:$0x3FB1]  }
0x2d: {  	s3 =	simm.s32 $0x108;
	s8 =	sld [smem:$0x3FB2]  }
0x2e: {  	s3 =	simm.s32 @!p0 $0x1082;
	s9 =	sld [smem:$0x3FB3]  }
0x2f: {  	lr =	sadd.s32 s0, s3;
	s0 =	sld [smem:$0x3FAA]  }
0x30: {  	s3 =	sld [smem:$0x3FAD]  }
0x31: {  	[smem:$0x3FB6] =	sst s10  }
0x32: {  	s10 =	sld [smem:$0x3FB4];
	_ =	sdelay $0x3  }
0x33: {  	p0 =	seq.s32 s10, $0x1;
	s10 =	sld [smem:$0x3FB6];
	_ =	sdelay $0x3  }
0x34: {  	[smem:$0x3FB6] =	sst s10  }
0x35: {  	s10 =	sld [smem:$0x3FB5];
	_ =	sdelay $0x3  }
0x36: {  	p1 =	seq.s32 s10, $0x1;
	s10 =	sld [smem:$0x3FB6];
	_ =	sdelay $0x3  }
0x37: {  	[smem:$0x3FB6] =	sst s10  }
0x38: {  	s10 =	sld [smem:$0x3FB7]  }
0x39: {  	_ = 	snop;
	(pc) =	sbr.ind lr, $3  }
0x3a: {  	_ = 	snop  }
0x3b: {  	_ = 	snop  }
0x3c: {  	p2 =	seq.s32 s10, $0x1;
	s10 =	sld [smem:$0x3FB6]  }
0x3d: {  	_ =	shalt  }
0x3e: {  	_ =	shalt  }
0x3f: {  	_ =	shalt  }
0x40: {  	_ =	shalt  }
0x41: {  	_ =	shalt  }
0x42: {  	_ =	shalt  }
0x43: {  	_ =	shalt  }
0x44: {  	_ =	shalt  }
0x45: {  	_ =	shalt  }
0x46: {  	_ =	shalt  }
0x47: {  	_ =	shalt  }
0x48: {  	_ =	shalt  }
0x49: {  	_ =	shalt  }
0x4a: {  	_ =	shalt  }
0x4b: {  	_ =	shalt  }
0x4c: {  	_ =	shalt  }
0x4d: {  	_ =	shalt  }
0x4e: {  	_ =	shalt  }
0x4f: {  	_ =	shalt  }
0x50: {  	_ =	shalt  }
0x51: {  	_ =	shalt  }
0x52: {  	_ =	shalt  }
0x53: {  	_ =	shalt  }
0x54: {  	_ =	shalt  }
0x55: {  	_ =	shalt  }
0x56: {  	_ =	shalt  }
0x57: {  	_ =	shalt  }
0x58: {  	_ =	shalt  }
0x59: {  	_ =	shalt  }
0x5a: {  	_ =	shalt  }
0x5b: {  	_ =	shalt  }
0x5c: {  	_ =	shalt  }
0x5d: {  	_ =	shalt  }
0x5e: {  	_ =	shalt  }
0x5f: {  	_ =	shalt  }
0x60: {  	_ =	shalt  }
0x61: {  	_ =	shalt  }
0x62: {  	_ =	shalt  }
0x63: {  	_ =	shalt  }
0x64: {  	_ =	shalt  }
0x65: {  	_ =	shalt  }
0x66: {  	_ =	shalt  }
0x67: {  	_ =	shalt  }
0x68: {  	_ =	shalt  }
0x69: {  	_ =	shalt  }
0x6a: {  	_ =	shalt  }
0x6b: {  	_ =	shalt  }
0x6c: {  	_ =	shalt  }
0x6d: {  	_ =	shalt  }
0x6e: {  	_ =	shalt  }
0x6f: {  	_ =	shalt  }
0x70: {  	_ =	shalt  }
0x71: {  	_ =	shalt  }
0x72: {  	_ =	shalt  }
0x73: {  	_ =	shalt  }
0x74: {  	_ =	shalt  }
0x75: {  	_ =	shalt  }
0x76: {  	_ =	shalt  }
0x77: {  	_ =	shalt  }
0x78: {  	_ =	shalt  }
0x79: {  	_ =	shalt  }
0x7a: {  	_ =	shalt  }
0x7b: {  	_ =	shalt  }
0x7c: {  	_ =	shalt  }
0x7d: {  	_ =	shalt  }
0x7e: {  	_ =	shalt  }
0x7f: {  	_ =	shalt  }
0x80: {  	_ =	shalt  }
0x81: {  	_ =	shalt  }
0x82: {  	_ =	shalt  }
0x83: {  	_ =	shalt  }
0x84: {  	_ =	shalt  }
0x85: {  	_ =	shalt  }
0x86: {  	_ =	shalt  }
0x87: {  	_ =	shalt  }
.Lfunc_end0:
.L_simem_size_0:
called_computation.4_lowered:
.L_overlay_start_0:
0x88: {  	s2 =	sld [smem:$0x3FD9]  }
0x89: {  	s3 =	sld [smem:$0x3FFE];
	_ =	sdelay $0x1  }
0x8a: {  	s1 =	srdreg.scid  }
0x8b: {  	s0 =	sand.u32 $0x1, s1  }
0x8c: {  	s17 =	sshll.u32 s0, $0xA;
	s2 =	sadd.s32 s3, s2  }
0x8d: {  	s2 =	sadd.s32 s2, s17  }
0x8e: {  	[smem:$0x3FC2] =	sst s2  }
0x8f: {  	_ = 	snop  }
0x90: {  	s18 =	sld [smem:$0x3FC8]  }
0x91: {  	s4 =	sld [smem:$0x3FD0];
	(tm) =	ssettm $0x1  }
0x92: {  	s19 =	sld [smem:$0x3FFB];
	_ =	sdelay $0x3  }
0x93: {  	_ =	strace s19  }
0x94: {  	s2 =	sld [smem:$0x3FFC];
	_ =	sdelay $0x3  }
0x95: {  	_ =	strace s2  }
0x96: {  	s2 =	sld [smem:$0x3FFD];
	_ =	sdelay $0x3  }
0x97: {  	_ =	strace s2  }
0x98: {  	_ =	strace $0x8FFFFFFF  }
0x99: {  	s20 =	sld [smem:$0x3FDB];
	_ =	sdelay $0x1  }
0x9a: {  	s5 =	simm.s32 $_scs_section_size  }
0x9b: {  	s6 =	simm.s32 $_size__tile_overlayer_lowered;
	s7 =	simm.s32 $_tile_overlayer_lowered  }
0x9c: {  	s8 =	simm.s32 $0x1BFF;
	s21 =	sshll.u32 s7, $0x1;
	s5 =	sadd.s32 s5, s20  }
0x9d: {  	s22 =	simm.s32 $0x0;
	s6 =	sshll.u32 s6, $0x1;
	s7 =	sadd.s32 s21, s5  }
0x9e: {  	[timem:s22], [sflag:s8] =	dma.local [hbm:s7], s6  }
0x9f: {  	_ =	swait.ge [sflag:s8], s6  }
0xa0: {  	s6 =	ssub.s32 $0x0, s6;
	[sflag:s8] =	ssyncset.done $0x0  }
0xa1: {  	[sflag:s8] =	ssyncadd.s32 s6;
	_ =	sdelay $0x1  }
0xa2: {  	s23 =	simm.s32 $0x1B8B  }
0xa3: {  	_ =	swait.ge [sflag:s23], $0x1  }
0xa4: {  	[sflag:s23] =	ssyncset.done $0x0  }
0xa5: {  	[sflag:s23] =	ssyncadd.s32 $0xFFFFFFFF  }
0xa6: {  	s6 =	sld [smem:$0x0]  }
0xa7: {  	s7 =	sand.u32 $0xFFFFFFFE, s1  }
0xa8: {  	p0 =	sne.s32 s1, s7  }
0xa9: {  	s7 =	sshll.u32 @p0 s7, $0xE  }
0xaa: {  	s7 =	sadd.s32 @p0 $0x11B8D, s7;
	s8 =	sshll.u32 @p0 s6, $0x11  }
0xab: {  	s7 =	sor.u32 @p0 s8, s7  }
0xac: {  	[sflag:s7] =	ssyncadd.remote.s32 @p0 $0x1;
	_ =	sdelay $0x1  }
0xad: {  	s7 =	simm.s32 @p0 $0x1B8D  }
0xae: {  	_ =	swait.eq @p0 [sflag:s7], $0x1  }
0xaf: {  	[sflag:s7] =	ssyncadd.s32 @p0 $0xFFFFFFFF  }
0xb0: {  	s8 =	sshll.u32 @!p0 s1, $0xE  }
0xb1: {  	s8 =	sor.u32 @!p0 $0x4000, s8;
	s7 =	simm.s32 @!p0 $0x1B8D  }
0xb2: {  	s6 =	sshll.u32 @!p0 s6, $0x11;
	s8 =	sadd.s32 @!p0 $0x11B8D, s8;
	_ =	swait.eq @!p0 [sflag:s7], $0x1  }
0xb3: {  	s6 =	sor.u32 @!p0 s6, s8;
	[sflag:s7] =	ssyncadd.s32 @!p0 $0xFFFFFFFF  }
0xb4: {  	s25 =	simm.s32 $0x1B8E;
	s24 =	sld [smem:$0x3FFE];
	[sflag:s6] =	ssyncadd.remote.s32 @!p0 $0x1  }
0xb5: {  	s26 =	simm.s32 $execute0_lowered;
	[smem:$0x3FD2] =	sst s25  }
0xb6: {  	s7 =	sshll.u32 s26, $0x1;
	_ =	strace $0x80000052;
	[dreg:$0x1] =	wrdreg $0xFFFFFFFF  }
0xb7: {  	s28 =	simm.s32 $_size_execute0_lowered;
	s5 =	sadd.s32 s5, s7;
	[dreg:$0x0] =	wrdreg $0x0  }
0xb8: {  	s7 =	sshll.u32 s28, $0x1;
	[dreg:$0x2] =	wrdreg s5  }
0xb9: {  	[dreg:$0x3] =	wrdreg s7  }
0xba: {  	[dreg:$0x4] =	wrdreg $0xC0  }
0xbb: {  	_ =	task [dreg:s22], $0x5FFFF  }
0xbc: {  	[dreg:$0x1] =	wrdreg $0xFFFFFFFF  }
0xbd: {  	[dreg:$0x0] =	wrdreg $0x60  }
0xbe: {  	[dreg:$0x2] =	wrdreg s18  }
0xbf: {  	[dreg:$0x3] =	wrdreg s4  }
0xc0: {  	[dreg:$0x4] =	wrdreg s24  }
0xc1: {  	[dreg:$0x5] =	wrdreg $0xD  }
0xc2: {  	_ =	task.clear_ibuf [dreg:s22], $0x6FFFF;
	_ =	strace $0x90000052  }
0xc3: {  	s29 =	simm.s32 $0xD;
	_ =	strace $0x80000054  }
0xc4: {  	_ =	swait.ge [sflag:s29], $0x1  }
0xc5: {  	[sflag:s29] =	ssyncadd.s32 $0xFFFFFFFF  }
0xc6: {  	_ =	strace $0x90000054  }
0xc7: {  	_ =	sfence  }
0xc8: {  	s30 =	sld [smem:$0x0];
	_ =	sdelay $0x2  }
0xc9: {  	s31 =	sshll.u32 s1, $0xD;
	s1 =	sshrl.u32 s1, $0x2  }
0xca: {  	s4 =	sand.u32 $0x4000, s31;
	s1 =	sadd.s32 s1, s30  }
0xcb: {  	s0 =	sor.u32 s4, s0;
	s1 =	sshll.u32 s1, $0x11  }
0xcc: {  	s0 =	sor.u32 s1, s0  }
0xcd: {  	s0 =	sadd.s32 $0x8F2B, s0  }
0xce: {  	[sflag:s0] =	ssyncadd.remote.s32 $0x1  }
0xcf: {  	_ =	sfence.sel $0xFFFF  }
0xd0: {  	[dreg:$0x0] =	wrdreg $0xFFFFFFFF;
	(pc) =	sbr.abs _section_cstart, $3  }
0xd1: {  	[dreg:$0x1] =	wrdreg $0xFFFFFFFF  }
0xd2: {  	_ =	task.clear_ibuf [dreg:s22], $0x2FFFF;
	_ =	strace $0x9FFFFFFF  }
0xd3: {  	(tm) =	ssettm $0x7FFFFFFF  }
tec
execute0_lowered:
.L_overlay_start_1:
0x0: {  	(tag) =	ssettag $0x1  }
0x1: {  	s2 =	rddreg [dreg:$0x0]  }
0x2: {  	s0 =	rddreg [dreg:$0x1]  }
0x3: {  	s1 =	srdreg.scid;
	s3 =	stileid.u32  }
0x4: {  	s4 =	rddreg [dreg:$0x2];
	s31 =	simm.s32 $0x9;
	s9 =	simm.s32 $0x80  }
0x5: {  	s30 =	simm.s32 $0x100;
	s12 =	simm.s32 $0x8800;
	s29 =	simm.s32 $0x180  }
0x6: {  	s10 =	simm.s32 $0xC800;
	s28 =	simm.s32 $0x200;
	s8 =	simm.s32 $0x6  }
0x7: {  	s26 =	simm.s32 $0x280;
	s25 =	simm.s32 $0x300;
	p0 =	por $0x0, $0x0  }
0x8: {  	s11 =	simm.s32 $0x8;
	s1 =	sand.u32 $0x1, s1;
	s5 =	sshll.u32 s3, $0x1  }
0x9: {  	s3 =	simm.s32 $0x0;
	s4 =	sadd.s32 $0x269800, s4;
	s5 =	sor.u32 s1, s5  }
0xa: {  	[smem:$0x7FF] =	sst s3;
	s1 =	ssub.s32 $0x2, s1;
	s6 =	smul.u32 $0x6000, s5  }
0xb: {  	_ =	strace $0x80000053;
	s7 =	sshll.u32 s5, $0x8;
	s21 =	sshrl.u32 s1, $0x1  }
0xc: {  	s5 =	smul.u32 $0x30000, s5;
	s0 =	sadd.s32 s0, s7;
	s1 =	ssub.s32 s1, s21  }
0xd: {  	s7 =	simm.s32 $0x5;
	s21 =	simm.s32 $0x480;
	s22 =	sadd.s32 s4, s6  }
0xe: {  	[dreg:$0x4] =	wrdreg s0;
	s5 =	sshrl.u32 s5, $0x3;
	s24 =	smax.u32 s1, $0x1  }
0xf: {  	s6 =	simm.s32 $0x7;
	s13 =	sadd.s32 $0x800, s22;
	s0 =	rddreg [dreg:$0x4]  }
0x10: {  	s14 =	sadd.s32 $0x1000, s22;
	s15 =	sadd.s32 $0x1800, s22;
	[dreg:$0x5] =	wrdreg s13  }
0x11: {  	s4 =	sadd.s32 s4, s5;
	p1 =	sne.s32 s24, $0x1;
	[dreg:$0x6] =	wrdreg s14  }
0x12: {  	s1 =	sadd.s32 $0xFFFFFFFF, s24;
	[dreg:$0x7] =	wrdreg s15;
	s16 =	sadd.s32 $0x2000, s4  }
0x13: {  	s24 =	simm.s32 $0x380;
	s17 =	sadd.s32 $0x2800, s4;
	[dreg:$0x8] =	wrdreg s16  }
0x14: {  	s18 =	sadd.s32 $0x3000, s4;
	s19 =	sadd.s32 $0x3800, s4;
	[dreg:$0x9] =	wrdreg s17  }
0x15: {  	s20 =	sadd.s32 $0x4000, s4;
	s23 =	sadd.s32 $0x4800, s4;
	[dreg:$0xa] =	wrdreg s18  }
.Ltmp0:
0x16: {  	s5 =	sadd.s32 $0x5000, s4;
	[dreg:$0xb] =	wrdreg s19;
	(pc) =	sbr.rel @!p1 .LBB2_3-.Ltmp0, $4  }
0x17: {  	s4 =	sadd.s32 $0x5800, s4;
	s14 =	simm.s32 $0x4800;
	[dreg:$0xc] =	wrdreg s20  }
0x18: {  	s15 =	simm.s32 $0x3;
	s13 =	simm.s32 $0x4;
	[dreg:$0xd] =	wrdreg s23  }
0x19: {  	s17 =	simm.s32 $0x800;
	s18 =	simm.s32 $0x1;
	s16 =	simm.s32 $0x2  }
0x1a: {  	s23 =	simm.s32 $0x400;
	s20 =	simm.s32 $0x500;
	s19 =	simm.s32 $0x580  }
0x1b: {  	[tilespmem:s3], [sflag:$0x9] =	stream.linear.gather [hbm4b:s0+s3], $0x600, $0x38;
	[tilespmem:$0x10800] =	vst v63  }
0x1c: {  	_ =	swait.ge [sflag:s31], $0x600  }
0x1d: {  	[sflag:s31] =	ssyncset.done $0x0  }
0x1e: {  	[sflag:s31] =	ssyncadd.s32 $0xFFFFFA00  }
0x1f: {  	[tilespmem:s17], [sflag:$0x1] =	stream.indirect.gather [hbm4b:s2+s9], $0x80, s3, s9, $0xb8;
	[tilespmem:$0x10800] =	vst v63  }
0x20: {  	_ = 	snop  }
0x21: {  	[tilespmem:s14], [sflag:$0x2] =	stream.indirect.gather [hbm4b:s2+s9], $0x80, s9, s9, $0xb8;
	[tilespmem:$0x10800] =	vst v63  }
0x22: {  	_ =	swait.ge [sflag:s18], $0x4000  }
0x23: {  	[sflag:s18] =	ssyncset.done $0x0  }
0x24: {  	[sflag:s18] =	ssyncadd.s32 $0xFFFFC000  }
0x25: {  	[hbm4b:s22+s3] =	stream.linear.scatter [tilespmem:s17], [sflag:$0x5], $0x4000, $0x38;
	[tilespmem:$0x10800] =	vst v63  }
0x26: {  	_ = 	snop  }
0x27: {  	[tilespmem:s12], [sflag:$0x3] =	stream.indirect.gather [hbm4b:s2+s9], $0x80, s30, s9, $0xb8;
	[tilespmem:$0x10800] =	vst v63  }
0x28: {  	_ =	swait.ge [sflag:s16], $0x4000  }
0x29: {  	[sflag:s16] =	ssyncset.done $0x0  }
0x2a: {  	s0 =	rddreg [dreg:$0x5];
	[sflag:s16] =	ssyncadd.s32 $0xFFFFC000  }
0x2b: {  	[hbm4b:s0+s3] =	stream.linear.scatter [tilespmem:s14], [sflag:$0x6], $0x4000, $0x38;
	[tilespmem:$0x10800] =	vst v63  }
0x2c: {  	_ = 	snop  }
0x2d: {  	[tilespmem:s10], [sflag:$0x4] =	stream.indirect.gather [hbm4b:s2+s9], $0x80, s29, s9, $0xb8;
	[tilespmem:$0x10800] =	vst v63  }
0x2e: {  	_ =	swait.ge [sflag:s15], $0x4000  }
0x2f: {  	[sflag:s15] =	ssyncset.done $0x0  }
0x30: {  	s0 =	rddreg [dreg:$0x6];
	[sflag:s15] =	ssyncadd.s32 $0xFFFFC000  }
0x31: {  	[hbm4b:s0+s3] =	stream.linear.scatter [tilespmem:s12], [sflag:$0x7], $0x4000, $0x38;
	[tilespmem:$0x10800] =	vst v63  }
0x32: {  	_ =	swait.ge [sflag:s7], $0x4000  }
0x33: {  	[sflag:s7] =	ssyncset.done $0x0  }
0x34: {  	[sflag:s7] =	ssyncadd.s32 $0xFFFFC000  }
0x35: {  	[tilespmem:s17], [sflag:$0x1] =	stream.indirect.gather [hbm4b:s2+s9], $0x80, s28, s9, $0xb8;
	[tilespmem:$0x10800] =	vst v63  }
0x36: {  	_ =	swait.ge [sflag:s13], $0x4000  }
0x37: {  	[sflag:s13] =	ssyncset.done $0x0  }
0x38: {  	s0 =	rddreg [dreg:$0x7];
	[sflag:s13] =	ssyncadd.s32 $0xFFFFC000  }
0x39: {  	[hbm4b:s0+s3] =	stream.linear.scatter [tilespmem:s10], [sflag:$0x8], $0x4000, $0x38;
	[tilespmem:$0x10800] =	vst v63  }
0x3a: {  	_ =	swait.ge [sflag:s8], $0x4000  }
0x3b: {  	[sflag:s8] =	ssyncset.done $0x0  }
0x3c: {  	[sflag:s8] =	ssyncadd.s32 $0xFFFFC000  }
0x3d: {  	[tilespmem:s14], [sflag:$0x2] =	stream.indirect.gather [hbm4b:s2+s9], $0x80, s26, s9, $0xb8;
	[tilespmem:$0x10800] =	vst v63  }
0x3e: {  	_ =	swait.ge [sflag:s18], $0x4000  }
0x3f: {  	[sflag:s18] =	ssyncset.done $0x0  }
0x40: {  	s0 =	rddreg [dreg:$0x8];
	[sflag:s18] =	ssyncadd.s32 $0xFFFFC000  }
0x41: {  	[hbm4b:s0+s3] =	stream.linear.scatter [tilespmem:s17], [sflag:$0x5], $0x4000, $0x38;
	[tilespmem:$0x10800] =	vst v63  }
0x42: {  	_ =	swait.ge [sflag:s6], $0x4000  }
0x43: {  	[sflag:s6] =	ssyncset.done $0x0  }
0x44: {  	[sflag:s6] =	ssyncadd.s32 $0xFFFFC000  }
0x45: {  	[tilespmem:s12], [sflag:$0x3] =	stream.indirect.gather [hbm4b:s2+s9], $0x80, s25, s9, $0xb8;
	[tilespmem:$0x10800] =	vst v63  }
0x46: {  	_ =	swait.ge [sflag:s16], $0x4000  }
0x47: {  	[sflag:s16] =	ssyncset.done $0x0  }
0x48: {  	s0 =	rddreg [dreg:$0x9];
	[sflag:s16] =	ssyncadd.s32 $0xFFFFC000  }
0x49: {  	[hbm4b:s0+s3] =	stream.linear.scatter [tilespmem:s14], [sflag:$0x6], $0x4000, $0x38;
	[tilespmem:$0x10800] =	vst v63  }
0x4a: {  	_ =	swait.ge [sflag:s11], $0x4000  }
0x4b: {  	[sflag:s11] =	ssyncset.done $0x0  }
0x4c: {  	[sflag:s11] =	ssyncadd.s32 $0xFFFFC000  }
0x4d: {  	[tilespmem:s10], [sflag:$0x4] =	stream.indirect.gather [hbm4b:s2+s9], $0x80, s24, s9, $0xb8;
	[tilespmem:$0x10800] =	vst v63  }
0x4e: {  	_ =	swait.ge [sflag:s15], $0x4000  }
0x4f: {  	[sflag:s15] =	ssyncset.done $0x0  }
0x50: {  	s0 =	rddreg [dreg:$0xa];
	[sflag:s15] =	ssyncadd.s32 $0xFFFFC000  }
0x51: {  	[hbm4b:s0+s3] =	stream.linear.scatter [tilespmem:s12], [sflag:$0x7], $0x4000, $0x38;
	[tilespmem:$0x10800] =	vst v63  }
0x52: {  	_ =	swait.ge [sflag:s7], $0x4000  }
0x53: {  	[sflag:s7] =	ssyncset.done $0x0  }
0x54: {  	[sflag:s7] =	ssyncadd.s32 $0xFFFFC000  }
0x55: {  	[tilespmem:s17], [sflag:$0x1] =	stream.indirect.gather [hbm4b:s2+s9], $0x80, s23, s9, $0xb8;
	[tilespmem:$0x10800] =	vst v63  }
0x56: {  	_ =	swait.ge [sflag:s13], $0x4000  }
0x57: {  	[sflag:s13] =	ssyncset.done $0x0  }
0x58: {  	s0 =	rddreg [dreg:$0xb];
	[sflag:s13] =	ssyncadd.s32 $0xFFFFC000  }
0x59: {  	[hbm4b:s0+s3] =	stream.linear.scatter [tilespmem:s10], [sflag:$0x8], $0x4000, $0x38;
	[tilespmem:$0x10800] =	vst v63  }
0x5a: {  	_ =	swait.ge [sflag:s8], $0x4000  }
0x5b: {  	[sflag:s8] =	ssyncset.done $0x0  }
0x5c: {  	[sflag:s8] =	ssyncadd.s32 $0xFFFFC000  }
0x5d: {  	[tilespmem:s14], [sflag:$0x2] =	stream.indirect.gather [hbm4b:s2+s9], $0x80, s21, s9, $0xb8;
	[tilespmem:$0x10800] =	vst v63  }
0x5e: {  	_ =	swait.ge [sflag:s18], $0x4000  }
0x5f: {  	[sflag:s18] =	ssyncset.done $0x0  }
0x60: {  	s0 =	rddreg [dreg:$0xc];
	[sflag:s18] =	ssyncadd.s32 $0xFFFFC000  }
0x61: {  	[hbm4b:s0+s3] =	stream.linear.scatter [tilespmem:s17], [sflag:$0x5], $0x4000, $0x38;
	[tilespmem:$0x10800] =	vst v63  }
0x62: {  	_ =	swait.ge [sflag:s6], $0x4000  }
0x63: {  	[sflag:s6] =	ssyncset.done $0x0  }
0x64: {  	[sflag:s6] =	ssyncadd.s32 $0xFFFFC000  }
0x65: {  	[tilespmem:s12], [sflag:$0x3] =	stream.indirect.gather [hbm4b:s2+s9], $0x80, s20, s9, $0xb8;
	[tilespmem:$0x10800] =	vst v63  }
0x66: {  	_ =	swait.ge [sflag:s16], $0x4000  }
0x67: {  	[sflag:s16] =	ssyncset.done $0x0  }
0x68: {  	s0 =	rddreg [dreg:$0xd];
	[sflag:s16] =	ssyncadd.s32 $0xFFFFC000  }
0x69: {  	[hbm4b:s0+s3] =	stream.linear.scatter [tilespmem:s14], [sflag:$0x6], $0x4000, $0x38;
	[tilespmem:$0x10800] =	vst v63  }
0x6a: {  	_ =	swait.ge [sflag:s11], $0x4000  }
0x6b: {  	[sflag:s11] =	ssyncset.done $0x0  }
0x6c: {  	[sflag:s11] =	ssyncadd.s32 $0xFFFFC000  }
0x6d: {  	[tilespmem:s10], [sflag:$0x4] =	stream.indirect.gather [hbm4b:s2+s9], $0x80, s19, s9, $0xb8;
	[tilespmem:$0x10800] =	vst v63  }
0x6e: {  	_ =	swait.ge [sflag:s15], $0x4000  }
0x6f: {  	[sflag:s15] =	ssyncset.done $0x0  }
0x70: {  	[sflag:s15] =	ssyncadd.s32 $0xFFFFC000  }
0x71: {  	[hbm4b:s5+s3] =	stream.linear.scatter [tilespmem:s12], [sflag:$0x7], $0x4000, $0x38;
	[tilespmem:$0x10800] =	vst v63  }
0x72: {  	_ =	swait.ge [sflag:s13], $0x4000  }
0x73: {  	[sflag:s13] =	ssyncset.done $0x0  }
0x74: {  	[sflag:s13] =	ssyncadd.s32 $0xFFFFC000  }
0x75: {  	[hbm4b:s4+s3] =	stream.linear.scatter [tilespmem:s10], [sflag:$0x8], $0x4000, $0x38;
	[tilespmem:$0x10800] =	vst v63  }
0x76: {  	_ =	swait.ge [sflag:s7], $0x4000  }
0x77: {  	[sflag:s7] =	ssyncset.done $0x0  }
0x78: {  	[sflag:s7] =	ssyncadd.s32 $0xFFFFC000  }
0x79: {  	_ =	swait.ge [sflag:s8], $0x4000  }
0x7a: {  	[sflag:s8] =	ssyncset.done $0x0  }
0x7b: {  	p1 =	sne.s32 s1, $0x1;
	[sflag:s8] =	ssyncadd.s32 $0xFFFFC000  }
.Ltmp1:
0x7c: {  	_ =	swait.ge [sflag:s6], $0x4000;
	(pc) =	sbr.rel @!p1 .LBB2_3-.Ltmp1, $4  }
0x7d: {  	[sflag:s6] =	ssyncset.done $0x0  }
0x7e: {  	[sflag:s6] =	ssyncadd.s32 $0xFFFFC000  }
0x7f: {  	s1 =	sadd.s32 $0xFFFFFFFF, s1;
	_ =	swait.ge [sflag:s11], $0x4000  }
0x80: {  	p0 =	por $0x1, $0x1;
	s0 =	rddreg [dreg:$0x4];
	[sflag:s11] =	ssyncset.done $0x0  }
.LBB2_2:
0x81: {  	[sflag:s11] =	ssyncadd.s32 $0xFFFFC000  }
0x82: {  	[tilespmem:s3], [sflag:$0x9] =	stream.linear.gather [hbm4b:s0+s3], $0x600, $0x38;
	[tilespmem:$0x10800] =	vst v63  }
0x83: {  	_ =	swait.ge [sflag:s31], $0x600  }
0x84: {  	[sflag:s31] =	ssyncset.done $0x0  }
0x85: {  	[sflag:s31] =	ssyncadd.s32 $0xFFFFFA00  }
0x86: {  	[tilespmem:s17], [sflag:$0x1] =	stream.indirect.gather [hbm4b:s2+s9], $0x80, s3, s9, $0xb8;
	[tilespmem:$0x10800] =	vst v63  }
0x87: {  	_ = 	snop  }
0x88: {  	[tilespmem:s14], [sflag:$0x2] =	stream.indirect.gather [hbm4b:s2+s9], $0x80, s9, s9, $0xb8;
	[tilespmem:$0x10800] =	vst v63  }
0x89: {  	_ =	swait.ge [sflag:s18], $0x4000  }
0x8a: {  	[sflag:s18] =	ssyncset.done $0x0  }
0x8b: {  	[sflag:s18] =	ssyncadd.s32 $0xFFFFC000  }
0x8c: {  	[hbm4b:s22+s3] =	stream.linear.scatter [tilespmem:s17], [sflag:$0x5], $0x4000, $0x38;
	[tilespmem:$0x10800] =	vst v63  }
0x8d: {  	_ = 	snop  }
0x8e: {  	[tilespmem:s12], [sflag:$0x3] =	stream.indirect.gather [hbm4b:s2+s9], $0x80, s30, s9, $0xb8;
	[tilespmem:$0x10800] =	vst v63  }
0x8f: {  	_ =	swait.ge [sflag:s16], $0x4000  }
0x90: {  	[sflag:s16] =	ssyncset.done $0x0  }
0x91: {  	s0 =	rddreg [dreg:$0x5];
	[sflag:s16] =	ssyncadd.s32 $0xFFFFC000  }
0x92: {  	[hbm4b:s0+s3] =	stream.linear.scatter [tilespmem:s14], [sflag:$0x6], $0x4000, $0x38;
	[tilespmem:$0x10800] =	vst v63  }
0x93: {  	_ = 	snop  }
0x94: {  	[tilespmem:s10], [sflag:$0x4] =	stream.indirect.gather [hbm4b:s2+s9], $0x80, s29, s9, $0xb8;
	[tilespmem:$0x10800] =	vst v63  }
0x95: {  	_ =	swait.ge [sflag:s15], $0x4000  }
0x96: {  	[sflag:s15] =	ssyncset.done $0x0  }
0x97: {  	s0 =	rddreg [dreg:$0x6];
	[sflag:s15] =	ssyncadd.s32 $0xFFFFC000  }
0x98: {  	[hbm4b:s0+s3] =	stream.linear.scatter [tilespmem:s12], [sflag:$0x7], $0x4000, $0x38;
	[tilespmem:$0x10800] =	vst v63  }
0x99: {  	_ =	swait.ge [sflag:s7], $0x4000  }
0x9a: {  	[sflag:s7] =	ssyncset.done $0x0  }
0x9b: {  	[sflag:s7] =	ssyncadd.s32 $0xFFFFC000  }
0x9c: {  	[tilespmem:s17], [sflag:$0x1] =	stream.indirect.gather [hbm4b:s2+s9], $0x80, s28, s9, $0xb8;
	[tilespmem:$0x10800] =	vst v63  }
0x9d: {  	_ =	swait.ge [sflag:s13], $0x4000  }
0x9e: {  	[sflag:s13] =	ssyncset.done $0x0  }
0x9f: {  	s0 =	rddreg [dreg:$0x7];
	[sflag:s13] =	ssyncadd.s32 $0xFFFFC000  }
0xa0: {  	[hbm4b:s0+s3] =	stream.linear.scatter [tilespmem:s10], [sflag:$0x8], $0x4000, $0x38;
	[tilespmem:$0x10800] =	vst v63  }
0xa1: {  	_ =	swait.ge [sflag:s8], $0x4000  }
0xa2: {  	[sflag:s8] =	ssyncset.done $0x0  }
0xa3: {  	[sflag:s8] =	ssyncadd.s32 $0xFFFFC000  }
0xa4: {  	[tilespmem:s14], [sflag:$0x2] =	stream.indirect.gather [hbm4b:s2+s9], $0x80, s26, s9, $0xb8;
	[tilespmem:$0x10800] =	vst v63  }
0xa5: {  	_ =	swait.ge [sflag:s18], $0x4000  }
0xa6: {  	[sflag:s18] =	ssyncset.done $0x0  }
0xa7: {  	s0 =	rddreg [dreg:$0x8];
	[sflag:s18] =	ssyncadd.s32 $0xFFFFC000  }
0xa8: {  	[hbm4b:s0+s3] =	stream.linear.scatter [tilespmem:s17], [sflag:$0x5], $0x4000, $0x38;
	[tilespmem:$0x10800] =	vst v63  }
0xa9: {  	_ =	swait.ge [sflag:s6], $0x4000  }
0xaa: {  	[sflag:s6] =	ssyncset.done $0x0  }
0xab: {  	[sflag:s6] =	ssyncadd.s32 $0xFFFFC000  }
0xac: {  	[tilespmem:s12], [sflag:$0x3] =	stream.indirect.gather [hbm4b:s2+s9], $0x80, s25, s9, $0xb8;
	[tilespmem:$0x10800] =	vst v63  }
0xad: {  	_ =	swait.ge [sflag:s16], $0x4000  }
0xae: {  	[sflag:s16] =	ssyncset.done $0x0  }
0xaf: {  	s0 =	rddreg [dreg:$0x9];
	[sflag:s16] =	ssyncadd.s32 $0xFFFFC000  }
0xb0: {  	[hbm4b:s0+s3] =	stream.linear.scatter [tilespmem:s14], [sflag:$0x6], $0x4000, $0x38;
	[tilespmem:$0x10800] =	vst v63  }
0xb1: {  	_ =	swait.ge [sflag:s11], $0x4000  }
0xb2: {  	[sflag:s11] =	ssyncset.done $0x0  }
0xb3: {  	[sflag:s11] =	ssyncadd.s32 $0xFFFFC000  }
0xb4: {  	[tilespmem:s10], [sflag:$0x4] =	stream.indirect.gather [hbm4b:s2+s9], $0x80, s24, s9, $0xb8;
	[tilespmem:$0x10800] =	vst v63  }
0xb5: {  	_ =	swait.ge [sflag:s15], $0x4000  }
0xb6: {  	[sflag:s15] =	ssyncset.done $0x0  }
0xb7: {  	s0 =	rddreg [dreg:$0xa];
	[sflag:s15] =	ssyncadd.s32 $0xFFFFC000  }
0xb8: {  	[hbm4b:s0+s3] =	stream.linear.scatter [tilespmem:s12], [sflag:$0x7], $0x4000, $0x38;
	[tilespmem:$0x10800] =	vst v63  }
0xb9: {  	_ =	swait.ge [sflag:s7], $0x4000  }
0xba: {  	[sflag:s7] =	ssyncset.done $0x0  }
0xbb: {  	[sflag:s7] =	ssyncadd.s32 $0xFFFFC000  }
0xbc: {  	[tilespmem:s17], [sflag:$0x1] =	stream.indirect.gather [hbm4b:s2+s9], $0x80, s23, s9, $0xb8;
	[tilespmem:$0x10800] =	vst v63  }
0xbd: {  	_ =	swait.ge [sflag:s13], $0x4000  }
0xbe: {  	[sflag:s13] =	ssyncset.done $0x0  }
0xbf: {  	s0 =	rddreg [dreg:$0xb];
	[sflag:s13] =	ssyncadd.s32 $0xFFFFC000  }
0xc0: {  	[hbm4b:s0+s3] =	stream.linear.scatter [tilespmem:s10], [sflag:$0x8], $0x4000, $0x38;
	[tilespmem:$0x10800] =	vst v63  }
0xc1: {  	_ =	swait.ge [sflag:s8], $0x4000  }
0xc2: {  	[sflag:s8] =	ssyncset.done $0x0  }
0xc3: {  	[sflag:s8] =	ssyncadd.s32 $0xFFFFC000  }
0xc4: {  	[tilespmem:s14], [sflag:$0x2] =	stream.indirect.gather [hbm4b:s2+s9], $0x80, s21, s9, $0xb8;
	[tilespmem:$0x10800] =	vst v63  }
0xc5: {  	_ =	swait.ge [sflag:s18], $0x4000  }
0xc6: {  	[sflag:s18] =	ssyncset.done $0x0  }
0xc7: {  	s0 =	rddreg [dreg:$0xc];
	[sflag:s18] =	ssyncadd.s32 $0xFFFFC000  }
0xc8: {  	[hbm4b:s0+s3] =	stream.linear.scatter [tilespmem:s17], [sflag:$0x5], $0x4000, $0x38;
	[tilespmem:$0x10800] =	vst v63  }
0xc9: {  	_ =	swait.ge [sflag:s6], $0x4000  }
0xca: {  	[sflag:s6] =	ssyncset.done $0x0  }
0xcb: {  	[sflag:s6] =	ssyncadd.s32 $0xFFFFC000  }
0xcc: {  	[tilespmem:s12], [sflag:$0x3] =	stream.indirect.gather [hbm4b:s2+s9], $0x80, s20, s9, $0xb8;
	[tilespmem:$0x10800] =	vst v63  }
0xcd: {  	_ =	swait.ge [sflag:s16], $0x4000  }
0xce: {  	[sflag:s16] =	ssyncset.done $0x0  }
0xcf: {  	s0 =	rddreg [dreg:$0xd];
	[sflag:s16] =	ssyncadd.s32 $0xFFFFC000  }
0xd0: {  	[hbm4b:s0+s3] =	stream.linear.scatter [tilespmem:s14], [sflag:$0x6], $0x4000, $0x38;
	[tilespmem:$0x10800] =	vst v63  }
0xd1: {  	_ =	swait.ge [sflag:s11], $0x4000  }
0xd2: {  	[sflag:s11] =	ssyncset.done $0x0  }
0xd3: {  	[sflag:s11] =	ssyncadd.s32 $0xFFFFC000  }
0xd4: {  	[tilespmem:s10], [sflag:$0x4] =	stream.indirect.gather [hbm4b:s2+s9], $0x80, s19, s9, $0xb8;
	[tilespmem:$0x10800] =	vst v63  }
0xd5: {  	_ =	swait.ge [sflag:s15], $0x4000  }
0xd6: {  	[sflag:s15] =	ssyncset.done $0x0  }
0xd7: {  	[sflag:s15] =	ssyncadd.s32 $0xFFFFC000  }
0xd8: {  	[hbm4b:s5+s3] =	stream.linear.scatter [tilespmem:s12], [sflag:$0x7], $0x4000, $0x38;
	[tilespmem:$0x10800] =	vst v63  }
0xd9: {  	_ =	swait.ge [sflag:s13], $0x4000  }
0xda: {  	[sflag:s13] =	ssyncset.done $0x0  }
0xdb: {  	[sflag:s13] =	ssyncadd.s32 $0xFFFFC000  }
0xdc: {  	[hbm4b:s4+s3] =	stream.linear.scatter [tilespmem:s10], [sflag:$0x8], $0x4000, $0x38;
	[tilespmem:$0x10800] =	vst v63  }
0xdd: {  	_ =	swait.ge [sflag:s7], $0x4000  }
0xde: {  	[sflag:s7] =	ssyncset.done $0x0  }
0xdf: {  	[sflag:s7] =	ssyncadd.s32 $0xFFFFC000  }
0xe0: {  	_ =	swait.ge [sflag:s8], $0x4000  }
0xe1: {  	[sflag:s8] =	ssyncset.done $0x0  }
0xe2: {  	p1 =	sne.s32 s1, $0x1;
	[sflag:s8] =	ssyncadd.s32 $0xFFFFC000  }
.Ltmp2:
0xe3: {  	_ =	swait.ge [sflag:s6], $0x4000;
	(pc) =	sbr.rel @p1 .LBB2_2-.Ltmp2, $4  }
0xe4: {  	[sflag:s6] =	ssyncset.done $0x0  }
0xe5: {  	[sflag:s6] =	ssyncadd.s32 $0xFFFFC000  }
0xe6: {  	_ =	swait.ge [sflag:s11], $0x4000  }
0xe7: {  	s1 =	sadd.s32 $0xFFFFFFFF, s1;
	s0 =	rddreg [dreg:$0x4];
	[sflag:s11] =	ssyncset.done $0x0  }
.LBB2_3:
0xe8: {  	[sflag:s11] =	ssyncadd.s32 @p0 $0xFFFFC000  }
0xe9: {  	[tilespmem:s3], [sflag:$0x9] =	stream.linear.gather [hbm4b:s0+s3], $0x600, $0x38;
	[tilespmem:$0x10800] =	vst v63  }
0xea: {  	_ =	swait.ge [sflag:s31], $0x600  }
0xeb: {  	[sflag:s31] =	ssyncset.done $0x0  }
0xec: {  	[sflag:s31] =	ssyncadd.s32 $0xFFFFFA00  }
0xed: {  	[tilespmem:s17], [sflag:$0x1] =	stream.indirect.gather [hbm4b:s2+s9], $0x80, s3, s9, $0xb8;
	[tilespmem:$0x10800] =	vst v63  }
0xee: {  	_ = 	snop  }
0xef: {  	[tilespmem:s14], [sflag:$0x2] =	stream.indirect.gather [hbm4b:s2+s9], $0x80, s9, s9, $0xb8;
	[tilespmem:$0x10800] =	vst v63  }
0xf0: {  	_ =	swait.ge [sflag:s18], $0x4000  }
0xf1: {  	[sflag:s18] =	ssyncset.done $0x0  }
0xf2: {  	[sflag:s18] =	ssyncadd.s32 $0xFFFFC000  }
0xf3: {  	[hbm4b:s22+s3] =	stream.linear.scatter [tilespmem:s17], [sflag:$0x5], $0x4000, $0x38;
	[tilespmem:$0x10800] =	vst v63  }
0xf4: {  	_ = 	snop  }
0xf5: {  	[tilespmem:s12], [sflag:$0x3] =	stream.indirect.gather [hbm4b:s2+s9], $0x80, s30, s9, $0xb8;
	[tilespmem:$0x10800] =	vst v63  }
0xf6: {  	_ =	swait.ge [sflag:s16], $0x4000  }
0xf7: {  	[sflag:s16] =	ssyncset.done $0x0  }
0xf8: {  	s30 =	rddreg [dreg:$0x5];
	[sflag:s16] =	ssyncadd.s32 $0xFFFFC000  }
0xf9: {  	[hbm4b:s30+s3] =	stream.linear.scatter [tilespmem:s14], [sflag:$0x6], $0x4000, $0x38;
	[tilespmem:$0x10800] =	vst v63  }
0xfa: {  	_ = 	snop  }
0xfb: {  	[tilespmem:s10], [sflag:$0x4] =	stream.indirect.gather [hbm4b:s2+s9], $0x80, s29, s9, $0xb8;
	[tilespmem:$0x10800] =	vst v63  }
0xfc: {  	_ =	swait.ge [sflag:s15], $0x4000  }
0xfd: {  	[sflag:s15] =	ssyncset.done $0x0  }
0xfe: {  	s31 =	rddreg [dreg:$0x6];
	[sflag:s15] =	ssyncadd.s32 $0xFFFFC000  }
0xff: {  	[hbm4b:s31+s3] =	stream.linear.scatter [tilespmem:s12], [sflag:$0x7], $0x4000, $0x38;
	[tilespmem:$0x10800] =	vst v63  }
0x100: {  	_ =	swait.ge [sflag:s7], $0x4000  }
0x101: {  	[sflag:s7] =	ssyncset.done $0x0  }
0x102: {  	[sflag:s7] =	ssyncadd.s32 $0xFFFFC000  }
0x103: {  	[tilespmem:s17], [sflag:$0x1] =	stream.indirect.gather [hbm4b:s2+s9], $0x80, s28, s9, $0xb8;
	[tilespmem:$0x10800] =	vst v63  }
0x104: {  	_ =	swait.ge [sflag:s13], $0x4000  }
0x105: {  	[sflag:s13] =	ssyncset.done $0x0  }
0x106: {  	s1 =	rddreg [dreg:$0x7];
	[sflag:s13] =	ssyncadd.s32 $0xFFFFC000  }
0x107: {  	[hbm4b:s1+s3] =	stream.linear.scatter [tilespmem:s10], [sflag:$0x8], $0x4000, $0x38;
	[tilespmem:$0x10800] =	vst v63  }
0x108: {  	_ =	swait.ge [sflag:s8], $0x4000  }
0x109: {  	[sflag:s8] =	ssyncset.done $0x0  }
0x10a: {  	[sflag:s8] =	ssyncadd.s32 $0xFFFFC000  }
0x10b: {  	[tilespmem:s14], [sflag:$0x2] =	stream.indirect.gather [hbm4b:s2+s9], $0x80, s26, s9, $0xb8;
	[tilespmem:$0x10800] =	vst v63  }
0x10c: {  	_ =	swait.ge [sflag:s18], $0x4000  }
0x10d: {  	[sflag:s18] =	ssyncset.done $0x0  }
0x10e: {  	s22 =	rddreg [dreg:$0x8];
	[sflag:s18] =	ssyncadd.s32 $0xFFFFC000  }
0x10f: {  	[hbm4b:s22+s3] =	stream.linear.scatter [tilespmem:s17], [sflag:$0x5], $0x4000, $0x38;
	[tilespmem:$0x10800] =	vst v63  }
0x110: {  	_ =	swait.ge [sflag:s6], $0x4000  }
0x111: {  	[sflag:s6] =	ssyncset.done $0x0  }
0x112: {  	[sflag:s6] =	ssyncadd.s32 $0xFFFFC000  }
0x113: {  	[tilespmem:s12], [sflag:$0x3] =	stream.indirect.gather [hbm4b:s2+s9], $0x80, s25, s9, $0xb8;
	[tilespmem:$0x10800] =	vst v63  }
0x114: {  	_ =	swait.ge [sflag:s16], $0x4000  }
0x115: {  	[sflag:s16] =	ssyncset.done $0x0  }
0x116: {  	s25 =	rddreg [dreg:$0x9];
	[sflag:s16] =	ssyncadd.s32 $0xFFFFC000  }
0x117: {  	[hbm4b:s25+s3] =	stream.linear.scatter [tilespmem:s14], [sflag:$0x6], $0x4000, $0x38;
	[tilespmem:$0x10800] =	vst v63  }
0x118: {  	_ =	swait.ge [sflag:s11], $0x4000  }
0x119: {  	[sflag:s11] =	ssyncset.done $0x0  }
0x11a: {  	[sflag:s11] =	ssyncadd.s32 $0xFFFFC000  }
0x11b: {  	[tilespmem:s10], [sflag:$0x4] =	stream.indirect.gather [hbm4b:s2+s9], $0x80, s24, s9, $0xb8;
	[tilespmem:$0x10800] =	vst v63  }
0x11c: {  	_ =	swait.ge [sflag:s15], $0x4000  }
0x11d: {  	[sflag:s15] =	ssyncset.done $0x0  }
0x11e: {  	s26 =	rddreg [dreg:$0xa];
	[sflag:s15] =	ssyncadd.s32 $0xFFFFC000  }
0x11f: {  	[hbm4b:s26+s3] =	stream.linear.scatter [tilespmem:s12], [sflag:$0x7], $0x4000, $0x38;
	[tilespmem:$0x10800] =	vst v63  }
0x120: {  	_ =	swait.ge [sflag:s7], $0x4000  }
0x121: {  	[sflag:s7] =	ssyncset.done $0x0  }
0x122: {  	[sflag:s7] =	ssyncadd.s32 $0xFFFFC000  }
0x123: {  	[tilespmem:s17], [sflag:$0x1] =	stream.indirect.gather [hbm4b:s2+s9], $0x80, s23, s9, $0xb8;
	[tilespmem:$0x10800] =	vst v63  }
0x124: {  	_ =	swait.ge [sflag:s13], $0x4000  }
0x125: {  	[sflag:s13] =	ssyncset.done $0x0  }
0x126: {  	s28 =	rddreg [dreg:$0xb];
	[sflag:s13] =	ssyncadd.s32 $0xFFFFC000  }
0x127: {  	[hbm4b:s28+s3] =	stream.linear.scatter [tilespmem:s10], [sflag:$0x8], $0x4000, $0x38;
	[tilespmem:$0x10800] =	vst v63  }
0x128: {  	_ =	swait.ge [sflag:s8], $0x4000  }
0x129: {  	[sflag:s8] =	ssyncset.done $0x0  }
0x12a: {  	[sflag:s8] =	ssyncadd.s32 $0xFFFFC000  }
0x12b: {  	[tilespmem:s14], [sflag:$0x2] =	stream.indirect.gather [hbm4b:s2+s9], $0x80, s21, s9, $0xb8;
	[tilespmem:$0x10800] =	vst v63  }
0x12c: {  	_ =	swait.ge [sflag:s18], $0x4000  }
0x12d: {  	[sflag:s18] =	ssyncset.done $0x0  }
0x12e: {  	s29 =	rddreg [dreg:$0xc];
	[sflag:s18] =	ssyncadd.s32 $0xFFFFC000  }
0x12f: {  	[hbm4b:s29+s3] =	stream.linear.scatter [tilespmem:s17], [sflag:$0x5], $0x4000, $0x38;
	[tilespmem:$0x10800] =	vst v63  }
0x130: {  	_ =	swait.ge [sflag:s6], $0x4000  }
0x131: {  	[sflag:s6] =	ssyncset.done $0x0  }
0x132: {  	[sflag:s6] =	ssyncadd.s32 $0xFFFFC000  }
0x133: {  	[tilespmem:s12], [sflag:$0x3] =	stream.indirect.gather [hbm4b:s2+s9], $0x80, s20, s9, $0xb8;
	[tilespmem:$0x10800] =	vst v63  }
0x134: {  	_ =	swait.ge [sflag:s16], $0x4000  }
0x135: {  	[sflag:s16] =	ssyncset.done $0x0  }
0x136: {  	s30 =	rddreg [dreg:$0xd];
	[sflag:s16] =	ssyncadd.s32 $0xFFFFC000  }
0x137: {  	[hbm4b:s30+s3] =	stream.linear.scatter [tilespmem:s14], [sflag:$0x6], $0x4000, $0x38;
	[tilespmem:$0x10800] =	vst v63  }
0x138: {  	_ =	swait.ge [sflag:s11], $0x4000  }
0x139: {  	[sflag:s11] =	ssyncset.done $0x0  }
0x13a: {  	[sflag:s11] =	ssyncadd.s32 $0xFFFFC000  }
0x13b: {  	[tilespmem:s10], [sflag:$0x4] =	stream.indirect.gather [hbm4b:s2+s9], $0x80, s19, s9, $0xb8;
	[tilespmem:$0x10800] =	vst v63  }
0x13c: {  	_ =	swait.ge [sflag:s15], $0x4000  }
0x13d: {  	[sflag:s15] =	ssyncset.done $0x0  }
0x13e: {  	[sflag:s15] =	ssyncadd.s32 $0xFFFFC000  }
0x13f: {  	[hbm4b:s5+s3] =	stream.linear.scatter [tilespmem:s12], [sflag:$0x7], $0x4000, $0x38;
	[tilespmem:$0x10800] =	vst v63  }
0x140: {  	_ =	swait.ge [sflag:s13], $0x4000  }
0x141: {  	[sflag:s13] =	ssyncset.done $0x0  }
0x142: {  	[sflag:s13] =	ssyncadd.s32 $0xFFFFC000  }
0x143: {  	[hbm4b:s4+s3] =	stream.linear.scatter [tilespmem:s10], [sflag:$0x8], $0x4000, $0x38;
	[tilespmem:$0x10800] =	vst v63  }
0x144: {  	_ =	swait.ge [sflag:s7], $0x4000  }
0x145: {  	[sflag:s7] =	ssyncset.done $0x0  }
0x146: {  	[sflag:s7] =	ssyncadd.s32 $0xFFFFC000  }
0x147: {  	_ =	swait.ge [sflag:s8], $0x4000  }
0x148: {  	[sflag:s8] =	ssyncset.done $0x0  }
0x149: {  	[sflag:s8] =	ssyncadd.s32 $0xFFFFC000  }
0x14a: {  	_ =	swait.ge [sflag:s6], $0x4000  }
0x14b: {  	[sflag:s6] =	ssyncset.done $0x0  }
0x14c: {  	[sflag:s6] =	ssyncadd.s32 $0xFFFFC000  }
0x14d: {  	_ =	swait.ge [sflag:s11], $0x4000  }
0x14e: {  	[sflag:s11] =	ssyncset.done $0x0  }
0x14f: {  	[sflag:s11] =	ssyncadd.s32 $0xFFFFC000  }
0x150: {  	_ =	sfence.sel $0x180000  }
0x151: {  	[bflag:$0x0] =	sbarrier.arrive $0xFFFF  }
0x152: {  	_ =	strace $0x90000053  }
0x153: {  	s31 =	stileid.u32;
	[bflag:$0x2] =	sbarrier.arrive $0xFFFF  }
0x154: {  	p0 =	sne.s32 s31, $0x0;
	s0 =	rddreg [dreg:$0x3]  }
0x155: {  	s0 =	sadd.s32 @!p0 $0x100000, s0  }
0x156: {  	[sflag:s0] =	ssyncadd.tile.s32 @!p0 $0x1;
	_ =	shalt  }
.Lfunc_end2:
_tile_overlayer_lowered:
.L_overlay_start_2:
0x157: {  	(tag) =	ssettag $0x2  }
0x158: {  	s0 =	rddreg [dreg:$0x0];
	s2 =	stileid.u32  }
0x159: {  	s1 =	rddreg [dreg:$0x1];
	p0 =	sne.s32 s2, $0x0  }
0x15a: {  	s3 =	rddreg [dreg:$0x2];
	[bflag:$0x3] =	sbarrier.arrive $0xFFFF;
	s2 =	simm.s32 @!p0 $0x1C09  }
0x15b: {  	[timem:s3], [sflag:s2] =	dma.local @!p0 [hbm:s0], s1  }
0x15c: {  	s0 =	simm.s32 @!p0 $0x9  }
0x15d: {  	_ =	swait.ge @!p0 [sflag:s0], s1  }
0x15e: {  	s1 =	ssub.s32 @!p0 $0x0, s1;
	[sflag:s0] =	ssyncset.done @!p0 $0x0  }
0x15f: {  	[sflag:s0] =	ssyncadd.s32 @!p0 s1  }
0x160: {  	[bflag:$0x3] =	sbarrier.arrive $0xFFFF  }
0x161: {  	_ =	shalt  }

</sc_bundles>
